<compile_context>
chip_gen: v7x
topology: tpu7x:2x2x1
jax: 0.10.2.dev20260603
libtpu: 0.0.44.dev20260713+nightly
codegen_flags: <defaults>
</compile_context>

<pallas_src>
import functools

import numpy as np
import jax
import jax.numpy as jnp
from jax import lax
from jax.experimental import pallas as pl
from jax.experimental.pallas import tpu as pltpu
from jax.experimental.pallas import tpu_sc as plsc

N = 10000
E = 160000
F_IN = 128
DIM = 16
BT = 4
RANK = 512

NC = 2
NS = 16
NW = NC * NS
EPW = E // NW
CH = 1000
NCHUNK = EPW // CH
RPW = N // NS
PW = 32


def _mesh():
    return plsc.VectorSubcoreMesh(core_axis_name="c", subcore_axis_name="s")


_SC_PARAMS = pltpu.CompilerParams(use_tc_tiling_on_sc=False)


def _sc_gather(table, idx):

    @functools.partial(
        pl.kernel,
        out_type=jax.ShapeDtypeStruct((E // 8, 8 * DIM), jnp.float32),
        mesh=_mesh(),
        compiler_params=_SC_PARAMS,
        scratch_types=[pltpu.VMEM((CH,), jnp.int32)] * 3
        + [pltpu.VMEM((CH, DIM), jnp.float32)] * 3
        + [pltpu.SemaphoreType.DMA] * 9,
    )
    def k(table_hbm, idx_hbm, out_hbm, idx0, idx1, idx2, rows0, rows1, rows2,
          *sems):
        wid = lax.axis_index("s") * NC + lax.axis_index("c")
        base = wid * EPW
        lane = wid // (NW // 8)
        rbase = base - lane * (E // 8)
        idxb = [idx0, idx1, idx2]
        rows = [rows0, rows1, rows2]
        semi, semg, semw = sems[0:3], sems[3:6], sems[6:9]
        idesc = [None] * 3
        gdesc = [None] * 3
        wdesc = [None] * 3
        for j in range(NCHUNK + 2):
            if j >= 2:
                b2 = (j - 2) % 3
                gdesc[b2].wait()
                wdesc[b2] = pltpu.async_copy(
                    rows[b2],
                    out_hbm.at[pl.ds(rbase + (j - 2) * CH, CH),
                               pl.ds(lane * DIM, DIM)],
                    semw[b2])
            if j < NCHUNK:
                b0 = j % 3
                if wdesc[b0] is not None:
                    wdesc[b0].wait()
                    wdesc[b0] = None
                idesc[b0] = pltpu.async_copy(
                    idx_hbm.at[pl.ds(base + j * CH, CH)], idxb[b0], semi[b0])
            if 0 < j <= NCHUNK:
                b1 = (j - 1) % 3
                idesc[b1].wait()
                gdesc[b1] = pltpu.async_copy(
                    table_hbm.at[idxb[b1]], rows[b1], semg[b1])
        for b in range(3):
            if wdesc[b] is not None:
                wdesc[b].wait()

    return k(table, idx)


def _sc_scatter(msgp, dst, zeros, with_deg, ones):
    W = msgp.shape[1] // 8
    outs = [jax.ShapeDtypeStruct((NC, N, W), jnp.float32)]
    scratch = (
        [pltpu.VMEM((CH,), jnp.int32)] * 2
        + [pltpu.VMEM((CH, W), jnp.float32)] * 2
        + [pltpu.VMEM_SHARED((N, W), jnp.float32)]
        + [pltpu.SemaphoreType.DMA] * 6
    )
    if with_deg:
        outs.append(jax.ShapeDtypeStruct((NC, N, DIM), jnp.float32))
        scratch += [
            pltpu.VMEM((CH, DIM), jnp.float32),
            pltpu.VMEM_SHARED((N, DIM), jnp.float32),
            pltpu.SemaphoreType.DMA,
            pltpu.SemaphoreType.DMA,
        ]

    def body(*refs):
        if with_deg:
            (msg_hbm, dst_hbm, zeros_hbm, ones_hbm, out_hbm, deg_hbm,
             idx0, idx1, buf0, buf1, acc_sh, si0, si1, sm0, sm1, ss0, ss1,
             ubuf_v, dacc_sh, sd0, sd1) = refs
            semd = [sd0, sd1]
        else:
            (msg_hbm, dst_hbm, zeros_hbm, out_hbm,
             idx0, idx1, buf0, buf1, acc_sh, si0, si1, sm0, sm1, ss0,
             ss1) = refs
        cid = lax.axis_index("c")
        sid = lax.axis_index("s")
        wid = sid * NC + cid
        lane = wid // (NW // 8)
        rbase = wid * EPW - lane * (E // 8)
        rows = pl.ds(sid * RPW, RPW)
        pltpu.sync_copy(zeros_hbm.at[rows], acc_sh.at[rows])
        if with_deg:
            pltpu.sync_copy(zeros_hbm.at[rows], dacc_sh.at[rows])
            pltpu.sync_copy(ones_hbm, ubuf_v)
        plsc.subcore_barrier()
        base = wid * EPW
        idxb = [idx0, idx1]
        bufb = [buf0, buf1]
        semi, semm, sems = [si0, si1], [sm0, sm1], [ss0, ss1]
        idesc = [None] * 2
        mdesc = [None] * 2
        sdesc = [None] * 2
        ddesc = [None] * 2
        for j in range(NCHUNK + 1):
            if j < NCHUNK:
                b = j % 2
                if sdesc[b] is not None:
                    sdesc[b].wait()
                    sdesc[b] = None
                if ddesc[b] is not None:
                    ddesc[b].wait()
                    ddesc[b] = None
                idesc[b] = pltpu.async_copy(
                    dst_hbm.at[pl.ds(base + j * CH, CH)], idxb[b], semi[b])
                mdesc[b] = pltpu.async_copy(
                    msg_hbm.at[pl.ds(rbase + j * CH, CH),
                               pl.ds(lane * W, W)], bufb[b], semm[b])
            if j > 0:
                pb = (j - 1) % 2
                idesc[pb].wait()
                mdesc[pb].wait()
                sdesc[pb] = pltpu.async_copy(
                    bufb[pb], acc_sh.at[idxb[pb]], sems[pb], add=True)
                if with_deg:
                    ddesc[pb] = pltpu.async_copy(
                        ubuf_v, dacc_sh.at[idxb[pb]], semd[pb], add=True)
        for b in range(2):
            if sdesc[b] is not None:
                sdesc[b].wait()
            if ddesc[b] is not None:
                ddesc[b].wait()
        plsc.subcore_barrier()
        pltpu.sync_copy(acc_sh.at[rows], out_hbm.at[cid, rows])
        if with_deg:
            pltpu.sync_copy(dacc_sh.at[rows], deg_hbm.at[cid, rows])

    args = [msgp, dst, zeros] + ([ones] if with_deg else [])
    k = functools.partial(
        pl.kernel,
        out_type=tuple(outs) if with_deg else outs[0],
        mesh=_mesh(),
        compiler_params=_SC_PARAMS,
        scratch_types=scratch,
    )(body)
    return k(*args)


def _sc_gather_scatter(table, src, dst, zeros):

    @functools.partial(
        pl.kernel,
        out_type=jax.ShapeDtypeStruct((NC, N, PW), jnp.float32),
        mesh=_mesh(),
        compiler_params=_SC_PARAMS,
        scratch_types=[pltpu.VMEM((CH,), jnp.int32)] * 6
        + [pltpu.VMEM((CH, PW), jnp.float32)] * 3
        + [pltpu.VMEM_SHARED((N, PW), jnp.float32)]
        + [pltpu.SemaphoreType.DMA] * 12,
    )
    def k(table_hbm, src_hbm, dst_hbm, zeros_hbm, out_hbm, s0, s1, s2,
          d0, d1, d2, r0, r1, r2, acc_sh, *sems):
        cid = lax.axis_index("c")
        sid = lax.axis_index("s")
        wid = sid * NC + cid
        rows = pl.ds(sid * RPW, RPW)
        pltpu.sync_copy(zeros_hbm.at[rows], acc_sh.at[rows])
        plsc.subcore_barrier()
        base = wid * EPW
        sidx = [s0, s1, s2]
        didx = [d0, d1, d2]
        rbuf = [r0, r1, r2]
        semi, semd, semg, sems_ = (sems[0:3], sems[3:6], sems[6:9],
                                   sems[9:12])
        idesc = [None] * 3
        ddesc = [None] * 3
        gdesc = [None] * 3
        scdesc = [None] * 3
        for j in range(NCHUNK + 2):
            if j >= 2:
                b2 = (j - 2) % 3
                gdesc[b2].wait()
                ddesc[b2].wait()
                scdesc[b2] = pltpu.async_copy(
                    rbuf[b2], acc_sh.at[didx[b2]], sems_[b2], add=True)
            if j < NCHUNK:
                b0 = j % 3
                if scdesc[b0] is not None:
                    scdesc[b0].wait()
                    scdesc[b0] = None
                off = base + j * CH
                idesc[b0] = pltpu.async_copy(
                    src_hbm.at[pl.ds(off, CH)], sidx[b0], semi[b0])
                ddesc[b0] = pltpu.async_copy(
                    dst_hbm.at[pl.ds(off, CH)], didx[b0], semd[b0])
            if 0 < j <= NCHUNK:
                b1 = (j - 1) % 3
                idesc[b1].wait()
                gdesc[b1] = pltpu.async_copy(
                    table_hbm.at[sidx[b1]], rbuf[b1], semg[b1])
        for b in range(3):
            if scdesc[b] is not None:
                scdesc[b].wait()
        plsc.subcore_barrier()
        pltpu.sync_copy(acc_sh.at[rows], out_hbm.at[cid, rows])

    return k(table, src, dst, zeros)


N8 = N // 8


def _tc_lin0(xp, LD, b2):

    def body(x_ref, w_ref, b_ref, o_ref):
        o_ref[...] = jnp.maximum(
            jnp.dot(x_ref[...], w_ref[...],
                    preferred_element_type=jnp.float32) + b_ref[...], 0.0)

    full = lambda shape: pl.BlockSpec(shape, lambda: tuple(0 for _ in shape))
    return pl.pallas_call(
        body,
        in_specs=[full((N8, 8 * F_IN)), full((8 * F_IN, 8 * DIM)),
                  full((1, 8 * DIM))],
        out_specs=full((N8, 8 * DIM)),
        out_shape=jax.ShapeDtypeStruct((N8, 8 * DIM), jnp.float32),
    )(xp, LD, b2)


def _tc_edge(gp, eap, NN1D, B1R, NN2D3, B2R3, RSD3):
    TEB = 2000
    bf = jnp.bfloat16

    def body(g_ref, ea_ref, w1_ref, b1_ref, w2_ref, b2_ref, rs_ref, o_ref):
        hid = jnp.maximum(
            jnp.dot(ea_ref[...], w1_ref[...],
                    preferred_element_type=jnp.float32) + b1_ref[...], 0.0)
        wf3 = jnp.dot(hid.astype(bf), w2_ref[...],
                      preferred_element_type=jnp.float32) + b2_ref[...]
        tilep = jnp.tile(g_ref[...].astype(bf), (1, 16))
        o_ref[...] = jnp.dot(tilep * wf3.astype(bf), rs_ref[...],
                             preferred_element_type=jnp.float32)

    E8 = E // 8
    return pl.pallas_call(
        body,
        grid=(E8 // TEB,),
        in_specs=[
            pl.BlockSpec((TEB, 8 * DIM), lambda i: (i, 0)),
            pl.BlockSpec((TEB, 8 * BT), lambda i: (i, 0)),
            pl.BlockSpec((8 * BT, 8 * 32), lambda i: (0, 0)),
            pl.BlockSpec((1, 8 * 32), lambda i: (0, 0)),
            pl.BlockSpec((8 * 32, 8 * 256), lambda i: (0, 0)),
            pl.BlockSpec((1, 8 * 256), lambda i: (0, 0)),
            pl.BlockSpec((8 * 256, 8 * DIM), lambda i: (0, 0)),
        ],
        out_specs=pl.BlockSpec((TEB, 8 * DIM), lambda i: (i, 0)),
        out_shape=jax.ShapeDtypeStruct((E8, 8 * DIM), jnp.float32),
    )(gp, eap, NN1D, B1R, NN2D3, B2R3, RSD3)


def _tc_gru(statep, aggP, degP, Wd, final, fin_w):

    def body(*refs):
        if final:
            (s_ref, a_ref, d_ref, cr, cb, ar, az, an, hr, hz, hn,
             br, bz, bin_, bhn, l1, l1b, up, upb, msk, k1, k2,
             oe_ref, p_ref) = refs
        else:
            (s_ref, a_ref, d_ref, cr, cb, ar, az, an, hr, hz, hn,
             br, bz, bin_, bhn, o_ref) = refs
        s = s_ref[...]
        deg = jnp.maximum(d_ref[0] + d_ref[1], 1.0)
        agg = (a_ref[0] + a_ref[1]) / deg
        dot = lambda a, w: jnp.dot(a, w[...],
                                   preferred_element_type=jnp.float32)
        m = jnp.maximum(dot(s, cr) + agg + cb[...], 0.0)
        r = jax.nn.sigmoid(dot(m, ar) + dot(s, hr) + br[...])
        z = jax.nn.sigmoid(dot(m, az) + dot(s, hz) + bz[...])
        n = jnp.tanh(dot(m, an) + bin_[...] + r * (dot(s, hn) + bhn[...]))
        h = (1.0 - z) * n + z * s
        if final:
            oe = jnp.maximum(dot(h, l1) + l1b[...], 0.0)
            upv = dot(oe, up) + upb[...]
            oc = jnp.where(msk[...] == 2.0, upv, h)
            oe_ref[...] = oe
            p_ref[...] = dot(oc, k1) + dot(oe, k2)
        else:
            o_ref[...] = h

    full = lambda shape: pl.BlockSpec(shape, lambda: tuple(0 for _ in shape))
    D8 = 8 * DIM
    in_specs = [
        full((N8, D8)),
        full((NC, N8, D8)),
        full((NC, N8, D8)),
    ] + [full((D8, D8)), full((1, D8))] \
      + [full((D8, D8))] * 6 + [full((1, D8))] * 4
    args = [statep, aggP, degP] + list(Wd)
    if final:
        l1d, l1b2, upd, upb2, m8rep, K1, K2 = fin_w
        in_specs += [
            full((D8, 8 * BT)),
            full((1, 8 * BT)),
            full((8 * BT, D8)),
            full((1, D8)),
            full((N8, D8)),
            full((D8, 8 * PW)),
            full((8 * BT, 8 * PW)),
        ]
        args += [l1d, l1b2, upd, upb2, m8rep, K1, K2]
        out_specs = [full((N8, 8 * BT)), full((N8, 8 * PW))]
        out_shape = [
            jax.ShapeDtypeStruct((N8, 8 * BT), jnp.float32),
            jax.ShapeDtypeStruct((N8, 8 * PW), jnp.float32),
        ]
    else:
        out_specs = full((N8, D8))
        out_shape = jax.ShapeDtypeStruct((N8, D8), jnp.float32)

    return pl.pallas_call(
        body,
        in_specs=in_specs,
        out_specs=out_specs,
        out_shape=out_shape,
    )(*args)


def _tc_final(accP, P, oe, UB32, UA32, VBD, ldb2, VA, we2, lew, leb2):
    BN = 2000

    def body(acc_ref, p_ref, oe_ref, ub_ref, ua_ref, vbd_ref, ldb_ref,
             va_ref, we_ref, lew_ref, leb_ref, o_ref):
        sp = p_ref[...] * (acc_ref[0] + acc_ref[1])
        bm = jnp.dot(
            jnp.maximum(jnp.dot(sp, ub_ref[...],
                                preferred_element_type=jnp.float32), 0.0),
            vbd_ref[...], preferred_element_type=jnp.float32) + ldb_ref[...]
        am = jnp.dot(
            jnp.maximum(jnp.dot(sp, ua_ref[...],
                                preferred_element_type=jnp.float32), 0.0),
            va_ref[...], preferred_element_type=jnp.float32)
        ce = we_ref[...] * (am * bm)
        oe2 = oe_ref[...] + jnp.maximum(
            jnp.dot(ce, lew_ref[...],
                    preferred_element_type=jnp.float32) + leb_ref[...], 0.0)
        mx = jnp.max(oe2, axis=1, keepdims=True)
        lse = mx + jnp.log(jnp.sum(jnp.exp(oe2 - mx), axis=1, keepdims=True))
        o_ref[...] = oe2 - lse

    full = lambda shape: pl.BlockSpec(shape, lambda i: tuple(0 for _ in shape))
    return pl.pallas_call(
        body,
        grid=(N // BN,),
        in_specs=[
            pl.BlockSpec((NC, BN, PW), lambda i: (0, i, 0)),
            pl.BlockSpec((BN, PW), lambda i: (i, 0)),
            pl.BlockSpec((BN, BT), lambda i: (i, 0)),
            full((PW, RANK)),
            full((PW, RANK)),
            full((RANK, BT)),
            full((1, BT)),
            full((RANK, BT)),
            full((1, BT)),
            full((BT, BT)),
            full((1, BT)),
        ],
        out_specs=pl.BlockSpec((BN, BT), lambda i: (i, 0)),
        out_shape=jax.ShapeDtypeStruct((N, BT), jnp.float32),
    )(accP, P, oe, UB32, UA32, VBD, ldb2, VA, we2, lew, leb2)


_RT = np.kron(np.eye(DIM, dtype=np.float32), np.ones((1, DIM), np.float32))
_RS = np.kron(np.ones((DIM, 1), np.float32), np.eye(DIM, dtype=np.float32))


def kernel(x, edge_index_2, edge_attr_2, lin0_W, lin0_b, nn1_W, nn1_b, nn2_W,
           nn2_b, conv_root, conv_bias, gru_Wih, gru_Whh, gru_bih, gru_bhh,
           lin1_W, lin1_b, linUp_W, linUp_b, linDown_W, linDown_b, UB, VB,
           UC, VC, UA, VA, fg_weight, linear_W, linear_b, weight_edges,
           linE_W, linE_b):
    ey8 = jnp.eye(8, dtype=jnp.float32)
    kron = lambda w: jnp.kron(ey8, w)
    tile8 = lambda b: jnp.tile(b, 8).reshape(1, -1)
    NN1D = kron(nn1_W)
    B1R = tile8(nn1_b)
    L = np.arange(2048)
    colperm = (L % 16) * 16 + L // 128
    lanek = (L % 128) // 16
    rowk = np.arange(256) // 32
    NN2D3 = jnp.where(jnp.asarray(rowk[:, None] == lanek[None, :]),
                      jnp.tile(nn2_W[:, colperm], (8, 1)),
                      0.0).astype(jnp.bfloat16)
    B2R3 = nn2_b[colperm].reshape(1, -1)
    rsd3 = np.zeros((2048, 128), np.float32)
    rsd3[L, lanek * 16 + L // 128] = 1.0
    RSD3 = jnp.asarray(rsd3, jnp.bfloat16)
    E8 = E // 8
    eap = jnp.concatenate(
        [edge_attr_2[k * E8:(k + 1) * E8] for k in range(8)], axis=1)
    dstp = edge_index_2[1].reshape(8, E8).T.reshape(E)
    src = edge_index_2[0]
    dst = edge_index_2[1]
    sigma = lambda n: 8 * (n % N8) + n // N8
    srcp = sigma(src)
    dsts = sigma(dst)

    xp = jnp.concatenate([x[k * N8:(k + 1) * N8] for k in range(8)], axis=1)
    LIN0D = kron(lin0_W)
    b0R = tile8(lin0_b)
    m8rep = jnp.repeat(
        jnp.concatenate([x[k * N8:(k + 1) * N8, 0:1] for k in range(8)],
                        axis=1), DIM, axis=1)

    A = gru_Wih.T
    H = gru_Whh.T
    Wd = (kron(conv_root), tile8(conv_bias),
          kron(A[:, :DIM]), kron(A[:, DIM:2 * DIM]), kron(A[:, 2 * DIM:]),
          kron(H[:, :DIM]), kron(H[:, DIM:2 * DIM]), kron(H[:, 2 * DIM:]),
          tile8(gru_bih[:DIM] + gru_bhh[:DIM]),
          tile8(gru_bih[DIM:2 * DIM] + gru_bhh[DIM:2 * DIM]),
          tile8(gru_bih[2 * DIM:]), tile8(gru_bhh[2 * DIM:]))
    k1 = np.zeros((128, 256), np.float32)
    r128 = np.arange(128)
    k1[r128, 32 * (r128 // 16) + r128 % 16] = 1.0
    k2 = np.zeros((32, 256), np.float32)
    r32 = np.arange(32)
    k2[r32, 32 * (r32 // 4) + 16 + r32 % 4] = 1.0
    fin_w = (kron(lin1_W), tile8(lin1_b), kron(linUp_W), tile8(linUp_b),
             m8rep, jnp.asarray(k1), jnp.asarray(k2))

    UB32 = jnp.zeros((PW, RANK), jnp.float32).at[:DIM].set(UB)
    UA32 = jnp.zeros((PW, RANK), jnp.float32).at[DIM:DIM + BT].set(UA)
    VBD = VB @ linDown_W
    row = lambda v: v.reshape(1, -1)

    zeros16 = jnp.zeros((N, DIM), jnp.float32)
    zeros32 = jnp.zeros((N, PW), jnp.float32)
    ones = jnp.ones((CH, DIM), jnp.float32)

    statep = _tc_lin0(xp, LIN0D, b0R)
    degP = None
    for t in range(3):
        gp = _sc_gather(statep.reshape(N, DIM), srcp)
        msgp = _tc_edge(gp, eap, NN1D, B1R, NN2D3, B2R3, RSD3)
        if t == 0:
            aggP, degP = _sc_scatter(msgp, dsts, zeros16, True, ones)
            degPp = degP.reshape(NC, N8, 8 * DIM)
        aggP = aggP if t == 0 else _sc_scatter(msgp, dsts, zeros16, False,
                                               None)
        res = _tc_gru(statep, aggP.reshape(NC, N8, 8 * DIM), degPp, Wd,
                      t == 2, fin_w)
        if t == 2:
            oep, Pp = res
        else:
            statep = res

    P = Pp.reshape(N, PW)
    accP = _sc_gather_scatter(P, srcp, dsts, zeros32)
    resp = _tc_final(accP, P, oep.reshape(N, BT), UB32, UA32, VBD,
                     row(linDown_b), VA, row(weight_edges.reshape(-1)),
                     linE_W, row(linE_b))
    return resp.reshape(N8, 8, BT).transpose(1, 0, 2).reshape(N, BT)

# --- scband reference (transcript-rebuilt; emitter-appended) ---
"""Pipeline reference for scband-net-53163105190518 (READ-ONLY COPY).

The authoritative reference and input builder live on the scoring server;
editing this copy changes nothing except your own understanding.
"""

import jax, jax.numpy as jnp
import numpy as np

N = 10000
E = 160000
F_IN = 128
DIM = 16
BT = 4
RANK = 512

FLOAT_KEYS = ["x", "edge_attr_2", "lin0_W", "lin0_b", "nn1_W", "nn1_b", "nn2_W", "nn2_b", "conv_root", "conv_bias", "gru_Wih", "gru_Whh", "gru_bih", "gru_bhh", "lin1_W", "lin1_b", "linUp_W", "linUp_b", "linDown_W", "linDown_b", "UB", "VB", "UC", "VC", "UA", "VA", "fg_weight", "linear_W", "linear_b", "weight_edges", "linE_W", "linE_b"]


def _glorot(key, shape):
    fan_in = shape[0]
    return (jax.random.normal(key, shape, dtype=jnp.float32) / np.sqrt(fan_in)).astype(jnp.float32)


def setup_inputs(seed=0):
    key = jax.random.key(seed)
    ks = jax.random.split(key, 40)
    x = jax.random.normal(ks[0], (N, F_IN), dtype=jnp.float32)
    x = x.at[:, 0].set(jax.random.randint(ks[1], (N,), 0, 4).astype(jnp.float32))
    edge_index_2 = jax.random.randint(ks[2], (2, E), 0, N)
    edge_attr_2 = jax.random.uniform(ks[3], (E, BT), dtype=jnp.float32)
    inp = {
        "x": x, "edge_index_2": edge_index_2, "edge_attr_2": edge_attr_2,
        "lin0_W": _glorot(ks[4], (F_IN, DIM)), "lin0_b": jnp.zeros((DIM,), jnp.float32),
        "nn1_W": _glorot(ks[5], (BT, 32)), "nn1_b": jnp.zeros((32,), jnp.float32),
        "nn2_W": _glorot(ks[6], (32, DIM * DIM)), "nn2_b": jnp.zeros((DIM * DIM,), jnp.float32),
        "conv_root": _glorot(ks[7], (DIM, DIM)), "conv_bias": jnp.zeros((DIM,), jnp.float32),
        "gru_Wih": _glorot(ks[8], (3 * DIM, DIM)), "gru_Whh": _glorot(ks[9], (3 * DIM, DIM)),
        "gru_bih": jnp.zeros((3 * DIM,), jnp.float32), "gru_bhh": jnp.zeros((3 * DIM,), jnp.float32),
        "lin1_W": _glorot(ks[10], (DIM, BT)), "lin1_b": jnp.zeros((BT,), jnp.float32),
        "linUp_W": _glorot(ks[11], (BT, DIM)), "linUp_b": jnp.zeros((DIM,), jnp.float32),
        "linDown_W": _glorot(ks[12], (DIM, BT)), "linDown_b": jnp.zeros((BT,), jnp.float32),
        "UB": _glorot(ks[13], (DIM, RANK)), "VB": _glorot(ks[14], (RANK, DIM)),
        "UC": _glorot(ks[15], (DIM, RANK)), "VC": _glorot(ks[16], (RANK, DIM)),
        "UA": _glorot(ks[17], (BT, RANK)), "VA": _glorot(ks[18], (RANK, BT)),
        "fg_weight": jax.random.normal(ks[19], (1, DIM), dtype=jnp.float32),
        "linear_W": _glorot(ks[20], (DIM, DIM)), "linear_b": jnp.zeros((DIM,), jnp.float32),
        "weight_edges": jax.random.normal(ks[21], (1, BT), dtype=jnp.float32),
        "linE_W": _glorot(ks[22], (BT, BT)), "linE_b": jnp.zeros((BT,), jnp.float32),
    }
    return inp


def _forward(x, edge_attr_2, lin0_W, lin0_b, nn1_W, nn1_b, nn2_W, nn2_b, conv_root, conv_bias, gru_Wih, gru_Whh, gru_bih, gru_bhh, lin1_W, lin1_b, linUp_W, linUp_b, linDown_W, linDown_b, UB, VB, UC, VC, UA, VA, fg_weight, linear_W, linear_b, weight_edges, linE_W, linE_b, edge_index_2):
    src = edge_index_2[0]
    dst = edge_index_2[1]
    out = jax.nn.relu(x @ lin0_W + lin0_b)
    h = out
    deg = jnp.maximum(jax.ops.segment_sum(jnp.ones((E,), jnp.float32), dst, num_segments=N), 1.0)
    Wmat = (jax.nn.relu(edge_attr_2 @ nn1_W + nn1_b) @ nn2_W + nn2_b).reshape(E, DIM, DIM)
    for _ in range(3):
        msg = jnp.einsum('ei,eio->eo', out[src], Wmat)
        agg = jax.ops.segment_sum(msg, dst, num_segments=N) / deg[:, None]
        m = jax.nn.relu(out @ conv_root + agg + conv_bias)
        gi = m @ gru_Wih.T + gru_bih
        gh = h @ gru_Whh.T + gru_bhh
        r = jax.nn.sigmoid(gi[:, :DIM] + gh[:, :DIM])
        z = jax.nn.sigmoid(gi[:, DIM:2 * DIM] + gh[:, DIM:2 * DIM])
        n = jnp.tanh(gi[:, 2 * DIM:] + r * gh[:, 2 * DIM:])
        h = (1.0 - z) * n + z * h
        out = h
    out_edges = jax.nn.relu(out @ lin1_W + lin1_b)
    is_edge_var = (x[:, 0] == 2.0)
    out_combine = jnp.where(is_edge_var[:, None], out_edges @ linUp_W + linUp_b, out)
    aggB = jax.ops.segment_sum(out_combine[src] * out_combine[dst], dst, num_segments=N)
    nodeB = jax.nn.relu(aggB @ UB) @ VB
    all_msg = nodeB[None]
    all_msg_to_edge_B = (nodeB @ linDown_W + linDown_b)[None]
    aggC = jax.ops.segment_sum(out_combine[src] + out_combine[dst], dst, num_segments=N)
    nodeC = jax.nn.relu(aggC @ UC) @ VC
    all_msg = jnp.concatenate([all_msg, nodeC[None]], axis=0)
    aggA = jax.ops.segment_sum(out_edges[src] * out_edges[dst], dst, num_segments=N)
    all_msg_to_edge_A = (jax.nn.relu(aggA @ UA) @ VA)[None]
    combine_edge_msg = all_msg_to_edge_A.sum(axis=0) * all_msg_to_edge_B.sum(axis=0)
    out = out + jax.nn.relu((fg_weight * all_msg.sum(axis=0)) @ linear_W + linear_b)
    out_edges = out_edges + jax.nn.relu((weight_edges * combine_edge_msg) @ linE_W + linE_b)
    return jax.nn.log_softmax(out_edges, axis=-1)


def reference(x, edge_index_2, edge_attr_2, lin0_W, lin0_b, nn1_W, nn1_b, nn2_W, nn2_b, conv_root, conv_bias, gru_Wih, gru_Whh, gru_bih, gru_bhh, lin1_W, lin1_b, linUp_W, linUp_b, linDown_W, linDown_b, UB, VB, UC, VC, UA, VA, fg_weight, linear_W, linear_b, weight_edges, linE_W, linE_b):
    inp = dict(locals())
    floats = [inp[k] for k in FLOAT_KEYS]
    return _forward(*floats, inp["edge_index_2"])

if __name__ == "__main__":
    import jax
    _d = setup_inputs()
    print(jax.jit(kernel)(*tuple(_d.values())))

</pallas_src>

<mosaic_0001>
#map = affine_map<(d0, d1) -> (0, 0)>
#map1 = affine_map<(d0, d1) -> (0)>
#map2 = affine_map<(d0, d1) -> (0, 0, 0)>
module attributes {stable_mosaic.version = 14 : i64} {
  func.func @body(%arg0: i32, %arg1: i32, %arg2: memref<20000x128xf32, #tpu.memory_space<hbm>>, %arg3: memref<160000xi32, #tpu.memory_space<hbm>>, %arg4: memref<10000x16xf32, #tpu.memory_space<hbm>>, %arg5: memref<2x10000x16xf32, #tpu.memory_space<hbm>>, %arg6: memref<1000xi32, #tpu.memory_space<vmem>>, %arg7: memref<1000xi32, #tpu.memory_space<vmem>>, %arg8: memref<1000x16xf32, #tpu.memory_space<vmem>>, %arg9: memref<1000x16xf32, #tpu.memory_space<vmem>>, %arg10: memref<10000x16xf32, #tpu.memory_space<vmem_shared>>, %arg11: memref<!tpu.dma_semaphore, #tpu.memory_space<semaphore_mem>>, %arg12: memref<!tpu.dma_semaphore, #tpu.memory_space<semaphore_mem>>, %arg13: memref<!tpu.dma_semaphore, #tpu.memory_space<semaphore_mem>>, %arg14: memref<!tpu.dma_semaphore, #tpu.memory_space<semaphore_mem>>, %arg15: memref<!tpu.dma_semaphore, #tpu.memory_space<semaphore_mem>>, %arg16: memref<!tpu.dma_semaphore, #tpu.memory_space<semaphore_mem>>) attributes {dimension_semantics = [#tpu.dimension_semantics<core_parallel>, #tpu.dimension_semantics<subcore_parallel>], iteration_bounds = array<i64: 2, 16>, scalar_prefetch = 0 : i64, scratch_operands = 11 : i64, tpu.core_type = #tpu.core_type<sc_vector_subcore>, window_params = [{transform_indices = #map}, {transform_indices = #map1}, {transform_indices = #map}, {transform_indices = #map2}]} {
    %mul3A = arith.constant 2 : i32
    %mul3A_0 = arith.muli %arg1, %mul3A : i32
    %add3A = arith.addi %mul3A_0, %arg0 : i32
    %jit3A = arith.constant 4 : i32
    %div3A = arith.divsi %add3A, %jit3A : i32
    %sign3A = arith.constant 0 : i32
    %sign3A_1 = arith.cmpi sgt, %add3A, %sign3A : i32
    %sign3A_2 = arith.extui %sign3A_1 : i1 to i32
    %sign3A_3 = arith.constant 0 : i32
    %sign3A_4 = arith.cmpi slt, %add3A, %sign3A_3 : i32
    %sign3A_5 = arith.extui %sign3A_4 : i1 to i32
    %sign3A_6 = arith.subi %sign3A_2, %sign3A_5 : i32
    %sign3A_7 = arith.constant 0 : i32
    %sign3A_8 = arith.cmpi sgt, %jit3A, %sign3A_7 : i32
    %sign3A_9 = arith.extui %sign3A_8 : i1 to i32
    %sign3A_10 = arith.constant 0 : i32
    %sign3A_11 = arith.cmpi slt, %jit3A, %sign3A_10 : i32
    %sign3A_12 = arith.extui %sign3A_11 : i1 to i32
    %sign3A_13 = arith.subi %sign3A_9, %sign3A_12 : i32
    %ne3A = arith.cmpi ne, %sign3A_6, %sign3A_13 : i32
    %rem3A = arith.remsi %add3A, %jit3A : i32
    %ne3A_14 = arith.constant 0 : i32
    %ne3A_15 = arith.cmpi ne, %rem3A, %ne3A_14 : i32
    %and3A = arith.andi %ne3A, %ne3A_15 : i1
    %sub3A = arith.constant 1 : i32
    %sub3A_16 = arith.subi %div3A, %sub3A : i32
    %select_n3A = arith.select %and3A, %sub3A_16, %div3A : i32
    %mul3A_17 = arith.constant 5000 : i32
    %mul3A_18 = arith.muli %add3A, %mul3A_17 : i32
    %mul3A_19 = arith.constant 20000 : i32
    %mul3A_20 = arith.muli %select_n3A, %mul3A_19 : i32
    %sub3A_21 = arith.subi %mul3A_18, %mul3A_20 : i32
    %mul3A_22 = arith.constant 625 : i32
    %mul3A_23 = arith.muli %arg1, %mul3A_22 : i32
    "tpu.region"() ({
      %run_scoped3A = tpu.sem_alloc : memref<!tpu.dma_semaphore, #tpu.memory_space<semaphore_mem>>
      %dma_start3A_125 = arith.constant 0 : i32
      %dma_start3A_126 = tpu.memref_slice %arg10[%mul3A_23, %dma_start3A_125] : memref<10000x16xf32, #tpu.memory_space<vmem_shared>> -> memref<625x16xf32, #tpu.memory_space<vmem_shared>>
      %dma_start3A_127 = arith.constant 0 : i32
      %dma_start3A_128 = tpu.memref_slice %arg4[%mul3A_23, %dma_start3A_127] : memref<10000x16xf32, #tpu.memory_space<hbm>> -> memref<625x16xf32, #tpu.memory_space<hbm>>
      tpu.enqueue_dma source(%dma_start3A_128 : memref<625x16xf32, #tpu.memory_space<hbm>>) target(%dma_start3A_126 : memref<625x16xf32, #tpu.memory_space<vmem_shared>>) target_semaphore(%run_scoped3A : memref<!tpu.dma_semaphore, #tpu.memory_space<semaphore_mem>>)
      %dma_wait3A_129 = arith.constant 0 : i32
      %dma_wait3A_130 = tpu.memref_slice %arg10[%mul3A_23, %dma_wait3A_129] : memref<10000x16xf32, #tpu.memory_space<vmem_shared>> -> memref<625x16xf32, #tpu.memory_space<vmem_shared>>
      %dma_wait3A_131 = arith.constant 0 : i32
      %dma_wait3A_132 = tpu.memref_slice %arg4[%mul3A_23, %dma_wait3A_131] : memref<10000x16xf32, #tpu.memory_space<hbm>> -> memref<625x16xf32, #tpu.memory_space<hbm>>
      tpu.wait_dma2 semaphore(%run_scoped3A : memref<!tpu.dma_semaphore, #tpu.memory_space<semaphore_mem>>) src(%dma_wait3A_132 : memref<625x16xf32, #tpu.memory_space<hbm>>) dst(%dma_wait3A_130 : memref<625x16xf32, #tpu.memory_space<vmem_shared>>)
      tpu.yield
    }) : () -> ()
    %barrier3A = arith.constant 0 : index
    tpu.barrier barrier_id(%barrier3A)
    %mul3A_24 = arith.constant 5000 : i32
    %mul3A_25 = arith.muli %add3A, %mul3A_24 : i32
    %add3A_26 = arith.constant 0 : i32
    %add3A_27 = arith.addi %mul3A_25, %add3A_26 : i32
    %dma_start3A = tpu.memref_slice %arg3[%add3A_27] : memref<160000xi32, #tpu.memory_space<hbm>> -> memref<1000xi32, #tpu.memory_space<hbm>>
    %dma_start3A_28 = tpu.memref_slice %arg3[%add3A_27] : memref<160000xi32, #tpu.memory_space<hbm>> -> memref<1000xi32, #tpu.memory_space<hbm>>
    tpu.enqueue_dma source(%dma_start3A_28 : memref<1000xi32, #tpu.memory_space<hbm>>) target(%arg6 : memref<1000xi32, #tpu.memory_space<vmem>>) target_semaphore(%arg11 : memref<!tpu.dma_semaphore, #tpu.memory_space<semaphore_mem>>)
    %add3A_29 = arith.constant 0 : i32
    %add3A_30 = arith.addi %sub3A_21, %add3A_29 : i32
    %mul3A_31 = arith.constant 16 : i32
    %mul3A_32 = arith.muli %select_n3A, %mul3A_31 : i32
    %dma_start3A_33 = tpu.memref_slice %arg2[%add3A_30, %mul3A_32] : memref<20000x128xf32, #tpu.memory_space<hbm>> -> memref<1000x16xf32, #tpu.memory_space<hbm>>
    %dma_start3A_34 = tpu.memref_slice %arg2[%add3A_30, %mul3A_32] : memref<20000x128xf32, #tpu.memory_space<hbm>> -> memref<1000x16xf32, #tpu.memory_space<hbm>>
    tpu.enqueue_dma source(%dma_start3A_34 : memref<1000x16xf32, #tpu.memory_space<hbm>>) target(%arg8 : memref<1000x16xf32, #tpu.memory_space<vmem>>) target_semaphore(%arg13 : memref<!tpu.dma_semaphore, #tpu.memory_space<semaphore_mem>>)
    %add3A_35 = arith.constant 1000 : i32
    %add3A_36 = arith.addi %mul3A_25, %add3A_35 : i32
    %dma_start3A_37 = tpu.memref_slice %arg3[%add3A_36] : memref<160000xi32, #tpu.memory_space<hbm>> -> memref<1000xi32, #tpu.memory_space<hbm>>
    %dma_start3A_38 = tpu.memref_slice %arg3[%add3A_36] : memref<160000xi32, #tpu.memory_space<hbm>> -> memref<1000xi32, #tpu.memory_space<hbm>>
    tpu.enqueue_dma source(%dma_start3A_38 : memref<1000xi32, #tpu.memory_space<hbm>>) target(%arg7 : memref<1000xi32, #tpu.memory_space<vmem>>) target_semaphore(%arg12 : memref<!tpu.dma_semaphore, #tpu.memory_space<semaphore_mem>>)
    %add3A_39 = arith.constant 1000 : i32
    %add3A_40 = arith.addi %sub3A_21, %add3A_39 : i32
    %mul3A_41 = arith.constant 16 : i32
    %mul3A_42 = arith.muli %select_n3A, %mul3A_41 : i32
    %dma_start3A_43 = tpu.memref_slice %arg2[%add3A_40, %mul3A_42] : memref<20000x128xf32, #tpu.memory_space<hbm>> -> memref<1000x16xf32, #tpu.memory_space<hbm>>
    %dma_start3A_44 = tpu.memref_slice %arg2[%add3A_40, %mul3A_42] : memref<20000x128xf32, #tpu.memory_space<hbm>> -> memref<1000x16xf32, #tpu.memory_space<hbm>>
    tpu.enqueue_dma source(%dma_start3A_44 : memref<1000x16xf32, #tpu.memory_space<hbm>>) target(%arg9 : memref<1000x16xf32, #tpu.memory_space<vmem>>) target_semaphore(%arg14 : memref<!tpu.dma_semaphore, #tpu.memory_space<semaphore_mem>>)
    %dma_wait3A = tpu.memref_slice %arg3[%add3A_27] : memref<160000xi32, #tpu.memory_space<hbm>> -> memref<1000xi32, #tpu.memory_space<hbm>>
    %dma_wait3A_45 = tpu.memref_slice %arg3[%add3A_27] : memref<160000xi32, #tpu.memory_space<hbm>> -> memref<1000xi32, #tpu.memory_space<hbm>>
    tpu.wait_dma2 semaphore(%arg11 : memref<!tpu.dma_semaphore, #tpu.memory_space<semaphore_mem>>) src(%dma_wait3A_45 : memref<1000xi32, #tpu.memory_space<hbm>>) dst(%arg6 : memref<1000xi32, #tpu.memory_space<vmem>>)
    %dma_wait3A_46 = tpu.memref_slice %arg2[%add3A_30, %mul3A_32] : memref<20000x128xf32, #tpu.memory_space<hbm>> -> memref<1000x16xf32, #tpu.memory_space<hbm>>
    %dma_wait3A_47 = tpu.memref_slice %arg2[%add3A_30, %mul3A_32] : memref<20000x128xf32, #tpu.memory_space<hbm>> -> memref<1000x16xf32, #tpu.memory_space<hbm>>
    tpu.wait_dma2 semaphore(%arg13 : memref<!tpu.dma_semaphore, #tpu.memory_space<semaphore_mem>>) src(%dma_wait3A_47 : memref<1000x16xf32, #tpu.memory_space<hbm>>) dst(%arg8 : memref<1000x16xf32, #tpu.memory_space<vmem>>)
    %dma_start3A_48 = arith.constant 0 : i32
    %dma_start3A_49 = arith.constant 0 : i32
    %dma_start3A_50 = tpu.memref_slice %arg10[%dma_start3A_48, %dma_start3A_49] : memref<10000x16xf32, #tpu.memory_space<vmem_shared>> -> memref<10000x16xf32, #tpu.memory_space<vmem_shared>>
    tpu.enqueue_indirect_dma source(%arg8 : memref<1000x16xf32, #tpu.memory_space<vmem>>) target(%dma_start3A_50 : memref<10000x16xf32, #tpu.memory_space<vmem_shared>>) offsets(%arg6 : memref<1000xi32, #tpu.memory_space<vmem>>) semaphore(%arg15 : memref<!tpu.dma_semaphore, #tpu.memory_space<semaphore_mem>>) {add = true}
    %dma_wait3A_51 = arith.constant 0 : i32
    %dma_wait3A_52 = arith.constant 0 : i32
    %dma_wait3A_53 = tpu.memref_slice %arg10[%dma_wait3A_51, %dma_wait3A_52] : memref<10000x16xf32, #tpu.memory_space<vmem_shared>> -> memref<10000x16xf32, #tpu.memory_space<vmem_shared>>
    tpu.wait_indirect_dma semaphore(%arg15 : memref<!tpu.dma_semaphore, #tpu.memory_space<semaphore_mem>>) src(%arg8 : memref<1000x16xf32, #tpu.memory_space<vmem>>) dst(%dma_wait3A_53 : memref<10000x16xf32, #tpu.memory_space<vmem_shared>>)
    %add3A_54 = arith.constant 2000 : i32
    %add3A_55 = arith.addi %mul3A_25, %add3A_54 : i32
    %dma_start3A_56 = tpu.memref_slice %arg3[%add3A_55] : memref<160000xi32, #tpu.memory_space<hbm>> -> memref<1000xi32, #tpu.memory_space<hbm>>
    %dma_start3A_57 = tpu.memref_slice %arg3[%add3A_55] : memref<160000xi32, #tpu.memory_space<hbm>> -> memref<1000xi32, #tpu.memory_space<hbm>>
    tpu.enqueue_dma source(%dma_start3A_57 : memref<1000xi32, #tpu.memory_space<hbm>>) target(%arg6 : memref<1000xi32, #tpu.memory_space<vmem>>) target_semaphore(%arg11 : memref<!tpu.dma_semaphore, #tpu.memory_space<semaphore_mem>>)
    %add3A_58 = arith.constant 2000 : i32
    %add3A_59 = arith.addi %sub3A_21, %add3A_58 : i32
    %mul3A_60 = arith.constant 16 : i32
    %mul3A_61 = arith.muli %select_n3A, %mul3A_60 : i32
    %dma_start3A_62 = tpu.memref_slice %arg2[%add3A_59, %mul3A_61] : memref<20000x128xf32, #tpu.memory_space<hbm>> -> memref<1000x16xf32, #tpu.memory_space<hbm>>
    %dma_start3A_63 = tpu.memref_slice %arg2[%add3A_59, %mul3A_61] : memref<20000x128xf32, #tpu.memory_space<hbm>> -> memref<1000x16xf32, #tpu.memory_space<hbm>>
    tpu.enqueue_dma source(%dma_start3A_63 : memref<1000x16xf32, #tpu.memory_space<hbm>>) target(%arg8 : memref<1000x16xf32, #tpu.memory_space<vmem>>) target_semaphore(%arg13 : memref<!tpu.dma_semaphore, #tpu.memory_space<semaphore_mem>>)
    %dma_wait3A_64 = tpu.memref_slice %arg3[%add3A_36] : memref<160000xi32, #tpu.memory_space<hbm>> -> memref<1000xi32, #tpu.memory_space<hbm>>
    %dma_wait3A_65 = tpu.memref_slice %arg3[%add3A_36] : memref<160000xi32, #tpu.memory_space<hbm>> -> memref<1000xi32, #tpu.memory_space<hbm>>
    tpu.wait_dma2 semaphore(%arg12 : memref<!tpu.dma_semaphore, #tpu.memory_space<semaphore_mem>>) src(%dma_wait3A_65 : memref<1000xi32, #tpu.memory_space<hbm>>) dst(%arg7 : memref<1000xi32, #tpu.memory_space<vmem>>)
    %dma_wait3A_66 = tpu.memref_slice %arg2[%add3A_40, %mul3A_42] : memref<20000x128xf32, #tpu.memory_space<hbm>> -> memref<1000x16xf32, #tpu.memory_space<hbm>>
    %dma_wait3A_67 = tpu.memref_slice %arg2[%add3A_40, %mul3A_42] : memref<20000x128xf32, #tpu.memory_space<hbm>> -> memref<1000x16xf32, #tpu.memory_space<hbm>>
    tpu.wait_dma2 semaphore(%arg14 : memref<!tpu.dma_semaphore, #tpu.memory_space<semaphore_mem>>) src(%dma_wait3A_67 : memref<1000x16xf32, #tpu.memory_space<hbm>>) dst(%arg9 : memref<1000x16xf32, #tpu.memory_space<vmem>>)
    %dma_start3A_68 = arith.constant 0 : i32
    %dma_start3A_69 = arith.constant 0 : i32
    %dma_start3A_70 = tpu.memref_slice %arg10[%dma_start3A_68, %dma_start3A_69] : memref<10000x16xf32, #tpu.memory_space<vmem_shared>> -> memref<10000x16xf32, #tpu.memory_space<vmem_shared>>
    tpu.enqueue_indirect_dma source(%arg9 : memref<1000x16xf32, #tpu.memory_space<vmem>>) target(%dma_start3A_70 : memref<10000x16xf32, #tpu.memory_space<vmem_shared>>) offsets(%arg7 : memref<1000xi32, #tpu.memory_space<vmem>>) semaphore(%arg16 : memref<!tpu.dma_semaphore, #tpu.memory_space<semaphore_mem>>) {add = true}
    %dma_wait3A_71 = arith.constant 0 : i32
    %dma_wait3A_72 = arith.constant 0 : i32
    %dma_wait3A_73 = tpu.memref_slice %arg10[%dma_wait3A_71, %dma_wait3A_72] : memref<10000x16xf32, #tpu.memory_space<vmem_shared>> -> memref<10000x16xf32, #tpu.memory_space<vmem_shared>>
    tpu.wait_indirect_dma semaphore(%arg16 : memref<!tpu.dma_semaphore, #tpu.memory_space<semaphore_mem>>) src(%arg9 : memref<1000x16xf32, #tpu.memory_space<vmem>>) dst(%dma_wait3A_73 : memref<10000x16xf32, #tpu.memory_space<vmem_shared>>)
    %add3A_74 = arith.constant 3000 : i32
    %add3A_75 = arith.addi %mul3A_25, %add3A_74 : i32
    %dma_start3A_76 = tpu.memref_slice %arg3[%add3A_75] : memref<160000xi32, #tpu.memory_space<hbm>> -> memref<1000xi32, #tpu.memory_space<hbm>>
    %dma_start3A_77 = tpu.memref_slice %arg3[%add3A_75] : memref<160000xi32, #tpu.memory_space<hbm>> -> memref<1000xi32, #tpu.memory_space<hbm>>
    tpu.enqueue_dma source(%dma_start3A_77 : memref<1000xi32, #tpu.memory_space<hbm>>) target(%arg7 : memref<1000xi32, #tpu.memory_space<vmem>>) target_semaphore(%arg12 : memref<!tpu.dma_semaphore, #tpu.memory_space<semaphore_mem>>)
    %add3A_78 = arith.constant 3000 : i32
    %add3A_79 = arith.addi %sub3A_21, %add3A_78 : i32
    %mul3A_80 = arith.constant 16 : i32
    %mul3A_81 = arith.muli %select_n3A, %mul3A_80 : i32
    %dma_start3A_82 = tpu.memref_slice %arg2[%add3A_79, %mul3A_81] : memref<20000x128xf32, #tpu.memory_space<hbm>> -> memref<1000x16xf32, #tpu.memory_space<hbm>>
    %dma_start3A_83 = tpu.memref_slice %arg2[%add3A_79, %mul3A_81] : memref<20000x128xf32, #tpu.memory_space<hbm>> -> memref<1000x16xf32, #tpu.memory_space<hbm>>
    tpu.enqueue_dma source(%dma_start3A_83 : memref<1000x16xf32, #tpu.memory_space<hbm>>) target(%arg9 : memref<1000x16xf32, #tpu.memory_space<vmem>>) target_semaphore(%arg14 : memref<!tpu.dma_semaphore, #tpu.memory_space<semaphore_mem>>)
    %dma_wait3A_84 = tpu.memref_slice %arg3[%add3A_55] : memref<160000xi32, #tpu.memory_space<hbm>> -> memref<1000xi32, #tpu.memory_space<hbm>>
    %dma_wait3A_85 = tpu.memref_slice %arg3[%add3A_55] : memref<160000xi32, #tpu.memory_space<hbm>> -> memref<1000xi32, #tpu.memory_space<hbm>>
    tpu.wait_dma2 semaphore(%arg11 : memref<!tpu.dma_semaphore, #tpu.memory_space<semaphore_mem>>) src(%dma_wait3A_85 : memref<1000xi32, #tpu.memory_space<hbm>>) dst(%arg6 : memref<1000xi32, #tpu.memory_space<vmem>>)
    %dma_wait3A_86 = tpu.memref_slice %arg2[%add3A_59, %mul3A_61] : memref<20000x128xf32, #tpu.memory_space<hbm>> -> memref<1000x16xf32, #tpu.memory_space<hbm>>
    %dma_wait3A_87 = tpu.memref_slice %arg2[%add3A_59, %mul3A_61] : memref<20000x128xf32, #tpu.memory_space<hbm>> -> memref<1000x16xf32, #tpu.memory_space<hbm>>
    tpu.wait_dma2 semaphore(%arg13 : memref<!tpu.dma_semaphore, #tpu.memory_space<semaphore_mem>>) src(%dma_wait3A_87 : memref<1000x16xf32, #tpu.memory_space<hbm>>) dst(%arg8 : memref<1000x16xf32, #tpu.memory_space<vmem>>)
    %dma_start3A_88 = arith.constant 0 : i32
    %dma_start3A_89 = arith.constant 0 : i32
    %dma_start3A_90 = tpu.memref_slice %arg10[%dma_start3A_88, %dma_start3A_89] : memref<10000x16xf32, #tpu.memory_space<vmem_shared>> -> memref<10000x16xf32, #tpu.memory_space<vmem_shared>>
    tpu.enqueue_indirect_dma source(%arg8 : memref<1000x16xf32, #tpu.memory_space<vmem>>) target(%dma_start3A_90 : memref<10000x16xf32, #tpu.memory_space<vmem_shared>>) offsets(%arg6 : memref<1000xi32, #tpu.memory_space<vmem>>) semaphore(%arg15 : memref<!tpu.dma_semaphore, #tpu.memory_space<semaphore_mem>>) {add = true}
    %dma_wait3A_91 = arith.constant 0 : i32
    %dma_wait3A_92 = arith.constant 0 : i32
    %dma_wait3A_93 = tpu.memref_slice %arg10[%dma_wait3A_91, %dma_wait3A_92] : memref<10000x16xf32, #tpu.memory_space<vmem_shared>> -> memref<10000x16xf32, #tpu.memory_space<vmem_shared>>
    tpu.wait_indirect_dma semaphore(%arg15 : memref<!tpu.dma_semaphore, #tpu.memory_space<semaphore_mem>>) src(%arg8 : memref<1000x16xf32, #tpu.memory_space<vmem>>) dst(%dma_wait3A_93 : memref<10000x16xf32, #tpu.memory_space<vmem_shared>>)
    %add3A_94 = arith.constant 4000 : i32
    %add3A_95 = arith.addi %mul3A_25, %add3A_94 : i32
    %dma_start3A_96 = tpu.memref_slice %arg3[%add3A_95] : memref<160000xi32, #tpu.memory_space<hbm>> -> memref<1000xi32, #tpu.memory_space<hbm>>
    %dma_start3A_97 = tpu.memref_slice %arg3[%add3A_95] : memref<160000xi32, #tpu.memory_space<hbm>> -> memref<1000xi32, #tpu.memory_space<hbm>>
    tpu.enqueue_dma source(%dma_start3A_97 : memref<1000xi32, #tpu.memory_space<hbm>>) target(%arg6 : memref<1000xi32, #tpu.memory_space<vmem>>) target_semaphore(%arg11 : memref<!tpu.dma_semaphore, #tpu.memory_space<semaphore_mem>>)
    %add3A_98 = arith.constant 4000 : i32
    %add3A_99 = arith.addi %sub3A_21, %add3A_98 : i32
    %mul3A_100 = arith.constant 16 : i32
    %mul3A_101 = arith.muli %select_n3A, %mul3A_100 : i32
    %dma_start3A_102 = tpu.memref_slice %arg2[%add3A_99, %mul3A_101] : memref<20000x128xf32, #tpu.memory_space<hbm>> -> memref<1000x16xf32, #tpu.memory_space<hbm>>
    %dma_start3A_103 = tpu.memref_slice %arg2[%add3A_99, %mul3A_101] : memref<20000x128xf32, #tpu.memory_space<hbm>> -> memref<1000x16xf32, #tpu.memory_space<hbm>>
    tpu.enqueue_dma source(%dma_start3A_103 : memref<1000x16xf32, #tpu.memory_space<hbm>>) target(%arg8 : memref<1000x16xf32, #tpu.memory_space<vmem>>) target_semaphore(%arg13 : memref<!tpu.dma_semaphore, #tpu.memory_space<semaphore_mem>>)
    %dma_wait3A_104 = tpu.memref_slice %arg3[%add3A_75] : memref<160000xi32, #tpu.memory_space<hbm>> -> memref<1000xi32, #tpu.memory_space<hbm>>
    %dma_wait3A_105 = tpu.memref_slice %arg3[%add3A_75] : memref<160000xi32, #tpu.memory_space<hbm>> -> memref<1000xi32, #tpu.memory_space<hbm>>
    tpu.wait_dma2 semaphore(%arg12 : memref<!tpu.dma_semaphore, #tpu.memory_space<semaphore_mem>>) src(%dma_wait3A_105 : memref<1000xi32, #tpu.memory_space<hbm>>) dst(%arg7 : memref<1000xi32, #tpu.memory_space<vmem>>)
    %dma_wait3A_106 = tpu.memref_slice %arg2[%add3A_79, %mul3A_81] : memref<20000x128xf32, #tpu.memory_space<hbm>> -> memref<1000x16xf32, #tpu.memory_space<hbm>>
    %dma_wait3A_107 = tpu.memref_slice %arg2[%add3A_79, %mul3A_81] : memref<20000x128xf32, #tpu.memory_space<hbm>> -> memref<1000x16xf32, #tpu.memory_space<hbm>>
    tpu.wait_dma2 semaphore(%arg14 : memref<!tpu.dma_semaphore, #tpu.memory_space<semaphore_mem>>) src(%dma_wait3A_107 : memref<1000x16xf32, #tpu.memory_space<hbm>>) dst(%arg9 : memref<1000x16xf32, #tpu.memory_space<vmem>>)
    %dma_start3A_108 = arith.constant 0 : i32
    %dma_start3A_109 = arith.constant 0 : i32
    %dma_start3A_110 = tpu.memref_slice %arg10[%dma_start3A_108, %dma_start3A_109] : memref<10000x16xf32, #tpu.memory_space<vmem_shared>> -> memref<10000x16xf32, #tpu.memory_space<vmem_shared>>
    tpu.enqueue_indirect_dma source(%arg9 : memref<1000x16xf32, #tpu.memory_space<vmem>>) target(%dma_start3A_110 : memref<10000x16xf32, #tpu.memory_space<vmem_shared>>) offsets(%arg7 : memref<1000xi32, #tpu.memory_space<vmem>>) semaphore(%arg16 : memref<!tpu.dma_semaphore, #tpu.memory_space<semaphore_mem>>) {add = true}
    %dma_wait3A_111 = tpu.memref_slice %arg3[%add3A_95] : memref<160000xi32, #tpu.memory_space<hbm>> -> memref<1000xi32, #tpu.memory_space<hbm>>
    %dma_wait3A_112 = tpu.memref_slice %arg3[%add3A_95] : memref<160000xi32, #tpu.memory_space<hbm>> -> memref<1000xi32, #tpu.memory_space<hbm>>
    tpu.wait_dma2 semaphore(%arg11 : memref<!tpu.dma_semaphore, #tpu.memory_space<semaphore_mem>>) src(%dma_wait3A_112 : memref<1000xi32, #tpu.memory_space<hbm>>) dst(%arg6 : memref<1000xi32, #tpu.memory_space<vmem>>)
    %dma_wait3A_113 = tpu.memref_slice %arg2[%add3A_99, %mul3A_101] : memref<20000x128xf32, #tpu.memory_space<hbm>> -> memref<1000x16xf32, #tpu.memory_space<hbm>>
    %dma_wait3A_114 = tpu.memref_slice %arg2[%add3A_99, %mul3A_101] : memref<20000x128xf32, #tpu.memory_space<hbm>> -> memref<1000x16xf32, #tpu.memory_space<hbm>>
    tpu.wait_dma2 semaphore(%arg13 : memref<!tpu.dma_semaphore, #tpu.memory_space<semaphore_mem>>) src(%dma_wait3A_114 : memref<1000x16xf32, #tpu.memory_space<hbm>>) dst(%arg8 : memref<1000x16xf32, #tpu.memory_space<vmem>>)
    %dma_start3A_115 = arith.constant 0 : i32
    %dma_start3A_116 = arith.constant 0 : i32
    %dma_start3A_117 = tpu.memref_slice %arg10[%dma_start3A_115, %dma_start3A_116] : memref<10000x16xf32, #tpu.memory_space<vmem_shared>> -> memref<10000x16xf32, #tpu.memory_space<vmem_shared>>
    tpu.enqueue_indirect_dma source(%arg8 : memref<1000x16xf32, #tpu.memory_space<vmem>>) target(%dma_start3A_117 : memref<10000x16xf32, #tpu.memory_space<vmem_shared>>) offsets(%arg6 : memref<1000xi32, #tpu.memory_space<vmem>>) semaphore(%arg15 : memref<!tpu.dma_semaphore, #tpu.memory_space<semaphore_mem>>) {add = true}
    %dma_wait3A_118 = arith.constant 0 : i32
    %dma_wait3A_119 = arith.constant 0 : i32
    %dma_wait3A_120 = tpu.memref_slice %arg10[%dma_wait3A_118, %dma_wait3A_119] : memref<10000x16xf32, #tpu.memory_space<vmem_shared>> -> memref<10000x16xf32, #tpu.memory_space<vmem_shared>>
    tpu.wait_indirect_dma semaphore(%arg15 : memref<!tpu.dma_semaphore, #tpu.memory_space<semaphore_mem>>) src(%arg8 : memref<1000x16xf32, #tpu.memory_space<vmem>>) dst(%dma_wait3A_120 : memref<10000x16xf32, #tpu.memory_space<vmem_shared>>)
    %dma_wait3A_121 = arith.constant 0 : i32
    %dma_wait3A_122 = arith.constant 0 : i32
    %dma_wait3A_123 = tpu.memref_slice %arg10[%dma_wait3A_121, %dma_wait3A_122] : memref<10000x16xf32, #tpu.memory_space<vmem_shared>> -> memref<10000x16xf32, #tpu.memory_space<vmem_shared>>
    tpu.wait_indirect_dma semaphore(%arg16 : memref<!tpu.dma_semaphore, #tpu.memory_space<semaphore_mem>>) src(%arg9 : memref<1000x16xf32, #tpu.memory_space<vmem>>) dst(%dma_wait3A_123 : memref<10000x16xf32, #tpu.memory_space<vmem_shared>>)
    %barrier3A_124 = arith.constant 0 : index
    tpu.barrier barrier_id(%barrier3A_124)
    "tpu.region"() ({
      %run_scoped3A = tpu.sem_alloc : memref<!tpu.dma_semaphore, #tpu.memory_space<semaphore_mem>>
      %dma_start3A_125 = arith.constant 0 : i32
      %dma_start3A_126 = tpu.memref_slice %arg5[%arg0, %mul3A_23, %dma_start3A_125] : memref<2x10000x16xf32, #tpu.memory_space<hbm>> -> memref<1x625x16xf32, #tpu.memory_space<hbm>>
      %dma_start3A_127 = tpu.memref_squeeze %dma_start3A_126 : memref<1x625x16xf32, #tpu.memory_space<hbm>> -> memref<625x16xf32, #tpu.memory_space<hbm>>
      %dma_start3A_128 = arith.constant 0 : i32
      %dma_start3A_129 = tpu.memref_slice %arg10[%mul3A_23, %dma_start3A_128] : memref<10000x16xf32, #tpu.memory_space<vmem_shared>> -> memref<625x16xf32, #tpu.memory_space<vmem_shared>>
      tpu.enqueue_dma source(%dma_start3A_129 : memref<625x16xf32, #tpu.memory_space<vmem_shared>>) target(%dma_start3A_127 : memref<625x16xf32, #tpu.memory_space<hbm>>) target_semaphore(%run_scoped3A : memref<!tpu.dma_semaphore, #tpu.memory_space<semaphore_mem>>)
      %dma_wait3A_130 = arith.constant 0 : i32
      %dma_wait3A_131 = tpu.memref_slice %arg5[%arg0, %mul3A_23, %dma_wait3A_130] : memref<2x10000x16xf32, #tpu.memory_space<hbm>> -> memref<1x625x16xf32, #tpu.memory_space<hbm>>
      %dma_wait3A_132 = tpu.memref_squeeze %dma_wait3A_131 : memref<1x625x16xf32, #tpu.memory_space<hbm>> -> memref<625x16xf32, #tpu.memory_space<hbm>>
      %dma_wait3A_133 = arith.constant 0 : i32
      %dma_wait3A_134 = tpu.memref_slice %arg10[%mul3A_23, %dma_wait3A_133] : memref<10000x16xf32, #tpu.memory_space<vmem_shared>> -> memref<625x16xf32, #tpu.memory_space<vmem_shared>>
      tpu.wait_dma2 semaphore(%run_scoped3A : memref<!tpu.dma_semaphore, #tpu.memory_space<semaphore_mem>>) src(%dma_wait3A_134 : memref<625x16xf32, #tpu.memory_space<vmem_shared>>) dst(%dma_wait3A_132 : memref<625x16xf32, #tpu.memory_space<hbm>>)
      tpu.yield
    }) : () -> ()
    return
  }
}

#map = affine_map<(d0, d1) -> (0, 0)>
#map1 = affine_map<(d0, d1) -> (0)>
module attributes {stable_mosaic.version = 14 : i64} {
  func.func @k(%arg0: i32, %arg1: i32, %arg2: memref<10000x16xf32, #tpu.memory_space<hbm>>, %arg3: memref<160000xi32, #tpu.memory_space<hbm>>, %arg4: memref<20000x128xf32, #tpu.memory_space<hbm>>, %arg5: memref<1000xi32, #tpu.memory_space<vmem>>, %arg6: memref<1000xi32, #tpu.memory_space<vmem>>, %arg7: memref<1000xi32, #tpu.memory_space<vmem>>, %arg8: memref<1000x16xf32, #tpu.memory_space<vmem>>, %arg9: memref<1000x16xf32, #tpu.memory_space<vmem>>, %arg10: memref<1000x16xf32, #tpu.memory_space<vmem>>, %arg11: memref<!tpu.dma_semaphore, #tpu.memory_space<semaphore_mem>>, %arg12: memref<!tpu.dma_semaphore, #tpu.memory_space<semaphore_mem>>, %arg13: memref<!tpu.dma_semaphore, #tpu.memory_space<semaphore_mem>>, %arg14: memref<!tpu.dma_semaphore, #tpu.memory_space<semaphore_mem>>, %arg15: memref<!tpu.dma_semaphore, #tpu.memory_space<semaphore_mem>>, %arg16: memref<!tpu.dma_semaphore, #tpu.memory_space<semaphore_mem>>, %arg17: memref<!tpu.dma_semaphore, #tpu.memory_space<semaphore_mem>>, %arg18: memref<!tpu.dma_semaphore, #tpu.memory_space<semaphore_mem>>, %arg19: memref<!tpu.dma_semaphore, #tpu.memory_space<semaphore_mem>>) attributes {dimension_semantics = [#tpu.dimension_semantics<core_parallel>, #tpu.dimension_semantics<subcore_parallel>], iteration_bounds = array<i64: 2, 16>, scalar_prefetch = 0 : i64, scratch_operands = 15 : i64, tpu.core_type = #tpu.core_type<sc_vector_subcore>, window_params = [{transform_indices = #map}, {transform_indices = #map1}, {transform_indices = #map}]} {
    %mul3A = arith.constant 2 : i32
    %mul3A_0 = arith.muli %arg1, %mul3A : i32
    %add3A = arith.addi %mul3A_0, %arg0 : i32
    %mul3A_1 = arith.constant 5000 : i32
    %mul3A_2 = arith.muli %add3A, %mul3A_1 : i32
    %jit3A = arith.constant 4 : i32
    %div3A = arith.divsi %add3A, %jit3A : i32
    %sign3A = arith.constant 0 : i32
    %sign3A_3 = arith.cmpi sgt, %add3A, %sign3A : i32
    %sign3A_4 = arith.extui %sign3A_3 : i1 to i32
    %sign3A_5 = arith.constant 0 : i32
    %sign3A_6 = arith.cmpi slt, %add3A, %sign3A_5 : i32
    %sign3A_7 = arith.extui %sign3A_6 : i1 to i32
    %sign3A_8 = arith.subi %sign3A_4, %sign3A_7 : i32
    %sign3A_9 = arith.constant 0 : i32
    %sign3A_10 = arith.cmpi sgt, %jit3A, %sign3A_9 : i32
    %sign3A_11 = arith.extui %sign3A_10 : i1 to i32
    %sign3A_12 = arith.constant 0 : i32
    %sign3A_13 = arith.cmpi slt, %jit3A, %sign3A_12 : i32
    %sign3A_14 = arith.extui %sign3A_13 : i1 to i32
    %sign3A_15 = arith.subi %sign3A_11, %sign3A_14 : i32
    %ne3A = arith.cmpi ne, %sign3A_8, %sign3A_15 : i32
    %rem3A = arith.remsi %add3A, %jit3A : i32
    %ne3A_16 = arith.constant 0 : i32
    %ne3A_17 = arith.cmpi ne, %rem3A, %ne3A_16 : i32
    %and3A = arith.andi %ne3A, %ne3A_17 : i1
    %sub3A = arith.constant 1 : i32
    %sub3A_18 = arith.subi %div3A, %sub3A : i32
    %select_n3A = arith.select %and3A, %sub3A_18, %div3A : i32
    %mul3A_19 = arith.constant 20000 : i32
    %mul3A_20 = arith.muli %select_n3A, %mul3A_19 : i32
    %sub3A_21 = arith.subi %mul3A_2, %mul3A_20 : i32
    %add3A_22 = arith.constant 0 : i32
    %add3A_23 = arith.addi %mul3A_2, %add3A_22 : i32
    %dma_start3A = tpu.memref_slice %arg3[%add3A_23] : memref<160000xi32, #tpu.memory_space<hbm>> -> memref<1000xi32, #tpu.memory_space<hbm>>
    %dma_start3A_24 = tpu.memref_slice %arg3[%add3A_23] : memref<160000xi32, #tpu.memory_space<hbm>> -> memref<1000xi32, #tpu.memory_space<hbm>>
    tpu.enqueue_dma source(%dma_start3A_24 : memref<1000xi32, #tpu.memory_space<hbm>>) target(%arg5 : memref<1000xi32, #tpu.memory_space<vmem>>) target_semaphore(%arg11 : memref<!tpu.dma_semaphore, #tpu.memory_space<semaphore_mem>>)
    %add3A_25 = arith.constant 1000 : i32
    %add3A_26 = arith.addi %mul3A_2, %add3A_25 : i32
    %dma_start3A_27 = tpu.memref_slice %arg3[%add3A_26] : memref<160000xi32, #tpu.memory_space<hbm>> -> memref<1000xi32, #tpu.memory_space<hbm>>
    %dma_start3A_28 = tpu.memref_slice %arg3[%add3A_26] : memref<160000xi32, #tpu.memory_space<hbm>> -> memref<1000xi32, #tpu.memory_space<hbm>>
    tpu.enqueue_dma source(%dma_start3A_28 : memref<1000xi32, #tpu.memory_space<hbm>>) target(%arg6 : memref<1000xi32, #tpu.memory_space<vmem>>) target_semaphore(%arg12 : memref<!tpu.dma_semaphore, #tpu.memory_space<semaphore_mem>>)
    %dma_wait3A = tpu.memref_slice %arg3[%add3A_23] : memref<160000xi32, #tpu.memory_space<hbm>> -> memref<1000xi32, #tpu.memory_space<hbm>>
    %dma_wait3A_29 = tpu.memref_slice %arg3[%add3A_23] : memref<160000xi32, #tpu.memory_space<hbm>> -> memref<1000xi32, #tpu.memory_space<hbm>>
    tpu.wait_dma2 semaphore(%arg11 : memref<!tpu.dma_semaphore, #tpu.memory_space<semaphore_mem>>) src(%dma_wait3A_29 : memref<1000xi32, #tpu.memory_space<hbm>>) dst(%arg5 : memref<1000xi32, #tpu.memory_space<vmem>>)
    %dma_start3A_30 = arith.constant 0 : i32
    %dma_start3A_31 = arith.constant 0 : i32
    %dma_start3A_32 = tpu.memref_slice %arg2[%dma_start3A_30, %dma_start3A_31] : memref<10000x16xf32, #tpu.memory_space<hbm>> -> memref<10000x16xf32, #tpu.memory_space<hbm>>
    tpu.enqueue_indirect_dma source(%dma_start3A_32 : memref<10000x16xf32, #tpu.memory_space<hbm>>) target(%arg8 : memref<1000x16xf32, #tpu.memory_space<vmem>>) offsets(%arg5 : memref<1000xi32, #tpu.memory_space<vmem>>) semaphore(%arg14 : memref<!tpu.dma_semaphore, #tpu.memory_space<semaphore_mem>>)
    %dma_wait3A_33 = arith.constant 0 : i32
    %dma_wait3A_34 = arith.constant 0 : i32
    %dma_wait3A_35 = tpu.memref_slice %arg2[%dma_wait3A_33, %dma_wait3A_34] : memref<10000x16xf32, #tpu.memory_space<hbm>> -> memref<10000x16xf32, #tpu.memory_space<hbm>>
    tpu.wait_indirect_dma semaphore(%arg14 : memref<!tpu.dma_semaphore, #tpu.memory_space<semaphore_mem>>) src(%dma_wait3A_35 : memref<10000x16xf32, #tpu.memory_space<hbm>>) dst(%arg8 : memref<1000x16xf32, #tpu.memory_space<vmem>>)
    %add3A_36 = arith.constant 0 : i32
    %add3A_37 = arith.addi %sub3A_21, %add3A_36 : i32
    %mul3A_38 = arith.constant 16 : i32
    %mul3A_39 = arith.muli %select_n3A, %mul3A_38 : i32
    %dma_start3A_40 = tpu.memref_slice %arg4[%add3A_37, %mul3A_39] : memref<20000x128xf32, #tpu.memory_space<hbm>> -> memref<1000x16xf32, #tpu.memory_space<hbm>>
    %dma_start3A_41 = tpu.memref_slice %arg4[%add3A_37, %mul3A_39] : memref<20000x128xf32, #tpu.memory_space<hbm>> -> memref<1000x16xf32, #tpu.memory_space<hbm>>
    tpu.enqueue_dma source(%arg8 : memref<1000x16xf32, #tpu.memory_space<vmem>>) target(%dma_start3A_41 : memref<1000x16xf32, #tpu.memory_space<hbm>>) target_semaphore(%arg17 : memref<!tpu.dma_semaphore, #tpu.memory_space<semaphore_mem>>)
    %add3A_42 = arith.constant 2000 : i32
    %add3A_43 = arith.addi %mul3A_2, %add3A_42 : i32
    %dma_start3A_44 = tpu.memref_slice %arg3[%add3A_43] : memref<160000xi32, #tpu.memory_space<hbm>> -> memref<1000xi32, #tpu.memory_space<hbm>>
    %dma_start3A_45 = tpu.memref_slice %arg3[%add3A_43] : memref<160000xi32, #tpu.memory_space<hbm>> -> memref<1000xi32, #tpu.memory_space<hbm>>
    tpu.enqueue_dma source(%dma_start3A_45 : memref<1000xi32, #tpu.memory_space<hbm>>) target(%arg7 : memref<1000xi32, #tpu.memory_space<vmem>>) target_semaphore(%arg13 : memref<!tpu.dma_semaphore, #tpu.memory_space<semaphore_mem>>)
    %dma_wait3A_46 = tpu.memref_slice %arg3[%add3A_26] : memref<160000xi32, #tpu.memory_space<hbm>> -> memref<1000xi32, #tpu.memory_space<hbm>>
    %dma_wait3A_47 = tpu.memref_slice %arg3[%add3A_26] : memref<160000xi32, #tpu.memory_space<hbm>> -> memref<1000xi32, #tpu.memory_space<hbm>>
    tpu.wait_dma2 semaphore(%arg12 : memref<!tpu.dma_semaphore, #tpu.memory_space<semaphore_mem>>) src(%dma_wait3A_47 : memref<1000xi32, #tpu.memory_space<hbm>>) dst(%arg6 : memref<1000xi32, #tpu.memory_space<vmem>>)
    %dma_start3A_48 = arith.constant 0 : i32
    %dma_start3A_49 = arith.constant 0 : i32
    %dma_start3A_50 = tpu.memref_slice %arg2[%dma_start3A_48, %dma_start3A_49] : memref<10000x16xf32, #tpu.memory_space<hbm>> -> memref<10000x16xf32, #tpu.memory_space<hbm>>
    tpu.enqueue_indirect_dma source(%dma_start3A_50 : memref<10000x16xf32, #tpu.memory_space<hbm>>) target(%arg9 : memref<1000x16xf32, #tpu.memory_space<vmem>>) offsets(%arg6 : memref<1000xi32, #tpu.memory_space<vmem>>) semaphore(%arg15 : memref<!tpu.dma_semaphore, #tpu.memory_space<semaphore_mem>>)
    %dma_wait3A_51 = arith.constant 0 : i32
    %dma_wait3A_52 = arith.constant 0 : i32
    %dma_wait3A_53 = tpu.memref_slice %arg2[%dma_wait3A_51, %dma_wait3A_52] : memref<10000x16xf32, #tpu.memory_space<hbm>> -> memref<10000x16xf32, #tpu.memory_space<hbm>>
    tpu.wait_indirect_dma semaphore(%arg15 : memref<!tpu.dma_semaphore, #tpu.memory_space<semaphore_mem>>) src(%dma_wait3A_53 : memref<10000x16xf32, #tpu.memory_space<hbm>>) dst(%arg9 : memref<1000x16xf32, #tpu.memory_space<vmem>>)
    %add3A_54 = arith.constant 1000 : i32
    %add3A_55 = arith.addi %sub3A_21, %add3A_54 : i32
    %mul3A_56 = arith.constant 16 : i32
    %mul3A_57 = arith.muli %select_n3A, %mul3A_56 : i32
    %dma_start3A_58 = tpu.memref_slice %arg4[%add3A_55, %mul3A_57] : memref<20000x128xf32, #tpu.memory_space<hbm>> -> memref<1000x16xf32, #tpu.memory_space<hbm>>
    %dma_start3A_59 = tpu.memref_slice %arg4[%add3A_55, %mul3A_57] : memref<20000x128xf32, #tpu.memory_space<hbm>> -> memref<1000x16xf32, #tpu.memory_space<hbm>>
    tpu.enqueue_dma source(%arg9 : memref<1000x16xf32, #tpu.memory_space<vmem>>) target(%dma_start3A_59 : memref<1000x16xf32, #tpu.memory_space<hbm>>) target_semaphore(%arg18 : memref<!tpu.dma_semaphore, #tpu.memory_space<semaphore_mem>>)
    %dma_wait3A_60 = tpu.memref_slice %arg4[%add3A_37, %mul3A_39] : memref<20000x128xf32, #tpu.memory_space<hbm>> -> memref<1000x16xf32, #tpu.memory_space<hbm>>
    %dma_wait3A_61 = tpu.memref_slice %arg4[%add3A_37, %mul3A_39] : memref<20000x128xf32, #tpu.memory_space<hbm>> -> memref<1000x16xf32, #tpu.memory_space<hbm>>
    tpu.wait_dma2 semaphore(%arg17 : memref<!tpu.dma_semaphore, #tpu.memory_space<semaphore_mem>>) src(%arg8 : memref<1000x16xf32, #tpu.memory_space<vmem>>) dst(%dma_wait3A_61 : memref<1000x16xf32, #tpu.memory_space<hbm>>)
    %add3A_62 = arith.constant 3000 : i32
    %add3A_63 = arith.addi %mul3A_2, %add3A_62 : i32
    %dma_start3A_64 = tpu.memref_slice %arg3[%add3A_63] : memref<160000xi32, #tpu.memory_space<hbm>> -> memref<1000xi32, #tpu.memory_space<hbm>>
    %dma_start3A_65 = tpu.memref_slice %arg3[%add3A_63] : memref<160000xi32, #tpu.memory_space<hbm>> -> memref<1000xi32, #tpu.memory_space<hbm>>
    tpu.enqueue_dma source(%dma_start3A_65 : memref<1000xi32, #tpu.memory_space<hbm>>) target(%arg5 : memref<1000xi32, #tpu.memory_space<vmem>>) target_semaphore(%arg11 : memref<!tpu.dma_semaphore, #tpu.memory_space<semaphore_mem>>)
    %dma_wait3A_66 = tpu.memref_slice %arg3[%add3A_43] : memref<160000xi32, #tpu.memory_space<hbm>> -> memref<1000xi32, #tpu.memory_space<hbm>>
    %dma_wait3A_67 = tpu.memref_slice %arg3[%add3A_43] : memref<160000xi32, #tpu.memory_space<hbm>> -> memref<1000xi32, #tpu.memory_space<hbm>>
    tpu.wait_dma2 semaphore(%arg13 : memref<!tpu.dma_semaphore, #tpu.memory_space<semaphore_mem>>) src(%dma_wait3A_67 : memref<1000xi32, #tpu.memory_space<hbm>>) dst(%arg7 : memref<1000xi32, #tpu.memory_space<vmem>>)
    %dma_start3A_68 = arith.constant 0 : i32
    %dma_start3A_69 = arith.constant 0 : i32
    %dma_start3A_70 = tpu.memref_slice %arg2[%dma_start3A_68, %dma_start3A_69] : memref<10000x16xf32, #tpu.memory_space<hbm>> -> memref<10000x16xf32, #tpu.memory_space<hbm>>
    tpu.enqueue_indirect_dma source(%dma_start3A_70 : memref<10000x16xf32, #tpu.memory_space<hbm>>) target(%arg10 : memref<1000x16xf32, #tpu.memory_space<vmem>>) offsets(%arg7 : memref<1000xi32, #tpu.memory_space<vmem>>) semaphore(%arg16 : memref<!tpu.dma_semaphore, #tpu.memory_space<semaphore_mem>>)
    %dma_wait3A_71 = arith.constant 0 : i32
    %dma_wait3A_72 = arith.constant 0 : i32
    %dma_wait3A_73 = tpu.memref_slice %arg2[%dma_wait3A_71, %dma_wait3A_72] : memref<10000x16xf32, #tpu.memory_space<hbm>> -> memref<10000x16xf32, #tpu.memory_space<hbm>>
    tpu.wait_indirect_dma semaphore(%arg16 : memref<!tpu.dma_semaphore, #tpu.memory_space<semaphore_mem>>) src(%dma_wait3A_73 : memref<10000x16xf32, #tpu.memory_space<hbm>>) dst(%arg10 : memref<1000x16xf32, #tpu.memory_space<vmem>>)
    %add3A_74 = arith.constant 2000 : i32
    %add3A_75 = arith.addi %sub3A_21, %add3A_74 : i32
    %mul3A_76 = arith.constant 16 : i32
    %mul3A_77 = arith.muli %select_n3A, %mul3A_76 : i32
    %dma_start3A_78 = tpu.memref_slice %arg4[%add3A_75, %mul3A_77] : memref<20000x128xf32, #tpu.memory_space<hbm>> -> memref<1000x16xf32, #tpu.memory_space<hbm>>
    %dma_start3A_79 = tpu.memref_slice %arg4[%add3A_75, %mul3A_77] : memref<20000x128xf32, #tpu.memory_space<hbm>> -> memref<1000x16xf32, #tpu.memory_space<hbm>>
    tpu.enqueue_dma source(%arg10 : memref<1000x16xf32, #tpu.memory_space<vmem>>) target(%dma_start3A_79 : memref<1000x16xf32, #tpu.memory_space<hbm>>) target_semaphore(%arg19 : memref<!tpu.dma_semaphore, #tpu.memory_space<semaphore_mem>>)
    %dma_wait3A_80 = tpu.memref_slice %arg4[%add3A_55, %mul3A_57] : memref<20000x128xf32, #tpu.memory_space<hbm>> -> memref<1000x16xf32, #tpu.memory_space<hbm>>
    %dma_wait3A_81 = tpu.memref_slice %arg4[%add3A_55, %mul3A_57] : memref<20000x128xf32, #tpu.memory_space<hbm>> -> memref<1000x16xf32, #tpu.memory_space<hbm>>
    tpu.wait_dma2 semaphore(%arg18 : memref<!tpu.dma_semaphore, #tpu.memory_space<semaphore_mem>>) src(%arg9 : memref<1000x16xf32, #tpu.memory_space<vmem>>) dst(%dma_wait3A_81 : memref<1000x16xf32, #tpu.memory_space<hbm>>)
    %add3A_82 = arith.constant 4000 : i32
    %add3A_83 = arith.addi %mul3A_2, %add3A_82 : i32
    %dma_start3A_84 = tpu.memref_slice %arg3[%add3A_83] : memref<160000xi32, #tpu.memory_space<hbm>> -> memref<1000xi32, #tpu.memory_space<hbm>>
    %dma_start3A_85 = tpu.memref_slice %arg3[%add3A_83] : memref<160000xi32, #tpu.memory_space<hbm>> -> memref<1000xi32, #tpu.memory_space<hbm>>
    tpu.enqueue_dma source(%dma_start3A_85 : memref<1000xi32, #tpu.memory_space<hbm>>) target(%arg6 : memref<1000xi32, #tpu.memory_space<vmem>>) target_semaphore(%arg12 : memref<!tpu.dma_semaphore, #tpu.memory_space<semaphore_mem>>)
    %dma_wait3A_86 = tpu.memref_slice %arg3[%add3A_63] : memref<160000xi32, #tpu.memory_space<hbm>> -> memref<1000xi32, #tpu.memory_space<hbm>>
    %dma_wait3A_87 = tpu.memref_slice %arg3[%add3A_63] : memref<160000xi32, #tpu.memory_space<hbm>> -> memref<1000xi32, #tpu.memory_space<hbm>>
    tpu.wait_dma2 semaphore(%arg11 : memref<!tpu.dma_semaphore, #tpu.memory_space<semaphore_mem>>) src(%dma_wait3A_87 : memref<1000xi32, #tpu.memory_space<hbm>>) dst(%arg5 : memref<1000xi32, #tpu.memory_space<vmem>>)
    %dma_start3A_88 = arith.constant 0 : i32
    %dma_start3A_89 = arith.constant 0 : i32
    %dma_start3A_90 = tpu.memref_slice %arg2[%dma_start3A_88, %dma_start3A_89] : memref<10000x16xf32, #tpu.memory_space<hbm>> -> memref<10000x16xf32, #tpu.memory_space<hbm>>
    tpu.enqueue_indirect_dma source(%dma_start3A_90 : memref<10000x16xf32, #tpu.memory_space<hbm>>) target(%arg8 : memref<1000x16xf32, #tpu.memory_space<vmem>>) offsets(%arg5 : memref<1000xi32, #tpu.memory_space<vmem>>) semaphore(%arg14 : memref<!tpu.dma_semaphore, #tpu.memory_space<semaphore_mem>>)
    %dma_wait3A_91 = arith.constant 0 : i32
    %dma_wait3A_92 = arith.constant 0 : i32
    %dma_wait3A_93 = tpu.memref_slice %arg2[%dma_wait3A_91, %dma_wait3A_92] : memref<10000x16xf32, #tpu.memory_space<hbm>> -> memref<10000x16xf32, #tpu.memory_space<hbm>>
    tpu.wait_indirect_dma semaphore(%arg14 : memref<!tpu.dma_semaphore, #tpu.memory_space<semaphore_mem>>) src(%dma_wait3A_93 : memref<10000x16xf32, #tpu.memory_space<hbm>>) dst(%arg8 : memref<1000x16xf32, #tpu.memory_space<vmem>>)
    %add3A_94 = arith.constant 3000 : i32
    %add3A_95 = arith.addi %sub3A_21, %add3A_94 : i32
    %mul3A_96 = arith.constant 16 : i32
    %mul3A_97 = arith.muli %select_n3A, %mul3A_96 : i32
    %dma_start3A_98 = tpu.memref_slice %arg4[%add3A_95, %mul3A_97] : memref<20000x128xf32, #tpu.memory_space<hbm>> -> memref<1000x16xf32, #tpu.memory_space<hbm>>
    %dma_start3A_99 = tpu.memref_slice %arg4[%add3A_95, %mul3A_97] : memref<20000x128xf32, #tpu.memory_space<hbm>> -> memref<1000x16xf32, #tpu.memory_space<hbm>>
    tpu.enqueue_dma source(%arg8 : memref<1000x16xf32, #tpu.memory_space<vmem>>) target(%dma_start3A_99 : memref<1000x16xf32, #tpu.memory_space<hbm>>) target_semaphore(%arg17 : memref<!tpu.dma_semaphore, #tpu.memory_space<semaphore_mem>>)
    %dma_wait3A_100 = tpu.memref_slice %arg3[%add3A_83] : memref<160000xi32, #tpu.memory_space<hbm>> -> memref<1000xi32, #tpu.memory_space<hbm>>
    %dma_wait3A_101 = tpu.memref_slice %arg3[%add3A_83] : memref<160000xi32, #tpu.memory_space<hbm>> -> memref<1000xi32, #tpu.memory_space<hbm>>
    tpu.wait_dma2 semaphore(%arg12 : memref<!tpu.dma_semaphore, #tpu.memory_space<semaphore_mem>>) src(%dma_wait3A_101 : memref<1000xi32, #tpu.memory_space<hbm>>) dst(%arg6 : memref<1000xi32, #tpu.memory_space<vmem>>)
    %dma_start3A_102 = arith.constant 0 : i32
    %dma_start3A_103 = arith.constant 0 : i32
    %dma_start3A_104 = tpu.memref_slice %arg2[%dma_start3A_102, %dma_start3A_103] : memref<10000x16xf32, #tpu.memory_space<hbm>> -> memref<10000x16xf32, #tpu.memory_space<hbm>>
    tpu.enqueue_indirect_dma source(%dma_start3A_104 : memref<10000x16xf32, #tpu.memory_space<hbm>>) target(%arg9 : memref<1000x16xf32, #tpu.memory_space<vmem>>) offsets(%arg6 : memref<1000xi32, #tpu.memory_space<vmem>>) semaphore(%arg15 : memref<!tpu.dma_semaphore, #tpu.memory_space<semaphore_mem>>)
    %dma_wait3A_105 = arith.constant 0 : i32
    %dma_wait3A_106 = arith.constant 0 : i32
    %dma_wait3A_107 = tpu.memref_slice %arg2[%dma_wait3A_105, %dma_wait3A_106] : memref<10000x16xf32, #tpu.memory_space<hbm>> -> memref<10000x16xf32, #tpu.memory_space<hbm>>
    tpu.wait_indirect_dma semaphore(%arg15 : memref<!tpu.dma_semaphore, #tpu.memory_space<semaphore_mem>>) src(%dma_wait3A_107 : memref<10000x16xf32, #tpu.memory_space<hbm>>) dst(%arg9 : memref<1000x16xf32, #tpu.memory_space<vmem>>)
    %add3A_108 = arith.constant 4000 : i32
    %add3A_109 = arith.addi %sub3A_21, %add3A_108 : i32
    %mul3A_110 = arith.constant 16 : i32
    %mul3A_111 = arith.muli %select_n3A, %mul3A_110 : i32
    %dma_start3A_112 = tpu.memref_slice %arg4[%add3A_109, %mul3A_111] : memref<20000x128xf32, #tpu.memory_space<hbm>> -> memref<1000x16xf32, #tpu.memory_space<hbm>>
    %dma_start3A_113 = tpu.memref_slice %arg4[%add3A_109, %mul3A_111] : memref<20000x128xf32, #tpu.memory_space<hbm>> -> memref<1000x16xf32, #tpu.memory_space<hbm>>
    tpu.enqueue_dma source(%arg9 : memref<1000x16xf32, #tpu.memory_space<vmem>>) target(%dma_start3A_113 : memref<1000x16xf32, #tpu.memory_space<hbm>>) target_semaphore(%arg18 : memref<!tpu.dma_semaphore, #tpu.memory_space<semaphore_mem>>)
    %dma_wait3A_114 = tpu.memref_slice %arg4[%add3A_95, %mul3A_97] : memref<20000x128xf32, #tpu.memory_space<hbm>> -> memref<1000x16xf32, #tpu.memory_space<hbm>>
    %dma_wait3A_115 = tpu.memref_slice %arg4[%add3A_95, %mul3A_97] : memref<20000x128xf32, #tpu.memory_space<hbm>> -> memref<1000x16xf32, #tpu.memory_space<hbm>>
    tpu.wait_dma2 semaphore(%arg17 : memref<!tpu.dma_semaphore, #tpu.memory_space<semaphore_mem>>) src(%arg8 : memref<1000x16xf32, #tpu.memory_space<vmem>>) dst(%dma_wait3A_115 : memref<1000x16xf32, #tpu.memory_space<hbm>>)
    %dma_wait3A_116 = tpu.memref_slice %arg4[%add3A_109, %mul3A_111] : memref<20000x128xf32, #tpu.memory_space<hbm>> -> memref<1000x16xf32, #tpu.memory_space<hbm>>
    %dma_wait3A_117 = tpu.memref_slice %arg4[%add3A_109, %mul3A_111] : memref<20000x128xf32, #tpu.memory_space<hbm>> -> memref<1000x16xf32, #tpu.memory_space<hbm>>
    tpu.wait_dma2 semaphore(%arg18 : memref<!tpu.dma_semaphore, #tpu.memory_space<semaphore_mem>>) src(%arg9 : memref<1000x16xf32, #tpu.memory_space<vmem>>) dst(%dma_wait3A_117 : memref<1000x16xf32, #tpu.memory_space<hbm>>)
    %dma_wait3A_118 = tpu.memref_slice %arg4[%add3A_75, %mul3A_77] : memref<20000x128xf32, #tpu.memory_space<hbm>> -> memref<1000x16xf32, #tpu.memory_space<hbm>>
    %dma_wait3A_119 = tpu.memref_slice %arg4[%add3A_75, %mul3A_77] : memref<20000x128xf32, #tpu.memory_space<hbm>> -> memref<1000x16xf32, #tpu.memory_space<hbm>>
    tpu.wait_dma2 semaphore(%arg19 : memref<!tpu.dma_semaphore, #tpu.memory_space<semaphore_mem>>) src(%arg10 : memref<1000x16xf32, #tpu.memory_space<vmem>>) dst(%dma_wait3A_119 : memref<1000x16xf32, #tpu.memory_space<hbm>>)
    return
  }
}

#map = affine_map<(d0, d1) -> (0, 0)>
#map1 = affine_map<(d0, d1) -> (0)>
module attributes {stable_mosaic.version = 14 : i64} {
  func.func @k(%arg0: i32, %arg1: i32, %arg2: memref<10000x16xf32, #tpu.memory_space<hbm>>, %arg3: memref<160000xi32, #tpu.memory_space<hbm>>, %arg4: memref<20000x128xf32, #tpu.memory_space<hbm>>, %arg5: memref<1000xi32, #tpu.memory_space<vmem>>, %arg6: memref<1000xi32, #tpu.memory_space<vmem>>, %arg7: memref<1000xi32, #tpu.memory_space<vmem>>, %arg8: memref<1000x16xf32, #tpu.memory_space<vmem>>, %arg9: memref<1000x16xf32, #tpu.memory_space<vmem>>, %arg10: memref<1000x16xf32, #tpu.memory_space<vmem>>, %arg11: memref<!tpu.dma_semaphore, #tpu.memory_space<semaphore_mem>>, %arg12: memref<!tpu.dma_semaphore, #tpu.memory_space<semaphore_mem>>, %arg13: memref<!tpu.dma_semaphore, #tpu.memory_space<semaphore_mem>>, %arg14: memref<!tpu.dma_semaphore, #tpu.memory_space<semaphore_mem>>, %arg15: memref<!tpu.dma_semaphore, #tpu.memory_space<semaphore_mem>>, %arg16: memref<!tpu.dma_semaphore, #tpu.memory_space<semaphore_mem>>, %arg17: memref<!tpu.dma_semaphore, #tpu.memory_space<semaphore_mem>>, %arg18: memref<!tpu.dma_semaphore, #tpu.memory_space<semaphore_mem>>, %arg19: memref<!tpu.dma_semaphore, #tpu.memory_space<semaphore_mem>>) attributes {dimension_semantics = [#tpu.dimension_semantics<core_parallel>, #tpu.dimension_semantics<subcore_parallel>], iteration_bounds = array<i64: 2, 16>, scalar_prefetch = 0 : i64, scratch_operands = 15 : i64, tpu.core_type = #tpu.core_type<sc_vector_subcore>, window_params = [{transform_indices = #map}, {transform_indices = #map1}, {transform_indices = #map}]} {
    %mul3A = arith.constant 2 : i32
    %mul3A_0 = arith.muli %arg1, %mul3A : i32
    %add3A = arith.addi %mul3A_0, %arg0 : i32
    %mul3A_1 = arith.constant 5000 : i32
    %mul3A_2 = arith.muli %add3A, %mul3A_1 : i32
    %jit3A = arith.constant 4 : i32
    %div3A = arith.divsi %add3A, %jit3A : i32
    %sign3A = arith.constant 0 : i32
    %sign3A_3 = arith.cmpi sgt, %add3A, %sign3A : i32
    %sign3A_4 = arith.extui %sign3A_3 : i1 to i32
    %sign3A_5 = arith.constant 0 : i32
    %sign3A_6 = arith.cmpi slt, %add3A, %sign3A_5 : i32
    %sign3A_7 = arith.extui %sign3A_6 : i1 to i32
    %sign3A_8 = arith.subi %sign3A_4, %sign3A_7 : i32
    %sign3A_9 = arith.constant 0 : i32
    %sign3A_10 = arith.cmpi sgt, %jit3A, %sign3A_9 : i32
    %sign3A_11 = arith.extui %sign3A_10 : i1 to i32
    %sign3A_12 = arith.constant 0 : i32
    %sign3A_13 = arith.cmpi slt, %jit3A, %sign3A_12 : i32
    %sign3A_14 = arith.extui %sign3A_13 : i1 to i32
    %sign3A_15 = arith.subi %sign3A_11, %sign3A_14 : i32
    %ne3A = arith.cmpi ne, %sign3A_8, %sign3A_15 : i32
    %rem3A = arith.remsi %add3A, %jit3A : i32
    %ne3A_16 = arith.constant 0 : i32
    %ne3A_17 = arith.cmpi ne, %rem3A, %ne3A_16 : i32
    %and3A = arith.andi %ne3A, %ne3A_17 : i1
    %sub3A = arith.constant 1 : i32
    %sub3A_18 = arith.subi %div3A, %sub3A : i32
    %select_n3A = arith.select %and3A, %sub3A_18, %div3A : i32
    %mul3A_19 = arith.constant 20000 : i32
    %mul3A_20 = arith.muli %select_n3A, %mul3A_19 : i32
    %sub3A_21 = arith.subi %mul3A_2, %mul3A_20 : i32
    %add3A_22 = arith.constant 0 : i32
    %add3A_23 = arith.addi %mul3A_2, %add3A_22 : i32
    %dma_start3A = tpu.memref_slice %arg3[%add3A_23] : memref<160000xi32, #tpu.memory_space<hbm>> -> memref<1000xi32, #tpu.memory_space<hbm>>
    %dma_start3A_24 = tpu.memref_slice %arg3[%add3A_23] : memref<160000xi32, #tpu.memory_space<hbm>> -> memref<1000xi32, #tpu.memory_space<hbm>>
    tpu.enqueue_dma source(%dma_start3A_24 : memref<1000xi32, #tpu.memory_space<hbm>>) target(%arg5 : memref<1000xi32, #tpu.memory_space<vmem>>) target_semaphore(%arg11 : memref<!tpu.dma_semaphore, #tpu.memory_space<semaphore_mem>>)
    %add3A_25 = arith.constant 1000 : i32
    %add3A_26 = arith.addi %mul3A_2, %add3A_25 : i32
    %dma_start3A_27 = tpu.memref_slice %arg3[%add3A_26] : memref<160000xi32, #tpu.memory_space<hbm>> -> memref<1000xi32, #tpu.memory_space<hbm>>
    %dma_start3A_28 = tpu.memref_slice %arg3[%add3A_26] : memref<160000xi32, #tpu.memory_space<hbm>> -> memref<1000xi32, #tpu.memory_space<hbm>>
    tpu.enqueue_dma source(%dma_start3A_28 : memref<1000xi32, #tpu.memory_space<hbm>>) target(%arg6 : memref<1000xi32, #tpu.memory_space<vmem>>) target_semaphore(%arg12 : memref<!tpu.dma_semaphore, #tpu.memory_space<semaphore_mem>>)
    %dma_wait3A = tpu.memref_slice %arg3[%add3A_23] : memref<160000xi32, #tpu.memory_space<hbm>> -> memref<1000xi32, #tpu.memory_space<hbm>>
    %dma_wait3A_29 = tpu.memref_slice %arg3[%add3A_23] : memref<160000xi32, #tpu.memory_space<hbm>> -> memref<1000xi32, #tpu.memory_space<hbm>>
    tpu.wait_dma2 semaphore(%arg11 : memref<!tpu.dma_semaphore, #tpu.memory_space<semaphore_mem>>) src(%dma_wait3A_29 : memref<1000xi32, #tpu.memory_space<hbm>>) dst(%arg5 : memref<1000xi32, #tpu.memory_space<vmem>>)
    %dma_start3A_30 = arith.constant 0 : i32
    %dma_start3A_31 = arith.constant 0 : i32
    %dma_start3A_32 = tpu.memref_slice %arg2[%dma_start3A_30, %dma_start3A_31] : memref<10000x16xf32, #tpu.memory_space<hbm>> -> memref<10000x16xf32, #tpu.memory_space<hbm>>
    tpu.enqueue_indirect_dma source(%dma_start3A_32 : memref<10000x16xf32, #tpu.memory_space<hbm>>) target(%arg8 : memref<1000x16xf32, #tpu.memory_space<vmem>>) offsets(%arg5 : memref<1000xi32, #tpu.memory_space<vmem>>) semaphore(%arg14 : memref<!tpu.dma_semaphore, #tpu.memory_space<semaphore_mem>>)
    %dma_wait3A_33 = arith.constant 0 : i32
    %dma_wait3A_34 = arith.constant 0 : i32
    %dma_wait3A_35 = tpu.memref_slice %arg2[%dma_wait3A_33, %dma_wait3A_34] : memref<10000x16xf32, #tpu.memory_space<hbm>> -> memref<10000x16xf32, #tpu.memory_space<hbm>>
    tpu.wait_indirect_dma semaphore(%arg14 : memref<!tpu.dma_semaphore, #tpu.memory_space<semaphore_mem>>) src(%dma_wait3A_35 : memref<10000x16xf32, #tpu.memory_space<hbm>>) dst(%arg8 : memref<1000x16xf32, #tpu.memory_space<vmem>>)
    %add3A_36 = arith.constant 0 : i32
    %add3A_37 = arith.addi %sub3A_21, %add3A_36 : i32
    %mul3A_38 = arith.constant 16 : i32
    %mul3A_39 = arith.muli %select_n3A, %mul3A_38 : i32
    %dma_start3A_40 = tpu.memref_slice %arg4[%add3A_37, %mul3A_39] : memref<20000x128xf32, #tpu.memory_space<hbm>> -> memref<1000x16xf32, #tpu.memory_space<hbm>>
    %dma_start3A_41 = tpu.memref_slice %arg4[%add3A_37, %mul3A_39] : memref<20000x128xf32, #tpu.memory_space<hbm>> -> memref<1000x16xf32, #tpu.memory_space<hbm>>
    tpu.enqueue_dma source(%arg8 : memref<1000x16xf32, #tpu.memory_space<vmem>>) target(%dma_start3A_41 : memref<1000x16xf32, #tpu.memory_space<hbm>>) target_semaphore(%arg17 : memref<!tpu.dma_semaphore, #tpu.memory_space<semaphore_mem>>)
    %add3A_42 = arith.constant 2000 : i32
    %add3A_43 = arith.addi %mul3A_2, %add3A_42 : i32
    %dma_start3A_44 = tpu.memref_slice %arg3[%add3A_43] : memref<160000xi32, #tpu.memory_space<hbm>> -> memref<1000xi32, #tpu.memory_space<hbm>>
    %dma_start3A_45 = tpu.memref_slice %arg3[%add3A_43] : memref<160000xi32, #tpu.memory_space<hbm>> -> memref<1000xi32, #tpu.memory_space<hbm>>
    tpu.enqueue_dma source(%dma_start3A_45 : memref<1000xi32, #tpu.memory_space<hbm>>) target(%arg7 : memref<1000xi32, #tpu.memory_space<vmem>>) target_semaphore(%arg13 : memref<!tpu.dma_semaphore, #tpu.memory_space<semaphore_mem>>)
    %dma_wait3A_46 = tpu.memref_slice %arg3[%add3A_26] : memref<160000xi32, #tpu.memory_space<hbm>> -> memref<1000xi32, #tpu.memory_space<hbm>>
    %dma_wait3A_47 = tpu.memref_slice %arg3[%add3A_26] : memref<160000xi32, #tpu.memory_space<hbm>> -> memref<1000xi32, #tpu.memory_space<hbm>>
    tpu.wait_dma2 semaphore(%arg12 : memref<!tpu.dma_semaphore, #tpu.memory_space<semaphore_mem>>) src(%dma_wait3A_47 : memref<1000xi32, #tpu.memory_space<hbm>>) dst(%arg6 : memref<1000xi32, #tpu.memory_space<vmem>>)
    %dma_start3A_48 = arith.constant 0 : i32
    %dma_start3A_49 = arith.constant 0 : i32
    %dma_start3A_50 = tpu.memref_slice %arg2[%dma_start3A_48, %dma_start3A_49] : memref<10000x16xf32, #tpu.memory_space<hbm>> -> memref<10000x16xf32, #tpu.memory_space<hbm>>
    tpu.enqueue_indirect_dma source(%dma_start3A_50 : memref<10000x16xf32, #tpu.memory_space<hbm>>) target(%arg9 : memref<1000x16xf32, #tpu.memory_space<vmem>>) offsets(%arg6 : memref<1000xi32, #tpu.memory_space<vmem>>) semaphore(%arg15 : memref<!tpu.dma_semaphore, #tpu.memory_space<semaphore_mem>>)
    %dma_wait3A_51 = arith.constant 0 : i32
    %dma_wait3A_52 = arith.constant 0 : i32
    %dma_wait3A_53 = tpu.memref_slice %arg2[%dma_wait3A_51, %dma_wait3A_52] : memref<10000x16xf32, #tpu.memory_space<hbm>> -> memref<10000x16xf32, #tpu.memory_space<hbm>>
    tpu.wait_indirect_dma semaphore(%arg15 : memref<!tpu.dma_semaphore, #tpu.memory_space<semaphore_mem>>) src(%dma_wait3A_53 : memref<10000x16xf32, #tpu.memory_space<hbm>>) dst(%arg9 : memref<1000x16xf32, #tpu.memory_space<vmem>>)
    %add3A_54 = arith.constant 1000 : i32
    %add3A_55 = arith.addi %sub3A_21, %add3A_54 : i32
    %mul3A_56 = arith.constant 16 : i32
    %mul3A_57 = arith.muli %select_n3A, %mul3A_56 : i32
    %dma_start3A_58 = tpu.memref_slice %arg4[%add3A_55, %mul3A_57] : memref<20000x128xf32, #tpu.memory_space<hbm>> -> memref<1000x16xf32, #tpu.memory_space<hbm>>
    %dma_start3A_59 = tpu.memref_slice %arg4[%add3A_55, %mul3A_57] : memref<20000x128xf32, #tpu.memory_space<hbm>> -> memref<1000x16xf32, #tpu.memory_space<hbm>>
    tpu.enqueue_dma source(%arg9 : memref<1000x16xf32, #tpu.memory_space<vmem>>) target(%dma_start3A_59 : memref<1000x16xf32, #tpu.memory_space<hbm>>) target_semaphore(%arg18 : memref<!tpu.dma_semaphore, #tpu.memory_space<semaphore_mem>>)
    %dma_wait3A_60 = tpu.memref_slice %arg4[%add3A_37, %mul3A_39] : memref<20000x128xf32, #tpu.memory_space<hbm>> -> memref<1000x16xf32, #tpu.memory_space<hbm>>
    %dma_wait3A_61 = tpu.memref_slice %arg4[%add3A_37, %mul3A_39] : memref<20000x128xf32, #tpu.memory_space<hbm>> -> memref<1000x16xf32, #tpu.memory_space<hbm>>
    tpu.wait_dma2 semaphore(%arg17 : memref<!tpu.dma_semaphore, #tpu.memory_space<semaphore_mem>>) src(%arg8 : memref<1000x16xf32, #tpu.memory_space<vmem>>) dst(%dma_wait3A_61 : memref<1000x16xf32, #tpu.memory_space<hbm>>)
    %add3A_62 = arith.constant 3000 : i32
    %add3A_63 = arith.addi %mul3A_2, %add3A_62 : i32
    %dma_start3A_64 = tpu.memref_slice %arg3[%add3A_63] : memref<160000xi32, #tpu.memory_space<hbm>> -> memref<1000xi32, #tpu.memory_space<hbm>>
    %dma_start3A_65 = tpu.memref_slice %arg3[%add3A_63] : memref<160000xi32, #tpu.memory_space<hbm>> -> memref<1000xi32, #tpu.memory_space<hbm>>
    tpu.enqueue_dma source(%dma_start3A_65 : memref<1000xi32, #tpu.memory_space<hbm>>) target(%arg5 : memref<1000xi32, #tpu.memory_space<vmem>>) target_semaphore(%arg11 : memref<!tpu.dma_semaphore, #tpu.memory_space<semaphore_mem>>)
    %dma_wait3A_66 = tpu.memref_slice %arg3[%add3A_43] : memref<160000xi32, #tpu.memory_space<hbm>> -> memref<1000xi32, #tpu.memory_space<hbm>>
    %dma_wait3A_67 = tpu.memref_slice %arg3[%add3A_43] : memref<160000xi32, #tpu.memory_space<hbm>> -> memref<1000xi32, #tpu.memory_space<hbm>>
    tpu.wait_dma2 semaphore(%arg13 : memref<!tpu.dma_semaphore, #tpu.memory_space<semaphore_mem>>) src(%dma_wait3A_67 : memref<1000xi32, #tpu.memory_space<hbm>>) dst(%arg7 : memref<1000xi32, #tpu.memory_space<vmem>>)
    %dma_start3A_68 = arith.constant 0 : i32
    %dma_start3A_69 = arith.constant 0 : i32
    %dma_start3A_70 = tpu.memref_slice %arg2[%dma_start3A_68, %dma_start3A_69] : memref<10000x16xf32, #tpu.memory_space<hbm>> -> memref<10000x16xf32, #tpu.memory_space<hbm>>
    tpu.enqueue_indirect_dma source(%dma_start3A_70 : memref<10000x16xf32, #tpu.memory_space<hbm>>) target(%arg10 : memref<1000x16xf32, #tpu.memory_space<vmem>>) offsets(%arg7 : memref<1000xi32, #tpu.memory_space<vmem>>) semaphore(%arg16 : memref<!tpu.dma_semaphore, #tpu.memory_space<semaphore_mem>>)
    %dma_wait3A_71 = arith.constant 0 : i32
    %dma_wait3A_72 = arith.constant 0 : i32
    %dma_wait3A_73 = tpu.memref_slice %arg2[%dma_wait3A_71, %dma_wait3A_72] : memref<10000x16xf32, #tpu.memory_space<hbm>> -> memref<10000x16xf32, #tpu.memory_space<hbm>>
    tpu.wait_indirect_dma semaphore(%arg16 : memref<!tpu.dma_semaphore, #tpu.memory_space<semaphore_mem>>) src(%dma_wait3A_73 : memref<10000x16xf32, #tpu.memory_space<hbm>>) dst(%arg10 : memref<1000x16xf32, #tpu.memory_space<vmem>>)
    %add3A_74 = arith.constant 2000 : i32
    %add3A_75 = arith.addi %sub3A_21, %add3A_74 : i32
    %mul3A_76 = arith.constant 16 : i32
    %mul3A_77 = arith.muli %select_n3A, %mul3A_76 : i32
    %dma_start3A_78 = tpu.memref_slice %arg4[%add3A_75, %mul3A_77] : memref<20000x128xf32, #tpu.memory_space<hbm>> -> memref<1000x16xf32, #tpu.memory_space<hbm>>
    %dma_start3A_79 = tpu.memref_slice %arg4[%add3A_75, %mul3A_77] : memref<20000x128xf32, #tpu.memory_space<hbm>> -> memref<1000x16xf32, #tpu.memory_space<hbm>>
    tpu.enqueue_dma source(%arg10 : memref<1000x16xf32, #tpu.memory_space<vmem>>) target(%dma_start3A_79 : memref<1000x16xf32, #tpu.memory_space<hbm>>) target_semaphore(%arg19 : memref<!tpu.dma_semaphore, #tpu.memory_space<semaphore_mem>>)
    %dma_wait3A_80 = tpu.memref_slice %arg4[%add3A_55, %mul3A_57] : memref<20000x128xf32, #tpu.memory_space<hbm>> -> memref<1000x16xf32, #tpu.memory_space<hbm>>
    %dma_wait3A_81 = tpu.memref_slice %arg4[%add3A_55, %mul3A_57] : memref<20000x128xf32, #tpu.memory_space<hbm>> -> memref<1000x16xf32, #tpu.memory_space<hbm>>
    tpu.wait_dma2 semaphore(%arg18 : memref<!tpu.dma_semaphore, #tpu.memory_space<semaphore_mem>>) src(%arg9 : memref<1000x16xf32, #tpu.memory_space<vmem>>) dst(%dma_wait3A_81 : memref<1000x16xf32, #tpu.memory_space<hbm>>)
    %add3A_82 = arith.constant 4000 : i32
    %add3A_83 = arith.addi %mul3A_2, %add3A_82 : i32
    %dma_start3A_84 = tpu.memref_slice %arg3[%add3A_83] : memref<160000xi32, #tpu.memory_space<hbm>> -> memref<1000xi32, #tpu.memory_space<hbm>>
    %dma_start3A_85 = tpu.memref_slice %arg3[%add3A_83] : memref<160000xi32, #tpu.memory_space<hbm>> -> memref<1000xi32, #tpu.memory_space<hbm>>
    tpu.enqueue_dma source(%dma_start3A_85 : memref<1000xi32, #tpu.memory_space<hbm>>) target(%arg6 : memref<1000xi32, #tpu.memory_space<vmem>>) target_semaphore(%arg12 : memref<!tpu.dma_semaphore, #tpu.memory_space<semaphore_mem>>)
    %dma_wait3A_86 = tpu.memref_slice %arg3[%add3A_63] : memref<160000xi32, #tpu.memory_space<hbm>> -> memref<1000xi32, #tpu.memory_space<hbm>>
    %dma_wait3A_87 = tpu.memref_slice %arg3[%add3A_63] : memref<160000xi32, #tpu.memory_space<hbm>> -> memref<1000xi32, #tpu.memory_space<hbm>>
    tpu.wait_dma2 semaphore(%arg11 : memref<!tpu.dma_semaphore, #tpu.memory_space<semaphore_mem>>) src(%dma_wait3A_87 : memref<1000xi32, #tpu.memory_space<hbm>>) dst(%arg5 : memref<1000xi32, #tpu.memory_space<vmem>>)
    %dma_start3A_88 = arith.constant 0 : i32
    %dma_start3A_89 = arith.constant 0 : i32
    %dma_start3A_90 = tpu.memref_slice %arg2[%dma_start3A_88, %dma_start3A_89] : memref<10000x16xf32, #tpu.memory_space<hbm>> -> memref<10000x16xf32, #tpu.memory_space<hbm>>
    tpu.enqueue_indirect_dma source(%dma_start3A_90 : memref<10000x16xf32, #tpu.memory_space<hbm>>) target(%arg8 : memref<1000x16xf32, #tpu.memory_space<vmem>>) offsets(%arg5 : memref<1000xi32, #tpu.memory_space<vmem>>) semaphore(%arg14 : memref<!tpu.dma_semaphore, #tpu.memory_space<semaphore_mem>>)
    %dma_wait3A_91 = arith.constant 0 : i32
    %dma_wait3A_92 = arith.constant 0 : i32
    %dma_wait3A_93 = tpu.memref_slice %arg2[%dma_wait3A_91, %dma_wait3A_92] : memref<10000x16xf32, #tpu.memory_space<hbm>> -> memref<10000x16xf32, #tpu.memory_space<hbm>>
    tpu.wait_indirect_dma semaphore(%arg14 : memref<!tpu.dma_semaphore, #tpu.memory_space<semaphore_mem>>) src(%dma_wait3A_93 : memref<10000x16xf32, #tpu.memory_space<hbm>>) dst(%arg8 : memref<1000x16xf32, #tpu.memory_space<vmem>>)
    %add3A_94 = arith.constant 3000 : i32
    %add3A_95 = arith.addi %sub3A_21, %add3A_94 : i32
    %mul3A_96 = arith.constant 16 : i32
    %mul3A_97 = arith.muli %select_n3A, %mul3A_96 : i32
    %dma_start3A_98 = tpu.memref_slice %arg4[%add3A_95, %mul3A_97] : memref<20000x128xf32, #tpu.memory_space<hbm>> -> memref<1000x16xf32, #tpu.memory_space<hbm>>
    %dma_start3A_99 = tpu.memref_slice %arg4[%add3A_95, %mul3A_97] : memref<20000x128xf32, #tpu.memory_space<hbm>> -> memref<1000x16xf32, #tpu.memory_space<hbm>>
    tpu.enqueue_dma source(%arg8 : memref<1000x16xf32, #tpu.memory_space<vmem>>) target(%dma_start3A_99 : memref<1000x16xf32, #tpu.memory_space<hbm>>) target_semaphore(%arg17 : memref<!tpu.dma_semaphore, #tpu.memory_space<semaphore_mem>>)
    %dma_wait3A_100 = tpu.memref_slice %arg3[%add3A_83] : memref<160000xi32, #tpu.memory_space<hbm>> -> memref<1000xi32, #tpu.memory_space<hbm>>
    %dma_wait3A_101 = tpu.memref_slice %arg3[%add3A_83] : memref<160000xi32, #tpu.memory_space<hbm>> -> memref<1000xi32, #tpu.memory_space<hbm>>
    tpu.wait_dma2 semaphore(%arg12 : memref<!tpu.dma_semaphore, #tpu.memory_space<semaphore_mem>>) src(%dma_wait3A_101 : memref<1000xi32, #tpu.memory_space<hbm>>) dst(%arg6 : memref<1000xi32, #tpu.memory_space<vmem>>)
    %dma_start3A_102 = arith.constant 0 : i32
    %dma_start3A_103 = arith.constant 0 : i32
    %dma_start3A_104 = tpu.memref_slice %arg2[%dma_start3A_102, %dma_start3A_103] : memref<10000x16xf32, #tpu.memory_space<hbm>> -> memref<10000x16xf32, #tpu.memory_space<hbm>>
    tpu.enqueue_indirect_dma source(%dma_start3A_104 : memref<10000x16xf32, #tpu.memory_space<hbm>>) target(%arg9 : memref<1000x16xf32, #tpu.memory_space<vmem>>) offsets(%arg6 : memref<1000xi32, #tpu.memory_space<vmem>>) semaphore(%arg15 : memref<!tpu.dma_semaphore, #tpu.memory_space<semaphore_mem>>)
    %dma_wait3A_105 = arith.constant 0 : i32
    %dma_wait3A_106 = arith.constant 0 : i32
    %dma_wait3A_107 = tpu.memref_slice %arg2[%dma_wait3A_105, %dma_wait3A_106] : memref<10000x16xf32, #tpu.memory_space<hbm>> -> memref<10000x16xf32, #tpu.memory_space<hbm>>
    tpu.wait_indirect_dma semaphore(%arg15 : memref<!tpu.dma_semaphore, #tpu.memory_space<semaphore_mem>>) src(%dma_wait3A_107 : memref<10000x16xf32, #tpu.memory_space<hbm>>) dst(%arg9 : memref<1000x16xf32, #tpu.memory_space<vmem>>)
    %add3A_108 = arith.constant 4000 : i32
    %add3A_109 = arith.addi %sub3A_21, %add3A_108 : i32
    %mul3A_110 = arith.constant 16 : i32
    %mul3A_111 = arith.muli %select_n3A, %mul3A_110 : i32
    %dma_start3A_112 = tpu.memref_slice %arg4[%add3A_109, %mul3A_111] : memref<20000x128xf32, #tpu.memory_space<hbm>> -> memref<1000x16xf32, #tpu.memory_space<hbm>>
    %dma_start3A_113 = tpu.memref_slice %arg4[%add3A_109, %mul3A_111] : memref<20000x128xf32, #tpu.memory_space<hbm>> -> memref<1000x16xf32, #tpu.memory_space<hbm>>
    tpu.enqueue_dma source(%arg9 : memref<1000x16xf32, #tpu.memory_space<vmem>>) target(%dma_start3A_113 : memref<1000x16xf32, #tpu.memory_space<hbm>>) target_semaphore(%arg18 : memref<!tpu.dma_semaphore, #tpu.memory_space<semaphore_mem>>)
    %dma_wait3A_114 = tpu.memref_slice %arg4[%add3A_95, %mul3A_97] : memref<20000x128xf32, #tpu.memory_space<hbm>> -> memref<1000x16xf32, #tpu.memory_space<hbm>>
    %dma_wait3A_115 = tpu.memref_slice %arg4[%add3A_95, %mul3A_97] : memref<20000x128xf32, #tpu.memory_space<hbm>> -> memref<1000x16xf32, #tpu.memory_space<hbm>>
    tpu.wait_dma2 semaphore(%arg17 : memref<!tpu.dma_semaphore, #tpu.memory_space<semaphore_mem>>) src(%arg8 : memref<1000x16xf32, #tpu.memory_space<vmem>>) dst(%dma_wait3A_115 : memref<1000x16xf32, #tpu.memory_space<hbm>>)
    %dma_wait3A_116 = tpu.memref_slice %arg4[%add3A_109, %mul3A_111] : memref<20000x128xf32, #tpu.memory_space<hbm>> -> memref<1000x16xf32, #tpu.memory_space<hbm>>
    %dma_wait3A_117 = tpu.memref_slice %arg4[%add3A_109, %mul3A_111] : memref<20000x128xf32, #tpu.memory_space<hbm>> -> memref<1000x16xf32, #tpu.memory_space<hbm>>
    tpu.wait_dma2 semaphore(%arg18 : memref<!tpu.dma_semaphore, #tpu.memory_space<semaphore_mem>>) src(%arg9 : memref<1000x16xf32, #tpu.memory_space<vmem>>) dst(%dma_wait3A_117 : memref<1000x16xf32, #tpu.memory_space<hbm>>)
    %dma_wait3A_118 = tpu.memref_slice %arg4[%add3A_75, %mul3A_77] : memref<20000x128xf32, #tpu.memory_space<hbm>> -> memref<1000x16xf32, #tpu.memory_space<hbm>>
    %dma_wait3A_119 = tpu.memref_slice %arg4[%add3A_75, %mul3A_77] : memref<20000x128xf32, #tpu.memory_space<hbm>> -> memref<1000x16xf32, #tpu.memory_space<hbm>>
    tpu.wait_dma2 semaphore(%arg19 : memref<!tpu.dma_semaphore, #tpu.memory_space<semaphore_mem>>) src(%arg10 : memref<1000x16xf32, #tpu.memory_space<vmem>>) dst(%dma_wait3A_119 : memref<1000x16xf32, #tpu.memory_space<hbm>>)
    return
  }
}

#map = affine_map<(d0, d1) -> (0, 0)>
#map1 = affine_map<(d0, d1) -> (0)>
#map2 = affine_map<(d0, d1) -> (0, 0, 0)>
module attributes {stable_mosaic.version = 14 : i64} {
  func.func @body(%arg0: i32, %arg1: i32, %arg2: memref<20000x128xf32, #tpu.memory_space<hbm>>, %arg3: memref<160000xi32, #tpu.memory_space<hbm>>, %arg4: memref<10000x16xf32, #tpu.memory_space<hbm>>, %arg5: memref<1000x16xf32, #tpu.memory_space<hbm>>, %arg6: memref<2x10000x16xf32, #tpu.memory_space<hbm>>, %arg7: memref<2x10000x16xf32, #tpu.memory_space<hbm>>, %arg8: memref<1000xi32, #tpu.memory_space<vmem>>, %arg9: memref<1000xi32, #tpu.memory_space<vmem>>, %arg10: memref<1000x16xf32, #tpu.memory_space<vmem>>, %arg11: memref<1000x16xf32, #tpu.memory_space<vmem>>, %arg12: memref<10000x16xf32, #tpu.memory_space<vmem_shared>>, %arg13: memref<!tpu.dma_semaphore, #tpu.memory_space<semaphore_mem>>, %arg14: memref<!tpu.dma_semaphore, #tpu.memory_space<semaphore_mem>>, %arg15: memref<!tpu.dma_semaphore, #tpu.memory_space<semaphore_mem>>, %arg16: memref<!tpu.dma_semaphore, #tpu.memory_space<semaphore_mem>>, %arg17: memref<!tpu.dma_semaphore, #tpu.memory_space<semaphore_mem>>, %arg18: memref<!tpu.dma_semaphore, #tpu.memory_space<semaphore_mem>>, %arg19: memref<1000x16xf32, #tpu.memory_space<vmem>>, %arg20: memref<10000x16xf32, #tpu.memory_space<vmem_shared>>, %arg21: memref<!tpu.dma_semaphore, #tpu.memory_space<semaphore_mem>>, %arg22: memref<!tpu.dma_semaphore, #tpu.memory_space<semaphore_mem>>) attributes {dimension_semantics = [#tpu.dimension_semantics<core_parallel>, #tpu.dimension_semantics<subcore_parallel>], iteration_bounds = array<i64: 2, 16>, scalar_prefetch = 0 : i64, scratch_operands = 15 : i64, tpu.core_type = #tpu.core_type<sc_vector_subcore>, window_params = [{transform_indices = #map}, {transform_indices = #map1}, {transform_indices = #map}, {transform_indices = #map}, {transform_indices = #map2}, {transform_indices = #map2}]} {
    %mul3A = arith.constant 2 : i32
    %mul3A_0 = arith.muli %arg1, %mul3A : i32
    %add3A = arith.addi %mul3A_0, %arg0 : i32
    %jit3A = arith.constant 4 : i32
    %div3A = arith.divsi %add3A, %jit3A : i32
    %sign3A = arith.constant 0 : i32
    %sign3A_1 = arith.cmpi sgt, %add3A, %sign3A : i32
    %sign3A_2 = arith.extui %sign3A_1 : i1 to i32
    %sign3A_3 = arith.constant 0 : i32
    %sign3A_4 = arith.cmpi slt, %add3A, %sign3A_3 : i32
    %sign3A_5 = arith.extui %sign3A_4 : i1 to i32
    %sign3A_6 = arith.subi %sign3A_2, %sign3A_5 : i32
    %sign3A_7 = arith.constant 0 : i32
    %sign3A_8 = arith.cmpi sgt, %jit3A, %sign3A_7 : i32
    %sign3A_9 = arith.extui %sign3A_8 : i1 to i32
    %sign3A_10 = arith.constant 0 : i32
    %sign3A_11 = arith.cmpi slt, %jit3A, %sign3A_10 : i32
    %sign3A_12 = arith.extui %sign3A_11 : i1 to i32
    %sign3A_13 = arith.subi %sign3A_9, %sign3A_12 : i32
    %ne3A = arith.cmpi ne, %sign3A_6, %sign3A_13 : i32
    %rem3A = arith.remsi %add3A, %jit3A : i32
    %ne3A_14 = arith.constant 0 : i32
    %ne3A_15 = arith.cmpi ne, %rem3A, %ne3A_14 : i32
    %and3A = arith.andi %ne3A, %ne3A_15 : i1
    %sub3A = arith.constant 1 : i32
    %sub3A_16 = arith.subi %div3A, %sub3A : i32
    %select_n3A = arith.select %and3A, %sub3A_16, %div3A : i32
    %mul3A_17 = arith.constant 5000 : i32
    %mul3A_18 = arith.muli %add3A, %mul3A_17 : i32
    %mul3A_19 = arith.constant 20000 : i32
    %mul3A_20 = arith.muli %select_n3A, %mul3A_19 : i32
    %sub3A_21 = arith.subi %mul3A_18, %mul3A_20 : i32
    %mul3A_22 = arith.constant 625 : i32
    %mul3A_23 = arith.muli %arg1, %mul3A_22 : i32
    "tpu.region"() ({
      %run_scoped3A = tpu.sem_alloc : memref<!tpu.dma_semaphore, #tpu.memory_space<semaphore_mem>>
      %dma_start3A_155 = arith.constant 0 : i32
      %dma_start3A_156 = tpu.memref_slice %arg12[%mul3A_23, %dma_start3A_155] : memref<10000x16xf32, #tpu.memory_space<vmem_shared>> -> memref<625x16xf32, #tpu.memory_space<vmem_shared>>
      %dma_start3A_157 = arith.constant 0 : i32
      %dma_start3A_158 = tpu.memref_slice %arg4[%mul3A_23, %dma_start3A_157] : memref<10000x16xf32, #tpu.memory_space<hbm>> -> memref<625x16xf32, #tpu.memory_space<hbm>>
      tpu.enqueue_dma source(%dma_start3A_158 : memref<625x16xf32, #tpu.memory_space<hbm>>) target(%dma_start3A_156 : memref<625x16xf32, #tpu.memory_space<vmem_shared>>) target_semaphore(%run_scoped3A : memref<!tpu.dma_semaphore, #tpu.memory_space<semaphore_mem>>)
      %dma_wait3A_159 = arith.constant 0 : i32
      %dma_wait3A_160 = tpu.memref_slice %arg12[%mul3A_23, %dma_wait3A_159] : memref<10000x16xf32, #tpu.memory_space<vmem_shared>> -> memref<625x16xf32, #tpu.memory_space<vmem_shared>>
      %dma_wait3A_161 = arith.constant 0 : i32
      %dma_wait3A_162 = tpu.memref_slice %arg4[%mul3A_23, %dma_wait3A_161] : memref<10000x16xf32, #tpu.memory_space<hbm>> -> memref<625x16xf32, #tpu.memory_space<hbm>>
      tpu.wait_dma2 semaphore(%run_scoped3A : memref<!tpu.dma_semaphore, #tpu.memory_space<semaphore_mem>>) src(%dma_wait3A_162 : memref<625x16xf32, #tpu.memory_space<hbm>>) dst(%dma_wait3A_160 : memref<625x16xf32, #tpu.memory_space<vmem_shared>>)
      tpu.yield
    }) : () -> ()
    "tpu.region"() ({
      %run_scoped3A = tpu.sem_alloc : memref<!tpu.dma_semaphore, #tpu.memory_space<semaphore_mem>>
      %dma_start3A_155 = arith.constant 0 : i32
      %dma_start3A_156 = tpu.memref_slice %arg20[%mul3A_23, %dma_start3A_155] : memref<10000x16xf32, #tpu.memory_space<vmem_shared>> -> memref<625x16xf32, #tpu.memory_space<vmem_shared>>
      %dma_start3A_157 = arith.constant 0 : i32
      %dma_start3A_158 = tpu.memref_slice %arg4[%mul3A_23, %dma_start3A_157] : memref<10000x16xf32, #tpu.memory_space<hbm>> -> memref<625x16xf32, #tpu.memory_space<hbm>>
      tpu.enqueue_dma source(%dma_start3A_158 : memref<625x16xf32, #tpu.memory_space<hbm>>) target(%dma_start3A_156 : memref<625x16xf32, #tpu.memory_space<vmem_shared>>) target_semaphore(%run_scoped3A : memref<!tpu.dma_semaphore, #tpu.memory_space<semaphore_mem>>)
      %dma_wait3A_159 = arith.constant 0 : i32
      %dma_wait3A_160 = tpu.memref_slice %arg20[%mul3A_23, %dma_wait3A_159] : memref<10000x16xf32, #tpu.memory_space<vmem_shared>> -> memref<625x16xf32, #tpu.memory_space<vmem_shared>>
      %dma_wait3A_161 = arith.constant 0 : i32
      %dma_wait3A_162 = tpu.memref_slice %arg4[%mul3A_23, %dma_wait3A_161] : memref<10000x16xf32, #tpu.memory_space<hbm>> -> memref<625x16xf32, #tpu.memory_space<hbm>>
      tpu.wait_dma2 semaphore(%run_scoped3A : memref<!tpu.dma_semaphore, #tpu.memory_space<semaphore_mem>>) src(%dma_wait3A_162 : memref<625x16xf32, #tpu.memory_space<hbm>>) dst(%dma_wait3A_160 : memref<625x16xf32, #tpu.memory_space<vmem_shared>>)
      tpu.yield
    }) : () -> ()
    "tpu.region"() ({
      %run_scoped3A = tpu.sem_alloc : memref<!tpu.dma_semaphore, #tpu.memory_space<semaphore_mem>>
      tpu.enqueue_dma source(%arg5 : memref<1000x16xf32, #tpu.memory_space<hbm>>) target(%arg19 : memref<1000x16xf32, #tpu.memory_space<vmem>>) target_semaphore(%run_scoped3A : memref<!tpu.dma_semaphore, #tpu.memory_space<semaphore_mem>>)
      tpu.wait_dma2 semaphore(%run_scoped3A : memref<!tpu.dma_semaphore, #tpu.memory_space<semaphore_mem>>) src(%arg5 : memref<1000x16xf32, #tpu.memory_space<hbm>>) dst(%arg19 : memref<1000x16xf32, #tpu.memory_space<vmem>>)
      tpu.yield
    }) : () -> ()
    %barrier3A = arith.constant 0 : index
    tpu.barrier barrier_id(%barrier3A)
    %mul3A_24 = arith.constant 5000 : i32
    %mul3A_25 = arith.muli %add3A, %mul3A_24 : i32
    %add3A_26 = arith.constant 0 : i32
    %add3A_27 = arith.addi %mul3A_25, %add3A_26 : i32
    %dma_start3A = tpu.memref_slice %arg3[%add3A_27] : memref<160000xi32, #tpu.memory_space<hbm>> -> memref<1000xi32, #tpu.memory_space<hbm>>
    %dma_start3A_28 = tpu.memref_slice %arg3[%add3A_27] : memref<160000xi32, #tpu.memory_space<hbm>> -> memref<1000xi32, #tpu.memory_space<hbm>>
    tpu.enqueue_dma source(%dma_start3A_28 : memref<1000xi32, #tpu.memory_space<hbm>>) target(%arg8 : memref<1000xi32, #tpu.memory_space<vmem>>) target_semaphore(%arg13 : memref<!tpu.dma_semaphore, #tpu.memory_space<semaphore_mem>>)
    %add3A_29 = arith.constant 0 : i32
    %add3A_30 = arith.addi %sub3A_21, %add3A_29 : i32
    %mul3A_31 = arith.constant 16 : i32
    %mul3A_32 = arith.muli %select_n3A, %mul3A_31 : i32
    %dma_start3A_33 = tpu.memref_slice %arg2[%add3A_30, %mul3A_32] : memref<20000x128xf32, #tpu.memory_space<hbm>> -> memref<1000x16xf32, #tpu.memory_space<hbm>>
    %dma_start3A_34 = tpu.memref_slice %arg2[%add3A_30, %mul3A_32] : memref<20000x128xf32, #tpu.memory_space<hbm>> -> memref<1000x16xf32, #tpu.memory_space<hbm>>
    tpu.enqueue_dma source(%dma_start3A_34 : memref<1000x16xf32, #tpu.memory_space<hbm>>) target(%arg10 : memref<1000x16xf32, #tpu.memory_space<vmem>>) target_semaphore(%arg15 : memref<!tpu.dma_semaphore, #tpu.memory_space<semaphore_mem>>)
    %add3A_35 = arith.constant 1000 : i32
    %add3A_36 = arith.addi %mul3A_25, %add3A_35 : i32
    %dma_start3A_37 = tpu.memref_slice %arg3[%add3A_36] : memref<160000xi32, #tpu.memory_space<hbm>> -> memref<1000xi32, #tpu.memory_space<hbm>>
    %dma_start3A_38 = tpu.memref_slice %arg3[%add3A_36] : memref<160000xi32, #tpu.memory_space<hbm>> -> memref<1000xi32, #tpu.memory_space<hbm>>
    tpu.enqueue_dma source(%dma_start3A_38 : memref<1000xi32, #tpu.memory_space<hbm>>) target(%arg9 : memref<1000xi32, #tpu.memory_space<vmem>>) target_semaphore(%arg14 : memref<!tpu.dma_semaphore, #tpu.memory_space<semaphore_mem>>)
    %add3A_39 = arith.constant 1000 : i32
    %add3A_40 = arith.addi %sub3A_21, %add3A_39 : i32
    %mul3A_41 = arith.constant 16 : i32
    %mul3A_42 = arith.muli %select_n3A, %mul3A_41 : i32
    %dma_start3A_43 = tpu.memref_slice %arg2[%add3A_40, %mul3A_42] : memref<20000x128xf32, #tpu.memory_space<hbm>> -> memref<1000x16xf32, #tpu.memory_space<hbm>>
    %dma_start3A_44 = tpu.memref_slice %arg2[%add3A_40, %mul3A_42] : memref<20000x128xf32, #tpu.memory_space<hbm>> -> memref<1000x16xf32, #tpu.memory_space<hbm>>
    tpu.enqueue_dma source(%dma_start3A_44 : memref<1000x16xf32, #tpu.memory_space<hbm>>) target(%arg11 : memref<1000x16xf32, #tpu.memory_space<vmem>>) target_semaphore(%arg16 : memref<!tpu.dma_semaphore, #tpu.memory_space<semaphore_mem>>)
    %dma_wait3A = tpu.memref_slice %arg3[%add3A_27] : memref<160000xi32, #tpu.memory_space<hbm>> -> memref<1000xi32, #tpu.memory_space<hbm>>
    %dma_wait3A_45 = tpu.memref_slice %arg3[%add3A_27] : memref<160000xi32, #tpu.memory_space<hbm>> -> memref<1000xi32, #tpu.memory_space<hbm>>
    tpu.wait_dma2 semaphore(%arg13 : memref<!tpu.dma_semaphore, #tpu.memory_space<semaphore_mem>>) src(%dma_wait3A_45 : memref<1000xi32, #tpu.memory_space<hbm>>) dst(%arg8 : memref<1000xi32, #tpu.memory_space<vmem>>)
    %dma_wait3A_46 = tpu.memref_slice %arg2[%add3A_30, %mul3A_32] : memref<20000x128xf32, #tpu.memory_space<hbm>> -> memref<1000x16xf32, #tpu.memory_space<hbm>>
    %dma_wait3A_47 = tpu.memref_slice %arg2[%add3A_30, %mul3A_32] : memref<20000x128xf32, #tpu.memory_space<hbm>> -> memref<1000x16xf32, #tpu.memory_space<hbm>>
    tpu.wait_dma2 semaphore(%arg15 : memref<!tpu.dma_semaphore, #tpu.memory_space<semaphore_mem>>) src(%dma_wait3A_47 : memref<1000x16xf32, #tpu.memory_space<hbm>>) dst(%arg10 : memref<1000x16xf32, #tpu.memory_space<vmem>>)
    %dma_start3A_48 = arith.constant 0 : i32
    %dma_start3A_49 = arith.constant 0 : i32
    %dma_start3A_50 = tpu.memref_slice %arg12[%dma_start3A_48, %dma_start3A_49] : memref<10000x16xf32, #tpu.memory_space<vmem_shared>> -> memref<10000x16xf32, #tpu.memory_space<vmem_shared>>
    tpu.enqueue_indirect_dma source(%arg10 : memref<1000x16xf32, #tpu.memory_space<vmem>>) target(%dma_start3A_50 : memref<10000x16xf32, #tpu.memory_space<vmem_shared>>) offsets(%arg8 : memref<1000xi32, #tpu.memory_space<vmem>>) semaphore(%arg17 : memref<!tpu.dma_semaphore, #tpu.memory_space<semaphore_mem>>) {add = true}
    %dma_start3A_51 = arith.constant 0 : i32
    %dma_start3A_52 = arith.constant 0 : i32
    %dma_start3A_53 = tpu.memref_slice %arg20[%dma_start3A_51, %dma_start3A_52] : memref<10000x16xf32, #tpu.memory_space<vmem_shared>> -> memref<10000x16xf32, #tpu.memory_space<vmem_shared>>
    tpu.enqueue_indirect_dma source(%arg19 : memref<1000x16xf32, #tpu.memory_space<vmem>>) target(%dma_start3A_53 : memref<10000x16xf32, #tpu.memory_space<vmem_shared>>) offsets(%arg8 : memref<1000xi32, #tpu.memory_space<vmem>>) semaphore(%arg21 : memref<!tpu.dma_semaphore, #tpu.memory_space<semaphore_mem>>) {add = true}
    %dma_wait3A_54 = arith.constant 0 : i32
    %dma_wait3A_55 = arith.constant 0 : i32
    %dma_wait3A_56 = tpu.memref_slice %arg12[%dma_wait3A_54, %dma_wait3A_55] : memref<10000x16xf32, #tpu.memory_space<vmem_shared>> -> memref<10000x16xf32, #tpu.memory_space<vmem_shared>>
    tpu.wait_indirect_dma semaphore(%arg17 : memref<!tpu.dma_semaphore, #tpu.memory_space<semaphore_mem>>) src(%arg10 : memref<1000x16xf32, #tpu.memory_space<vmem>>) dst(%dma_wait3A_56 : memref<10000x16xf32, #tpu.memory_space<vmem_shared>>)
    %dma_wait3A_57 = arith.constant 0 : i32
    %dma_wait3A_58 = arith.constant 0 : i32
    %dma_wait3A_59 = tpu.memref_slice %arg20[%dma_wait3A_57, %dma_wait3A_58] : memref<10000x16xf32, #tpu.memory_space<vmem_shared>> -> memref<10000x16xf32, #tpu.memory_space<vmem_shared>>
    tpu.wait_indirect_dma semaphore(%arg21 : memref<!tpu.dma_semaphore, #tpu.memory_space<semaphore_mem>>) src(%arg19 : memref<1000x16xf32, #tpu.memory_space<vmem>>) dst(%dma_wait3A_59 : memref<10000x16xf32, #tpu.memory_space<vmem_shared>>)
    %add3A_60 = arith.constant 2000 : i32
    %add3A_61 = arith.addi %mul3A_25, %add3A_60 : i32
    %dma_start3A_62 = tpu.memref_slice %arg3[%add3A_61] : memref<160000xi32, #tpu.memory_space<hbm>> -> memref<1000xi32, #tpu.memory_space<hbm>>
    %dma_start3A_63 = tpu.memref_slice %arg3[%add3A_61] : memref<160000xi32, #tpu.memory_space<hbm>> -> memref<1000xi32, #tpu.memory_space<hbm>>
    tpu.enqueue_dma source(%dma_start3A_63 : memref<1000xi32, #tpu.memory_space<hbm>>) target(%arg8 : memref<1000xi32, #tpu.memory_space<vmem>>) target_semaphore(%arg13 : memref<!tpu.dma_semaphore, #tpu.memory_space<semaphore_mem>>)
    %add3A_64 = arith.constant 2000 : i32
    %add3A_65 = arith.addi %sub3A_21, %add3A_64 : i32
    %mul3A_66 = arith.constant 16 : i32
    %mul3A_67 = arith.muli %select_n3A, %mul3A_66 : i32
    %dma_start3A_68 = tpu.memref_slice %arg2[%add3A_65, %mul3A_67] : memref<20000x128xf32, #tpu.memory_space<hbm>> -> memref<1000x16xf32, #tpu.memory_space<hbm>>
    %dma_start3A_69 = tpu.memref_slice %arg2[%add3A_65, %mul3A_67] : memref<20000x128xf32, #tpu.memory_space<hbm>> -> memref<1000x16xf32, #tpu.memory_space<hbm>>
    tpu.enqueue_dma source(%dma_start3A_69 : memref<1000x16xf32, #tpu.memory_space<hbm>>) target(%arg10 : memref<1000x16xf32, #tpu.memory_space<vmem>>) target_semaphore(%arg15 : memref<!tpu.dma_semaphore, #tpu.memory_space<semaphore_mem>>)
    %dma_wait3A_70 = tpu.memref_slice %arg3[%add3A_36] : memref<160000xi32, #tpu.memory_space<hbm>> -> memref<1000xi32, #tpu.memory_space<hbm>>
    %dma_wait3A_71 = tpu.memref_slice %arg3[%add3A_36] : memref<160000xi32, #tpu.memory_space<hbm>> -> memref<1000xi32, #tpu.memory_space<hbm>>
    tpu.wait_dma2 semaphore(%arg14 : memref<!tpu.dma_semaphore, #tpu.memory_space<semaphore_mem>>) src(%dma_wait3A_71 : memref<1000xi32, #tpu.memory_space<hbm>>) dst(%arg9 : memref<1000xi32, #tpu.memory_space<vmem>>)
    %dma_wait3A_72 = tpu.memref_slice %arg2[%add3A_40, %mul3A_42] : memref<20000x128xf32, #tpu.memory_space<hbm>> -> memref<1000x16xf32, #tpu.memory_space<hbm>>
    %dma_wait3A_73 = tpu.memref_slice %arg2[%add3A_40, %mul3A_42] : memref<20000x128xf32, #tpu.memory_space<hbm>> -> memref<1000x16xf32, #tpu.memory_space<hbm>>
    tpu.wait_dma2 semaphore(%arg16 : memref<!tpu.dma_semaphore, #tpu.memory_space<semaphore_mem>>) src(%dma_wait3A_73 : memref<1000x16xf32, #tpu.memory_space<hbm>>) dst(%arg11 : memref<1000x16xf32, #tpu.memory_space<vmem>>)
    %dma_start3A_74 = arith.constant 0 : i32
    %dma_start3A_75 = arith.constant 0 : i32
    %dma_start3A_76 = tpu.memref_slice %arg12[%dma_start3A_74, %dma_start3A_75] : memref<10000x16xf32, #tpu.memory_space<vmem_shared>> -> memref<10000x16xf32, #tpu.memory_space<vmem_shared>>
    tpu.enqueue_indirect_dma source(%arg11 : memref<1000x16xf32, #tpu.memory_space<vmem>>) target(%dma_start3A_76 : memref<10000x16xf32, #tpu.memory_space<vmem_shared>>) offsets(%arg9 : memref<1000xi32, #tpu.memory_space<vmem>>) semaphore(%arg18 : memref<!tpu.dma_semaphore, #tpu.memory_space<semaphore_mem>>) {add = true}
    %dma_start3A_77 = arith.constant 0 : i32
    %dma_start3A_78 = arith.constant 0 : i32
    %dma_start3A_79 = tpu.memref_slice %arg20[%dma_start3A_77, %dma_start3A_78] : memref<10000x16xf32, #tpu.memory_space<vmem_shared>> -> memref<10000x16xf32, #tpu.memory_space<vmem_shared>>
    tpu.enqueue_indirect_dma source(%arg19 : memref<1000x16xf32, #tpu.memory_space<vmem>>) target(%dma_start3A_79 : memref<10000x16xf32, #tpu.memory_space<vmem_shared>>) offsets(%arg9 : memref<1000xi32, #tpu.memory_space<vmem>>) semaphore(%arg22 : memref<!tpu.dma_semaphore, #tpu.memory_space<semaphore_mem>>) {add = true}
    %dma_wait3A_80 = arith.constant 0 : i32
    %dma_wait3A_81 = arith.constant 0 : i32
    %dma_wait3A_82 = tpu.memref_slice %arg12[%dma_wait3A_80, %dma_wait3A_81] : memref<10000x16xf32, #tpu.memory_space<vmem_shared>> -> memref<10000x16xf32, #tpu.memory_space<vmem_shared>>
    tpu.wait_indirect_dma semaphore(%arg18 : memref<!tpu.dma_semaphore, #tpu.memory_space<semaphore_mem>>) src(%arg11 : memref<1000x16xf32, #tpu.memory_space<vmem>>) dst(%dma_wait3A_82 : memref<10000x16xf32, #tpu.memory_space<vmem_shared>>)
    %dma_wait3A_83 = arith.constant 0 : i32
    %dma_wait3A_84 = arith.constant 0 : i32
    %dma_wait3A_85 = tpu.memref_slice %arg20[%dma_wait3A_83, %dma_wait3A_84] : memref<10000x16xf32, #tpu.memory_space<vmem_shared>> -> memref<10000x16xf32, #tpu.memory_space<vmem_shared>>
    tpu.wait_indirect_dma semaphore(%arg22 : memref<!tpu.dma_semaphore, #tpu.memory_space<semaphore_mem>>) src(%arg19 : memref<1000x16xf32, #tpu.memory_space<vmem>>) dst(%dma_wait3A_85 : memref<10000x16xf32, #tpu.memory_space<vmem_shared>>)
    %add3A_86 = arith.constant 3000 : i32
    %add3A_87 = arith.addi %mul3A_25, %add3A_86 : i32
    %dma_start3A_88 = tpu.memref_slice %arg3[%add3A_87] : memref<160000xi32, #tpu.memory_space<hbm>> -> memref<1000xi32, #tpu.memory_space<hbm>>
    %dma_start3A_89 = tpu.memref_slice %arg3[%add3A_87] : memref<160000xi32, #tpu.memory_space<hbm>> -> memref<1000xi32, #tpu.memory_space<hbm>>
    tpu.enqueue_dma source(%dma_start3A_89 : memref<1000xi32, #tpu.memory_space<hbm>>) target(%arg9 : memref<1000xi32, #tpu.memory_space<vmem>>) target_semaphore(%arg14 : memref<!tpu.dma_semaphore, #tpu.memory_space<semaphore_mem>>)
    %add3A_90 = arith.constant 3000 : i32
    %add3A_91 = arith.addi %sub3A_21, %add3A_90 : i32
    %mul3A_92 = arith.constant 16 : i32
    %mul3A_93 = arith.muli %select_n3A, %mul3A_92 : i32
    %dma_start3A_94 = tpu.memref_slice %arg2[%add3A_91, %mul3A_93] : memref<20000x128xf32, #tpu.memory_space<hbm>> -> memref<1000x16xf32, #tpu.memory_space<hbm>>
    %dma_start3A_95 = tpu.memref_slice %arg2[%add3A_91, %mul3A_93] : memref<20000x128xf32, #tpu.memory_space<hbm>> -> memref<1000x16xf32, #tpu.memory_space<hbm>>
    tpu.enqueue_dma source(%dma_start3A_95 : memref<1000x16xf32, #tpu.memory_space<hbm>>) target(%arg11 : memref<1000x16xf32, #tpu.memory_space<vmem>>) target_semaphore(%arg16 : memref<!tpu.dma_semaphore, #tpu.memory_space<semaphore_mem>>)
    %dma_wait3A_96 = tpu.memref_slice %arg3[%add3A_61] : memref<160000xi32, #tpu.memory_space<hbm>> -> memref<1000xi32, #tpu.memory_space<hbm>>
    %dma_wait3A_97 = tpu.memref_slice %arg3[%add3A_61] : memref<160000xi32, #tpu.memory_space<hbm>> -> memref<1000xi32, #tpu.memory_space<hbm>>
    tpu.wait_dma2 semaphore(%arg13 : memref<!tpu.dma_semaphore, #tpu.memory_space<semaphore_mem>>) src(%dma_wait3A_97 : memref<1000xi32, #tpu.memory_space<hbm>>) dst(%arg8 : memref<1000xi32, #tpu.memory_space<vmem>>)
    %dma_wait3A_98 = tpu.memref_slice %arg2[%add3A_65, %mul3A_67] : memref<20000x128xf32, #tpu.memory_space<hbm>> -> memref<1000x16xf32, #tpu.memory_space<hbm>>
    %dma_wait3A_99 = tpu.memref_slice %arg2[%add3A_65, %mul3A_67] : memref<20000x128xf32, #tpu.memory_space<hbm>> -> memref<1000x16xf32, #tpu.memory_space<hbm>>
    tpu.wait_dma2 semaphore(%arg15 : memref<!tpu.dma_semaphore, #tpu.memory_space<semaphore_mem>>) src(%dma_wait3A_99 : memref<1000x16xf32, #tpu.memory_space<hbm>>) dst(%arg10 : memref<1000x16xf32, #tpu.memory_space<vmem>>)
    %dma_start3A_100 = arith.constant 0 : i32
    %dma_start3A_101 = arith.constant 0 : i32
    %dma_start3A_102 = tpu.memref_slice %arg12[%dma_start3A_100, %dma_start3A_101] : memref<10000x16xf32, #tpu.memory_space<vmem_shared>> -> memref<10000x16xf32, #tpu.memory_space<vmem_shared>>
    tpu.enqueue_indirect_dma source(%arg10 : memref<1000x16xf32, #tpu.memory_space<vmem>>) target(%dma_start3A_102 : memref<10000x16xf32, #tpu.memory_space<vmem_shared>>) offsets(%arg8 : memref<1000xi32, #tpu.memory_space<vmem>>) semaphore(%arg17 : memref<!tpu.dma_semaphore, #tpu.memory_space<semaphore_mem>>) {add = true}
    %dma_start3A_103 = arith.constant 0 : i32
    %dma_start3A_104 = arith.constant 0 : i32
    %dma_start3A_105 = tpu.memref_slice %arg20[%dma_start3A_103, %dma_start3A_104] : memref<10000x16xf32, #tpu.memory_space<vmem_shared>> -> memref<10000x16xf32, #tpu.memory_space<vmem_shared>>
    tpu.enqueue_indirect_dma source(%arg19 : memref<1000x16xf32, #tpu.memory_space<vmem>>) target(%dma_start3A_105 : memref<10000x16xf32, #tpu.memory_space<vmem_shared>>) offsets(%arg8 : memref<1000xi32, #tpu.memory_space<vmem>>) semaphore(%arg21 : memref<!tpu.dma_semaphore, #tpu.memory_space<semaphore_mem>>) {add = true}
    %dma_wait3A_106 = arith.constant 0 : i32
    %dma_wait3A_107 = arith.constant 0 : i32
    %dma_wait3A_108 = tpu.memref_slice %arg12[%dma_wait3A_106, %dma_wait3A_107] : memref<10000x16xf32, #tpu.memory_space<vmem_shared>> -> memref<10000x16xf32, #tpu.memory_space<vmem_shared>>
    tpu.wait_indirect_dma semaphore(%arg17 : memref<!tpu.dma_semaphore, #tpu.memory_space<semaphore_mem>>) src(%arg10 : memref<1000x16xf32, #tpu.memory_space<vmem>>) dst(%dma_wait3A_108 : memref<10000x16xf32, #tpu.memory_space<vmem_shared>>)
    %dma_wait3A_109 = arith.constant 0 : i32
    %dma_wait3A_110 = arith.constant 0 : i32
    %dma_wait3A_111 = tpu.memref_slice %arg20[%dma_wait3A_109, %dma_wait3A_110] : memref<10000x16xf32, #tpu.memory_space<vmem_shared>> -> memref<10000x16xf32, #tpu.memory_space<vmem_shared>>
    tpu.wait_indirect_dma semaphore(%arg21 : memref<!tpu.dma_semaphore, #tpu.memory_space<semaphore_mem>>) src(%arg19 : memref<1000x16xf32, #tpu.memory_space<vmem>>) dst(%dma_wait3A_111 : memref<10000x16xf32, #tpu.memory_space<vmem_shared>>)
    %add3A_112 = arith.constant 4000 : i32
    %add3A_113 = arith.addi %mul3A_25, %add3A_112 : i32
    %dma_start3A_114 = tpu.memref_slice %arg3[%add3A_113] : memref<160000xi32, #tpu.memory_space<hbm>> -> memref<1000xi32, #tpu.memory_space<hbm>>
    %dma_start3A_115 = tpu.memref_slice %arg3[%add3A_113] : memref<160000xi32, #tpu.memory_space<hbm>> -> memref<1000xi32, #tpu.memory_space<hbm>>
    tpu.enqueue_dma source(%dma_start3A_115 : memref<1000xi32, #tpu.memory_space<hbm>>) target(%arg8 : memref<1000xi32, #tpu.memory_space<vmem>>) target_semaphore(%arg13 : memref<!tpu.dma_semaphore, #tpu.memory_space<semaphore_mem>>)
    %add3A_116 = arith.constant 4000 : i32
    %add3A_117 = arith.addi %sub3A_21, %add3A_116 : i32
    %mul3A_118 = arith.constant 16 : i32
    %mul3A_119 = arith.muli %select_n3A, %mul3A_118 : i32
    %dma_start3A_120 = tpu.memref_slice %arg2[%add3A_117, %mul3A_119] : memref<20000x128xf32, #tpu.memory_space<hbm>> -> memref<1000x16xf32, #tpu.memory_space<hbm>>
    %dma_start3A_121 = tpu.memref_slice %arg2[%add3A_117, %mul3A_119] : memref<20000x128xf32, #tpu.memory_space<hbm>> -> memref<1000x16xf32, #tpu.memory_space<hbm>>
    tpu.enqueue_dma source(%dma_start3A_121 : memref<1000x16xf32, #tpu.memory_space<hbm>>) target(%arg10 : memref<1000x16xf32, #tpu.memory_space<vmem>>) target_semaphore(%arg15 : memref<!tpu.dma_semaphore, #tpu.memory_space<semaphore_mem>>)
    %dma_wait3A_122 = tpu.memref_slice %arg3[%add3A_87] : memref<160000xi32, #tpu.memory_space<hbm>> -> memref<1000xi32, #tpu.memory_space<hbm>>
    %dma_wait3A_123 = tpu.memref_slice %arg3[%add3A_87] : memref<160000xi32, #tpu.memory_space<hbm>> -> memref<1000xi32, #tpu.memory_space<hbm>>
    tpu.wait_dma2 semaphore(%arg14 : memref<!tpu.dma_semaphore, #tpu.memory_space<semaphore_mem>>) src(%dma_wait3A_123 : memref<1000xi32, #tpu.memory_space<hbm>>) dst(%arg9 : memref<1000xi32, #tpu.memory_space<vmem>>)
    %dma_wait3A_124 = tpu.memref_slice %arg2[%add3A_91, %mul3A_93] : memref<20000x128xf32, #tpu.memory_space<hbm>> -> memref<1000x16xf32, #tpu.memory_space<hbm>>
    %dma_wait3A_125 = tpu.memref_slice %arg2[%add3A_91, %mul3A_93] : memref<20000x128xf32, #tpu.memory_space<hbm>> -> memref<1000x16xf32, #tpu.memory_space<hbm>>
    tpu.wait_dma2 semaphore(%arg16 : memref<!tpu.dma_semaphore, #tpu.memory_space<semaphore_mem>>) src(%dma_wait3A_125 : memref<1000x16xf32, #tpu.memory_space<hbm>>) dst(%arg11 : memref<1000x16xf32, #tpu.memory_space<vmem>>)
    %dma_start3A_126 = arith.constant 0 : i32
    %dma_start3A_127 = arith.constant 0 : i32
    %dma_start3A_128 = tpu.memref_slice %arg12[%dma_start3A_126, %dma_start3A_127] : memref<10000x16xf32, #tpu.memory_space<vmem_shared>> -> memref<10000x16xf32, #tpu.memory_space<vmem_shared>>
    tpu.enqueue_indirect_dma source(%arg11 : memref<1000x16xf32, #tpu.memory_space<vmem>>) target(%dma_start3A_128 : memref<10000x16xf32, #tpu.memory_space<vmem_shared>>) offsets(%arg9 : memref<1000xi32, #tpu.memory_space<vmem>>) semaphore(%arg18 : memref<!tpu.dma_semaphore, #tpu.memory_space<semaphore_mem>>) {add = true}
    %dma_start3A_129 = arith.constant 0 : i32
    %dma_start3A_130 = arith.constant 0 : i32
    %dma_start3A_131 = tpu.memref_slice %arg20[%dma_start3A_129, %dma_start3A_130] : memref<10000x16xf32, #tpu.memory_space<vmem_shared>> -> memref<10000x16xf32, #tpu.memory_space<vmem_shared>>
    tpu.enqueue_indirect_dma source(%arg19 : memref<1000x16xf32, #tpu.memory_space<vmem>>) target(%dma_start3A_131 : memref<10000x16xf32, #tpu.memory_space<vmem_shared>>) offsets(%arg9 : memref<1000xi32, #tpu.memory_space<vmem>>) semaphore(%arg22 : memref<!tpu.dma_semaphore, #tpu.memory_space<semaphore_mem>>) {add = true}
    %dma_wait3A_132 = tpu.memref_slice %arg3[%add3A_113] : memref<160000xi32, #tpu.memory_space<hbm>> -> memref<1000xi32, #tpu.memory_space<hbm>>
    %dma_wait3A_133 = tpu.memref_slice %arg3[%add3A_113] : memref<160000xi32, #tpu.memory_space<hbm>> -> memref<1000xi32, #tpu.memory_space<hbm>>
    tpu.wait_dma2 semaphore(%arg13 : memref<!tpu.dma_semaphore, #tpu.memory_space<semaphore_mem>>) src(%dma_wait3A_133 : memref<1000xi32, #tpu.memory_space<hbm>>) dst(%arg8 : memref<1000xi32, #tpu.memory_space<vmem>>)
    %dma_wait3A_134 = tpu.memref_slice %arg2[%add3A_117, %mul3A_119] : memref<20000x128xf32, #tpu.memory_space<hbm>> -> memref<1000x16xf32, #tpu.memory_space<hbm>>
    %dma_wait3A_135 = tpu.memref_slice %arg2[%add3A_117, %mul3A_119] : memref<20000x128xf32, #tpu.memory_space<hbm>> -> memref<1000x16xf32, #tpu.memory_space<hbm>>
    tpu.wait_dma2 semaphore(%arg15 : memref<!tpu.dma_semaphore, #tpu.memory_space<semaphore_mem>>) src(%dma_wait3A_135 : memref<1000x16xf32, #tpu.memory_space<hbm>>) dst(%arg10 : memref<1000x16xf32, #tpu.memory_space<vmem>>)
    %dma_start3A_136 = arith.constant 0 : i32
    %dma_start3A_137 = arith.constant 0 : i32
    %dma_start3A_138 = tpu.memref_slice %arg12[%dma_start3A_136, %dma_start3A_137] : memref<10000x16xf32, #tpu.memory_space<vmem_shared>> -> memref<10000x16xf32, #tpu.memory_space<vmem_shared>>
    tpu.enqueue_indirect_dma source(%arg10 : memref<1000x16xf32, #tpu.memory_space<vmem>>) target(%dma_start3A_138 : memref<10000x16xf32, #tpu.memory_space<vmem_shared>>) offsets(%arg8 : memref<1000xi32, #tpu.memory_space<vmem>>) semaphore(%arg17 : memref<!tpu.dma_semaphore, #tpu.memory_space<semaphore_mem>>) {add = true}
    %dma_start3A_139 = arith.constant 0 : i32
    %dma_start3A_140 = arith.constant 0 : i32
    %dma_start3A_141 = tpu.memref_slice %arg20[%dma_start3A_139, %dma_start3A_140] : memref<10000x16xf32, #tpu.memory_space<vmem_shared>> -> memref<10000x16xf32, #tpu.memory_space<vmem_shared>>
    tpu.enqueue_indirect_dma source(%arg19 : memref<1000x16xf32, #tpu.memory_space<vmem>>) target(%dma_start3A_141 : memref<10000x16xf32, #tpu.memory_space<vmem_shared>>) offsets(%arg8 : memref<1000xi32, #tpu.memory_space<vmem>>) semaphore(%arg21 : memref<!tpu.dma_semaphore, #tpu.memory_space<semaphore_mem>>) {add = true}
    %dma_wait3A_142 = arith.constant 0 : i32
    %dma_wait3A_143 = arith.constant 0 : i32
    %dma_wait3A_144 = tpu.memref_slice %arg12[%dma_wait3A_142, %dma_wait3A_143] : memref<10000x16xf32, #tpu.memory_space<vmem_shared>> -> memref<10000x16xf32, #tpu.memory_space<vmem_shared>>
    tpu.wait_indirect_dma semaphore(%arg17 : memref<!tpu.dma_semaphore, #tpu.memory_space<semaphore_mem>>) src(%arg10 : memref<1000x16xf32, #tpu.memory_space<vmem>>) dst(%dma_wait3A_144 : memref<10000x16xf32, #tpu.memory_space<vmem_shared>>)
    %dma_wait3A_145 = arith.constant 0 : i32
    %dma_wait3A_146 = arith.constant 0 : i32
    %dma_wait3A_147 = tpu.memref_slice %arg20[%dma_wait3A_145, %dma_wait3A_146] : memref<10000x16xf32, #tpu.memory_space<vmem_shared>> -> memref<10000x16xf32, #tpu.memory_space<vmem_shared>>
    tpu.wait_indirect_dma semaphore(%arg21 : memref<!tpu.dma_semaphore, #tpu.memory_space<semaphore_mem>>) src(%arg19 : memref<1000x16xf32, #tpu.memory_space<vmem>>) dst(%dma_wait3A_147 : memref<10000x16xf32, #tpu.memory_space<vmem_shared>>)
    %dma_wait3A_148 = arith.constant 0 : i32
    %dma_wait3A_149 = arith.constant 0 : i32
    %dma_wait3A_150 = tpu.memref_slice %arg12[%dma_wait3A_148, %dma_wait3A_149] : memref<10000x16xf32, #tpu.memory_space<vmem_shared>> -> memref<10000x16xf32, #tpu.memory_space<vmem_shared>>
    tpu.wait_indirect_dma semaphore(%arg18 : memref<!tpu.dma_semaphore, #tpu.memory_space<semaphore_mem>>) src(%arg11 : memref<1000x16xf32, #tpu.memory_space<vmem>>) dst(%dma_wait3A_150 : memref<10000x16xf32, #tpu.memory_space<vmem_shared>>)
    %dma_wait3A_151 = arith.constant 0 : i32
    %dma_wait3A_152 = arith.constant 0 : i32
    %dma_wait3A_153 = tpu.memref_slice %arg20[%dma_wait3A_151, %dma_wait3A_152] : memref<10000x16xf32, #tpu.memory_space<vmem_shared>> -> memref<10000x16xf32, #tpu.memory_space<vmem_shared>>
    tpu.wait_indirect_dma semaphore(%arg22 : memref<!tpu.dma_semaphore, #tpu.memory_space<semaphore_mem>>) src(%arg19 : memref<1000x16xf32, #tpu.memory_space<vmem>>) dst(%dma_wait3A_153 : memref<10000x16xf32, #tpu.memory_space<vmem_shared>>)
    %barrier3A_154 = arith.constant 0 : index
    tpu.barrier barrier_id(%barrier3A_154)
    "tpu.region"() ({
      %run_scoped3A = tpu.sem_alloc : memref<!tpu.dma_semaphore, #tpu.memory_space<semaphore_mem>>
      %dma_start3A_155 = arith.constant 0 : i32
      %dma_start3A_156 = tpu.memref_slice %arg6[%arg0, %mul3A_23, %dma_start3A_155] : memref<2x10000x16xf32, #tpu.memory_space<hbm>> -> memref<1x625x16xf32, #tpu.memory_space<hbm>>
      %dma_start3A_157 = tpu.memref_squeeze %dma_start3A_156 : memref<1x625x16xf32, #tpu.memory_space<hbm>> -> memref<625x16xf32, #tpu.memory_space<hbm>>
      %dma_start3A_158 = arith.constant 0 : i32
      %dma_start3A_159 = tpu.memref_slice %arg12[%mul3A_23, %dma_start3A_158] : memref<10000x16xf32, #tpu.memory_space<vmem_shared>> -> memref<625x16xf32, #tpu.memory_space<vmem_shared>>
      tpu.enqueue_dma source(%dma_start3A_159 : memref<625x16xf32, #tpu.memory_space<vmem_shared>>) target(%dma_start3A_157 : memref<625x16xf32, #tpu.memory_space<hbm>>) target_semaphore(%run_scoped3A : memref<!tpu.dma_semaphore, #tpu.memory_space<semaphore_mem>>)
      %dma_wait3A_160 = arith.constant 0 : i32
      %dma_wait3A_161 = tpu.memref_slice %arg6[%arg0, %mul3A_23, %dma_wait3A_160] : memref<2x10000x16xf32, #tpu.memory_space<hbm>> -> memref<1x625x16xf32, #tpu.memory_space<hbm>>
      %dma_wait3A_162 = tpu.memref_squeeze %dma_wait3A_161 : memref<1x625x16xf32, #tpu.memory_space<hbm>> -> memref<625x16xf32, #tpu.memory_space<hbm>>
      %dma_wait3A_163 = arith.constant 0 : i32
      %dma_wait3A_164 = tpu.memref_slice %arg12[%mul3A_23, %dma_wait3A_163] : memref<10000x16xf32, #tpu.memory_space<vmem_shared>> -> memref<625x16xf32, #tpu.memory_space<vmem_shared>>
      tpu.wait_dma2 semaphore(%run_scoped3A : memref<!tpu.dma_semaphore, #tpu.memory_space<semaphore_mem>>) src(%dma_wait3A_164 : memref<625x16xf32, #tpu.memory_space<vmem_shared>>) dst(%dma_wait3A_162 : memref<625x16xf32, #tpu.memory_space<hbm>>)
      tpu.yield
    }) : () -> ()
    "tpu.region"() ({
      %run_scoped3A = tpu.sem_alloc : memref<!tpu.dma_semaphore, #tpu.memory_space<semaphore_mem>>
      %dma_start3A_155 = arith.constant 0 : i32
      %dma_start3A_156 = tpu.memref_slice %arg7[%arg0, %mul3A_23, %dma_start3A_155] : memref<2x10000x16xf32, #tpu.memory_space<hbm>> -> memref<1x625x16xf32, #tpu.memory_space<hbm>>
      %dma_start3A_157 = tpu.memref_squeeze %dma_start3A_156 : memref<1x625x16xf32, #tpu.memory_space<hbm>> -> memref<625x16xf32, #tpu.memory_space<hbm>>
      %dma_start3A_158 = arith.constant 0 : i32
      %dma_start3A_159 = tpu.memref_slice %arg20[%mul3A_23, %dma_start3A_158] : memref<10000x16xf32, #tpu.memory_space<vmem_shared>> -> memref<625x16xf32, #tpu.memory_space<vmem_shared>>
      tpu.enqueue_dma source(%dma_start3A_159 : memref<625x16xf32, #tpu.memory_space<vmem_shared>>) target(%dma_start3A_157 : memref<625x16xf32, #tpu.memory_space<hbm>>) target_semaphore(%run_scoped3A : memref<!tpu.dma_semaphore, #tpu.memory_space<semaphore_mem>>)
      %dma_wait3A_160 = arith.constant 0 : i32
      %dma_wait3A_161 = tpu.memref_slice %arg7[%arg0, %mul3A_23, %dma_wait3A_160] : memref<2x10000x16xf32, #tpu.memory_space<hbm>> -> memref<1x625x16xf32, #tpu.memory_space<hbm>>
      %dma_wait3A_162 = tpu.memref_squeeze %dma_wait3A_161 : memref<1x625x16xf32, #tpu.memory_space<hbm>> -> memref<625x16xf32, #tpu.memory_space<hbm>>
      %dma_wait3A_163 = arith.constant 0 : i32
      %dma_wait3A_164 = tpu.memref_slice %arg20[%mul3A_23, %dma_wait3A_163] : memref<10000x16xf32, #tpu.memory_space<vmem_shared>> -> memref<625x16xf32, #tpu.memory_space<vmem_shared>>
      tpu.wait_dma2 semaphore(%run_scoped3A : memref<!tpu.dma_semaphore, #tpu.memory_space<semaphore_mem>>) src(%dma_wait3A_164 : memref<625x16xf32, #tpu.memory_space<vmem_shared>>) dst(%dma_wait3A_162 : memref<625x16xf32, #tpu.memory_space<hbm>>)
      tpu.yield
    }) : () -> ()
    return
  }
}

#map = affine_map<(d0, d1) -> (0, 0)>
#map1 = affine_map<(d0, d1) -> (0)>
module attributes {stable_mosaic.version = 14 : i64} {
  func.func @k(%arg0: i32, %arg1: i32, %arg2: memref<10000x16xf32, #tpu.memory_space<hbm>>, %arg3: memref<160000xi32, #tpu.memory_space<hbm>>, %arg4: memref<20000x128xf32, #tpu.memory_space<hbm>>, %arg5: memref<1000xi32, #tpu.memory_space<vmem>>, %arg6: memref<1000xi32, #tpu.memory_space<vmem>>, %arg7: memref<1000xi32, #tpu.memory_space<vmem>>, %arg8: memref<1000x16xf32, #tpu.memory_space<vmem>>, %arg9: memref<1000x16xf32, #tpu.memory_space<vmem>>, %arg10: memref<1000x16xf32, #tpu.memory_space<vmem>>, %arg11: memref<!tpu.dma_semaphore, #tpu.memory_space<semaphore_mem>>, %arg12: memref<!tpu.dma_semaphore, #tpu.memory_space<semaphore_mem>>, %arg13: memref<!tpu.dma_semaphore, #tpu.memory_space<semaphore_mem>>, %arg14: memref<!tpu.dma_semaphore, #tpu.memory_space<semaphore_mem>>, %arg15: memref<!tpu.dma_semaphore, #tpu.memory_space<semaphore_mem>>, %arg16: memref<!tpu.dma_semaphore, #tpu.memory_space<semaphore_mem>>, %arg17: memref<!tpu.dma_semaphore, #tpu.memory_space<semaphore_mem>>, %arg18: memref<!tpu.dma_semaphore, #tpu.memory_space<semaphore_mem>>, %arg19: memref<!tpu.dma_semaphore, #tpu.memory_space<semaphore_mem>>) attributes {dimension_semantics = [#tpu.dimension_semantics<core_parallel>, #tpu.dimension_semantics<subcore_parallel>], iteration_bounds = array<i64: 2, 16>, scalar_prefetch = 0 : i64, scratch_operands = 15 : i64, tpu.core_type = #tpu.core_type<sc_vector_subcore>, window_params = [{transform_indices = #map}, {transform_indices = #map1}, {transform_indices = #map}]} {
    %mul3A = arith.constant 2 : i32
    %mul3A_0 = arith.muli %arg1, %mul3A : i32
    %add3A = arith.addi %mul3A_0, %arg0 : i32
    %mul3A_1 = arith.constant 5000 : i32
    %mul3A_2 = arith.muli %add3A, %mul3A_1 : i32
    %jit3A = arith.constant 4 : i32
    %div3A = arith.divsi %add3A, %jit3A : i32
    %sign3A = arith.constant 0 : i32
    %sign3A_3 = arith.cmpi sgt, %add3A, %sign3A : i32
    %sign3A_4 = arith.extui %sign3A_3 : i1 to i32
    %sign3A_5 = arith.constant 0 : i32
    %sign3A_6 = arith.cmpi slt, %add3A, %sign3A_5 : i32
    %sign3A_7 = arith.extui %sign3A_6 : i1 to i32
    %sign3A_8 = arith.subi %sign3A_4, %sign3A_7 : i32
    %sign3A_9 = arith.constant 0 : i32
    %sign3A_10 = arith.cmpi sgt, %jit3A, %sign3A_9 : i32
    %sign3A_11 = arith.extui %sign3A_10 : i1 to i32
    %sign3A_12 = arith.constant 0 : i32
    %sign3A_13 = arith.cmpi slt, %jit3A, %sign3A_12 : i32
    %sign3A_14 = arith.extui %sign3A_13 : i1 to i32
    %sign3A_15 = arith.subi %sign3A_11, %sign3A_14 : i32
    %ne3A = arith.cmpi ne, %sign3A_8, %sign3A_15 : i32
    %rem3A = arith.remsi %add3A, %jit3A : i32
    %ne3A_16 = arith.constant 0 : i32
    %ne3A_17 = arith.cmpi ne, %rem3A, %ne3A_16 : i32
    %and3A = arith.andi %ne3A, %ne3A_17 : i1
    %sub3A = arith.constant 1 : i32
    %sub3A_18 = arith.subi %div3A, %sub3A : i32
    %select_n3A = arith.select %and3A, %sub3A_18, %div3A : i32
    %mul3A_19 = arith.constant 20000 : i32
    %mul3A_20 = arith.muli %select_n3A, %mul3A_19 : i32
    %sub3A_21 = arith.subi %mul3A_2, %mul3A_20 : i32
    %add3A_22 = arith.constant 0 : i32
    %add3A_23 = arith.addi %mul3A_2, %add3A_22 : i32
    %dma_start3A = tpu.memref_slice %arg3[%add3A_23] : memref<160000xi32, #tpu.memory_space<hbm>> -> memref<1000xi32, #tpu.memory_space<hbm>>
    %dma_start3A_24 = tpu.memref_slice %arg3[%add3A_23] : memref<160000xi32, #tpu.memory_space<hbm>> -> memref<1000xi32, #tpu.memory_space<hbm>>
    tpu.enqueue_dma source(%dma_start3A_24 : memref<1000xi32, #tpu.memory_space<hbm>>) target(%arg5 : memref<1000xi32, #tpu.memory_space<vmem>>) target_semaphore(%arg11 : memref<!tpu.dma_semaphore, #tpu.memory_space<semaphore_mem>>)
    %add3A_25 = arith.constant 1000 : i32
    %add3A_26 = arith.addi %mul3A_2, %add3A_25 : i32
    %dma_start3A_27 = tpu.memref_slice %arg3[%add3A_26] : memref<160000xi32, #tpu.memory_space<hbm>> -> memref<1000xi32, #tpu.memory_space<hbm>>
    %dma_start3A_28 = tpu.memref_slice %arg3[%add3A_26] : memref<160000xi32, #tpu.memory_space<hbm>> -> memref<1000xi32, #tpu.memory_space<hbm>>
    tpu.enqueue_dma source(%dma_start3A_28 : memref<1000xi32, #tpu.memory_space<hbm>>) target(%arg6 : memref<1000xi32, #tpu.memory_space<vmem>>) target_semaphore(%arg12 : memref<!tpu.dma_semaphore, #tpu.memory_space<semaphore_mem>>)
    %dma_wait3A = tpu.memref_slice %arg3[%add3A_23] : memref<160000xi32, #tpu.memory_space<hbm>> -> memref<1000xi32, #tpu.memory_space<hbm>>
    %dma_wait3A_29 = tpu.memref_slice %arg3[%add3A_23] : memref<160000xi32, #tpu.memory_space<hbm>> -> memref<1000xi32, #tpu.memory_space<hbm>>
    tpu.wait_dma2 semaphore(%arg11 : memref<!tpu.dma_semaphore, #tpu.memory_space<semaphore_mem>>) src(%dma_wait3A_29 : memref<1000xi32, #tpu.memory_space<hbm>>) dst(%arg5 : memref<1000xi32, #tpu.memory_space<vmem>>)
    %dma_start3A_30 = arith.constant 0 : i32
    %dma_start3A_31 = arith.constant 0 : i32
    %dma_start3A_32 = tpu.memref_slice %arg2[%dma_start3A_30, %dma_start3A_31] : memref<10000x16xf32, #tpu.memory_space<hbm>> -> memref<10000x16xf32, #tpu.memory_space<hbm>>
    tpu.enqueue_indirect_dma source(%dma_start3A_32 : memref<10000x16xf32, #tpu.memory_space<hbm>>) target(%arg8 : memref<1000x16xf32, #tpu.memory_space<vmem>>) offsets(%arg5 : memref<1000xi32, #tpu.memory_space<vmem>>) semaphore(%arg14 : memref<!tpu.dma_semaphore, #tpu.memory_space<semaphore_mem>>)
    %dma_wait3A_33 = arith.constant 0 : i32
    %dma_wait3A_34 = arith.constant 0 : i32
    %dma_wait3A_35 = tpu.memref_slice %arg2[%dma_wait3A_33, %dma_wait3A_34] : memref<10000x16xf32, #tpu.memory_space<hbm>> -> memref<10000x16xf32, #tpu.memory_space<hbm>>
    tpu.wait_indirect_dma semaphore(%arg14 : memref<!tpu.dma_semaphore, #tpu.memory_space<semaphore_mem>>) src(%dma_wait3A_35 : memref<10000x16xf32, #tpu.memory_space<hbm>>) dst(%arg8 : memref<1000x16xf32, #tpu.memory_space<vmem>>)
    %add3A_36 = arith.constant 0 : i32
    %add3A_37 = arith.addi %sub3A_21, %add3A_36 : i32
    %mul3A_38 = arith.constant 16 : i32
    %mul3A_39 = arith.muli %select_n3A, %mul3A_38 : i32
    %dma_start3A_40 = tpu.memref_slice %arg4[%add3A_37, %mul3A_39] : memref<20000x128xf32, #tpu.memory_space<hbm>> -> memref<1000x16xf32, #tpu.memory_space<hbm>>
    %dma_start3A_41 = tpu.memref_slice %arg4[%add3A_37, %mul3A_39] : memref<20000x128xf32, #tpu.memory_space<hbm>> -> memref<1000x16xf32, #tpu.memory_space<hbm>>
    tpu.enqueue_dma source(%arg8 : memref<1000x16xf32, #tpu.memory_space<vmem>>) target(%dma_start3A_41 : memref<1000x16xf32, #tpu.memory_space<hbm>>) target_semaphore(%arg17 : memref<!tpu.dma_semaphore, #tpu.memory_space<semaphore_mem>>)
    %add3A_42 = arith.constant 2000 : i32
    %add3A_43 = arith.addi %mul3A_2, %add3A_42 : i32
    %dma_start3A_44 = tpu.memref_slice %arg3[%add3A_43] : memref<160000xi32, #tpu.memory_space<hbm>> -> memref<1000xi32, #tpu.memory_space<hbm>>
    %dma_start3A_45 = tpu.memref_slice %arg3[%add3A_43] : memref<160000xi32, #tpu.memory_space<hbm>> -> memref<1000xi32, #tpu.memory_space<hbm>>
    tpu.enqueue_dma source(%dma_start3A_45 : memref<1000xi32, #tpu.memory_space<hbm>>) target(%arg7 : memref<1000xi32, #tpu.memory_space<vmem>>) target_semaphore(%arg13 : memref<!tpu.dma_semaphore, #tpu.memory_space<semaphore_mem>>)
    %dma_wait3A_46 = tpu.memref_slice %arg3[%add3A_26] : memref<160000xi32, #tpu.memory_space<hbm>> -> memref<1000xi32, #tpu.memory_space<hbm>>
    %dma_wait3A_47 = tpu.memref_slice %arg3[%add3A_26] : memref<160000xi32, #tpu.memory_space<hbm>> -> memref<1000xi32, #tpu.memory_space<hbm>>
    tpu.wait_dma2 semaphore(%arg12 : memref<!tpu.dma_semaphore, #tpu.memory_space<semaphore_mem>>) src(%dma_wait3A_47 : memref<1000xi32, #tpu.memory_space<hbm>>) dst(%arg6 : memref<1000xi32, #tpu.memory_space<vmem>>)
    %dma_start3A_48 = arith.constant 0 : i32
    %dma_start3A_49 = arith.constant 0 : i32
    %dma_start3A_50 = tpu.memref_slice %arg2[%dma_start3A_48, %dma_start3A_49] : memref<10000x16xf32, #tpu.memory_space<hbm>> -> memref<10000x16xf32, #tpu.memory_space<hbm>>
    tpu.enqueue_indirect_dma source(%dma_start3A_50 : memref<10000x16xf32, #tpu.memory_space<hbm>>) target(%arg9 : memref<1000x16xf32, #tpu.memory_space<vmem>>) offsets(%arg6 : memref<1000xi32, #tpu.memory_space<vmem>>) semaphore(%arg15 : memref<!tpu.dma_semaphore, #tpu.memory_space<semaphore_mem>>)
    %dma_wait3A_51 = arith.constant 0 : i32
    %dma_wait3A_52 = arith.constant 0 : i32
    %dma_wait3A_53 = tpu.memref_slice %arg2[%dma_wait3A_51, %dma_wait3A_52] : memref<10000x16xf32, #tpu.memory_space<hbm>> -> memref<10000x16xf32, #tpu.memory_space<hbm>>
    tpu.wait_indirect_dma semaphore(%arg15 : memref<!tpu.dma_semaphore, #tpu.memory_space<semaphore_mem>>) src(%dma_wait3A_53 : memref<10000x16xf32, #tpu.memory_space<hbm>>) dst(%arg9 : memref<1000x16xf32, #tpu.memory_space<vmem>>)
    %add3A_54 = arith.constant 1000 : i32
    %add3A_55 = arith.addi %sub3A_21, %add3A_54 : i32
    %mul3A_56 = arith.constant 16 : i32
    %mul3A_57 = arith.muli %select_n3A, %mul3A_56 : i32
    %dma_start3A_58 = tpu.memref_slice %arg4[%add3A_55, %mul3A_57] : memref<20000x128xf32, #tpu.memory_space<hbm>> -> memref<1000x16xf32, #tpu.memory_space<hbm>>
    %dma_start3A_59 = tpu.memref_slice %arg4[%add3A_55, %mul3A_57] : memref<20000x128xf32, #tpu.memory_space<hbm>> -> memref<1000x16xf32, #tpu.memory_space<hbm>>
    tpu.enqueue_dma source(%arg9 : memref<1000x16xf32, #tpu.memory_space<vmem>>) target(%dma_start3A_59 : memref<1000x16xf32, #tpu.memory_space<hbm>>) target_semaphore(%arg18 : memref<!tpu.dma_semaphore, #tpu.memory_space<semaphore_mem>>)
    %dma_wait3A_60 = tpu.memref_slice %arg4[%add3A_37, %mul3A_39] : memref<20000x128xf32, #tpu.memory_space<hbm>> -> memref<1000x16xf32, #tpu.memory_space<hbm>>
    %dma_wait3A_61 = tpu.memref_slice %arg4[%add3A_37, %mul3A_39] : memref<20000x128xf32, #tpu.memory_space<hbm>> -> memref<1000x16xf32, #tpu.memory_space<hbm>>
    tpu.wait_dma2 semaphore(%arg17 : memref<!tpu.dma_semaphore, #tpu.memory_space<semaphore_mem>>) src(%arg8 : memref<1000x16xf32, #tpu.memory_space<vmem>>) dst(%dma_wait3A_61 : memref<1000x16xf32, #tpu.memory_space<hbm>>)
    %add3A_62 = arith.constant 3000 : i32
    %add3A_63 = arith.addi %mul3A_2, %add3A_62 : i32
    %dma_start3A_64 = tpu.memref_slice %arg3[%add3A_63] : memref<160000xi32, #tpu.memory_space<hbm>> -> memref<1000xi32, #tpu.memory_space<hbm>>
    %dma_start3A_65 = tpu.memref_slice %arg3[%add3A_63] : memref<160000xi32, #tpu.memory_space<hbm>> -> memref<1000xi32, #tpu.memory_space<hbm>>
    tpu.enqueue_dma source(%dma_start3A_65 : memref<1000xi32, #tpu.memory_space<hbm>>) target(%arg5 : memref<1000xi32, #tpu.memory_space<vmem>>) target_semaphore(%arg11 : memref<!tpu.dma_semaphore, #tpu.memory_space<semaphore_mem>>)
    %dma_wait3A_66 = tpu.memref_slice %arg3[%add3A_43] : memref<160000xi32, #tpu.memory_space<hbm>> -> memref<1000xi32, #tpu.memory_space<hbm>>
    %dma_wait3A_67 = tpu.memref_slice %arg3[%add3A_43] : memref<160000xi32, #tpu.memory_space<hbm>> -> memref<1000xi32, #tpu.memory_space<hbm>>
    tpu.wait_dma2 semaphore(%arg13 : memref<!tpu.dma_semaphore, #tpu.memory_space<semaphore_mem>>) src(%dma_wait3A_67 : memref<1000xi32, #tpu.memory_space<hbm>>) dst(%arg7 : memref<1000xi32, #tpu.memory_space<vmem>>)
    %dma_start3A_68 = arith.constant 0 : i32
    %dma_start3A_69 = arith.constant 0 : i32
    %dma_start3A_70 = tpu.memref_slice %arg2[%dma_start3A_68, %dma_start3A_69] : memref<10000x16xf32, #tpu.memory_space<hbm>> -> memref<10000x16xf32, #tpu.memory_space<hbm>>
    tpu.enqueue_indirect_dma source(%dma_start3A_70 : memref<10000x16xf32, #tpu.memory_space<hbm>>) target(%arg10 : memref<1000x16xf32, #tpu.memory_space<vmem>>) offsets(%arg7 : memref<1000xi32, #tpu.memory_space<vmem>>) semaphore(%arg16 : memref<!tpu.dma_semaphore, #tpu.memory_space<semaphore_mem>>)
    %dma_wait3A_71 = arith.constant 0 : i32
    %dma_wait3A_72 = arith.constant 0 : i32
    %dma_wait3A_73 = tpu.memref_slice %arg2[%dma_wait3A_71, %dma_wait3A_72] : memref<10000x16xf32, #tpu.memory_space<hbm>> -> memref<10000x16xf32, #tpu.memory_space<hbm>>
    tpu.wait_indirect_dma semaphore(%arg16 : memref<!tpu.dma_semaphore, #tpu.memory_space<semaphore_mem>>) src(%dma_wait3A_73 : memref<10000x16xf32, #tpu.memory_space<hbm>>) dst(%arg10 : memref<1000x16xf32, #tpu.memory_space<vmem>>)
    %add3A_74 = arith.constant 2000 : i32
    %add3A_75 = arith.addi %sub3A_21, %add3A_74 : i32
    %mul3A_76 = arith.constant 16 : i32
    %mul3A_77 = arith.muli %select_n3A, %mul3A_76 : i32
    %dma_start3A_78 = tpu.memref_slice %arg4[%add3A_75, %mul3A_77] : memref<20000x128xf32, #tpu.memory_space<hbm>> -> memref<1000x16xf32, #tpu.memory_space<hbm>>
    %dma_start3A_79 = tpu.memref_slice %arg4[%add3A_75, %mul3A_77] : memref<20000x128xf32, #tpu.memory_space<hbm>> -> memref<1000x16xf32, #tpu.memory_space<hbm>>
    tpu.enqueue_dma source(%arg10 : memref<1000x16xf32, #tpu.memory_space<vmem>>) target(%dma_start3A_79 : memref<1000x16xf32, #tpu.memory_space<hbm>>) target_semaphore(%arg19 : memref<!tpu.dma_semaphore, #tpu.memory_space<semaphore_mem>>)
    %dma_wait3A_80 = tpu.memref_slice %arg4[%add3A_55, %mul3A_57] : memref<20000x128xf32, #tpu.memory_space<hbm>> -> memref<1000x16xf32, #tpu.memory_space<hbm>>
    %dma_wait3A_81 = tpu.memref_slice %arg4[%add3A_55, %mul3A_57] : memref<20000x128xf32, #tpu.memory_space<hbm>> -> memref<1000x16xf32, #tpu.memory_space<hbm>>
    tpu.wait_dma2 semaphore(%arg18 : memref<!tpu.dma_semaphore, #tpu.memory_space<semaphore_mem>>) src(%arg9 : memref<1000x16xf32, #tpu.memory_space<vmem>>) dst(%dma_wait3A_81 : memref<1000x16xf32, #tpu.memory_space<hbm>>)
    %add3A_82 = arith.constant 4000 : i32
    %add3A_83 = arith.addi %mul3A_2, %add3A_82 : i32
    %dma_start3A_84 = tpu.memref_slice %arg3[%add3A_83] : memref<160000xi32, #tpu.memory_space<hbm>> -> memref<1000xi32, #tpu.memory_space<hbm>>
    %dma_start3A_85 = tpu.memref_slice %arg3[%add3A_83] : memref<160000xi32, #tpu.memory_space<hbm>> -> memref<1000xi32, #tpu.memory_space<hbm>>
    tpu.enqueue_dma source(%dma_start3A_85 : memref<1000xi32, #tpu.memory_space<hbm>>) target(%arg6 : memref<1000xi32, #tpu.memory_space<vmem>>) target_semaphore(%arg12 : memref<!tpu.dma_semaphore, #tpu.memory_space<semaphore_mem>>)
    %dma_wait3A_86 = tpu.memref_slice %arg3[%add3A_63] : memref<160000xi32, #tpu.memory_space<hbm>> -> memref<1000xi32, #tpu.memory_space<hbm>>
    %dma_wait3A_87 = tpu.memref_slice %arg3[%add3A_63] : memref<160000xi32, #tpu.memory_space<hbm>> -> memref<1000xi32, #tpu.memory_space<hbm>>
    tpu.wait_dma2 semaphore(%arg11 : memref<!tpu.dma_semaphore, #tpu.memory_space<semaphore_mem>>) src(%dma_wait3A_87 : memref<1000xi32, #tpu.memory_space<hbm>>) dst(%arg5 : memref<1000xi32, #tpu.memory_space<vmem>>)
    %dma_start3A_88 = arith.constant 0 : i32
    %dma_start3A_89 = arith.constant 0 : i32
    %dma_start3A_90 = tpu.memref_slice %arg2[%dma_start3A_88, %dma_start3A_89] : memref<10000x16xf32, #tpu.memory_space<hbm>> -> memref<10000x16xf32, #tpu.memory_space<hbm>>
    tpu.enqueue_indirect_dma source(%dma_start3A_90 : memref<10000x16xf32, #tpu.memory_space<hbm>>) target(%arg8 : memref<1000x16xf32, #tpu.memory_space<vmem>>) offsets(%arg5 : memref<1000xi32, #tpu.memory_space<vmem>>) semaphore(%arg14 : memref<!tpu.dma_semaphore, #tpu.memory_space<semaphore_mem>>)
    %dma_wait3A_91 = arith.constant 0 : i32
    %dma_wait3A_92 = arith.constant 0 : i32
    %dma_wait3A_93 = tpu.memref_slice %arg2[%dma_wait3A_91, %dma_wait3A_92] : memref<10000x16xf32, #tpu.memory_space<hbm>> -> memref<10000x16xf32, #tpu.memory_space<hbm>>
    tpu.wait_indirect_dma semaphore(%arg14 : memref<!tpu.dma_semaphore, #tpu.memory_space<semaphore_mem>>) src(%dma_wait3A_93 : memref<10000x16xf32, #tpu.memory_space<hbm>>) dst(%arg8 : memref<1000x16xf32, #tpu.memory_space<vmem>>)
    %add3A_94 = arith.constant 3000 : i32
    %add3A_95 = arith.addi %sub3A_21, %add3A_94 : i32
    %mul3A_96 = arith.constant 16 : i32
    %mul3A_97 = arith.muli %select_n3A, %mul3A_96 : i32
    %dma_start3A_98 = tpu.memref_slice %arg4[%add3A_95, %mul3A_97] : memref<20000x128xf32, #tpu.memory_space<hbm>> -> memref<1000x16xf32, #tpu.memory_space<hbm>>
    %dma_start3A_99 = tpu.memref_slice %arg4[%add3A_95, %mul3A_97] : memref<20000x128xf32, #tpu.memory_space<hbm>> -> memref<1000x16xf32, #tpu.memory_space<hbm>>
    tpu.enqueue_dma source(%arg8 : memref<1000x16xf32, #tpu.memory_space<vmem>>) target(%dma_start3A_99 : memref<1000x16xf32, #tpu.memory_space<hbm>>) target_semaphore(%arg17 : memref<!tpu.dma_semaphore, #tpu.memory_space<semaphore_mem>>)
    %dma_wait3A_100 = tpu.memref_slice %arg3[%add3A_83] : memref<160000xi32, #tpu.memory_space<hbm>> -> memref<1000xi32, #tpu.memory_space<hbm>>
    %dma_wait3A_101 = tpu.memref_slice %arg3[%add3A_83] : memref<160000xi32, #tpu.memory_space<hbm>> -> memref<1000xi32, #tpu.memory_space<hbm>>
    tpu.wait_dma2 semaphore(%arg12 : memref<!tpu.dma_semaphore, #tpu.memory_space<semaphore_mem>>) src(%dma_wait3A_101 : memref<1000xi32, #tpu.memory_space<hbm>>) dst(%arg6 : memref<1000xi32, #tpu.memory_space<vmem>>)
    %dma_start3A_102 = arith.constant 0 : i32
    %dma_start3A_103 = arith.constant 0 : i32
    %dma_start3A_104 = tpu.memref_slice %arg2[%dma_start3A_102, %dma_start3A_103] : memref<10000x16xf32, #tpu.memory_space<hbm>> -> memref<10000x16xf32, #tpu.memory_space<hbm>>
    tpu.enqueue_indirect_dma source(%dma_start3A_104 : memref<10000x16xf32, #tpu.memory_space<hbm>>) target(%arg9 : memref<1000x16xf32, #tpu.memory_space<vmem>>) offsets(%arg6 : memref<1000xi32, #tpu.memory_space<vmem>>) semaphore(%arg15 : memref<!tpu.dma_semaphore, #tpu.memory_space<semaphore_mem>>)
    %dma_wait3A_105 = arith.constant 0 : i32
    %dma_wait3A_106 = arith.constant 0 : i32
    %dma_wait3A_107 = tpu.memref_slice %arg2[%dma_wait3A_105, %dma_wait3A_106] : memref<10000x16xf32, #tpu.memory_space<hbm>> -> memref<10000x16xf32, #tpu.memory_space<hbm>>
    tpu.wait_indirect_dma semaphore(%arg15 : memref<!tpu.dma_semaphore, #tpu.memory_space<semaphore_mem>>) src(%dma_wait3A_107 : memref<10000x16xf32, #tpu.memory_space<hbm>>) dst(%arg9 : memref<1000x16xf32, #tpu.memory_space<vmem>>)
    %add3A_108 = arith.constant 4000 : i32
    %add3A_109 = arith.addi %sub3A_21, %add3A_108 : i32
    %mul3A_110 = arith.constant 16 : i32
    %mul3A_111 = arith.muli %select_n3A, %mul3A_110 : i32
    %dma_start3A_112 = tpu.memref_slice %arg4[%add3A_109, %mul3A_111] : memref<20000x128xf32, #tpu.memory_space<hbm>> -> memref<1000x16xf32, #tpu.memory_space<hbm>>
    %dma_start3A_113 = tpu.memref_slice %arg4[%add3A_109, %mul3A_111] : memref<20000x128xf32, #tpu.memory_space<hbm>> -> memref<1000x16xf32, #tpu.memory_space<hbm>>
    tpu.enqueue_dma source(%arg9 : memref<1000x16xf32, #tpu.memory_space<vmem>>) target(%dma_start3A_113 : memref<1000x16xf32, #tpu.memory_space<hbm>>) target_semaphore(%arg18 : memref<!tpu.dma_semaphore, #tpu.memory_space<semaphore_mem>>)
    %dma_wait3A_114 = tpu.memref_slice %arg4[%add3A_95, %mul3A_97] : memref<20000x128xf32, #tpu.memory_space<hbm>> -> memref<1000x16xf32, #tpu.memory_space<hbm>>
    %dma_wait3A_115 = tpu.memref_slice %arg4[%add3A_95, %mul3A_97] : memref<20000x128xf32, #tpu.memory_space<hbm>> -> memref<1000x16xf32, #tpu.memory_space<hbm>>
    tpu.wait_dma2 semaphore(%arg17 : memref<!tpu.dma_semaphore, #tpu.memory_space<semaphore_mem>>) src(%arg8 : memref<1000x16xf32, #tpu.memory_space<vmem>>) dst(%dma_wait3A_115 : memref<1000x16xf32, #tpu.memory_space<hbm>>)
    %dma_wait3A_116 = tpu.memref_slice %arg4[%add3A_109, %mul3A_111] : memref<20000x128xf32, #tpu.memory_space<hbm>> -> memref<1000x16xf32, #tpu.memory_space<hbm>>
    %dma_wait3A_117 = tpu.memref_slice %arg4[%add3A_109, %mul3A_111] : memref<20000x128xf32, #tpu.memory_space<hbm>> -> memref<1000x16xf32, #tpu.memory_space<hbm>>
    tpu.wait_dma2 semaphore(%arg18 : memref<!tpu.dma_semaphore, #tpu.memory_space<semaphore_mem>>) src(%arg9 : memref<1000x16xf32, #tpu.memory_space<vmem>>) dst(%dma_wait3A_117 : memref<1000x16xf32, #tpu.memory_space<hbm>>)
    %dma_wait3A_118 = tpu.memref_slice %arg4[%add3A_75, %mul3A_77] : memref<20000x128xf32, #tpu.memory_space<hbm>> -> memref<1000x16xf32, #tpu.memory_space<hbm>>
    %dma_wait3A_119 = tpu.memref_slice %arg4[%add3A_75, %mul3A_77] : memref<20000x128xf32, #tpu.memory_space<hbm>> -> memref<1000x16xf32, #tpu.memory_space<hbm>>
    tpu.wait_dma2 semaphore(%arg19 : memref<!tpu.dma_semaphore, #tpu.memory_space<semaphore_mem>>) src(%arg10 : memref<1000x16xf32, #tpu.memory_space<vmem>>) dst(%dma_wait3A_119 : memref<1000x16xf32, #tpu.memory_space<hbm>>)
    return
  }
}

#map = affine_map<(d0, d1) -> (0, 0)>
#map1 = affine_map<(d0, d1) -> (0)>
#map2 = affine_map<(d0, d1) -> (0, 0, 0)>
module attributes {stable_mosaic.version = 14 : i64} {
  func.func @body(%arg0: i32, %arg1: i32, %arg2: memref<20000x128xf32, #tpu.memory_space<hbm>>, %arg3: memref<160000xi32, #tpu.memory_space<hbm>>, %arg4: memref<10000x16xf32, #tpu.memory_space<hbm>>, %arg5: memref<2x10000x16xf32, #tpu.memory_space<hbm>>, %arg6: memref<1000xi32, #tpu.memory_space<vmem>>, %arg7: memref<1000xi32, #tpu.memory_space<vmem>>, %arg8: memref<1000x16xf32, #tpu.memory_space<vmem>>, %arg9: memref<1000x16xf32, #tpu.memory_space<vmem>>, %arg10: memref<10000x16xf32, #tpu.memory_space<vmem_shared>>, %arg11: memref<!tpu.dma_semaphore, #tpu.memory_space<semaphore_mem>>, %arg12: memref<!tpu.dma_semaphore, #tpu.memory_space<semaphore_mem>>, %arg13: memref<!tpu.dma_semaphore, #tpu.memory_space<semaphore_mem>>, %arg14: memref<!tpu.dma_semaphore, #tpu.memory_space<semaphore_mem>>, %arg15: memref<!tpu.dma_semaphore, #tpu.memory_space<semaphore_mem>>, %arg16: memref<!tpu.dma_semaphore, #tpu.memory_space<semaphore_mem>>) attributes {dimension_semantics = [#tpu.dimension_semantics<core_parallel>, #tpu.dimension_semantics<subcore_parallel>], iteration_bounds = array<i64: 2, 16>, scalar_prefetch = 0 : i64, scratch_operands = 11 : i64, tpu.core_type = #tpu.core_type<sc_vector_subcore>, window_params = [{transform_indices = #map}, {transform_indices = #map1}, {transform_indices = #map}, {transform_indices = #map2}]} {
    %mul3A = arith.constant 2 : i32
    %mul3A_0 = arith.muli %arg1, %mul3A : i32
    %add3A = arith.addi %mul3A_0, %arg0 : i32
    %jit3A = arith.constant 4 : i32
    %div3A = arith.divsi %add3A, %jit3A : i32
    %sign3A = arith.constant 0 : i32
    %sign3A_1 = arith.cmpi sgt, %add3A, %sign3A : i32
    %sign3A_2 = arith.extui %sign3A_1 : i1 to i32
    %sign3A_3 = arith.constant 0 : i32
    %sign3A_4 = arith.cmpi slt, %add3A, %sign3A_3 : i32
    %sign3A_5 = arith.extui %sign3A_4 : i1 to i32
    %sign3A_6 = arith.subi %sign3A_2, %sign3A_5 : i32
    %sign3A_7 = arith.constant 0 : i32
    %sign3A_8 = arith.cmpi sgt, %jit3A, %sign3A_7 : i32
    %sign3A_9 = arith.extui %sign3A_8 : i1 to i32
    %sign3A_10 = arith.constant 0 : i32
    %sign3A_11 = arith.cmpi slt, %jit3A, %sign3A_10 : i32
    %sign3A_12 = arith.extui %sign3A_11 : i1 to i32
    %sign3A_13 = arith.subi %sign3A_9, %sign3A_12 : i32
    %ne3A = arith.cmpi ne, %sign3A_6, %sign3A_13 : i32
    %rem3A = arith.remsi %add3A, %jit3A : i32
    %ne3A_14 = arith.constant 0 : i32
    %ne3A_15 = arith.cmpi ne, %rem3A, %ne3A_14 : i32
    %and3A = arith.andi %ne3A, %ne3A_15 : i1
    %sub3A = arith.constant 1 : i32
    %sub3A_16 = arith.subi %div3A, %sub3A : i32
    %select_n3A = arith.select %and3A, %sub3A_16, %div3A : i32
    %mul3A_17 = arith.constant 5000 : i32
    %mul3A_18 = arith.muli %add3A, %mul3A_17 : i32
    %mul3A_19 = arith.constant 20000 : i32
    %mul3A_20 = arith.muli %select_n3A, %mul3A_19 : i32
    %sub3A_21 = arith.subi %mul3A_18, %mul3A_20 : i32
    %mul3A_22 = arith.constant 625 : i32
    %mul3A_23 = arith.muli %arg1, %mul3A_22 : i32
    "tpu.region"() ({
      %run_scoped3A = tpu.sem_alloc : memref<!tpu.dma_semaphore, #tpu.memory_space<semaphore_mem>>
      %dma_start3A_125 = arith.constant 0 : i32
      %dma_start3A_126 = tpu.memref_slice %arg10[%mul3A_23, %dma_start3A_125] : memref<10000x16xf32, #tpu.memory_space<vmem_shared>> -> memref<625x16xf32, #tpu.memory_space<vmem_shared>>
      %dma_start3A_127 = arith.constant 0 : i32
      %dma_start3A_128 = tpu.memref_slice %arg4[%mul3A_23, %dma_start3A_127] : memref<10000x16xf32, #tpu.memory_space<hbm>> -> memref<625x16xf32, #tpu.memory_space<hbm>>
      tpu.enqueue_dma source(%dma_start3A_128 : memref<625x16xf32, #tpu.memory_space<hbm>>) target(%dma_start3A_126 : memref<625x16xf32, #tpu.memory_space<vmem_shared>>) target_semaphore(%run_scoped3A : memref<!tpu.dma_semaphore, #tpu.memory_space<semaphore_mem>>)
      %dma_wait3A_129 = arith.constant 0 : i32
      %dma_wait3A_130 = tpu.memref_slice %arg10[%mul3A_23, %dma_wait3A_129] : memref<10000x16xf32, #tpu.memory_space<vmem_shared>> -> memref<625x16xf32, #tpu.memory_space<vmem_shared>>
      %dma_wait3A_131 = arith.constant 0 : i32
      %dma_wait3A_132 = tpu.memref_slice %arg4[%mul3A_23, %dma_wait3A_131] : memref<10000x16xf32, #tpu.memory_space<hbm>> -> memref<625x16xf32, #tpu.memory_space<hbm>>
      tpu.wait_dma2 semaphore(%run_scoped3A : memref<!tpu.dma_semaphore, #tpu.memory_space<semaphore_mem>>) src(%dma_wait3A_132 : memref<625x16xf32, #tpu.memory_space<hbm>>) dst(%dma_wait3A_130 : memref<625x16xf32, #tpu.memory_space<vmem_shared>>)
      tpu.yield
    }) : () -> ()
    %barrier3A = arith.constant 0 : index
    tpu.barrier barrier_id(%barrier3A)
    %mul3A_24 = arith.constant 5000 : i32
    %mul3A_25 = arith.muli %add3A, %mul3A_24 : i32
    %add3A_26 = arith.constant 0 : i32
    %add3A_27 = arith.addi %mul3A_25, %add3A_26 : i32
    %dma_start3A = tpu.memref_slice %arg3[%add3A_27] : memref<160000xi32, #tpu.memory_space<hbm>> -> memref<1000xi32, #tpu.memory_space<hbm>>
    %dma_start3A_28 = tpu.memref_slice %arg3[%add3A_27] : memref<160000xi32, #tpu.memory_space<hbm>> -> memref<1000xi32, #tpu.memory_space<hbm>>
    tpu.enqueue_dma source(%dma_start3A_28 : memref<1000xi32, #tpu.memory_space<hbm>>) target(%arg6 : memref<1000xi32, #tpu.memory_space<vmem>>) target_semaphore(%arg11 : memref<!tpu.dma_semaphore, #tpu.memory_space<semaphore_mem>>)
    %add3A_29 = arith.constant 0 : i32
    %add3A_30 = arith.addi %sub3A_21, %add3A_29 : i32
    %mul3A_31 = arith.constant 16 : i32
    %mul3A_32 = arith.muli %select_n3A, %mul3A_31 : i32
    %dma_start3A_33 = tpu.memref_slice %arg2[%add3A_30, %mul3A_32] : memref<20000x128xf32, #tpu.memory_space<hbm>> -> memref<1000x16xf32, #tpu.memory_space<hbm>>
    %dma_start3A_34 = tpu.memref_slice %arg2[%add3A_30, %mul3A_32] : memref<20000x128xf32, #tpu.memory_space<hbm>> -> memref<1000x16xf32, #tpu.memory_space<hbm>>
    tpu.enqueue_dma source(%dma_start3A_34 : memref<1000x16xf32, #tpu.memory_space<hbm>>) target(%arg8 : memref<1000x16xf32, #tpu.memory_space<vmem>>) target_semaphore(%arg13 : memref<!tpu.dma_semaphore, #tpu.memory_space<semaphore_mem>>)
    %add3A_35 = arith.constant 1000 : i32
    %add3A_36 = arith.addi %mul3A_25, %add3A_35 : i32
    %dma_start3A_37 = tpu.memref_slice %arg3[%add3A_36] : memref<160000xi32, #tpu.memory_space<hbm>> -> memref<1000xi32, #tpu.memory_space<hbm>>
    %dma_start3A_38 = tpu.memref_slice %arg3[%add3A_36] : memref<160000xi32, #tpu.memory_space<hbm>> -> memref<1000xi32, #tpu.memory_space<hbm>>
    tpu.enqueue_dma source(%dma_start3A_38 : memref<1000xi32, #tpu.memory_space<hbm>>) target(%arg7 : memref<1000xi32, #tpu.memory_space<vmem>>) target_semaphore(%arg12 : memref<!tpu.dma_semaphore, #tpu.memory_space<semaphore_mem>>)
    %add3A_39 = arith.constant 1000 : i32
    %add3A_40 = arith.addi %sub3A_21, %add3A_39 : i32
    %mul3A_41 = arith.constant 16 : i32
    %mul3A_42 = arith.muli %select_n3A, %mul3A_41 : i32
    %dma_start3A_43 = tpu.memref_slice %arg2[%add3A_40, %mul3A_42] : memref<20000x128xf32, #tpu.memory_space<hbm>> -> memref<1000x16xf32, #tpu.memory_space<hbm>>
    %dma_start3A_44 = tpu.memref_slice %arg2[%add3A_40, %mul3A_42] : memref<20000x128xf32, #tpu.memory_space<hbm>> -> memref<1000x16xf32, #tpu.memory_space<hbm>>
    tpu.enqueue_dma source(%dma_start3A_44 : memref<1000x16xf32, #tpu.memory_space<hbm>>) target(%arg9 : memref<1000x16xf32, #tpu.memory_space<vmem>>) target_semaphore(%arg14 : memref<!tpu.dma_semaphore, #tpu.memory_space<semaphore_mem>>)
    %dma_wait3A = tpu.memref_slice %arg3[%add3A_27] : memref<160000xi32, #tpu.memory_space<hbm>> -> memref<1000xi32, #tpu.memory_space<hbm>>
    %dma_wait3A_45 = tpu.memref_slice %arg3[%add3A_27] : memref<160000xi32, #tpu.memory_space<hbm>> -> memref<1000xi32, #tpu.memory_space<hbm>>
    tpu.wait_dma2 semaphore(%arg11 : memref<!tpu.dma_semaphore, #tpu.memory_space<semaphore_mem>>) src(%dma_wait3A_45 : memref<1000xi32, #tpu.memory_space<hbm>>) dst(%arg6 : memref<1000xi32, #tpu.memory_space<vmem>>)
    %dma_wait3A_46 = tpu.memref_slice %arg2[%add3A_30, %mul3A_32] : memref<20000x128xf32, #tpu.memory_space<hbm>> -> memref<1000x16xf32, #tpu.memory_space<hbm>>
    %dma_wait3A_47 = tpu.memref_slice %arg2[%add3A_30, %mul3A_32] : memref<20000x128xf32, #tpu.memory_space<hbm>> -> memref<1000x16xf32, #tpu.memory_space<hbm>>
    tpu.wait_dma2 semaphore(%arg13 : memref<!tpu.dma_semaphore, #tpu.memory_space<semaphore_mem>>) src(%dma_wait3A_47 : memref<1000x16xf32, #tpu.memory_space<hbm>>) dst(%arg8 : memref<1000x16xf32, #tpu.memory_space<vmem>>)
    %dma_start3A_48 = arith.constant 0 : i32
    %dma_start3A_49 = arith.constant 0 : i32
    %dma_start3A_50 = tpu.memref_slice %arg10[%dma_start3A_48, %dma_start3A_49] : memref<10000x16xf32, #tpu.memory_space<vmem_shared>> -> memref<10000x16xf32, #tpu.memory_space<vmem_shared>>
    tpu.enqueue_indirect_dma source(%arg8 : memref<1000x16xf32, #tpu.memory_space<vmem>>) target(%dma_start3A_50 : memref<10000x16xf32, #tpu.memory_space<vmem_shared>>) offsets(%arg6 : memref<1000xi32, #tpu.memory_space<vmem>>) semaphore(%arg15 : memref<!tpu.dma_semaphore, #tpu.memory_space<semaphore_mem>>) {add = true}
    %dma_wait3A_51 = arith.constant 0 : i32
    %dma_wait3A_52 = arith.constant 0 : i32
    %dma_wait3A_53 = tpu.memref_slice %arg10[%dma_wait3A_51, %dma_wait3A_52] : memref<10000x16xf32, #tpu.memory_space<vmem_shared>> -> memref<10000x16xf32, #tpu.memory_space<vmem_shared>>
    tpu.wait_indirect_dma semaphore(%arg15 : memref<!tpu.dma_semaphore, #tpu.memory_space<semaphore_mem>>) src(%arg8 : memref<1000x16xf32, #tpu.memory_space<vmem>>) dst(%dma_wait3A_53 : memref<10000x16xf32, #tpu.memory_space<vmem_shared>>)
    %add3A_54 = arith.constant 2000 : i32
    %add3A_55 = arith.addi %mul3A_25, %add3A_54 : i32
    %dma_start3A_56 = tpu.memref_slice %arg3[%add3A_55] : memref<160000xi32, #tpu.memory_space<hbm>> -> memref<1000xi32, #tpu.memory_space<hbm>>
    %dma_start3A_57 = tpu.memref_slice %arg3[%add3A_55] : memref<160000xi32, #tpu.memory_space<hbm>> -> memref<1000xi32, #tpu.memory_space<hbm>>
    tpu.enqueue_dma source(%dma_start3A_57 : memref<1000xi32, #tpu.memory_space<hbm>>) target(%arg6 : memref<1000xi32, #tpu.memory_space<vmem>>) target_semaphore(%arg11 : memref<!tpu.dma_semaphore, #tpu.memory_space<semaphore_mem>>)
    %add3A_58 = arith.constant 2000 : i32
    %add3A_59 = arith.addi %sub3A_21, %add3A_58 : i32
    %mul3A_60 = arith.constant 16 : i32
    %mul3A_61 = arith.muli %select_n3A, %mul3A_60 : i32
    %dma_start3A_62 = tpu.memref_slice %arg2[%add3A_59, %mul3A_61] : memref<20000x128xf32, #tpu.memory_space<hbm>> -> memref<1000x16xf32, #tpu.memory_space<hbm>>
    %dma_start3A_63 = tpu.memref_slice %arg2[%add3A_59, %mul3A_61] : memref<20000x128xf32, #tpu.memory_space<hbm>> -> memref<1000x16xf32, #tpu.memory_space<hbm>>
    tpu.enqueue_dma source(%dma_start3A_63 : memref<1000x16xf32, #tpu.memory_space<hbm>>) target(%arg8 : memref<1000x16xf32, #tpu.memory_space<vmem>>) target_semaphore(%arg13 : memref<!tpu.dma_semaphore, #tpu.memory_space<semaphore_mem>>)
    %dma_wait3A_64 = tpu.memref_slice %arg3[%add3A_36] : memref<160000xi32, #tpu.memory_space<hbm>> -> memref<1000xi32, #tpu.memory_space<hbm>>
    %dma_wait3A_65 = tpu.memref_slice %arg3[%add3A_36] : memref<160000xi32, #tpu.memory_space<hbm>> -> memref<1000xi32, #tpu.memory_space<hbm>>
    tpu.wait_dma2 semaphore(%arg12 : memref<!tpu.dma_semaphore, #tpu.memory_space<semaphore_mem>>) src(%dma_wait3A_65 : memref<1000xi32, #tpu.memory_space<hbm>>) dst(%arg7 : memref<1000xi32, #tpu.memory_space<vmem>>)
    %dma_wait3A_66 = tpu.memref_slice %arg2[%add3A_40, %mul3A_42] : memref<20000x128xf32, #tpu.memory_space<hbm>> -> memref<1000x16xf32, #tpu.memory_space<hbm>>
    %dma_wait3A_67 = tpu.memref_slice %arg2[%add3A_40, %mul3A_42] : memref<20000x128xf32, #tpu.memory_space<hbm>> -> memref<1000x16xf32, #tpu.memory_space<hbm>>
    tpu.wait_dma2 semaphore(%arg14 : memref<!tpu.dma_semaphore, #tpu.memory_space<semaphore_mem>>) src(%dma_wait3A_67 : memref<1000x16xf32, #tpu.memory_space<hbm>>) dst(%arg9 : memref<1000x16xf32, #tpu.memory_space<vmem>>)
    %dma_start3A_68 = arith.constant 0 : i32
    %dma_start3A_69 = arith.constant 0 : i32
    %dma_start3A_70 = tpu.memref_slice %arg10[%dma_start3A_68, %dma_start3A_69] : memref<10000x16xf32, #tpu.memory_space<vmem_shared>> -> memref<10000x16xf32, #tpu.memory_space<vmem_shared>>
    tpu.enqueue_indirect_dma source(%arg9 : memref<1000x16xf32, #tpu.memory_space<vmem>>) target(%dma_start3A_70 : memref<10000x16xf32, #tpu.memory_space<vmem_shared>>) offsets(%arg7 : memref<1000xi32, #tpu.memory_space<vmem>>) semaphore(%arg16 : memref<!tpu.dma_semaphore, #tpu.memory_space<semaphore_mem>>) {add = true}
    %dma_wait3A_71 = arith.constant 0 : i32
    %dma_wait3A_72 = arith.constant 0 : i32
    %dma_wait3A_73 = tpu.memref_slice %arg10[%dma_wait3A_71, %dma_wait3A_72] : memref<10000x16xf32, #tpu.memory_space<vmem_shared>> -> memref<10000x16xf32, #tpu.memory_space<vmem_shared>>
    tpu.wait_indirect_dma semaphore(%arg16 : memref<!tpu.dma_semaphore, #tpu.memory_space<semaphore_mem>>) src(%arg9 : memref<1000x16xf32, #tpu.memory_space<vmem>>) dst(%dma_wait3A_73 : memref<10000x16xf32, #tpu.memory_space<vmem_shared>>)
    %add3A_74 = arith.constant 3000 : i32
    %add3A_75 = arith.addi %mul3A_25, %add3A_74 : i32
    %dma_start3A_76 = tpu.memref_slice %arg3[%add3A_75] : memref<160000xi32, #tpu.memory_space<hbm>> -> memref<1000xi32, #tpu.memory_space<hbm>>
    %dma_start3A_77 = tpu.memref_slice %arg3[%add3A_75] : memref<160000xi32, #tpu.memory_space<hbm>> -> memref<1000xi32, #tpu.memory_space<hbm>>
    tpu.enqueue_dma source(%dma_start3A_77 : memref<1000xi32, #tpu.memory_space<hbm>>) target(%arg7 : memref<1000xi32, #tpu.memory_space<vmem>>) target_semaphore(%arg12 : memref<!tpu.dma_semaphore, #tpu.memory_space<semaphore_mem>>)
    %add3A_78 = arith.constant 3000 : i32
    %add3A_79 = arith.addi %sub3A_21, %add3A_78 : i32
    %mul3A_80 = arith.constant 16 : i32
    %mul3A_81 = arith.muli %select_n3A, %mul3A_80 : i32
    %dma_start3A_82 = tpu.memref_slice %arg2[%add3A_79, %mul3A_81] : memref<20000x128xf32, #tpu.memory_space<hbm>> -> memref<1000x16xf32, #tpu.memory_space<hbm>>
    %dma_start3A_83 = tpu.memref_slice %arg2[%add3A_79, %mul3A_81] : memref<20000x128xf32, #tpu.memory_space<hbm>> -> memref<1000x16xf32, #tpu.memory_space<hbm>>
    tpu.enqueue_dma source(%dma_start3A_83 : memref<1000x16xf32, #tpu.memory_space<hbm>>) target(%arg9 : memref<1000x16xf32, #tpu.memory_space<vmem>>) target_semaphore(%arg14 : memref<!tpu.dma_semaphore, #tpu.memory_space<semaphore_mem>>)
    %dma_wait3A_84 = tpu.memref_slice %arg3[%add3A_55] : memref<160000xi32, #tpu.memory_space<hbm>> -> memref<1000xi32, #tpu.memory_space<hbm>>
    %dma_wait3A_85 = tpu.memref_slice %arg3[%add3A_55] : memref<160000xi32, #tpu.memory_space<hbm>> -> memref<1000xi32, #tpu.memory_space<hbm>>
    tpu.wait_dma2 semaphore(%arg11 : memref<!tpu.dma_semaphore, #tpu.memory_space<semaphore_mem>>) src(%dma_wait3A_85 : memref<1000xi32, #tpu.memory_space<hbm>>) dst(%arg6 : memref<1000xi32, #tpu.memory_space<vmem>>)
    %dma_wait3A_86 = tpu.memref_slice %arg2[%add3A_59, %mul3A_61] : memref<20000x128xf32, #tpu.memory_space<hbm>> -> memref<1000x16xf32, #tpu.memory_space<hbm>>
    %dma_wait3A_87 = tpu.memref_slice %arg2[%add3A_59, %mul3A_61] : memref<20000x128xf32, #tpu.memory_space<hbm>> -> memref<1000x16xf32, #tpu.memory_space<hbm>>
    tpu.wait_dma2 semaphore(%arg13 : memref<!tpu.dma_semaphore, #tpu.memory_space<semaphore_mem>>) src(%dma_wait3A_87 : memref<1000x16xf32, #tpu.memory_space<hbm>>) dst(%arg8 : memref<1000x16xf32, #tpu.memory_space<vmem>>)
    %dma_start3A_88 = arith.constant 0 : i32
    %dma_start3A_89 = arith.constant 0 : i32
    %dma_start3A_90 = tpu.memref_slice %arg10[%dma_start3A_88, %dma_start3A_89] : memref<10000x16xf32, #tpu.memory_space<vmem_shared>> -> memref<10000x16xf32, #tpu.memory_space<vmem_shared>>
    tpu.enqueue_indirect_dma source(%arg8 : memref<1000x16xf32, #tpu.memory_space<vmem>>) target(%dma_start3A_90 : memref<10000x16xf32, #tpu.memory_space<vmem_shared>>) offsets(%arg6 : memref<1000xi32, #tpu.memory_space<vmem>>) semaphore(%arg15 : memref<!tpu.dma_semaphore, #tpu.memory_space<semaphore_mem>>) {add = true}
    %dma_wait3A_91 = arith.constant 0 : i32
    %dma_wait3A_92 = arith.constant 0 : i32
    %dma_wait3A_93 = tpu.memref_slice %arg10[%dma_wait3A_91, %dma_wait3A_92] : memref<10000x16xf32, #tpu.memory_space<vmem_shared>> -> memref<10000x16xf32, #tpu.memory_space<vmem_shared>>
    tpu.wait_indirect_dma semaphore(%arg15 : memref<!tpu.dma_semaphore, #tpu.memory_space<semaphore_mem>>) src(%arg8 : memref<1000x16xf32, #tpu.memory_space<vmem>>) dst(%dma_wait3A_93 : memref<10000x16xf32, #tpu.memory_space<vmem_shared>>)
    %add3A_94 = arith.constant 4000 : i32
    %add3A_95 = arith.addi %mul3A_25, %add3A_94 : i32
    %dma_start3A_96 = tpu.memref_slice %arg3[%add3A_95] : memref<160000xi32, #tpu.memory_space<hbm>> -> memref<1000xi32, #tpu.memory_space<hbm>>
    %dma_start3A_97 = tpu.memref_slice %arg3[%add3A_95] : memref<160000xi32, #tpu.memory_space<hbm>> -> memref<1000xi32, #tpu.memory_space<hbm>>
    tpu.enqueue_dma source(%dma_start3A_97 : memref<1000xi32, #tpu.memory_space<hbm>>) target(%arg6 : memref<1000xi32, #tpu.memory_space<vmem>>) target_semaphore(%arg11 : memref<!tpu.dma_semaphore, #tpu.memory_space<semaphore_mem>>)
    %add3A_98 = arith.constant 4000 : i32
    %add3A_99 = arith.addi %sub3A_21, %add3A_98 : i32
    %mul3A_100 = arith.constant 16 : i32
    %mul3A_101 = arith.muli %select_n3A, %mul3A_100 : i32
    %dma_start3A_102 = tpu.memref_slice %arg2[%add3A_99, %mul3A_101] : memref<20000x128xf32, #tpu.memory_space<hbm>> -> memref<1000x16xf32, #tpu.memory_space<hbm>>
    %dma_start3A_103 = tpu.memref_slice %arg2[%add3A_99, %mul3A_101] : memref<20000x128xf32, #tpu.memory_space<hbm>> -> memref<1000x16xf32, #tpu.memory_space<hbm>>
    tpu.enqueue_dma source(%dma_start3A_103 : memref<1000x16xf32, #tpu.memory_space<hbm>>) target(%arg8 : memref<1000x16xf32, #tpu.memory_space<vmem>>) target_semaphore(%arg13 : memref<!tpu.dma_semaphore, #tpu.memory_space<semaphore_mem>>)
    %dma_wait3A_104 = tpu.memref_slice %arg3[%add3A_75] : memref<160000xi32, #tpu.memory_space<hbm>> -> memref<1000xi32, #tpu.memory_space<hbm>>
    %dma_wait3A_105 = tpu.memref_slice %arg3[%add3A_75] : memref<160000xi32, #tpu.memory_space<hbm>> -> memref<1000xi32, #tpu.memory_space<hbm>>
    tpu.wait_dma2 semaphore(%arg12 : memref<!tpu.dma_semaphore, #tpu.memory_space<semaphore_mem>>) src(%dma_wait3A_105 : memref<1000xi32, #tpu.memory_space<hbm>>) dst(%arg7 : memref<1000xi32, #tpu.memory_space<vmem>>)
    %dma_wait3A_106 = tpu.memref_slice %arg2[%add3A_79, %mul3A_81] : memref<20000x128xf32, #tpu.memory_space<hbm>> -> memref<1000x16xf32, #tpu.memory_space<hbm>>
    %dma_wait3A_107 = tpu.memref_slice %arg2[%add3A_79, %mul3A_81] : memref<20000x128xf32, #tpu.memory_space<hbm>> -> memref<1000x16xf32, #tpu.memory_space<hbm>>
    tpu.wait_dma2 semaphore(%arg14 : memref<!tpu.dma_semaphore, #tpu.memory_space<semaphore_mem>>) src(%dma_wait3A_107 : memref<1000x16xf32, #tpu.memory_space<hbm>>) dst(%arg9 : memref<1000x16xf32, #tpu.memory_space<vmem>>)
    %dma_start3A_108 = arith.constant 0 : i32
    %dma_start3A_109 = arith.constant 0 : i32
    %dma_start3A_110 = tpu.memref_slice %arg10[%dma_start3A_108, %dma_start3A_109] : memref<10000x16xf32, #tpu.memory_space<vmem_shared>> -> memref<10000x16xf32, #tpu.memory_space<vmem_shared>>
    tpu.enqueue_indirect_dma source(%arg9 : memref<1000x16xf32, #tpu.memory_space<vmem>>) target(%dma_start3A_110 : memref<10000x16xf32, #tpu.memory_space<vmem_shared>>) offsets(%arg7 : memref<1000xi32, #tpu.memory_space<vmem>>) semaphore(%arg16 : memref<!tpu.dma_semaphore, #tpu.memory_space<semaphore_mem>>) {add = true}
    %dma_wait3A_111 = tpu.memref_slice %arg3[%add3A_95] : memref<160000xi32, #tpu.memory_space<hbm>> -> memref<1000xi32, #tpu.memory_space<hbm>>
    %dma_wait3A_112 = tpu.memref_slice %arg3[%add3A_95] : memref<160000xi32, #tpu.memory_space<hbm>> -> memref<1000xi32, #tpu.memory_space<hbm>>
    tpu.wait_dma2 semaphore(%arg11 : memref<!tpu.dma_semaphore, #tpu.memory_space<semaphore_mem>>) src(%dma_wait3A_112 : memref<1000xi32, #tpu.memory_space<hbm>>) dst(%arg6 : memref<1000xi32, #tpu.memory_space<vmem>>)
    %dma_wait3A_113 = tpu.memref_slice %arg2[%add3A_99, %mul3A_101] : memref<20000x128xf32, #tpu.memory_space<hbm>> -> memref<1000x16xf32, #tpu.memory_space<hbm>>
    %dma_wait3A_114 = tpu.memref_slice %arg2[%add3A_99, %mul3A_101] : memref<20000x128xf32, #tpu.memory_space<hbm>> -> memref<1000x16xf32, #tpu.memory_space<hbm>>
    tpu.wait_dma2 semaphore(%arg13 : memref<!tpu.dma_semaphore, #tpu.memory_space<semaphore_mem>>) src(%dma_wait3A_114 : memref<1000x16xf32, #tpu.memory_space<hbm>>) dst(%arg8 : memref<1000x16xf32, #tpu.memory_space<vmem>>)
    %dma_start3A_115 = arith.constant 0 : i32
    %dma_start3A_116 = arith.constant 0 : i32
    %dma_start3A_117 = tpu.memref_slice %arg10[%dma_start3A_115, %dma_start3A_116] : memref<10000x16xf32, #tpu.memory_space<vmem_shared>> -> memref<10000x16xf32, #tpu.memory_space<vmem_shared>>
    tpu.enqueue_indirect_dma source(%arg8 : memref<1000x16xf32, #tpu.memory_space<vmem>>) target(%dma_start3A_117 : memref<10000x16xf32, #tpu.memory_space<vmem_shared>>) offsets(%arg6 : memref<1000xi32, #tpu.memory_space<vmem>>) semaphore(%arg15 : memref<!tpu.dma_semaphore, #tpu.memory_space<semaphore_mem>>) {add = true}
    %dma_wait3A_118 = arith.constant 0 : i32
    %dma_wait3A_119 = arith.constant 0 : i32
    %dma_wait3A_120 = tpu.memref_slice %arg10[%dma_wait3A_118, %dma_wait3A_119] : memref<10000x16xf32, #tpu.memory_space<vmem_shared>> -> memref<10000x16xf32, #tpu.memory_space<vmem_shared>>
    tpu.wait_indirect_dma semaphore(%arg15 : memref<!tpu.dma_semaphore, #tpu.memory_space<semaphore_mem>>) src(%arg8 : memref<1000x16xf32, #tpu.memory_space<vmem>>) dst(%dma_wait3A_120 : memref<10000x16xf32, #tpu.memory_space<vmem_shared>>)
    %dma_wait3A_121 = arith.constant 0 : i32
    %dma_wait3A_122 = arith.constant 0 : i32
    %dma_wait3A_123 = tpu.memref_slice %arg10[%dma_wait3A_121, %dma_wait3A_122] : memref<10000x16xf32, #tpu.memory_space<vmem_shared>> -> memref<10000x16xf32, #tpu.memory_space<vmem_shared>>
    tpu.wait_indirect_dma semaphore(%arg16 : memref<!tpu.dma_semaphore, #tpu.memory_space<semaphore_mem>>) src(%arg9 : memref<1000x16xf32, #tpu.memory_space<vmem>>) dst(%dma_wait3A_123 : memref<10000x16xf32, #tpu.memory_space<vmem_shared>>)
    %barrier3A_124 = arith.constant 0 : index
    tpu.barrier barrier_id(%barrier3A_124)
    "tpu.region"() ({
      %run_scoped3A = tpu.sem_alloc : memref<!tpu.dma_semaphore, #tpu.memory_space<semaphore_mem>>
      %dma_start3A_125 = arith.constant 0 : i32
      %dma_start3A_126 = tpu.memref_slice %arg5[%arg0, %mul3A_23, %dma_start3A_125] : memref<2x10000x16xf32, #tpu.memory_space<hbm>> -> memref<1x625x16xf32, #tpu.memory_space<hbm>>
      %dma_start3A_127 = tpu.memref_squeeze %dma_start3A_126 : memref<1x625x16xf32, #tpu.memory_space<hbm>> -> memref<625x16xf32, #tpu.memory_space<hbm>>
      %dma_start3A_128 = arith.constant 0 : i32
      %dma_start3A_129 = tpu.memref_slice %arg10[%mul3A_23, %dma_start3A_128] : memref<10000x16xf32, #tpu.memory_space<vmem_shared>> -> memref<625x16xf32, #tpu.memory_space<vmem_shared>>
      tpu.enqueue_dma source(%dma_start3A_129 : memref<625x16xf32, #tpu.memory_space<vmem_shared>>) target(%dma_start3A_127 : memref<625x16xf32, #tpu.memory_space<hbm>>) target_semaphore(%run_scoped3A : memref<!tpu.dma_semaphore, #tpu.memory_space<semaphore_mem>>)
      %dma_wait3A_130 = arith.constant 0 : i32
      %dma_wait3A_131 = tpu.memref_slice %arg5[%arg0, %mul3A_23, %dma_wait3A_130] : memref<2x10000x16xf32, #tpu.memory_space<hbm>> -> memref<1x625x16xf32, #tpu.memory_space<hbm>>
      %dma_wait3A_132 = tpu.memref_squeeze %dma_wait3A_131 : memref<1x625x16xf32, #tpu.memory_space<hbm>> -> memref<625x16xf32, #tpu.memory_space<hbm>>
      %dma_wait3A_133 = arith.constant 0 : i32
      %dma_wait3A_134 = tpu.memref_slice %arg10[%mul3A_23, %dma_wait3A_133] : memref<10000x16xf32, #tpu.memory_space<vmem_shared>> -> memref<625x16xf32, #tpu.memory_space<vmem_shared>>
      tpu.wait_dma2 semaphore(%run_scoped3A : memref<!tpu.dma_semaphore, #tpu.memory_space<semaphore_mem>>) src(%dma_wait3A_134 : memref<625x16xf32, #tpu.memory_space<vmem_shared>>) dst(%dma_wait3A_132 : memref<625x16xf32, #tpu.memory_space<hbm>>)
      tpu.yield
    }) : () -> ()
    return
  }
}

#map = affine_map<(d0, d1) -> (0, 0)>
#map1 = affine_map<(d0, d1) -> (0)>
#map2 = affine_map<(d0, d1) -> (0, 0, 0)>
module attributes {stable_mosaic.version = 14 : i64} {
  func.func @k(%arg0: i32, %arg1: i32, %arg2: memref<10000x32xf32, #tpu.memory_space<hbm>>, %arg3: memref<160000xi32, #tpu.memory_space<hbm>>, %arg4: memref<160000xi32, #tpu.memory_space<hbm>>, %arg5: memref<10000x32xf32, #tpu.memory_space<hbm>>, %arg6: memref<2x10000x32xf32, #tpu.memory_space<hbm>>, %arg7: memref<1000xi32, #tpu.memory_space<vmem>>, %arg8: memref<1000xi32, #tpu.memory_space<vmem>>, %arg9: memref<1000xi32, #tpu.memory_space<vmem>>, %arg10: memref<1000xi32, #tpu.memory_space<vmem>>, %arg11: memref<1000xi32, #tpu.memory_space<vmem>>, %arg12: memref<1000xi32, #tpu.memory_space<vmem>>, %arg13: memref<1000x32xf32, #tpu.memory_space<vmem>>, %arg14: memref<1000x32xf32, #tpu.memory_space<vmem>>, %arg15: memref<1000x32xf32, #tpu.memory_space<vmem>>, %arg16: memref<10000x32xf32, #tpu.memory_space<vmem_shared>>, %arg17: memref<!tpu.dma_semaphore, #tpu.memory_space<semaphore_mem>>, %arg18: memref<!tpu.dma_semaphore, #tpu.memory_space<semaphore_mem>>, %arg19: memref<!tpu.dma_semaphore, #tpu.memory_space<semaphore_mem>>, %arg20: memref<!tpu.dma_semaphore, #tpu.memory_space<semaphore_mem>>, %arg21: memref<!tpu.dma_semaphore, #tpu.memory_space<semaphore_mem>>, %arg22: memref<!tpu.dma_semaphore, #tpu.memory_space<semaphore_mem>>, %arg23: memref<!tpu.dma_semaphore, #tpu.memory_space<semaphore_mem>>, %arg24: memref<!tpu.dma_semaphore, #tpu.memory_space<semaphore_mem>>, %arg25: memref<!tpu.dma_semaphore, #tpu.memory_space<semaphore_mem>>, %arg26: memref<!tpu.dma_semaphore, #tpu.memory_space<semaphore_mem>>, %arg27: memref<!tpu.dma_semaphore, #tpu.memory_space<semaphore_mem>>, %arg28: memref<!tpu.dma_semaphore, #tpu.memory_space<semaphore_mem>>) attributes {dimension_semantics = [#tpu.dimension_semantics<core_parallel>, #tpu.dimension_semantics<subcore_parallel>], iteration_bounds = array<i64: 2, 16>, scalar_prefetch = 0 : i64, scratch_operands = 22 : i64, tpu.core_type = #tpu.core_type<sc_vector_subcore>, window_params = [{transform_indices = #map}, {transform_indices = #map1}, {transform_indices = #map1}, {transform_indices = #map}, {transform_indices = #map2}]} {
    %mul3A = arith.constant 2 : i32
    %mul3A_0 = arith.muli %arg1, %mul3A : i32
    %add3A = arith.addi %mul3A_0, %arg0 : i32
    %mul3A_1 = arith.constant 625 : i32
    %mul3A_2 = arith.muli %arg1, %mul3A_1 : i32
    "tpu.region"() ({
      %run_scoped3A = tpu.sem_alloc : memref<!tpu.dma_semaphore, #tpu.memory_space<semaphore_mem>>
      %dma_start3A_114 = arith.constant 0 : i32
      %dma_start3A_115 = tpu.memref_slice %arg16[%mul3A_2, %dma_start3A_114] : memref<10000x32xf32, #tpu.memory_space<vmem_shared>> -> memref<625x32xf32, #tpu.memory_space<vmem_shared>>
      %dma_start3A_116 = arith.constant 0 : i32
      %dma_start3A_117 = tpu.memref_slice %arg5[%mul3A_2, %dma_start3A_116] : memref<10000x32xf32, #tpu.memory_space<hbm>> -> memref<625x32xf32, #tpu.memory_space<hbm>>
      tpu.enqueue_dma source(%dma_start3A_117 : memref<625x32xf32, #tpu.memory_space<hbm>>) target(%dma_start3A_115 : memref<625x32xf32, #tpu.memory_space<vmem_shared>>) target_semaphore(%run_scoped3A : memref<!tpu.dma_semaphore, #tpu.memory_space<semaphore_mem>>)
      %dma_wait3A_118 = arith.constant 0 : i32
      %dma_wait3A_119 = tpu.memref_slice %arg16[%mul3A_2, %dma_wait3A_118] : memref<10000x32xf32, #tpu.memory_space<vmem_shared>> -> memref<625x32xf32, #tpu.memory_space<vmem_shared>>
      %dma_wait3A_120 = arith.constant 0 : i32
      %dma_wait3A_121 = tpu.memref_slice %arg5[%mul3A_2, %dma_wait3A_120] : memref<10000x32xf32, #tpu.memory_space<hbm>> -> memref<625x32xf32, #tpu.memory_space<hbm>>
      tpu.wait_dma2 semaphore(%run_scoped3A : memref<!tpu.dma_semaphore, #tpu.memory_space<semaphore_mem>>) src(%dma_wait3A_121 : memref<625x32xf32, #tpu.memory_space<hbm>>) dst(%dma_wait3A_119 : memref<625x32xf32, #tpu.memory_space<vmem_shared>>)
      tpu.yield
    }) : () -> ()
    %barrier3A = arith.constant 0 : index
    tpu.barrier barrier_id(%barrier3A)
    %mul3A_3 = arith.constant 5000 : i32
    %mul3A_4 = arith.muli %add3A, %mul3A_3 : i32
    %add3A_5 = arith.constant 0 : i32
    %add3A_6 = arith.addi %mul3A_4, %add3A_5 : i32
    %dma_start3A = tpu.memref_slice %arg3[%add3A_6] : memref<160000xi32, #tpu.memory_space<hbm>> -> memref<1000xi32, #tpu.memory_space<hbm>>
    %dma_start3A_7 = tpu.memref_slice %arg3[%add3A_6] : memref<160000xi32, #tpu.memory_space<hbm>> -> memref<1000xi32, #tpu.memory_space<hbm>>
    tpu.enqueue_dma source(%dma_start3A_7 : memref<1000xi32, #tpu.memory_space<hbm>>) target(%arg7 : memref<1000xi32, #tpu.memory_space<vmem>>) target_semaphore(%arg17 : memref<!tpu.dma_semaphore, #tpu.memory_space<semaphore_mem>>)
    %dma_start3A_8 = tpu.memref_slice %arg4[%add3A_6] : memref<160000xi32, #tpu.memory_space<hbm>> -> memref<1000xi32, #tpu.memory_space<hbm>>
    %dma_start3A_9 = tpu.memref_slice %arg4[%add3A_6] : memref<160000xi32, #tpu.memory_space<hbm>> -> memref<1000xi32, #tpu.memory_space<hbm>>
    tpu.enqueue_dma source(%dma_start3A_9 : memref<1000xi32, #tpu.memory_space<hbm>>) target(%arg10 : memref<1000xi32, #tpu.memory_space<vmem>>) target_semaphore(%arg20 : memref<!tpu.dma_semaphore, #tpu.memory_space<semaphore_mem>>)
    %add3A_10 = arith.constant 1000 : i32
    %add3A_11 = arith.addi %mul3A_4, %add3A_10 : i32
    %dma_start3A_12 = tpu.memref_slice %arg3[%add3A_11] : memref<160000xi32, #tpu.memory_space<hbm>> -> memref<1000xi32, #tpu.memory_space<hbm>>
    %dma_start3A_13 = tpu.memref_slice %arg3[%add3A_11] : memref<160000xi32, #tpu.memory_space<hbm>> -> memref<1000xi32, #tpu.memory_space<hbm>>
    tpu.enqueue_dma source(%dma_start3A_13 : memref<1000xi32, #tpu.memory_space<hbm>>) target(%arg8 : memref<1000xi32, #tpu.memory_space<vmem>>) target_semaphore(%arg18 : memref<!tpu.dma_semaphore, #tpu.memory_space<semaphore_mem>>)
    %dma_start3A_14 = tpu.memref_slice %arg4[%add3A_11] : memref<160000xi32, #tpu.memory_space<hbm>> -> memref<1000xi32, #tpu.memory_space<hbm>>
    %dma_start3A_15 = tpu.memref_slice %arg4[%add3A_11] : memref<160000xi32, #tpu.memory_space<hbm>> -> memref<1000xi32, #tpu.memory_space<hbm>>
    tpu.enqueue_dma source(%dma_start3A_15 : memref<1000xi32, #tpu.memory_space<hbm>>) target(%arg11 : memref<1000xi32, #tpu.memory_space<vmem>>) target_semaphore(%arg21 : memref<!tpu.dma_semaphore, #tpu.memory_space<semaphore_mem>>)
    %dma_wait3A = tpu.memref_slice %arg3[%add3A_6] : memref<160000xi32, #tpu.memory_space<hbm>> -> memref<1000xi32, #tpu.memory_space<hbm>>
    %dma_wait3A_16 = tpu.memref_slice %arg3[%add3A_6] : memref<160000xi32, #tpu.memory_space<hbm>> -> memref<1000xi32, #tpu.memory_space<hbm>>
    tpu.wait_dma2 semaphore(%arg17 : memref<!tpu.dma_semaphore, #tpu.memory_space<semaphore_mem>>) src(%dma_wait3A_16 : memref<1000xi32, #tpu.memory_space<hbm>>) dst(%arg7 : memref<1000xi32, #tpu.memory_space<vmem>>)
    %dma_start3A_17 = arith.constant 0 : i32
    %dma_start3A_18 = arith.constant 0 : i32
    %dma_start3A_19 = tpu.memref_slice %arg2[%dma_start3A_17, %dma_start3A_18] : memref<10000x32xf32, #tpu.memory_space<hbm>> -> memref<10000x32xf32, #tpu.memory_space<hbm>>
    tpu.enqueue_indirect_dma source(%dma_start3A_19 : memref<10000x32xf32, #tpu.memory_space<hbm>>) target(%arg13 : memref<1000x32xf32, #tpu.memory_space<vmem>>) offsets(%arg7 : memref<1000xi32, #tpu.memory_space<vmem>>) semaphore(%arg23 : memref<!tpu.dma_semaphore, #tpu.memory_space<semaphore_mem>>)
    %dma_wait3A_20 = arith.constant 0 : i32
    %dma_wait3A_21 = arith.constant 0 : i32
    %dma_wait3A_22 = tpu.memref_slice %arg2[%dma_wait3A_20, %dma_wait3A_21] : memref<10000x32xf32, #tpu.memory_space<hbm>> -> memref<10000x32xf32, #tpu.memory_space<hbm>>
    tpu.wait_indirect_dma semaphore(%arg23 : memref<!tpu.dma_semaphore, #tpu.memory_space<semaphore_mem>>) src(%dma_wait3A_22 : memref<10000x32xf32, #tpu.memory_space<hbm>>) dst(%arg13 : memref<1000x32xf32, #tpu.memory_space<vmem>>)
    %dma_wait3A_23 = tpu.memref_slice %arg4[%add3A_6] : memref<160000xi32, #tpu.memory_space<hbm>> -> memref<1000xi32, #tpu.memory_space<hbm>>
    %dma_wait3A_24 = tpu.memref_slice %arg4[%add3A_6] : memref<160000xi32, #tpu.memory_space<hbm>> -> memref<1000xi32, #tpu.memory_space<hbm>>
    tpu.wait_dma2 semaphore(%arg20 : memref<!tpu.dma_semaphore, #tpu.memory_space<semaphore_mem>>) src(%dma_wait3A_24 : memref<1000xi32, #tpu.memory_space<hbm>>) dst(%arg10 : memref<1000xi32, #tpu.memory_space<vmem>>)
    %dma_start3A_25 = arith.constant 0 : i32
    %dma_start3A_26 = arith.constant 0 : i32
    %dma_start3A_27 = tpu.memref_slice %arg16[%dma_start3A_25, %dma_start3A_26] : memref<10000x32xf32, #tpu.memory_space<vmem_shared>> -> memref<10000x32xf32, #tpu.memory_space<vmem_shared>>
    tpu.enqueue_indirect_dma source(%arg13 : memref<1000x32xf32, #tpu.memory_space<vmem>>) target(%dma_start3A_27 : memref<10000x32xf32, #tpu.memory_space<vmem_shared>>) offsets(%arg10 : memref<1000xi32, #tpu.memory_space<vmem>>) semaphore(%arg26 : memref<!tpu.dma_semaphore, #tpu.memory_space<semaphore_mem>>) {add = true}
    %add3A_28 = arith.constant 2000 : i32
    %add3A_29 = arith.addi %mul3A_4, %add3A_28 : i32
    %dma_start3A_30 = tpu.memref_slice %arg3[%add3A_29] : memref<160000xi32, #tpu.memory_space<hbm>> -> memref<1000xi32, #tpu.memory_space<hbm>>
    %dma_start3A_31 = tpu.memref_slice %arg3[%add3A_29] : memref<160000xi32, #tpu.memory_space<hbm>> -> memref<1000xi32, #tpu.memory_space<hbm>>
    tpu.enqueue_dma source(%dma_start3A_31 : memref<1000xi32, #tpu.memory_space<hbm>>) target(%arg9 : memref<1000xi32, #tpu.memory_space<vmem>>) target_semaphore(%arg19 : memref<!tpu.dma_semaphore, #tpu.memory_space<semaphore_mem>>)
    %dma_start3A_32 = tpu.memref_slice %arg4[%add3A_29] : memref<160000xi32, #tpu.memory_space<hbm>> -> memref<1000xi32, #tpu.memory_space<hbm>>
    %dma_start3A_33 = tpu.memref_slice %arg4[%add3A_29] : memref<160000xi32, #tpu.memory_space<hbm>> -> memref<1000xi32, #tpu.memory_space<hbm>>
    tpu.enqueue_dma source(%dma_start3A_33 : memref<1000xi32, #tpu.memory_space<hbm>>) target(%arg12 : memref<1000xi32, #tpu.memory_space<vmem>>) target_semaphore(%arg22 : memref<!tpu.dma_semaphore, #tpu.memory_space<semaphore_mem>>)
    %dma_wait3A_34 = tpu.memref_slice %arg3[%add3A_11] : memref<160000xi32, #tpu.memory_space<hbm>> -> memref<1000xi32, #tpu.memory_space<hbm>>
    %dma_wait3A_35 = tpu.memref_slice %arg3[%add3A_11] : memref<160000xi32, #tpu.memory_space<hbm>> -> memref<1000xi32, #tpu.memory_space<hbm>>
    tpu.wait_dma2 semaphore(%arg18 : memref<!tpu.dma_semaphore, #tpu.memory_space<semaphore_mem>>) src(%dma_wait3A_35 : memref<1000xi32, #tpu.memory_space<hbm>>) dst(%arg8 : memref<1000xi32, #tpu.memory_space<vmem>>)
    %dma_start3A_36 = arith.constant 0 : i32
    %dma_start3A_37 = arith.constant 0 : i32
    %dma_start3A_38 = tpu.memref_slice %arg2[%dma_start3A_36, %dma_start3A_37] : memref<10000x32xf32, #tpu.memory_space<hbm>> -> memref<10000x32xf32, #tpu.memory_space<hbm>>
    tpu.enqueue_indirect_dma source(%dma_start3A_38 : memref<10000x32xf32, #tpu.memory_space<hbm>>) target(%arg14 : memref<1000x32xf32, #tpu.memory_space<vmem>>) offsets(%arg8 : memref<1000xi32, #tpu.memory_space<vmem>>) semaphore(%arg24 : memref<!tpu.dma_semaphore, #tpu.memory_space<semaphore_mem>>)
    %dma_wait3A_39 = arith.constant 0 : i32
    %dma_wait3A_40 = arith.constant 0 : i32
    %dma_wait3A_41 = tpu.memref_slice %arg2[%dma_wait3A_39, %dma_wait3A_40] : memref<10000x32xf32, #tpu.memory_space<hbm>> -> memref<10000x32xf32, #tpu.memory_space<hbm>>
    tpu.wait_indirect_dma semaphore(%arg24 : memref<!tpu.dma_semaphore, #tpu.memory_space<semaphore_mem>>) src(%dma_wait3A_41 : memref<10000x32xf32, #tpu.memory_space<hbm>>) dst(%arg14 : memref<1000x32xf32, #tpu.memory_space<vmem>>)
    %dma_wait3A_42 = tpu.memref_slice %arg4[%add3A_11] : memref<160000xi32, #tpu.memory_space<hbm>> -> memref<1000xi32, #tpu.memory_space<hbm>>
    %dma_wait3A_43 = tpu.memref_slice %arg4[%add3A_11] : memref<160000xi32, #tpu.memory_space<hbm>> -> memref<1000xi32, #tpu.memory_space<hbm>>
    tpu.wait_dma2 semaphore(%arg21 : memref<!tpu.dma_semaphore, #tpu.memory_space<semaphore_mem>>) src(%dma_wait3A_43 : memref<1000xi32, #tpu.memory_space<hbm>>) dst(%arg11 : memref<1000xi32, #tpu.memory_space<vmem>>)
    %dma_start3A_44 = arith.constant 0 : i32
    %dma_start3A_45 = arith.constant 0 : i32
    %dma_start3A_46 = tpu.memref_slice %arg16[%dma_start3A_44, %dma_start3A_45] : memref<10000x32xf32, #tpu.memory_space<vmem_shared>> -> memref<10000x32xf32, #tpu.memory_space<vmem_shared>>
    tpu.enqueue_indirect_dma source(%arg14 : memref<1000x32xf32, #tpu.memory_space<vmem>>) target(%dma_start3A_46 : memref<10000x32xf32, #tpu.memory_space<vmem_shared>>) offsets(%arg11 : memref<1000xi32, #tpu.memory_space<vmem>>) semaphore(%arg27 : memref<!tpu.dma_semaphore, #tpu.memory_space<semaphore_mem>>) {add = true}
    %dma_wait3A_47 = arith.constant 0 : i32
    %dma_wait3A_48 = arith.constant 0 : i32
    %dma_wait3A_49 = tpu.memref_slice %arg16[%dma_wait3A_47, %dma_wait3A_48] : memref<10000x32xf32, #tpu.memory_space<vmem_shared>> -> memref<10000x32xf32, #tpu.memory_space<vmem_shared>>
    tpu.wait_indirect_dma semaphore(%arg26 : memref<!tpu.dma_semaphore, #tpu.memory_space<semaphore_mem>>) src(%arg13 : memref<1000x32xf32, #tpu.memory_space<vmem>>) dst(%dma_wait3A_49 : memref<10000x32xf32, #tpu.memory_space<vmem_shared>>)
    %add3A_50 = arith.constant 3000 : i32
    %add3A_51 = arith.addi %mul3A_4, %add3A_50 : i32
    %dma_start3A_52 = tpu.memref_slice %arg3[%add3A_51] : memref<160000xi32, #tpu.memory_space<hbm>> -> memref<1000xi32, #tpu.memory_space<hbm>>
    %dma_start3A_53 = tpu.memref_slice %arg3[%add3A_51] : memref<160000xi32, #tpu.memory_space<hbm>> -> memref<1000xi32, #tpu.memory_space<hbm>>
    tpu.enqueue_dma source(%dma_start3A_53 : memref<1000xi32, #tpu.memory_space<hbm>>) target(%arg7 : memref<1000xi32, #tpu.memory_space<vmem>>) target_semaphore(%arg17 : memref<!tpu.dma_semaphore, #tpu.memory_space<semaphore_mem>>)
    %dma_start3A_54 = tpu.memref_slice %arg4[%add3A_51] : memref<160000xi32, #tpu.memory_space<hbm>> -> memref<1000xi32, #tpu.memory_space<hbm>>
    %dma_start3A_55 = tpu.memref_slice %arg4[%add3A_51] : memref<160000xi32, #tpu.memory_space<hbm>> -> memref<1000xi32, #tpu.memory_space<hbm>>
    tpu.enqueue_dma source(%dma_start3A_55 : memref<1000xi32, #tpu.memory_space<hbm>>) target(%arg10 : memref<1000xi32, #tpu.memory_space<vmem>>) target_semaphore(%arg20 : memref<!tpu.dma_semaphore, #tpu.memory_space<semaphore_mem>>)
    %dma_wait3A_56 = tpu.memref_slice %arg3[%add3A_29] : memref<160000xi32, #tpu.memory_space<hbm>> -> memref<1000xi32, #tpu.memory_space<hbm>>
    %dma_wait3A_57 = tpu.memref_slice %arg3[%add3A_29] : memref<160000xi32, #tpu.memory_space<hbm>> -> memref<1000xi32, #tpu.memory_space<hbm>>
    tpu.wait_dma2 semaphore(%arg19 : memref<!tpu.dma_semaphore, #tpu.memory_space<semaphore_mem>>) src(%dma_wait3A_57 : memref<1000xi32, #tpu.memory_space<hbm>>) dst(%arg9 : memref<1000xi32, #tpu.memory_space<vmem>>)
    %dma_start3A_58 = arith.constant 0 : i32
    %dma_start3A_59 = arith.constant 0 : i32
    %dma_start3A_60 = tpu.memref_slice %arg2[%dma_start3A_58, %dma_start3A_59] : memref<10000x32xf32, #tpu.memory_space<hbm>> -> memref<10000x32xf32, #tpu.memory_space<hbm>>
    tpu.enqueue_indirect_dma source(%dma_start3A_60 : memref<10000x32xf32, #tpu.memory_space<hbm>>) target(%arg15 : memref<1000x32xf32, #tpu.memory_space<vmem>>) offsets(%arg9 : memref<1000xi32, #tpu.memory_space<vmem>>) semaphore(%arg25 : memref<!tpu.dma_semaphore, #tpu.memory_space<semaphore_mem>>)
    %dma_wait3A_61 = arith.constant 0 : i32
    %dma_wait3A_62 = arith.constant 0 : i32
    %dma_wait3A_63 = tpu.memref_slice %arg2[%dma_wait3A_61, %dma_wait3A_62] : memref<10000x32xf32, #tpu.memory_space<hbm>> -> memref<10000x32xf32, #tpu.memory_space<hbm>>
    tpu.wait_indirect_dma semaphore(%arg25 : memref<!tpu.dma_semaphore, #tpu.memory_space<semaphore_mem>>) src(%dma_wait3A_63 : memref<10000x32xf32, #tpu.memory_space<hbm>>) dst(%arg15 : memref<1000x32xf32, #tpu.memory_space<vmem>>)
    %dma_wait3A_64 = tpu.memref_slice %arg4[%add3A_29] : memref<160000xi32, #tpu.memory_space<hbm>> -> memref<1000xi32, #tpu.memory_space<hbm>>
    %dma_wait3A_65 = tpu.memref_slice %arg4[%add3A_29] : memref<160000xi32, #tpu.memory_space<hbm>> -> memref<1000xi32, #tpu.memory_space<hbm>>
    tpu.wait_dma2 semaphore(%arg22 : memref<!tpu.dma_semaphore, #tpu.memory_space<semaphore_mem>>) src(%dma_wait3A_65 : memref<1000xi32, #tpu.memory_space<hbm>>) dst(%arg12 : memref<1000xi32, #tpu.memory_space<vmem>>)
    %dma_start3A_66 = arith.constant 0 : i32
    %dma_start3A_67 = arith.constant 0 : i32
    %dma_start3A_68 = tpu.memref_slice %arg16[%dma_start3A_66, %dma_start3A_67] : memref<10000x32xf32, #tpu.memory_space<vmem_shared>> -> memref<10000x32xf32, #tpu.memory_space<vmem_shared>>
    tpu.enqueue_indirect_dma source(%arg15 : memref<1000x32xf32, #tpu.memory_space<vmem>>) target(%dma_start3A_68 : memref<10000x32xf32, #tpu.memory_space<vmem_shared>>) offsets(%arg12 : memref<1000xi32, #tpu.memory_space<vmem>>) semaphore(%arg28 : memref<!tpu.dma_semaphore, #tpu.memory_space<semaphore_mem>>) {add = true}
    %dma_wait3A_69 = arith.constant 0 : i32
    %dma_wait3A_70 = arith.constant 0 : i32
    %dma_wait3A_71 = tpu.memref_slice %arg16[%dma_wait3A_69, %dma_wait3A_70] : memref<10000x32xf32, #tpu.memory_space<vmem_shared>> -> memref<10000x32xf32, #tpu.memory_space<vmem_shared>>
    tpu.wait_indirect_dma semaphore(%arg27 : memref<!tpu.dma_semaphore, #tpu.memory_space<semaphore_mem>>) src(%arg14 : memref<1000x32xf32, #tpu.memory_space<vmem>>) dst(%dma_wait3A_71 : memref<10000x32xf32, #tpu.memory_space<vmem_shared>>)
    %add3A_72 = arith.constant 4000 : i32
    %add3A_73 = arith.addi %mul3A_4, %add3A_72 : i32
    %dma_start3A_74 = tpu.memref_slice %arg3[%add3A_73] : memref<160000xi32, #tpu.memory_space<hbm>> -> memref<1000xi32, #tpu.memory_space<hbm>>
    %dma_start3A_75 = tpu.memref_slice %arg3[%add3A_73] : memref<160000xi32, #tpu.memory_space<hbm>> -> memref<1000xi32, #tpu.memory_space<hbm>>
    tpu.enqueue_dma source(%dma_start3A_75 : memref<1000xi32, #tpu.memory_space<hbm>>) target(%arg8 : memref<1000xi32, #tpu.memory_space<vmem>>) target_semaphore(%arg18 : memref<!tpu.dma_semaphore, #tpu.memory_space<semaphore_mem>>)
    %dma_start3A_76 = tpu.memref_slice %arg4[%add3A_73] : memref<160000xi32, #tpu.memory_space<hbm>> -> memref<1000xi32, #tpu.memory_space<hbm>>
    %dma_start3A_77 = tpu.memref_slice %arg4[%add3A_73] : memref<160000xi32, #tpu.memory_space<hbm>> -> memref<1000xi32, #tpu.memory_space<hbm>>
    tpu.enqueue_dma source(%dma_start3A_77 : memref<1000xi32, #tpu.memory_space<hbm>>) target(%arg11 : memref<1000xi32, #tpu.memory_space<vmem>>) target_semaphore(%arg21 : memref<!tpu.dma_semaphore, #tpu.memory_space<semaphore_mem>>)
    %dma_wait3A_78 = tpu.memref_slice %arg3[%add3A_51] : memref<160000xi32, #tpu.memory_space<hbm>> -> memref<1000xi32, #tpu.memory_space<hbm>>
    %dma_wait3A_79 = tpu.memref_slice %arg3[%add3A_51] : memref<160000xi32, #tpu.memory_space<hbm>> -> memref<1000xi32, #tpu.memory_space<hbm>>
    tpu.wait_dma2 semaphore(%arg17 : memref<!tpu.dma_semaphore, #tpu.memory_space<semaphore_mem>>) src(%dma_wait3A_79 : memref<1000xi32, #tpu.memory_space<hbm>>) dst(%arg7 : memref<1000xi32, #tpu.memory_space<vmem>>)
    %dma_start3A_80 = arith.constant 0 : i32
    %dma_start3A_81 = arith.constant 0 : i32
    %dma_start3A_82 = tpu.memref_slice %arg2[%dma_start3A_80, %dma_start3A_81] : memref<10000x32xf32, #tpu.memory_space<hbm>> -> memref<10000x32xf32, #tpu.memory_space<hbm>>
    tpu.enqueue_indirect_dma source(%dma_start3A_82 : memref<10000x32xf32, #tpu.memory_space<hbm>>) target(%arg13 : memref<1000x32xf32, #tpu.memory_space<vmem>>) offsets(%arg7 : memref<1000xi32, #tpu.memory_space<vmem>>) semaphore(%arg23 : memref<!tpu.dma_semaphore, #tpu.memory_space<semaphore_mem>>)
    %dma_wait3A_83 = arith.constant 0 : i32
    %dma_wait3A_84 = arith.constant 0 : i32
    %dma_wait3A_85 = tpu.memref_slice %arg2[%dma_wait3A_83, %dma_wait3A_84] : memref<10000x32xf32, #tpu.memory_space<hbm>> -> memref<10000x32xf32, #tpu.memory_space<hbm>>
    tpu.wait_indirect_dma semaphore(%arg23 : memref<!tpu.dma_semaphore, #tpu.memory_space<semaphore_mem>>) src(%dma_wait3A_85 : memref<10000x32xf32, #tpu.memory_space<hbm>>) dst(%arg13 : memref<1000x32xf32, #tpu.memory_space<vmem>>)
    %dma_wait3A_86 = tpu.memref_slice %arg4[%add3A_51] : memref<160000xi32, #tpu.memory_space<hbm>> -> memref<1000xi32, #tpu.memory_space<hbm>>
    %dma_wait3A_87 = tpu.memref_slice %arg4[%add3A_51] : memref<160000xi32, #tpu.memory_space<hbm>> -> memref<1000xi32, #tpu.memory_space<hbm>>
    tpu.wait_dma2 semaphore(%arg20 : memref<!tpu.dma_semaphore, #tpu.memory_space<semaphore_mem>>) src(%dma_wait3A_87 : memref<1000xi32, #tpu.memory_space<hbm>>) dst(%arg10 : memref<1000xi32, #tpu.memory_space<vmem>>)
    %dma_start3A_88 = arith.constant 0 : i32
    %dma_start3A_89 = arith.constant 0 : i32
    %dma_start3A_90 = tpu.memref_slice %arg16[%dma_start3A_88, %dma_start3A_89] : memref<10000x32xf32, #tpu.memory_space<vmem_shared>> -> memref<10000x32xf32, #tpu.memory_space<vmem_shared>>
    tpu.enqueue_indirect_dma source(%arg13 : memref<1000x32xf32, #tpu.memory_space<vmem>>) target(%dma_start3A_90 : memref<10000x32xf32, #tpu.memory_space<vmem_shared>>) offsets(%arg10 : memref<1000xi32, #tpu.memory_space<vmem>>) semaphore(%arg26 : memref<!tpu.dma_semaphore, #tpu.memory_space<semaphore_mem>>) {add = true}
    %dma_wait3A_91 = tpu.memref_slice %arg3[%add3A_73] : memref<160000xi32, #tpu.memory_space<hbm>> -> memref<1000xi32, #tpu.memory_space<hbm>>
    %dma_wait3A_92 = tpu.memref_slice %arg3[%add3A_73] : memref<160000xi32, #tpu.memory_space<hbm>> -> memref<1000xi32, #tpu.memory_space<hbm>>
    tpu.wait_dma2 semaphore(%arg18 : memref<!tpu.dma_semaphore, #tpu.memory_space<semaphore_mem>>) src(%dma_wait3A_92 : memref<1000xi32, #tpu.memory_space<hbm>>) dst(%arg8 : memref<1000xi32, #tpu.memory_space<vmem>>)
    %dma_start3A_93 = arith.constant 0 : i32
    %dma_start3A_94 = arith.constant 0 : i32
    %dma_start3A_95 = tpu.memref_slice %arg2[%dma_start3A_93, %dma_start3A_94] : memref<10000x32xf32, #tpu.memory_space<hbm>> -> memref<10000x32xf32, #tpu.memory_space<hbm>>
    tpu.enqueue_indirect_dma source(%dma_start3A_95 : memref<10000x32xf32, #tpu.memory_space<hbm>>) target(%arg14 : memref<1000x32xf32, #tpu.memory_space<vmem>>) offsets(%arg8 : memref<1000xi32, #tpu.memory_space<vmem>>) semaphore(%arg24 : memref<!tpu.dma_semaphore, #tpu.memory_space<semaphore_mem>>)
    %dma_wait3A_96 = arith.constant 0 : i32
    %dma_wait3A_97 = arith.constant 0 : i32
    %dma_wait3A_98 = tpu.memref_slice %arg2[%dma_wait3A_96, %dma_wait3A_97] : memref<10000x32xf32, #tpu.memory_space<hbm>> -> memref<10000x32xf32, #tpu.memory_space<hbm>>
    tpu.wait_indirect_dma semaphore(%arg24 : memref<!tpu.dma_semaphore, #tpu.memory_space<semaphore_mem>>) src(%dma_wait3A_98 : memref<10000x32xf32, #tpu.memory_space<hbm>>) dst(%arg14 : memref<1000x32xf32, #tpu.memory_space<vmem>>)
    %dma_wait3A_99 = tpu.memref_slice %arg4[%add3A_73] : memref<160000xi32, #tpu.memory_space<hbm>> -> memref<1000xi32, #tpu.memory_space<hbm>>
    %dma_wait3A_100 = tpu.memref_slice %arg4[%add3A_73] : memref<160000xi32, #tpu.memory_space<hbm>> -> memref<1000xi32, #tpu.memory_space<hbm>>
    tpu.wait_dma2 semaphore(%arg21 : memref<!tpu.dma_semaphore, #tpu.memory_space<semaphore_mem>>) src(%dma_wait3A_100 : memref<1000xi32, #tpu.memory_space<hbm>>) dst(%arg11 : memref<1000xi32, #tpu.memory_space<vmem>>)
    %dma_start3A_101 = arith.constant 0 : i32
    %dma_start3A_102 = arith.constant 0 : i32
    %dma_start3A_103 = tpu.memref_slice %arg16[%dma_start3A_101, %dma_start3A_102] : memref<10000x32xf32, #tpu.memory_space<vmem_shared>> -> memref<10000x32xf32, #tpu.memory_space<vmem_shared>>
    tpu.enqueue_indirect_dma source(%arg14 : memref<1000x32xf32, #tpu.memory_space<vmem>>) target(%dma_start3A_103 : memref<10000x32xf32, #tpu.memory_space<vmem_shared>>) offsets(%arg11 : memref<1000xi32, #tpu.memory_space<vmem>>) semaphore(%arg27 : memref<!tpu.dma_semaphore, #tpu.memory_space<semaphore_mem>>) {add = true}
    %dma_wait3A_104 = arith.constant 0 : i32
    %dma_wait3A_105 = arith.constant 0 : i32
    %dma_wait3A_106 = tpu.memref_slice %arg16[%dma_wait3A_104, %dma_wait3A_105] : memref<10000x32xf32, #tpu.memory_space<vmem_shared>> -> memref<10000x32xf32, #tpu.memory_space<vmem_shared>>
    tpu.wait_indirect_dma semaphore(%arg26 : memref<!tpu.dma_semaphore, #tpu.memory_space<semaphore_mem>>) src(%arg13 : memref<1000x32xf32, #tpu.memory_space<vmem>>) dst(%dma_wait3A_106 : memref<10000x32xf32, #tpu.memory_space<vmem_shared>>)
    %dma_wait3A_107 = arith.constant 0 : i32
    %dma_wait3A_108 = arith.constant 0 : i32
    %dma_wait3A_109 = tpu.memref_slice %arg16[%dma_wait3A_107, %dma_wait3A_108] : memref<10000x32xf32, #tpu.memory_space<vmem_shared>> -> memref<10000x32xf32, #tpu.memory_space<vmem_shared>>
    tpu.wait_indirect_dma semaphore(%arg27 : memref<!tpu.dma_semaphore, #tpu.memory_space<semaphore_mem>>) src(%arg14 : memref<1000x32xf32, #tpu.memory_space<vmem>>) dst(%dma_wait3A_109 : memref<10000x32xf32, #tpu.memory_space<vmem_shared>>)
    %dma_wait3A_110 = arith.constant 0 : i32
    %dma_wait3A_111 = arith.constant 0 : i32
    %dma_wait3A_112 = tpu.memref_slice %arg16[%dma_wait3A_110, %dma_wait3A_111] : memref<10000x32xf32, #tpu.memory_space<vmem_shared>> -> memref<10000x32xf32, #tpu.memory_space<vmem_shared>>
    tpu.wait_indirect_dma semaphore(%arg28 : memref<!tpu.dma_semaphore, #tpu.memory_space<semaphore_mem>>) src(%arg15 : memref<1000x32xf32, #tpu.memory_space<vmem>>) dst(%dma_wait3A_112 : memref<10000x32xf32, #tpu.memory_space<vmem_shared>>)
    %barrier3A_113 = arith.constant 0 : index
    tpu.barrier barrier_id(%barrier3A_113)
    "tpu.region"() ({
      %run_scoped3A = tpu.sem_alloc : memref<!tpu.dma_semaphore, #tpu.memory_space<semaphore_mem>>
      %dma_start3A_114 = arith.constant 0 : i32
      %dma_start3A_115 = tpu.memref_slice %arg6[%arg0, %mul3A_2, %dma_start3A_114] : memref<2x10000x32xf32, #tpu.memory_space<hbm>> -> memref<1x625x32xf32, #tpu.memory_space<hbm>>
      %dma_start3A_116 = tpu.memref_squeeze %dma_start3A_115 : memref<1x625x32xf32, #tpu.memory_space<hbm>> -> memref<625x32xf32, #tpu.memory_space<hbm>>
      %dma_start3A_117 = arith.constant 0 : i32
      %dma_start3A_118 = tpu.memref_slice %arg16[%mul3A_2, %dma_start3A_117] : memref<10000x32xf32, #tpu.memory_space<vmem_shared>> -> memref<625x32xf32, #tpu.memory_space<vmem_shared>>
      tpu.enqueue_dma source(%dma_start3A_118 : memref<625x32xf32, #tpu.memory_space<vmem_shared>>) target(%dma_start3A_116 : memref<625x32xf32, #tpu.memory_space<hbm>>) target_semaphore(%run_scoped3A : memref<!tpu.dma_semaphore, #tpu.memory_space<semaphore_mem>>)
      %dma_wait3A_119 = arith.constant 0 : i32
      %dma_wait3A_120 = tpu.memref_slice %arg6[%arg0, %mul3A_2, %dma_wait3A_119] : memref<2x10000x32xf32, #tpu.memory_space<hbm>> -> memref<1x625x32xf32, #tpu.memory_space<hbm>>
      %dma_wait3A_121 = tpu.memref_squeeze %dma_wait3A_120 : memref<1x625x32xf32, #tpu.memory_space<hbm>> -> memref<625x32xf32, #tpu.memory_space<hbm>>
      %dma_wait3A_122 = arith.constant 0 : i32
      %dma_wait3A_123 = tpu.memref_slice %arg16[%mul3A_2, %dma_wait3A_122] : memref<10000x32xf32, #tpu.memory_space<vmem_shared>> -> memref<625x32xf32, #tpu.memory_space<vmem_shared>>
      tpu.wait_dma2 semaphore(%run_scoped3A : memref<!tpu.dma_semaphore, #tpu.memory_space<semaphore_mem>>) src(%dma_wait3A_123 : memref<625x32xf32, #tpu.memory_space<vmem_shared>>) dst(%dma_wait3A_121 : memref<625x32xf32, #tpu.memory_space<hbm>>)
      tpu.yield
    }) : () -> ()
    return
  }
}

module attributes {stable_mosaic.version = 14 : i64} {
  func.func @body(%arg0: memref<1250x1024xf32, #tpu.memory_space<vmem>>, %arg1: memref<1024x128xf32, #tpu.memory_space<vmem>>, %arg2: memref<1x128xf32, #tpu.memory_space<vmem>>, %arg3: memref<1250x128xf32, #tpu.memory_space<vmem>>) attributes {dimension_semantics = [], scalar_prefetch = 0 : i64, scratch_operands = 0 : i64, tpu.core_type = #tpu.core_type<tc>} {
    %get3A = arith.constant 0 : index
    %get3A_0 = arith.constant 0 : index
    %get3A_1 = vector.load %arg0[%get3A, %get3A_0] : memref<1250x1024xf32, #tpu.memory_space<vmem>>, vector<1250x1024xf32>
    %get3A_2 = arith.constant 0 : index
    %get3A_3 = arith.constant 0 : index
    %get3A_4 = vector.load %arg1[%get3A_2, %get3A_3] : memref<1024x128xf32, #tpu.memory_space<vmem>>, vector<1024x128xf32>
    %dot_general3A = arith.constant dense<0.000000e+00> : vector<1250x128xf32>
    %dot_general3A_5 = tpu.matmul %get3A_1, %get3A_4, %dot_general3A {dimension_numbers = #tpu.dot_dimension_numbers<[1], [0], [0], [1], [0, 0, 1, 1], [], []>, transpose_lhs_hint = false} : vector<1250x1024xf32>, vector<1024x128xf32>, vector<1250x128xf32> -> vector<1250x128xf32>
    %get3A_6 = arith.constant 0 : index
    %get3A_7 = arith.constant 0 : index
    %get3A_8 = vector.load %arg2[%get3A_6, %get3A_7] : memref<1x128xf32, #tpu.memory_space<vmem>>, vector<1x128xf32>
    %add3A = vector.broadcast %get3A_8 : vector<1x128xf32> to vector<1250x128xf32>
    %add3A_9 = arith.addf %dot_general3A_5, %add3A : vector<1250x128xf32>
    %max3A = arith.constant 0.000000e+00 : f32
    %max3A_10 = vector.broadcast %max3A : f32 to vector<1250x128xf32>
    %max3A_11 = arith.maximumf %add3A_9, %max3A_10 : vector<1250x128xf32>
    %swap3A = arith.constant 0 : index
    %swap3A_12 = arith.constant 0 : index
    %swap3A_13 = vector.load %arg3[%swap3A, %swap3A_12] : memref<1250x128xf32, #tpu.memory_space<vmem>>, vector<1250x128xf32>
    tpu.vector_store %arg3[%swap3A, %swap3A_12], %max3A_11 {strides = array<i32>} : memref<1250x128xf32, #tpu.memory_space<vmem>>, vector<1250x128xf32>,
    return
  }
}

module attributes {stable_mosaic.version = 14 : i64} {
  func.func @body(%arg0: i32, %arg1: memref<2000x128xf32, #tpu.memory_space<vmem>>, %arg2: memref<2000x32xf32, #tpu.memory_space<vmem>>, %arg3: memref<32x256xf32, #tpu.memory_space<vmem>>, %arg4: memref<1x256xf32, #tpu.memory_space<vmem>>, %arg5: memref<256x2048xbf16, #tpu.memory_space<vmem>>, %arg6: memref<1x2048xf32, #tpu.memory_space<vmem>>, %arg7: memref<2048x128xbf16, #tpu.memory_space<vmem>>, %arg8: memref<2000x128xf32, #tpu.memory_space<vmem>>) attributes {dimension_semantics = [#tpu.dimension_semantics<arbitrary>], iteration_bounds = array<i64: 10>, scalar_prefetch = 0 : i64, scratch_operands = 0 : i64, tpu.core_type = #tpu.core_type<tc>, window_params = [{transform_indices = @transform_0, window_bounds = array<i64: 2000, 128>}, {transform_indices = @transform_1, window_bounds = array<i64: 2000, 32>}, {pipeline_mode = #tpu.pipeline_mode<synchronous>, transform_indices = @transform_2, window_bounds = array<i64: 32, 256>}, {pipeline_mode = #tpu.pipeline_mode<synchronous>, transform_indices = @transform_3, window_bounds = array<i64: 1, 256>}, {pipeline_mode = #tpu.pipeline_mode<synchronous>, transform_indices = @transform_4, window_bounds = array<i64: 256, 2048>}, {pipeline_mode = #tpu.pipeline_mode<synchronous>, transform_indices = @transform_5, window_bounds = array<i64: 1, 2048>}, {pipeline_mode = #tpu.pipeline_mode<synchronous>, transform_indices = @transform_6, window_bounds = array<i64: 2048, 128>}, {transform_indices = @transform_7, window_bounds = array<i64: 2000, 128>}]} {
    %get3A = arith.constant 0 : index
    %get3A_0 = arith.constant 0 : index
    %get3A_1 = vector.load %arg2[%get3A, %get3A_0] : memref<2000x32xf32, #tpu.memory_space<vmem>>, vector<2000x32xf32>
    %get3A_2 = arith.constant 0 : index
    %get3A_3 = arith.constant 0 : index
    %get3A_4 = vector.load %arg3[%get3A_2, %get3A_3] : memref<32x256xf32, #tpu.memory_space<vmem>>, vector<32x256xf32>
    %dot_general3A = arith.constant dense<0.000000e+00> : vector<2000x256xf32>
    %dot_general3A_5 = tpu.matmul %get3A_1, %get3A_4, %dot_general3A {dimension_numbers = #tpu.dot_dimension_numbers<[1], [0], [0], [1], [0, 0, 1, 1], [], []>, transpose_lhs_hint = false} : vector<2000x32xf32>, vector<32x256xf32>, vector<2000x256xf32> -> vector<2000x256xf32>
    %get3A_6 = arith.constant 0 : index
    %get3A_7 = arith.constant 0 : index
    %get3A_8 = vector.load %arg4[%get3A_6, %get3A_7] : memref<1x256xf32, #tpu.memory_space<vmem>>, vector<1x256xf32>
    %add3A = vector.broadcast %get3A_8 : vector<1x256xf32> to vector<2000x256xf32>
    %add3A_9 = arith.addf %dot_general3A_5, %add3A : vector<2000x256xf32>
    %max3A = arith.constant 0.000000e+00 : f32
    %max3A_10 = vector.broadcast %max3A : f32 to vector<2000x256xf32>
    %max3A_11 = arith.maximumf %add3A_9, %max3A_10 : vector<2000x256xf32>
    %convert_element_type3A = arith.truncf %max3A_11 : vector<2000x256xf32> to vector<2000x256xbf16>
    %get3A_12 = arith.constant 0 : index
    %get3A_13 = arith.constant 0 : index
    %get3A_14 = vector.load %arg5[%get3A_12, %get3A_13] : memref<256x2048xbf16, #tpu.memory_space<vmem>>, vector<256x2048xbf16>
    %dot_general3A_15 = arith.constant dense<0.000000e+00> : vector<2000x2048xf32>
    %dot_general3A_16 = tpu.matmul %convert_element_type3A, %get3A_14, %dot_general3A_15 {dimension_numbers = #tpu.dot_dimension_numbers<[1], [0], [0], [1], [0, 0, 1, 1], [], []>, transpose_lhs_hint = false} : vector<2000x256xbf16>, vector<256x2048xbf16>, vector<2000x2048xf32> -> vector<2000x2048xf32>
    %get3A_17 = arith.constant 0 : index
    %get3A_18 = arith.constant 0 : index
    %get3A_19 = vector.load %arg6[%get3A_17, %get3A_18] : memref<1x2048xf32, #tpu.memory_space<vmem>>, vector<1x2048xf32>
    %add3A_20 = vector.broadcast %get3A_19 : vector<1x2048xf32> to vector<2000x2048xf32>
    %add3A_21 = arith.addf %dot_general3A_16, %add3A_20 : vector<2000x2048xf32>
    %get3A_22 = arith.constant 0 : index
    %get3A_23 = arith.constant 0 : index
    %get3A_24 = vector.load %arg1[%get3A_22, %get3A_23] : memref<2000x128xf32, #tpu.memory_space<vmem>>, vector<2000x128xf32>
    %convert_element_type3A_25 = arith.truncf %get3A_24 : vector<2000x128xf32> to vector<2000x128xbf16>
    %tile3A = tpu.concatenate %convert_element_type3A_25, %convert_element_type3A_25, %convert_element_type3A_25, %convert_element_type3A_25, %convert_element_type3A_25, %convert_element_type3A_25, %convert_element_type3A_25, %convert_element_type3A_25, %convert_element_type3A_25, %convert_element_type3A_25, %convert_element_type3A_25, %convert_element_type3A_25, %convert_element_type3A_25, %convert_element_type3A_25, %convert_element_type3A_25, %convert_element_type3A_25 in 1 : vector<2000x128xbf16>, vector<2000x128xbf16>, vector<2000x128xbf16>, vector<2000x128xbf16>, vector<2000x128xbf16>, vector<2000x128xbf16>, vector<2000x128xbf16>, vector<2000x128xbf16>, vector<2000x128xbf16>, vector<2000x128xbf16>, vector<2000x128xbf16>, vector<2000x128xbf16>, vector<2000x128xbf16>, vector<2000x128xbf16>, vector<2000x128xbf16>, vector<2000x128xbf16> -> vector<2000x2048xbf16>
    %convert_element_type3A_26 = arith.truncf %add3A_21 : vector<2000x2048xf32> to vector<2000x2048xbf16>
    %mul3A = arith.mulf %tile3A, %convert_element_type3A_26 : vector<2000x2048xbf16>
    %get3A_27 = arith.constant 0 : index
    %get3A_28 = arith.constant 0 : index
    %get3A_29 = vector.load %arg7[%get3A_27, %get3A_28] : memref<2048x128xbf16, #tpu.memory_space<vmem>>, vector<2048x128xbf16>
    %dot_general3A_30 = arith.constant dense<0.000000e+00> : vector<2000x128xf32>
    %dot_general3A_31 = tpu.matmul %mul3A, %get3A_29, %dot_general3A_30 {dimension_numbers = #tpu.dot_dimension_numbers<[1], [0], [0], [1], [0, 0, 1, 1], [], []>, transpose_lhs_hint = false} : vector<2000x2048xbf16>, vector<2048x128xbf16>, vector<2000x128xf32> -> vector<2000x128xf32>
    %swap3A = arith.constant 0 : index
    %swap3A_32 = arith.constant 0 : index
    %swap3A_33 = vector.load %arg8[%swap3A, %swap3A_32] : memref<2000x128xf32, #tpu.memory_space<vmem>>, vector<2000x128xf32>
    tpu.vector_store %arg8[%swap3A, %swap3A_32], %dot_general3A_31 {strides = array<i32>} : memref<2000x128xf32, #tpu.memory_space<vmem>>, vector<2000x128xf32>,
    return
  }
  func.func @transform_0(%arg0: i32) -> (i32, i32) {
    %c0_i32 = arith.constant 0 : i32
    %c0_i32_0 = arith.constant 0 : i32
    return %arg0, %c0_i32 : i32, i32
  }
  func.func @transform_1(%arg0: i32) -> (i32, i32) {
    %c0_i32 = arith.constant 0 : i32
    %c0_i32_0 = arith.constant 0 : i32
    return %arg0, %c0_i32 : i32, i32
  }
  func.func @transform_2(%arg0: i32) -> (i32, i32) {
    %c0_i32 = arith.constant 0 : i32
    %c0_i32_0 = arith.constant 0 : i32
    %c0_i32_1 = arith.constant 0 : i32
    return %c0_i32, %c0_i32_0 : i32, i32
  }
  func.func @transform_3(%arg0: i32) -> (i32, i32) {
    %c0_i32 = arith.constant 0 : i32
    %c0_i32_0 = arith.constant 0 : i32
    %c0_i32_1 = arith.constant 0 : i32
    return %c0_i32, %c0_i32_0 : i32, i32
  }
  func.func @transform_4(%arg0: i32) -> (i32, i32) {
    %c0_i32 = arith.constant 0 : i32
    %c0_i32_0 = arith.constant 0 : i32
    %c0_i32_1 = arith.constant 0 : i32
    return %c0_i32, %c0_i32_0 : i32, i32
  }
  func.func @transform_5(%arg0: i32) -> (i32, i32) {
    %c0_i32 = arith.constant 0 : i32
    %c0_i32_0 = arith.constant 0 : i32
    %c0_i32_1 = arith.constant 0 : i32
    return %c0_i32, %c0_i32_0 : i32, i32
  }
  func.func @transform_6(%arg0: i32) -> (i32, i32) {
    %c0_i32 = arith.constant 0 : i32
    %c0_i32_0 = arith.constant 0 : i32
    %c0_i32_1 = arith.constant 0 : i32
    return %c0_i32, %c0_i32_0 : i32, i32
  }
  func.func @transform_7(%arg0: i32) -> (i32, i32) {
    %c0_i32 = arith.constant 0 : i32
    %c0_i32_0 = arith.constant 0 : i32
    return %arg0, %c0_i32 : i32, i32
  }
}

module attributes {stable_mosaic.version = 14 : i64} {
  func.func @body(%arg0: memref<1250x128xf32, #tpu.memory_space<vmem>>, %arg1: memref<2x1250x128xf32, #tpu.memory_space<vmem>>, %arg2: memref<2x1250x128xf32, #tpu.memory_space<vmem>>, %arg3: memref<128x128xf32, #tpu.memory_space<vmem>>, %arg4: memref<1x128xf32, #tpu.memory_space<vmem>>, %arg5: memref<128x128xf32, #tpu.memory_space<vmem>>, %arg6: memref<128x128xf32, #tpu.memory_space<vmem>>, %arg7: memref<128x128xf32, #tpu.memory_space<vmem>>, %arg8: memref<128x128xf32, #tpu.memory_space<vmem>>, %arg9: memref<128x128xf32, #tpu.memory_space<vmem>>, %arg10: memref<128x128xf32, #tpu.memory_space<vmem>>, %arg11: memref<1x128xf32, #tpu.memory_space<vmem>>, %arg12: memref<1x128xf32, #tpu.memory_space<vmem>>, %arg13: memref<1x128xf32, #tpu.memory_space<vmem>>, %arg14: memref<1x128xf32, #tpu.memory_space<vmem>>, %arg15: memref<1250x128xf32, #tpu.memory_space<vmem>>) attributes {dimension_semantics = [], scalar_prefetch = 0 : i64, scratch_operands = 0 : i64, tpu.core_type = #tpu.core_type<tc>} {
    %get3A = arith.constant 0 : index
    %get3A_0 = arith.constant 0 : index
    %get3A_1 = vector.load %arg0[%get3A, %get3A_0] : memref<1250x128xf32, #tpu.memory_space<vmem>>, vector<1250x128xf32>
    %get3A_2 = arith.constant 0 : index
    %get3A_3 = arith.constant 0 : index
    %get3A_4 = arith.constant 0 : index
    %get3A_5 = vector.load %arg2[%get3A_2, %get3A_3, %get3A_4] : memref<2x1250x128xf32, #tpu.memory_space<vmem>>, vector<1x1250x128xf32>
    %get3A_6 = vector.shape_cast %get3A_5 : vector<1x1250x128xf32> to vector<1250x128xf32>
    %get3A_7 = arith.constant 1 : index
    %get3A_8 = arith.constant 0 : index
    %get3A_9 = arith.constant 0 : index
    %get3A_10 = vector.load %arg2[%get3A_7, %get3A_8, %get3A_9] : memref<2x1250x128xf32, #tpu.memory_space<vmem>>, vector<1x1250x128xf32>
    %get3A_11 = vector.shape_cast %get3A_10 : vector<1x1250x128xf32> to vector<1250x128xf32>
    %add3A = arith.addf %get3A_6, %get3A_11 : vector<1250x128xf32>
    %max3A = arith.constant 1.000000e+00 : f32
    %max3A_12 = vector.broadcast %max3A : f32 to vector<1250x128xf32>
    %max3A_13 = arith.maximumf %add3A, %max3A_12 : vector<1250x128xf32>
    %get3A_14 = arith.constant 0 : index
    %get3A_15 = arith.constant 0 : index
    %get3A_16 = arith.constant 0 : index
    %get3A_17 = vector.load %arg1[%get3A_14, %get3A_15, %get3A_16] : memref<2x1250x128xf32, #tpu.memory_space<vmem>>, vector<1x1250x128xf32>
    %get3A_18 = vector.shape_cast %get3A_17 : vector<1x1250x128xf32> to vector<1250x128xf32>
    %get3A_19 = arith.constant 1 : index
    %get3A_20 = arith.constant 0 : index
    %get3A_21 = arith.constant 0 : index
    %get3A_22 = vector.load %arg1[%get3A_19, %get3A_20, %get3A_21] : memref<2x1250x128xf32, #tpu.memory_space<vmem>>, vector<1x1250x128xf32>
    %get3A_23 = vector.shape_cast %get3A_22 : vector<1x1250x128xf32> to vector<1250x128xf32>
    %add3A_24 = arith.addf %get3A_18, %get3A_23 : vector<1250x128xf32>
    %div3A = arith.divf %add3A_24, %max3A_13 : vector<1250x128xf32>
    %get3A_25 = arith.constant 0 : index
    %get3A_26 = arith.constant 0 : index
    %get3A_27 = vector.load %arg3[%get3A_25, %get3A_26] : memref<128x128xf32, #tpu.memory_space<vmem>>, vector<128x128xf32>
    %dot_general3A = arith.constant dense<0.000000e+00> : vector<1250x128xf32>
    %dot_general3A_28 = tpu.matmul %get3A_1, %get3A_27, %dot_general3A {dimension_numbers = #tpu.dot_dimension_numbers<[1], [0], [0], [1], [0, 0, 1, 1], [], []>, transpose_lhs_hint = false} : vector<1250x128xf32>, vector<128x128xf32>, vector<1250x128xf32> -> vector<1250x128xf32>
    %add3A_29 = arith.addf %dot_general3A_28, %div3A : vector<1250x128xf32>
    %get3A_30 = arith.constant 0 : index
    %get3A_31 = arith.constant 0 : index
    %get3A_32 = vector.load %arg4[%get3A_30, %get3A_31] : memref<1x128xf32, #tpu.memory_space<vmem>>, vector<1x128xf32>
    %add3A_33 = vector.broadcast %get3A_32 : vector<1x128xf32> to vector<1250x128xf32>
    %add3A_34 = arith.addf %add3A_29, %add3A_33 : vector<1250x128xf32>
    %max3A_35 = arith.constant 0.000000e+00 : f32
    %max3A_36 = vector.broadcast %max3A_35 : f32 to vector<1250x128xf32>
    %max3A_37 = arith.maximumf %add3A_34, %max3A_36 : vector<1250x128xf32>
    %get3A_38 = arith.constant 0 : index
    %get3A_39 = arith.constant 0 : index
    %get3A_40 = vector.load %arg5[%get3A_38, %get3A_39] : memref<128x128xf32, #tpu.memory_space<vmem>>, vector<128x128xf32>
    %dot_general3A_41 = arith.constant dense<0.000000e+00> : vector<1250x128xf32>
    %dot_general3A_42 = tpu.matmul %max3A_37, %get3A_40, %dot_general3A_41 {dimension_numbers = #tpu.dot_dimension_numbers<[1], [0], [0], [1], [0, 0, 1, 1], [], []>, transpose_lhs_hint = false} : vector<1250x128xf32>, vector<128x128xf32>, vector<1250x128xf32> -> vector<1250x128xf32>
    %get3A_43 = arith.constant 0 : index
    %get3A_44 = arith.constant 0 : index
    %get3A_45 = vector.load %arg8[%get3A_43, %get3A_44] : memref<128x128xf32, #tpu.memory_space<vmem>>, vector<128x128xf32>
    %dot_general3A_46 = arith.constant dense<0.000000e+00> : vector<1250x128xf32>
    %dot_general3A_47 = tpu.matmul %get3A_1, %get3A_45, %dot_general3A_46 {dimension_numbers = #tpu.dot_dimension_numbers<[1], [0], [0], [1], [0, 0, 1, 1], [], []>, transpose_lhs_hint = false} : vector<1250x128xf32>, vector<128x128xf32>, vector<1250x128xf32> -> vector<1250x128xf32>
    %add3A_48 = arith.addf %dot_general3A_42, %dot_general3A_47 : vector<1250x128xf32>
    %get3A_49 = arith.constant 0 : index
    %get3A_50 = arith.constant 0 : index
    %get3A_51 = vector.load %arg11[%get3A_49, %get3A_50] : memref<1x128xf32, #tpu.memory_space<vmem>>, vector<1x128xf32>
    %add3A_52 = vector.broadcast %get3A_51 : vector<1x128xf32> to vector<1250x128xf32>
    %add3A_53 = arith.addf %add3A_48, %add3A_52 : vector<1250x128xf32>
    %logistic3A = arith.negf %add3A_53 : vector<1250x128xf32>
    %logistic3A_54 = math.exp %logistic3A : vector<1250x128xf32>
    %logistic3A_55 = arith.constant 1.000000e+00 : f32
    %logistic3A_56 = vector.broadcast %logistic3A_55 : f32 to vector<1250x128xf32>
    %logistic3A_57 = arith.addf %logistic3A_56, %logistic3A_54 : vector<1250x128xf32>
    %logistic3A_58 = arith.divf %logistic3A_56, %logistic3A_57 : vector<1250x128xf32>
    %get3A_59 = arith.constant 0 : index
    %get3A_60 = arith.constant 0 : index
    %get3A_61 = vector.load %arg6[%get3A_59, %get3A_60] : memref<128x128xf32, #tpu.memory_space<vmem>>, vector<128x128xf32>
    %dot_general3A_62 = arith.constant dense<0.000000e+00> : vector<1250x128xf32>
    %dot_general3A_63 = tpu.matmul %max3A_37, %get3A_61, %dot_general3A_62 {dimension_numbers = #tpu.dot_dimension_numbers<[1], [0], [0], [1], [0, 0, 1, 1], [], []>, transpose_lhs_hint = false} : vector<1250x128xf32>, vector<128x128xf32>, vector<1250x128xf32> -> vector<1250x128xf32>
    %get3A_64 = arith.constant 0 : index
    %get3A_65 = arith.constant 0 : index
    %get3A_66 = vector.load %arg9[%get3A_64, %get3A_65] : memref<128x128xf32, #tpu.memory_space<vmem>>, vector<128x128xf32>
    %dot_general3A_67 = arith.constant dense<0.000000e+00> : vector<1250x128xf32>
    %dot_general3A_68 = tpu.matmul %get3A_1, %get3A_66, %dot_general3A_67 {dimension_numbers = #tpu.dot_dimension_numbers<[1], [0], [0], [1], [0, 0, 1, 1], [], []>, transpose_lhs_hint = false} : vector<1250x128xf32>, vector<128x128xf32>, vector<1250x128xf32> -> vector<1250x128xf32>
    %add3A_69 = arith.addf %dot_general3A_63, %dot_general3A_68 : vector<1250x128xf32>
    %get3A_70 = arith.constant 0 : index
    %get3A_71 = arith.constant 0 : index
    %get3A_72 = vector.load %arg12[%get3A_70, %get3A_71] : memref<1x128xf32, #tpu.memory_space<vmem>>, vector<1x128xf32>
    %add3A_73 = vector.broadcast %get3A_72 : vector<1x128xf32> to vector<1250x128xf32>
    %add3A_74 = arith.addf %add3A_69, %add3A_73 : vector<1250x128xf32>
    %logistic3A_75 = arith.negf %add3A_74 : vector<1250x128xf32>
    %logistic3A_76 = math.exp %logistic3A_75 : vector<1250x128xf32>
    %logistic3A_77 = arith.constant 1.000000e+00 : f32
    %logistic3A_78 = vector.broadcast %logistic3A_77 : f32 to vector<1250x128xf32>
    %logistic3A_79 = arith.addf %logistic3A_78, %logistic3A_76 : vector<1250x128xf32>
    %logistic3A_80 = arith.divf %logistic3A_78, %logistic3A_79 : vector<1250x128xf32>
    %get3A_81 = arith.constant 0 : index
    %get3A_82 = arith.constant 0 : index
    %get3A_83 = vector.load %arg7[%get3A_81, %get3A_82] : memref<128x128xf32, #tpu.memory_space<vmem>>, vector<128x128xf32>
    %dot_general3A_84 = arith.constant dense<0.000000e+00> : vector<1250x128xf32>
    %dot_general3A_85 = tpu.matmul %max3A_37, %get3A_83, %dot_general3A_84 {dimension_numbers = #tpu.dot_dimension_numbers<[1], [0], [0], [1], [0, 0, 1, 1], [], []>, transpose_lhs_hint = false} : vector<1250x128xf32>, vector<128x128xf32>, vector<1250x128xf32> -> vector<1250x128xf32>
    %get3A_86 = arith.constant 0 : index
    %get3A_87 = arith.constant 0 : index
    %get3A_88 = vector.load %arg13[%get3A_86, %get3A_87] : memref<1x128xf32, #tpu.memory_space<vmem>>, vector<1x128xf32>
    %add3A_89 = vector.broadcast %get3A_88 : vector<1x128xf32> to vector<1250x128xf32>
    %add3A_90 = arith.addf %dot_general3A_85, %add3A_89 : vector<1250x128xf32>
    %get3A_91 = arith.constant 0 : index
    %get3A_92 = arith.constant 0 : index
    %get3A_93 = vector.load %arg10[%get3A_91, %get3A_92] : memref<128x128xf32, #tpu.memory_space<vmem>>, vector<128x128xf32>
    %dot_general3A_94 = arith.constant dense<0.000000e+00> : vector<1250x128xf32>
    %dot_general3A_95 = tpu.matmul %get3A_1, %get3A_93, %dot_general3A_94 {dimension_numbers = #tpu.dot_dimension_numbers<[1], [0], [0], [1], [0, 0, 1, 1], [], []>, transpose_lhs_hint = false} : vector<1250x128xf32>, vector<128x128xf32>, vector<1250x128xf32> -> vector<1250x128xf32>
    %get3A_96 = arith.constant 0 : index
    %get3A_97 = arith.constant 0 : index
    %get3A_98 = vector.load %arg14[%get3A_96, %get3A_97] : memref<1x128xf32, #tpu.memory_space<vmem>>, vector<1x128xf32>
    %add3A_99 = vector.broadcast %get3A_98 : vector<1x128xf32> to vector<1250x128xf32>
    %add3A_100 = arith.addf %dot_general3A_95, %add3A_99 : vector<1250x128xf32>
    %mul3A = arith.mulf %logistic3A_58, %add3A_100 : vector<1250x128xf32>
    %add3A_101 = arith.addf %add3A_90, %mul3A : vector<1250x128xf32>
    %tanh3A = math.tanh %add3A_101 : vector<1250x128xf32>
    %sub3A = arith.constant 1.000000e+00 : f32
    %sub3A_102 = vector.broadcast %sub3A : f32 to vector<1250x128xf32>
    %sub3A_103 = arith.subf %sub3A_102, %logistic3A_80 : vector<1250x128xf32>
    %mul3A_104 = arith.mulf %sub3A_103, %tanh3A : vector<1250x128xf32>
    %mul3A_105 = arith.mulf %logistic3A_80, %get3A_1 : vector<1250x128xf32>
    %add3A_106 = arith.addf %mul3A_104, %mul3A_105 : vector<1250x128xf32>
    %swap3A = arith.constant 0 : index
    %swap3A_107 = arith.constant 0 : index
    %swap3A_108 = vector.load %arg15[%swap3A, %swap3A_107] : memref<1250x128xf32, #tpu.memory_space<vmem>>, vector<1250x128xf32>
    tpu.vector_store %arg15[%swap3A, %swap3A_107], %add3A_106 {strides = array<i32>} : memref<1250x128xf32, #tpu.memory_space<vmem>>, vector<1250x128xf32>,
    return
  }
}

module attributes {stable_mosaic.version = 14 : i64} {
  func.func @body(%arg0: memref<1250x128xf32, #tpu.memory_space<vmem>>, %arg1: memref<2x1250x128xf32, #tpu.memory_space<vmem>>, %arg2: memref<2x1250x128xf32, #tpu.memory_space<vmem>>, %arg3: memref<128x128xf32, #tpu.memory_space<vmem>>, %arg4: memref<1x128xf32, #tpu.memory_space<vmem>>, %arg5: memref<128x128xf32, #tpu.memory_space<vmem>>, %arg6: memref<128x128xf32, #tpu.memory_space<vmem>>, %arg7: memref<128x128xf32, #tpu.memory_space<vmem>>, %arg8: memref<128x128xf32, #tpu.memory_space<vmem>>, %arg9: memref<128x128xf32, #tpu.memory_space<vmem>>, %arg10: memref<128x128xf32, #tpu.memory_space<vmem>>, %arg11: memref<1x128xf32, #tpu.memory_space<vmem>>, %arg12: memref<1x128xf32, #tpu.memory_space<vmem>>, %arg13: memref<1x128xf32, #tpu.memory_space<vmem>>, %arg14: memref<1x128xf32, #tpu.memory_space<vmem>>, %arg15: memref<128x32xf32, #tpu.memory_space<vmem>>, %arg16: memref<1x32xf32, #tpu.memory_space<vmem>>, %arg17: memref<32x128xf32, #tpu.memory_space<vmem>>, %arg18: memref<1x128xf32, #tpu.memory_space<vmem>>, %arg19: memref<1250x128xf32, #tpu.memory_space<vmem>>, %arg20: memref<128x256xf32, #tpu.memory_space<vmem>>, %arg21: memref<32x256xf32, #tpu.memory_space<vmem>>, %arg22: memref<1250x32xf32, #tpu.memory_space<vmem>>, %arg23: memref<1250x256xf32, #tpu.memory_space<vmem>>) attributes {dimension_semantics = [], scalar_prefetch = 0 : i64, scratch_operands = 0 : i64, tpu.core_type = #tpu.core_type<tc>} {
    %get3A = arith.constant 0 : index
    %get3A_0 = arith.constant 0 : index
    %get3A_1 = vector.load %arg0[%get3A, %get3A_0] : memref<1250x128xf32, #tpu.memory_space<vmem>>, vector<1250x128xf32>
    %get3A_2 = arith.constant 0 : index
    %get3A_3 = arith.constant 0 : index
    %get3A_4 = arith.constant 0 : index
    %get3A_5 = vector.load %arg2[%get3A_2, %get3A_3, %get3A_4] : memref<2x1250x128xf32, #tpu.memory_space<vmem>>, vector<1x1250x128xf32>
    %get3A_6 = vector.shape_cast %get3A_5 : vector<1x1250x128xf32> to vector<1250x128xf32>
    %get3A_7 = arith.constant 1 : index
    %get3A_8 = arith.constant 0 : index
    %get3A_9 = arith.constant 0 : index
    %get3A_10 = vector.load %arg2[%get3A_7, %get3A_8, %get3A_9] : memref<2x1250x128xf32, #tpu.memory_space<vmem>>, vector<1x1250x128xf32>
    %get3A_11 = vector.shape_cast %get3A_10 : vector<1x1250x128xf32> to vector<1250x128xf32>
    %add3A = arith.addf %get3A_6, %get3A_11 : vector<1250x128xf32>
    %max3A = arith.constant 1.000000e+00 : f32
    %max3A_12 = vector.broadcast %max3A : f32 to vector<1250x128xf32>
    %max3A_13 = arith.maximumf %add3A, %max3A_12 : vector<1250x128xf32>
    %get3A_14 = arith.constant 0 : index
    %get3A_15 = arith.constant 0 : index
    %get3A_16 = arith.constant 0 : index
    %get3A_17 = vector.load %arg1[%get3A_14, %get3A_15, %get3A_16] : memref<2x1250x128xf32, #tpu.memory_space<vmem>>, vector<1x1250x128xf32>
    %get3A_18 = vector.shape_cast %get3A_17 : vector<1x1250x128xf32> to vector<1250x128xf32>
    %get3A_19 = arith.constant 1 : index
    %get3A_20 = arith.constant 0 : index
    %get3A_21 = arith.constant 0 : index
    %get3A_22 = vector.load %arg1[%get3A_19, %get3A_20, %get3A_21] : memref<2x1250x128xf32, #tpu.memory_space<vmem>>, vector<1x1250x128xf32>
    %get3A_23 = vector.shape_cast %get3A_22 : vector<1x1250x128xf32> to vector<1250x128xf32>
    %add3A_24 = arith.addf %get3A_18, %get3A_23 : vector<1250x128xf32>
    %div3A = arith.divf %add3A_24, %max3A_13 : vector<1250x128xf32>
    %get3A_25 = arith.constant 0 : index
    %get3A_26 = arith.constant 0 : index
    %get3A_27 = vector.load %arg3[%get3A_25, %get3A_26] : memref<128x128xf32, #tpu.memory_space<vmem>>, vector<128x128xf32>
    %dot_general3A = arith.constant dense<0.000000e+00> : vector<1250x128xf32>
    %dot_general3A_28 = tpu.matmul %get3A_1, %get3A_27, %dot_general3A {dimension_numbers = #tpu.dot_dimension_numbers<[1], [0], [0], [1], [0, 0, 1, 1], [], []>, transpose_lhs_hint = false} : vector<1250x128xf32>, vector<128x128xf32>, vector<1250x128xf32> -> vector<1250x128xf32>
    %add3A_29 = arith.addf %dot_general3A_28, %div3A : vector<1250x128xf32>
    %get3A_30 = arith.constant 0 : index
    %get3A_31 = arith.constant 0 : index
    %get3A_32 = vector.load %arg4[%get3A_30, %get3A_31] : memref<1x128xf32, #tpu.memory_space<vmem>>, vector<1x128xf32>
    %add3A_33 = vector.broadcast %get3A_32 : vector<1x128xf32> to vector<1250x128xf32>
    %add3A_34 = arith.addf %add3A_29, %add3A_33 : vector<1250x128xf32>
    %max3A_35 = arith.constant 0.000000e+00 : f32
    %max3A_36 = vector.broadcast %max3A_35 : f32 to vector<1250x128xf32>
    %max3A_37 = arith.maximumf %add3A_34, %max3A_36 : vector<1250x128xf32>
    %get3A_38 = arith.constant 0 : index
    %get3A_39 = arith.constant 0 : index
    %get3A_40 = vector.load %arg5[%get3A_38, %get3A_39] : memref<128x128xf32, #tpu.memory_space<vmem>>, vector<128x128xf32>
    %dot_general3A_41 = arith.constant dense<0.000000e+00> : vector<1250x128xf32>
    %dot_general3A_42 = tpu.matmul %max3A_37, %get3A_40, %dot_general3A_41 {dimension_numbers = #tpu.dot_dimension_numbers<[1], [0], [0], [1], [0, 0, 1, 1], [], []>, transpose_lhs_hint = false} : vector<1250x128xf32>, vector<128x128xf32>, vector<1250x128xf32> -> vector<1250x128xf32>
    %get3A_43 = arith.constant 0 : index
    %get3A_44 = arith.constant 0 : index
    %get3A_45 = vector.load %arg8[%get3A_43, %get3A_44] : memref<128x128xf32, #tpu.memory_space<vmem>>, vector<128x128xf32>
    %dot_general3A_46 = arith.constant dense<0.000000e+00> : vector<1250x128xf32>
    %dot_general3A_47 = tpu.matmul %get3A_1, %get3A_45, %dot_general3A_46 {dimension_numbers = #tpu.dot_dimension_numbers<[1], [0], [0], [1], [0, 0, 1, 1], [], []>, transpose_lhs_hint = false} : vector<1250x128xf32>, vector<128x128xf32>, vector<1250x128xf32> -> vector<1250x128xf32>
    %add3A_48 = arith.addf %dot_general3A_42, %dot_general3A_47 : vector<1250x128xf32>
    %get3A_49 = arith.constant 0 : index
    %get3A_50 = arith.constant 0 : index
    %get3A_51 = vector.load %arg11[%get3A_49, %get3A_50] : memref<1x128xf32, #tpu.memory_space<vmem>>, vector<1x128xf32>
    %add3A_52 = vector.broadcast %get3A_51 : vector<1x128xf32> to vector<1250x128xf32>
    %add3A_53 = arith.addf %add3A_48, %add3A_52 : vector<1250x128xf32>
    %logistic3A = arith.negf %add3A_53 : vector<1250x128xf32>
    %logistic3A_54 = math.exp %logistic3A : vector<1250x128xf32>
    %logistic3A_55 = arith.constant 1.000000e+00 : f32
    %logistic3A_56 = vector.broadcast %logistic3A_55 : f32 to vector<1250x128xf32>
    %logistic3A_57 = arith.addf %logistic3A_56, %logistic3A_54 : vector<1250x128xf32>
    %logistic3A_58 = arith.divf %logistic3A_56, %logistic3A_57 : vector<1250x128xf32>
    %get3A_59 = arith.constant 0 : index
    %get3A_60 = arith.constant 0 : index
    %get3A_61 = vector.load %arg6[%get3A_59, %get3A_60] : memref<128x128xf32, #tpu.memory_space<vmem>>, vector<128x128xf32>
    %dot_general3A_62 = arith.constant dense<0.000000e+00> : vector<1250x128xf32>
    %dot_general3A_63 = tpu.matmul %max3A_37, %get3A_61, %dot_general3A_62 {dimension_numbers = #tpu.dot_dimension_numbers<[1], [0], [0], [1], [0, 0, 1, 1], [], []>, transpose_lhs_hint = false} : vector<1250x128xf32>, vector<128x128xf32>, vector<1250x128xf32> -> vector<1250x128xf32>
    %get3A_64 = arith.constant 0 : index
    %get3A_65 = arith.constant 0 : index
    %get3A_66 = vector.load %arg9[%get3A_64, %get3A_65] : memref<128x128xf32, #tpu.memory_space<vmem>>, vector<128x128xf32>
    %dot_general3A_67 = arith.constant dense<0.000000e+00> : vector<1250x128xf32>
    %dot_general3A_68 = tpu.matmul %get3A_1, %get3A_66, %dot_general3A_67 {dimension_numbers = #tpu.dot_dimension_numbers<[1], [0], [0], [1], [0, 0, 1, 1], [], []>, transpose_lhs_hint = false} : vector<1250x128xf32>, vector<128x128xf32>, vector<1250x128xf32> -> vector<1250x128xf32>
    %add3A_69 = arith.addf %dot_general3A_63, %dot_general3A_68 : vector<1250x128xf32>
    %get3A_70 = arith.constant 0 : index
    %get3A_71 = arith.constant 0 : index
    %get3A_72 = vector.load %arg12[%get3A_70, %get3A_71] : memref<1x128xf32, #tpu.memory_space<vmem>>, vector<1x128xf32>
    %add3A_73 = vector.broadcast %get3A_72 : vector<1x128xf32> to vector<1250x128xf32>
    %add3A_74 = arith.addf %add3A_69, %add3A_73 : vector<1250x128xf32>
    %logistic3A_75 = arith.negf %add3A_74 : vector<1250x128xf32>
    %logistic3A_76 = math.exp %logistic3A_75 : vector<1250x128xf32>
    %logistic3A_77 = arith.constant 1.000000e+00 : f32
    %logistic3A_78 = vector.broadcast %logistic3A_77 : f32 to vector<1250x128xf32>
    %logistic3A_79 = arith.addf %logistic3A_78, %logistic3A_76 : vector<1250x128xf32>
    %logistic3A_80 = arith.divf %logistic3A_78, %logistic3A_79 : vector<1250x128xf32>
    %get3A_81 = arith.constant 0 : index
    %get3A_82 = arith.constant 0 : index
    %get3A_83 = vector.load %arg7[%get3A_81, %get3A_82] : memref<128x128xf32, #tpu.memory_space<vmem>>, vector<128x128xf32>
    %dot_general3A_84 = arith.constant dense<0.000000e+00> : vector<1250x128xf32>
    %dot_general3A_85 = tpu.matmul %max3A_37, %get3A_83, %dot_general3A_84 {dimension_numbers = #tpu.dot_dimension_numbers<[1], [0], [0], [1], [0, 0, 1, 1], [], []>, transpose_lhs_hint = false} : vector<1250x128xf32>, vector<128x128xf32>, vector<1250x128xf32> -> vector<1250x128xf32>
    %get3A_86 = arith.constant 0 : index
    %get3A_87 = arith.constant 0 : index
    %get3A_88 = vector.load %arg13[%get3A_86, %get3A_87] : memref<1x128xf32, #tpu.memory_space<vmem>>, vector<1x128xf32>
    %add3A_89 = vector.broadcast %get3A_88 : vector<1x128xf32> to vector<1250x128xf32>
    %add3A_90 = arith.addf %dot_general3A_85, %add3A_89 : vector<1250x128xf32>
    %get3A_91 = arith.constant 0 : index
    %get3A_92 = arith.constant 0 : index
    %get3A_93 = vector.load %arg10[%get3A_91, %get3A_92] : memref<128x128xf32, #tpu.memory_space<vmem>>, vector<128x128xf32>
    %dot_general3A_94 = arith.constant dense<0.000000e+00> : vector<1250x128xf32>
    %dot_general3A_95 = tpu.matmul %get3A_1, %get3A_93, %dot_general3A_94 {dimension_numbers = #tpu.dot_dimension_numbers<[1], [0], [0], [1], [0, 0, 1, 1], [], []>, transpose_lhs_hint = false} : vector<1250x128xf32>, vector<128x128xf32>, vector<1250x128xf32> -> vector<1250x128xf32>
    %get3A_96 = arith.constant 0 : index
    %get3A_97 = arith.constant 0 : index
    %get3A_98 = vector.load %arg14[%get3A_96, %get3A_97] : memref<1x128xf32, #tpu.memory_space<vmem>>, vector<1x128xf32>
    %add3A_99 = vector.broadcast %get3A_98 : vector<1x128xf32> to vector<1250x128xf32>
    %add3A_100 = arith.addf %dot_general3A_95, %add3A_99 : vector<1250x128xf32>
    %mul3A = arith.mulf %logistic3A_58, %add3A_100 : vector<1250x128xf32>
    %add3A_101 = arith.addf %add3A_90, %mul3A : vector<1250x128xf32>
    %tanh3A = math.tanh %add3A_101 : vector<1250x128xf32>
    %sub3A = arith.constant 1.000000e+00 : f32
    %sub3A_102 = vector.broadcast %sub3A : f32 to vector<1250x128xf32>
    %sub3A_103 = arith.subf %sub3A_102, %logistic3A_80 : vector<1250x128xf32>
    %mul3A_104 = arith.mulf %sub3A_103, %tanh3A : vector<1250x128xf32>
    %mul3A_105 = arith.mulf %logistic3A_80, %get3A_1 : vector<1250x128xf32>
    %add3A_106 = arith.addf %mul3A_104, %mul3A_105 : vector<1250x128xf32>
    %get3A_107 = arith.constant 0 : index
    %get3A_108 = arith.constant 0 : index
    %get3A_109 = vector.load %arg15[%get3A_107, %get3A_108] : memref<128x32xf32, #tpu.memory_space<vmem>>, vector<128x32xf32>
    %dot_general3A_110 = arith.constant dense<0.000000e+00> : vector<1250x32xf32>
    %dot_general3A_111 = tpu.matmul %add3A_106, %get3A_109, %dot_general3A_110 {dimension_numbers = #tpu.dot_dimension_numbers<[1], [0], [0], [1], [0, 0, 1, 1], [], []>, transpose_lhs_hint = false} : vector<1250x128xf32>, vector<128x32xf32>, vector<1250x32xf32> -> vector<1250x32xf32>
    %get3A_112 = arith.constant 0 : index
    %get3A_113 = arith.constant 0 : index
    %get3A_114 = vector.load %arg16[%get3A_112, %get3A_113] : memref<1x32xf32, #tpu.memory_space<vmem>>, vector<1x32xf32>
    %add3A_115 = vector.broadcast %get3A_114 : vector<1x32xf32> to vector<1250x32xf32>
    %add3A_116 = arith.addf %dot_general3A_111, %add3A_115 : vector<1250x32xf32>
    %max3A_117 = arith.constant 0.000000e+00 : f32
    %max3A_118 = vector.broadcast %max3A_117 : f32 to vector<1250x32xf32>
    %max3A_119 = arith.maximumf %add3A_116, %max3A_118 : vector<1250x32xf32>
    %get3A_120 = arith.constant 0 : index
    %get3A_121 = arith.constant 0 : index
    %get3A_122 = vector.load %arg17[%get3A_120, %get3A_121] : memref<32x128xf32, #tpu.memory_space<vmem>>, vector<32x128xf32>
    %dot_general3A_123 = arith.constant dense<0.000000e+00> : vector<1250x128xf32>
    %dot_general3A_124 = tpu.matmul %max3A_119, %get3A_122, %dot_general3A_123 {dimension_numbers = #tpu.dot_dimension_numbers<[1], [0], [0], [1], [0, 0, 1, 1], [], []>, transpose_lhs_hint = false} : vector<1250x32xf32>, vector<32x128xf32>, vector<1250x128xf32> -> vector<1250x128xf32>
    %get3A_125 = arith.constant 0 : index
    %get3A_126 = arith.constant 0 : index
    %get3A_127 = vector.load %arg18[%get3A_125, %get3A_126] : memref<1x128xf32, #tpu.memory_space<vmem>>, vector<1x128xf32>
    %add3A_128 = vector.broadcast %get3A_127 : vector<1x128xf32> to vector<1250x128xf32>
    %add3A_129 = arith.addf %dot_general3A_124, %add3A_128 : vector<1250x128xf32>
    %get3A_130 = arith.constant 0 : index
    %get3A_131 = arith.constant 0 : index
    %get3A_132 = vector.load %arg19[%get3A_130, %get3A_131] : memref<1250x128xf32, #tpu.memory_space<vmem>>, vector<1250x128xf32>
    %eq3A = arith.constant 2.000000e+00 : f32
    %eq3A_133 = vector.broadcast %eq3A : f32 to vector<1250x128xf32>
    %eq3A_134 = arith.cmpf oeq, %get3A_132, %eq3A_133 : vector<1250x128xf32>
    %select_n3A = arith.select %eq3A_134, %add3A_129, %add3A_106 : vector<1250x128xi1>, vector<1250x128xf32>
    %swap3A = arith.constant 0 : index
    %swap3A_135 = arith.constant 0 : index
    %swap3A_136 = vector.load %arg22[%swap3A, %swap3A_135] : memref<1250x32xf32, #tpu.memory_space<vmem>>, vector<1250x32xf32>
    tpu.vector_store %arg22[%swap3A, %swap3A_135], %max3A_119 {strides = array<i32>} : memref<1250x32xf32, #tpu.memory_space<vmem>>, vector<1250x32xf32>,
    %get3A_137 = arith.constant 0 : index
    %get3A_138 = arith.constant 0 : index
    %get3A_139 = vector.load %arg20[%get3A_137, %get3A_138] : memref<128x256xf32, #tpu.memory_space<vmem>>, vector<128x256xf32>
    %dot_general3A_140 = arith.constant dense<0.000000e+00> : vector<1250x256xf32>
    %dot_general3A_141 = tpu.matmul %select_n3A, %get3A_139, %dot_general3A_140 {dimension_numbers = #tpu.dot_dimension_numbers<[1], [0], [0], [1], [0, 0, 1, 1], [], []>, transpose_lhs_hint = false} : vector<1250x128xf32>, vector<128x256xf32>, vector<1250x256xf32> -> vector<1250x256xf32>
    %get3A_142 = arith.constant 0 : index
    %get3A_143 = arith.constant 0 : index
    %get3A_144 = vector.load %arg21[%get3A_142, %get3A_143] : memref<32x256xf32, #tpu.memory_space<vmem>>, vector<32x256xf32>
    %dot_general3A_145 = arith.constant dense<0.000000e+00> : vector<1250x256xf32>
    %dot_general3A_146 = tpu.matmul %max3A_119, %get3A_144, %dot_general3A_145 {dimension_numbers = #tpu.dot_dimension_numbers<[1], [0], [0], [1], [0, 0, 1, 1], [], []>, transpose_lhs_hint = false} : vector<1250x32xf32>, vector<32x256xf32>, vector<1250x256xf32> -> vector<1250x256xf32>
    %add3A_147 = arith.addf %dot_general3A_141, %dot_general3A_146 : vector<1250x256xf32>
    %swap3A_148 = arith.constant 0 : index
    %swap3A_149 = arith.constant 0 : index
    %swap3A_150 = vector.load %arg23[%swap3A_148, %swap3A_149] : memref<1250x256xf32, #tpu.memory_space<vmem>>, vector<1250x256xf32>
    tpu.vector_store %arg23[%swap3A_148, %swap3A_149], %add3A_147 {strides = array<i32>} : memref<1250x256xf32, #tpu.memory_space<vmem>>, vector<1250x256xf32>,
    return
  }
}

module attributes {stable_mosaic.version = 14 : i64} {
  func.func @body(%arg0: i32, %arg1: memref<2x2000x32xf32, #tpu.memory_space<vmem>>, %arg2: memref<2000x32xf32, #tpu.memory_space<vmem>>, %arg3: memref<2000x4xf32, #tpu.memory_space<vmem>>, %arg4: memref<32x512xf32, #tpu.memory_space<vmem>>, %arg5: memref<32x512xf32, #tpu.memory_space<vmem>>, %arg6: memref<512x4xf32, #tpu.memory_space<vmem>>, %arg7: memref<1x4xf32, #tpu.memory_space<vmem>>, %arg8: memref<512x4xf32, #tpu.memory_space<vmem>>, %arg9: memref<1x4xf32, #tpu.memory_space<vmem>>, %arg10: memref<4x4xf32, #tpu.memory_space<vmem>>, %arg11: memref<1x4xf32, #tpu.memory_space<vmem>>, %arg12: memref<2000x4xf32, #tpu.memory_space<vmem>>) attributes {dimension_semantics = [#tpu.dimension_semantics<arbitrary>], iteration_bounds = array<i64: 5>, scalar_prefetch = 0 : i64, scratch_operands = 0 : i64, tpu.core_type = #tpu.core_type<tc>, window_params = [{transform_indices = @transform_0, window_bounds = array<i64: 2, 2000, 32>}, {transform_indices = @transform_1, window_bounds = array<i64: 2000, 32>}, {transform_indices = @transform_2, window_bounds = array<i64: 2000, 4>}, {pipeline_mode = #tpu.pipeline_mode<synchronous>, transform_indices = @transform_3, window_bounds = array<i64: 32, 512>}, {pipeline_mode = #tpu.pipeline_mode<synchronous>, transform_indices = @transform_4, window_bounds = array<i64: 32, 512>}, {pipeline_mode = #tpu.pipeline_mode<synchronous>, transform_indices = @transform_5, window_bounds = array<i64: 512, 4>}, {pipeline_mode = #tpu.pipeline_mode<synchronous>, transform_indices = @transform_6, window_bounds = array<i64: 1, 4>}, {pipeline_mode = #tpu.pipeline_mode<synchronous>, transform_indices = @transform_7, window_bounds = array<i64: 512, 4>}, {pipeline_mode = #tpu.pipeline_mode<synchronous>, transform_indices = @transform_8, window_bounds = array<i64: 1, 4>}, {pipeline_mode = #tpu.pipeline_mode<synchronous>, transform_indices = @transform_9, window_bounds = array<i64: 4, 4>}, {pipeline_mode = #tpu.pipeline_mode<synchronous>, transform_indices = @transform_10, window_bounds = array<i64: 1, 4>}, {transform_indices = @transform_11, window_bounds = array<i64: 2000, 4>}]} {
    %get3A = arith.constant 0 : index
    %get3A_0 = arith.constant 0 : index
    %get3A_1 = vector.load %arg2[%get3A, %get3A_0] : memref<2000x32xf32, #tpu.memory_space<vmem>>, vector<2000x32xf32>
    %get3A_2 = arith.constant 0 : index
    %get3A_3 = arith.constant 0 : index
    %get3A_4 = arith.constant 0 : index
    %get3A_5 = vector.load %arg1[%get3A_2, %get3A_3, %get3A_4] : memref<2x2000x32xf32, #tpu.memory_space<vmem>>, vector<1x2000x32xf32>
    %get3A_6 = vector.shape_cast %get3A_5 : vector<1x2000x32xf32> to vector<2000x32xf32>
    %get3A_7 = arith.constant 1 : index
    %get3A_8 = arith.constant 0 : index
    %get3A_9 = arith.constant 0 : index
    %get3A_10 = vector.load %arg1[%get3A_7, %get3A_8, %get3A_9] : memref<2x2000x32xf32, #tpu.memory_space<vmem>>, vector<1x2000x32xf32>
    %get3A_11 = vector.shape_cast %get3A_10 : vector<1x2000x32xf32> to vector<2000x32xf32>
    %add3A = arith.addf %get3A_6, %get3A_11 : vector<2000x32xf32>
    %mul3A = arith.mulf %get3A_1, %add3A : vector<2000x32xf32>
    %get3A_12 = arith.constant 0 : index
    %get3A_13 = arith.constant 0 : index
    %get3A_14 = vector.load %arg4[%get3A_12, %get3A_13] : memref<32x512xf32, #tpu.memory_space<vmem>>, vector<32x512xf32>
    %dot_general3A = arith.constant dense<0.000000e+00> : vector<2000x512xf32>
    %dot_general3A_15 = tpu.matmul %mul3A, %get3A_14, %dot_general3A {dimension_numbers = #tpu.dot_dimension_numbers<[1], [0], [0], [1], [0, 0, 1, 1], [], []>, transpose_lhs_hint = false} : vector<2000x32xf32>, vector<32x512xf32>, vector<2000x512xf32> -> vector<2000x512xf32>
    %max3A = arith.constant 0.000000e+00 : f32
    %max3A_16 = vector.broadcast %max3A : f32 to vector<2000x512xf32>
    %max3A_17 = arith.maximumf %dot_general3A_15, %max3A_16 : vector<2000x512xf32>
    %get3A_18 = arith.constant 0 : index
    %get3A_19 = arith.constant 0 : index
    %get3A_20 = vector.load %arg6[%get3A_18, %get3A_19] : memref<512x4xf32, #tpu.memory_space<vmem>>, vector<512x4xf32>
    %dot_general3A_21 = arith.constant dense<0.000000e+00> : vector<2000x4xf32>
    %dot_general3A_22 = tpu.matmul %max3A_17, %get3A_20, %dot_general3A_21 {dimension_numbers = #tpu.dot_dimension_numbers<[1], [0], [0], [1], [0, 0, 1, 1], [], []>, transpose_lhs_hint = false} : vector<2000x512xf32>, vector<512x4xf32>, vector<2000x4xf32> -> vector<2000x4xf32>
    %get3A_23 = arith.constant 0 : index
    %get3A_24 = arith.constant 0 : index
    %get3A_25 = vector.load %arg7[%get3A_23, %get3A_24] : memref<1x4xf32, #tpu.memory_space<vmem>>, vector<1x4xf32>
    %add3A_26 = vector.broadcast %get3A_25 : vector<1x4xf32> to vector<2000x4xf32>
    %add3A_27 = arith.addf %dot_general3A_22, %add3A_26 : vector<2000x4xf32>
    %get3A_28 = arith.constant 0 : index
    %get3A_29 = arith.constant 0 : index
    %get3A_30 = vector.load %arg5[%get3A_28, %get3A_29] : memref<32x512xf32, #tpu.memory_space<vmem>>, vector<32x512xf32>
    %dot_general3A_31 = arith.constant dense<0.000000e+00> : vector<2000x512xf32>
    %dot_general3A_32 = tpu.matmul %mul3A, %get3A_30, %dot_general3A_31 {dimension_numbers = #tpu.dot_dimension_numbers<[1], [0], [0], [1], [0, 0, 1, 1], [], []>, transpose_lhs_hint = false} : vector<2000x32xf32>, vector<32x512xf32>, vector<2000x512xf32> -> vector<2000x512xf32>
    %max3A_33 = arith.constant 0.000000e+00 : f32
    %max3A_34 = vector.broadcast %max3A_33 : f32 to vector<2000x512xf32>
    %max3A_35 = arith.maximumf %dot_general3A_32, %max3A_34 : vector<2000x512xf32>
    %get3A_36 = arith.constant 0 : index
    %get3A_37 = arith.constant 0 : index
    %get3A_38 = vector.load %arg8[%get3A_36, %get3A_37] : memref<512x4xf32, #tpu.memory_space<vmem>>, vector<512x4xf32>
    %dot_general3A_39 = arith.constant dense<0.000000e+00> : vector<2000x4xf32>
    %dot_general3A_40 = tpu.matmul %max3A_35, %get3A_38, %dot_general3A_39 {dimension_numbers = #tpu.dot_dimension_numbers<[1], [0], [0], [1], [0, 0, 1, 1], [], []>, transpose_lhs_hint = false} : vector<2000x512xf32>, vector<512x4xf32>, vector<2000x4xf32> -> vector<2000x4xf32>
    %get3A_41 = arith.constant 0 : index
    %get3A_42 = arith.constant 0 : index
    %get3A_43 = vector.load %arg9[%get3A_41, %get3A_42] : memref<1x4xf32, #tpu.memory_space<vmem>>, vector<1x4xf32>
    %mul3A_44 = arith.mulf %dot_general3A_40, %add3A_27 : vector<2000x4xf32>
    %mul3A_45 = vector.broadcast %get3A_43 : vector<1x4xf32> to vector<2000x4xf32>
    %mul3A_46 = arith.mulf %mul3A_45, %mul3A_44 : vector<2000x4xf32>
    %get3A_47 = arith.constant 0 : index
    %get3A_48 = arith.constant 0 : index
    %get3A_49 = vector.load %arg3[%get3A_47, %get3A_48] : memref<2000x4xf32, #tpu.memory_space<vmem>>, vector<2000x4xf32>
    %get3A_50 = arith.constant 0 : index
    %get3A_51 = arith.constant 0 : index
    %get3A_52 = vector.load %arg10[%get3A_50, %get3A_51] : memref<4x4xf32, #tpu.memory_space<vmem>>, vector<4x4xf32>
    %dot_general3A_53 = arith.constant dense<0.000000e+00> : vector<2000x4xf32>
    %dot_general3A_54 = tpu.matmul %mul3A_46, %get3A_52, %dot_general3A_53 {dimension_numbers = #tpu.dot_dimension_numbers<[1], [0], [0], [1], [0, 0, 1, 1], [], []>, transpose_lhs_hint = false} : vector<2000x4xf32>, vector<4x4xf32>, vector<2000x4xf32> -> vector<2000x4xf32>
    %get3A_55 = arith.constant 0 : index
    %get3A_56 = arith.constant 0 : index
    %get3A_57 = vector.load %arg11[%get3A_55, %get3A_56] : memref<1x4xf32, #tpu.memory_space<vmem>>, vector<1x4xf32>
    %add3A_58 = vector.broadcast %get3A_57 : vector<1x4xf32> to vector<2000x4xf32>
    %add3A_59 = arith.addf %dot_general3A_54, %add3A_58 : vector<2000x4xf32>
    %max3A_60 = arith.constant 0.000000e+00 : f32
    %max3A_61 = vector.broadcast %max3A_60 : f32 to vector<2000x4xf32>
    %max3A_62 = arith.maximumf %add3A_59, %max3A_61 : vector<2000x4xf32>
    %add3A_63 = arith.addf %get3A_49, %max3A_62 : vector<2000x4xf32>
    %reduce_max3A = arith.constant dense<0xFF800000> : vector<2000xf32>
    %reduce_max3A_64 = vector.multi_reduction <maximumf>, %add3A_63, %reduce_max3A [1] : vector<2000x4xf32> to vector<2000xf32>
    %broadcast_in_dim3A = vector.shape_cast %reduce_max3A_64 : vector<2000xf32> to vector<2000x1xf32>
    %sub3A = vector.broadcast %broadcast_in_dim3A : vector<2000x1xf32> to vector<2000x4xf32>
    %sub3A_65 = arith.subf %add3A_63, %sub3A : vector<2000x4xf32>
    %exp3A = math.exp %sub3A_65 : vector<2000x4xf32>
    %reduce_sum3A = arith.constant dense<0.000000e+00> : vector<2000xf32>
    %reduce_sum3A_66 = vector.multi_reduction <add>, %exp3A, %reduce_sum3A [1] : vector<2000x4xf32> to vector<2000xf32>
    %broadcast_in_dim3A_67 = vector.shape_cast %reduce_sum3A_66 : vector<2000xf32> to vector<2000x1xf32>
    %log3A = math.log %broadcast_in_dim3A_67 : vector<2000x1xf32>
    %add3A_68 = arith.addf %broadcast_in_dim3A, %log3A : vector<2000x1xf32>
    %sub3A_69 = vector.broadcast %add3A_68 : vector<2000x1xf32> to vector<2000x4xf32>
    %sub3A_70 = arith.subf %add3A_63, %sub3A_69 : vector<2000x4xf32>
    %swap3A = arith.constant 0 : index
    %swap3A_71 = arith.constant 0 : index
    %swap3A_72 = vector.load %arg12[%swap3A, %swap3A_71] : memref<2000x4xf32, #tpu.memory_space<vmem>>, vector<2000x4xf32>
    tpu.vector_store %arg12[%swap3A, %swap3A_71], %sub3A_70 {strides = array<i32>} : memref<2000x4xf32, #tpu.memory_space<vmem>>, vector<2000x4xf32>,
    return
  }
  func.func @transform_0(%arg0: i32) -> (i32, i32, i32) {
    %c0_i32 = arith.constant 0 : i32
    %c0_i32_0 = arith.constant 0 : i32
    %c0_i32_1 = arith.constant 0 : i32
    return %c0_i32, %arg0, %c0_i32_0 : i32, i32, i32
  }
  func.func @transform_1(%arg0: i32) -> (i32, i32) {
    %c0_i32 = arith.constant 0 : i32
    %c0_i32_0 = arith.constant 0 : i32
    return %arg0, %c0_i32 : i32, i32
  }
  func.func @transform_2(%arg0: i32) -> (i32, i32) {
    %c0_i32 = arith.constant 0 : i32
    %c0_i32_0 = arith.constant 0 : i32
    return %arg0, %c0_i32 : i32, i32
  }
  func.func @transform_3(%arg0: i32) -> (i32, i32) {
    %c0_i32 = arith.constant 0 : i32
    %c0_i32_0 = arith.constant 0 : i32
    %c0_i32_1 = arith.constant 0 : i32
    return %c0_i32, %c0_i32_0 : i32, i32
  }
  func.func @transform_4(%arg0: i32) -> (i32, i32) {
    %c0_i32 = arith.constant 0 : i32
    %c0_i32_0 = arith.constant 0 : i32
    %c0_i32_1 = arith.constant 0 : i32
    return %c0_i32, %c0_i32_0 : i32, i32
  }
  func.func @transform_5(%arg0: i32) -> (i32, i32) {
    %c0_i32 = arith.constant 0 : i32
    %c0_i32_0 = arith.constant 0 : i32
    %c0_i32_1 = arith.constant 0 : i32
    return %c0_i32, %c0_i32_0 : i32, i32
  }
  func.func @transform_6(%arg0: i32) -> (i32, i32) {
    %c0_i32 = arith.constant 0 : i32
    %c0_i32_0 = arith.constant 0 : i32
    %c0_i32_1 = arith.constant 0 : i32
    return %c0_i32, %c0_i32_0 : i32, i32
  }
  func.func @transform_7(%arg0: i32) -> (i32, i32) {
    %c0_i32 = arith.constant 0 : i32
    %c0_i32_0 = arith.constant 0 : i32
    %c0_i32_1 = arith.constant 0 : i32
    return %c0_i32, %c0_i32_0 : i32, i32
  }
  func.func @transform_8(%arg0: i32) -> (i32, i32) {
    %c0_i32 = arith.constant 0 : i32
    %c0_i32_0 = arith.constant 0 : i32
    %c0_i32_1 = arith.constant 0 : i32
    return %c0_i32, %c0_i32_0 : i32, i32
  }
  func.func @transform_9(%arg0: i32) -> (i32, i32) {
    %c0_i32 = arith.constant 0 : i32
    %c0_i32_0 = arith.constant 0 : i32
    %c0_i32_1 = arith.constant 0 : i32
    return %c0_i32, %c0_i32_0 : i32, i32
  }
  func.func @transform_10(%arg0: i32) -> (i32, i32) {
    %c0_i32 = arith.constant 0 : i32
    %c0_i32_0 = arith.constant 0 : i32
    %c0_i32_1 = arith.constant 0 : i32
    return %c0_i32, %c0_i32_0 : i32, i32
  }
  func.func @transform_11(%arg0: i32) -> (i32, i32) {
    %c0_i32 = arith.constant 0 : i32
    %c0_i32_0 = arith.constant 0 : i32
    return %arg0, %c0_i32 : i32, i32
  }
}

</mosaic_0001>

<sc_bundles>
// kernel: kernel.17.cloned.1.call-start
scs
__scs_entry_jumppad:
0x0: {  	(pc) =	sbr.rel $0x88, $3  }
0x1: {  	(tag) =	ssettag $0x0;
	lr =	simm.s32 $0x1  }
0x2: {  	[smem:$0x3F85] =	sst lr;
	_ =	strace $0xD0000000  }
0x3: {  	_ = 	snop  }
0x4: {  	_ = 	snop  }
0x5: {  	_ = 	snop  }
0x6: {  	_ = 	snop  }
0x7: {  	_ = 	snop  }
__scs_overlays_trampoline_lowered:
0x8: {  	[smem:$0x3F94] =	sst s0  }
0x9: {  	[smem:$0x3F95] =	sst s1  }
0xa: {  	[smem:$0x3F96] =	sst s2  }
0xb: {  	[smem:$0x3F97] =	sst s3  }
0xc: {  	[smem:$0x3F98] =	sst s4  }
0xd: {  	[smem:$0x3F99] =	sst s5  }
0xe: {  	[smem:$0x3F9A] =	sst s6  }
0xf: {  	[smem:$0x3F9B] =	sst s7  }
0x10: {  	[smem:$0x3F9C] =	sst s8  }
0x11: {  	[smem:$0x3F9D] =	sst s9;
	s0 =	simm.s32 @!p0 $0x0  }
0x12: {  	s1 =	sld [smem:$0x3F83];
	s0 =	simm.s32 @p0 $0x1  }
0x13: {  	[smem:$0x3F9E] =	sst s0;
	s0 =	simm.s32 @!p1 $0x0  }
0x14: {  	s2 =	sld [smem:$0x3F82];
	s0 =	simm.s32 @p1 $0x1  }
0x15: {  	[smem:$0x3F9F] =	sst s0;
	s0 =	simm.s32 @!p2 $0x0  }
0x16: {  	s3 =	sld [smem:$0x3FDB];
	s0 =	simm.s32 @p2 $0x1  }
0x17: {  	s4 =	simm.s32 $0x1BF5;
	[smem:$0x3FA1] =	sst s0  }
0x18: {  	s0 =	sld [smem:$0x3F84];
	_ =	swait.ge [sflag:s4], $0x0  }
0x19: {  	s7 =	sld [smem:$0x3F85]  }
0x1a: {  	s8 =	sadd.s32 $0xFFFFE003, lr  }
0x1b: {  	s9 =	sadd.s32 $0xFFFFFEF7, lr;
	s5 =	simm.s32 $0xFFFFFFFF;
	p2 =	slt.u32 s8, $0xFFFFF086  }
0x1c: {  	p1 =	slt.u32 s9, $0xF7A;
	s5 =	simm.s32 @!p2 $0x0  }
0x1d: {  	s5 =	simm.s32 @p1 $0x1;
	p0 =	seq.s32 s7, s2  }
0x1e: {  	s7 =	smul.u32 @!p0 $0xF7A, s2;
	p2 =	seq.s32 @!p0 s5, $0x0  }
0x1f: {  	s9 =	smul.u32 $0xF7A, s1;
	s8 =	simm.s32 @!p0 $0x1BF5;
	p2 =	por !p2, p0  }
0x20: {  	[sflag:s8] =	ssyncset.s32 @!p0 $0xFFFFF086;
	s6 =	sadd.s32 @!p0 s3, s7;
	s7 =	simm.s32 @!p0 $0x108  }
0x21: {  	s3 =	sadd.s32 s3, s9;
	s6 =	sadd.s32 @!p0 $0x88, s6;
	s7 =	simm.s32 @p2 $0x1082  }
0x22: {  	[simem:s7], [sflag:s8] =	dma.local @!p0 [hbm:s6], $0xF7A  }
0x23: {  	s9 =	sor.u32 $0xD0000000, s2;
	s6 =	simm.s32 $0x108;
	_ =	swait.ge @!p0 [sflag:s8], $0x0  }
0x24: {  	s3 =	sadd.s32 $0x88, s3;
	s6 =	simm.s32 @!p1 $0x1082;
	[sflag:s4] =	ssyncset.s32 $0xFFFFF086  }
0x25: {  	[simem:s6], [sflag:s4] =	dma.local [hbm:s3], $0xF7A  }
0x26: {  	[smem:$0x3F85] =	sst s1;
	(tag) =	ssettag s2;
	_ =	strace s9  }
0x27: {  	s1 =	sld [smem:$0x3F95]  }
0x28: {  	s2 =	sld [smem:$0x3F96]  }
0x29: {  	s4 =	sld [smem:$0x3F98]  }
0x2a: {  	p0 =	seq.s32 s5, $0x0;
	s5 =	sld [smem:$0x3F99]  }
0x2b: {  	s6 =	sld [smem:$0x3F9A]  }
0x2c: {  	s7 =	sld [smem:$0x3F9B]  }
0x2d: {  	s3 =	simm.s32 $0x108;
	s8 =	sld [smem:$0x3F9C]  }
0x2e: {  	s3 =	simm.s32 @!p0 $0x1082;
	s9 =	sld [smem:$0x3F9D]  }
0x2f: {  	lr =	sadd.s32 s0, s3;
	s0 =	sld [smem:$0x3F94]  }
0x30: {  	s3 =	sld [smem:$0x3F97]  }
0x31: {  	[smem:$0x3FA0] =	sst s10  }
0x32: {  	s10 =	sld [smem:$0x3F9E];
	_ =	sdelay $0x3  }
0x33: {  	p0 =	seq.s32 s10, $0x1;
	s10 =	sld [smem:$0x3FA0];
	_ =	sdelay $0x3  }
0x34: {  	[smem:$0x3FA0] =	sst s10  }
0x35: {  	s10 =	sld [smem:$0x3F9F];
	_ =	sdelay $0x3  }
0x36: {  	p1 =	seq.s32 s10, $0x1;
	s10 =	sld [smem:$0x3FA0];
	_ =	sdelay $0x3  }
0x37: {  	[smem:$0x3FA0] =	sst s10  }
0x38: {  	s10 =	sld [smem:$0x3FA1]  }
0x39: {  	_ = 	snop;
	(pc) =	sbr.ind lr, $3  }
0x3a: {  	_ = 	snop  }
0x3b: {  	_ = 	snop  }
0x3c: {  	p2 =	seq.s32 s10, $0x1;
	s10 =	sld [smem:$0x3FA0]  }
0x3d: {  	_ =	shalt  }
0x3e: {  	_ =	shalt  }
0x3f: {  	_ =	shalt  }
0x40: {  	_ =	shalt  }
0x41: {  	_ =	shalt  }
0x42: {  	_ =	shalt  }
0x43: {  	_ =	shalt  }
0x44: {  	_ =	shalt  }
0x45: {  	_ =	shalt  }
0x46: {  	_ =	shalt  }
0x47: {  	_ =	shalt  }
0x48: {  	_ =	shalt  }
0x49: {  	_ =	shalt  }
0x4a: {  	_ =	shalt  }
0x4b: {  	_ =	shalt  }
0x4c: {  	_ =	shalt  }
0x4d: {  	_ =	shalt  }
0x4e: {  	_ =	shalt  }
0x4f: {  	_ =	shalt  }
0x50: {  	_ =	shalt  }
0x51: {  	_ =	shalt  }
0x52: {  	_ =	shalt  }
0x53: {  	_ =	shalt  }
0x54: {  	_ =	shalt  }
0x55: {  	_ =	shalt  }
0x56: {  	_ =	shalt  }
0x57: {  	_ =	shalt  }
0x58: {  	_ =	shalt  }
0x59: {  	_ =	shalt  }
0x5a: {  	_ =	shalt  }
0x5b: {  	_ =	shalt  }
0x5c: {  	_ =	shalt  }
0x5d: {  	_ =	shalt  }
0x5e: {  	_ =	shalt  }
0x5f: {  	_ =	shalt  }
0x60: {  	_ =	shalt  }
0x61: {  	_ =	shalt  }
0x62: {  	_ =	shalt  }
0x63: {  	_ =	shalt  }
0x64: {  	_ =	shalt  }
0x65: {  	_ =	shalt  }
0x66: {  	_ =	shalt  }
0x67: {  	_ =	shalt  }
0x68: {  	_ =	shalt  }
0x69: {  	_ =	shalt  }
0x6a: {  	_ =	shalt  }
0x6b: {  	_ =	shalt  }
0x6c: {  	_ =	shalt  }
0x6d: {  	_ =	shalt  }
0x6e: {  	_ =	shalt  }
0x6f: {  	_ =	shalt  }
0x70: {  	_ =	shalt  }
0x71: {  	_ =	shalt  }
0x72: {  	_ =	shalt  }
0x73: {  	_ =	shalt  }
0x74: {  	_ =	shalt  }
0x75: {  	_ =	shalt  }
0x76: {  	_ =	shalt  }
0x77: {  	_ =	shalt  }
0x78: {  	_ =	shalt  }
0x79: {  	_ =	shalt  }
0x7a: {  	_ =	shalt  }
0x7b: {  	_ =	shalt  }
0x7c: {  	_ =	shalt  }
0x7d: {  	_ =	shalt  }
0x7e: {  	_ =	shalt  }
0x7f: {  	_ =	shalt  }
0x80: {  	_ =	shalt  }
0x81: {  	_ =	shalt  }
0x82: {  	_ =	shalt  }
0x83: {  	_ =	shalt  }
0x84: {  	_ =	shalt  }
0x85: {  	_ =	shalt  }
0x86: {  	_ =	shalt  }
0x87: {  	_ =	shalt  }
.Lfunc_end0:
.L_simem_size_0:
called_computation_lowered:
.L_overlay_start_0:
0x88: {  	s2 =	sld [smem:$0x3FD9]  }
0x89: {  	s3 =	sld [smem:$0x3FFE];
	_ =	sdelay $0x1  }
0x8a: {  	s1 =	srdreg.scid  }
0x8b: {  	s0 =	sand.u32 $0x1, s1  }
0x8c: {  	s16 =	sshll.u32 s0, $0xA;
	s2 =	sadd.s32 s3, s2  }
0x8d: {  	s2 =	sadd.s32 s2, s16  }
0x8e: {  	[smem:$0x3FAC] =	sst s2  }
0x8f: {  	_ = 	snop  }
0x90: {  	(tm) =	ssettm $0x1  }
0x91: {  	s17 =	sld [smem:$0x3FFB];
	_ =	sdelay $0x3  }
0x92: {  	_ =	strace s17  }
0x93: {  	s2 =	sld [smem:$0x3FFC];
	_ =	sdelay $0x3  }
0x94: {  	_ =	strace s2  }
0x95: {  	s2 =	sld [smem:$0x3FFD];
	_ =	sdelay $0x3  }
0x96: {  	_ =	strace s2  }
0x97: {  	_ =	strace $0x8FFFFFFF  }
0x98: {  	s18 =	sld [smem:$0x3FDB];
	_ =	sdelay $0x1  }
0x99: {  	s19 =	simm.s32 $_scs_section_size  }
0x9a: {  	s4 =	simm.s32 $_size__tile_overlayer_lowered;
	s5 =	simm.s32 $_tile_overlayer_lowered  }
0x9b: {  	s22 =	simm.s32 $0x1BFF;
	s21 =	sshll.u32 s5, $0x1;
	s2 =	sadd.s32 s19, s18  }
0x9c: {  	s6 =	simm.s32 $0x0;
	s20 =	sshll.u32 s4, $0x1;
	s4 =	sadd.s32 s21, s2  }
0x9d: {  	[timem:s6], [sflag:s22] =	dma.local [hbm:s4], s20  }
0x9e: {  	_ =	swait.ge [sflag:s22], s20  }
0x9f: {  	s3 =	ssub.s32 $0x0, s20;
	[sflag:s22] =	ssyncset.done $0x0  }
0xa0: {  	[sflag:s22] =	ssyncadd.s32 s3;
	_ =	sdelay $0x1  }
0xa1: {  	s23 =	simm.s32 $0x1B8B  }
0xa2: {  	_ =	swait.ge [sflag:s23], $0x1  }
0xa3: {  	[sflag:s23] =	ssyncset.done $0x0  }
0xa4: {  	s25 =	simm.s32 $0x1B8E;
	s24 =	sld [smem:$0x3FFE];
	[sflag:s23] =	ssyncadd.s32 $0xFFFFFFFF  }
0xa5: {  	s26 =	simm.s32 $execute0_lowered;
	[smem:$0x3FD2] =	sst s25  }
0xa6: {  	s4 =	sshll.u32 s26, $0x1;
	_ =	strace $0x80000046;
	[dreg:$0x1] =	wrdreg $0xFFFFFFFF  }
0xa7: {  	s28 =	simm.s32 $_size_execute0_lowered;
	s2 =	sadd.s32 s2, s4;
	[dreg:$0x0] =	wrdreg $0x0  }
0xa8: {  	s4 =	sshll.u32 s28, $0x1;
	[dreg:$0x2] =	wrdreg s2  }
0xa9: {  	[dreg:$0x3] =	wrdreg s4  }
0xaa: {  	[dreg:$0x4] =	wrdreg $0xC0  }
0xab: {  	_ =	task [dreg:s6], $0x5FFFF  }
0xac: {  	[dreg:$0x1] =	wrdreg $0xFFFFFFFF  }
0xad: {  	[dreg:$0x0] =	wrdreg $0x60  }
0xae: {  	[dreg:$0x2] =	wrdreg s24  }
0xaf: {  	[dreg:$0x3] =	wrdreg $0x9  }
0xb0: {  	_ =	task.clear_ibuf [dreg:s6], $0x4FFFF;
	_ =	strace $0x90000046  }
0xb1: {  	s29 =	simm.s32 $0x9;
	_ =	strace $0x80000048  }
0xb2: {  	_ =	swait.ge [sflag:s29], $0x1  }
0xb3: {  	[sflag:s29] =	ssyncadd.s32 $0xFFFFFFFF  }
0xb4: {  	_ =	strace $0x90000048  }
0xb5: {  	_ =	sfence  }
0xb6: {  	s30 =	sld [smem:$0x0];
	_ =	sdelay $0x2  }
0xb7: {  	s31 =	sshll.u32 s1, $0xD;
	s1 =	sshrl.u32 s1, $0x2  }
0xb8: {  	s3 =	sand.u32 $0x4000, s31;
	s1 =	sadd.s32 s1, s30  }
0xb9: {  	s0 =	sor.u32 s3, s0;
	s1 =	sshll.u32 s1, $0x11  }
0xba: {  	s0 =	sor.u32 s1, s0  }
0xbb: {  	s0 =	sadd.s32 $0x8F2B, s0  }
0xbc: {  	[sflag:s0] =	ssyncadd.remote.s32 $0x1  }
0xbd: {  	_ =	sfence.sel $0xFFFF  }
0xbe: {  	[dreg:$0x0] =	wrdreg $0xFFFFFFFF;
	(pc) =	sbr.abs _section_cstart, $3  }
0xbf: {  	[dreg:$0x1] =	wrdreg $0xFFFFFFFF  }
0xc0: {  	_ =	task.clear_ibuf [dreg:s6], $0x2FFFF;
	_ =	strace $0x9FFFFFFF  }
0xc1: {  	(tm) =	ssettm $0x7FFFFFFF  }
tec
execute0_lowered:
.L_overlay_start_1:
0x0: {  	(tag) =	ssettag $0x1  }
0x1: {  	s1 =	srdreg.scid;
	s0 =	stileid.u32  }
0x2: {  	s30 =	sand.u32 $0x1, s1;
	s3 =	sshll.u32 s0, $0x1  }
0x3: {  	s10 =	rddreg [dreg:$0x0];
	s2 =	simm.s32 $0x0;
	s3 =	sor.u32 s30, s3  }
0x4: {  	s6 =	simm.s32 $0x1;
	s1 =	rddreg [dreg:$0x1];
	s20 =	smul.u32 $0x1388, s3  }
0x5: {  	[smem:$0x7FF] =	sst s2;
	s7 =	sshrl.u32 s0, $0x1;
	s21 =	sadd.s32 $0xB800, s10  }
0x6: {  	_ =	strace $0x80000047;
	s4 =	sshrl.u32 s20, $0x3;
	s5 =	sadd.s32 $0x3E8, s20  }
0x7: {  	s24 =	smul.u32 $0xFFFFB1E0, s7;
	s3 =	sadd.s32 s21, s4;
	s25 =	sshrl.u32 s5, $0x3  }
0x8: {  	[tilespmem:s2], [sflag:$0x1] =	stream.linear.gather [hbm4b:s3+s2], $0x3E8, $0x38;
	[tilespmem:$0xC738] =	vst v63  }
0x9: {  	s8 =	sadd.s32 s24, s20;
	s5 =	simm.s32 $0x3E8;
	s4 =	sadd.s32 s21, s25  }
0xa: {  	[tilespmem:s5], [sflag:$0x2] =	stream.linear.gather [hbm4b:s4+s2], $0x3E8, $0x38;
	[tilespmem:$0xC738] =	vst v63  }
0xb: {  	s9 =	sshll.u32 s7, $0x4;
	s8 =	sshll.u32 s8, $0x7;
	_ =	swait.ge [sflag:s6], $0x3E8  }
0xc: {  	s7 =	sadd.s32 $0x6800, s10;
	s29 =	sor.u32 s9, s8;
	[sflag:s6] =	ssyncset.done $0x0  }
0xd: {  	s8 =	simm.s32 $0xBB8;
	s9 =	simm.s32 $0x4;
	[sflag:s6] =	ssyncadd.s32 $0xFFFFFC18  }
0xe: {  	[tilespmem:s8], [sflag:$0x4] =	stream.indirect.gather [hbm4b:s7+s5], $0x10, s2, s5, $0xb8;
	[tilespmem:$0xC738] =	vst v63  }
0xf: {  	s11 =	simm.s32 $0x10;
	_ =	swait.ge [sflag:s9], $0x3E80  }
0x10: {  	s31 =	sadd.s32 $0x15800, s10;
	s26 =	sshrl.u32 s29, $0x3;
	[sflag:s9] =	ssyncset.done $0x0  }
0x11: {  	s12 =	simm.s32 $0x80;
	s10 =	sadd.s32 s31, s26;
	[sflag:s9] =	ssyncadd.s32 $0xFFFFC180  }
0x12: {  	[hbm4b:s10+s11] =	stream.strided.scatter [tilespmem:s8], [sflag:$0x7], $0x3E80, s12, s11, $0x38;
	[tilespmem:$0xC738] =	vst v63  }
0x13: {  	s14 =	simm.s32 $0x7D0;
	s15 =	simm.s32 $0x2;
	s13 =	sadd.s32 $0xFA, s3  }
0x14: {  	[tilespmem:s14], [sflag:$0x3] =	stream.linear.gather [hbm4b:s13+s2], $0x3E8, $0x38;
	[tilespmem:$0xC738] =	vst v63  }
0x15: {  	_ =	swait.ge [sflag:s15], $0x3E8  }
0x16: {  	[sflag:s15] =	ssyncset.done $0x0  }
0x17: {  	s16 =	simm.s32 $0x4A38;
	s17 =	simm.s32 $0x5;
	[sflag:s15] =	ssyncadd.s32 $0xFFFFFC18  }
0x18: {  	[tilespmem:s16], [sflag:$0x5] =	stream.indirect.gather [hbm4b:s7+s5], $0x10, s5, s5, $0xb8;
	[tilespmem:$0xC738] =	vst v63  }
0x19: {  	s18 =	sadd.s32 $0x1F400, s29;
	_ =	swait.ge [sflag:s17], $0x3E80  }
0x1a: {  	s18 =	sshrl.u32 s18, $0x3;
	[sflag:s17] =	ssyncset.done $0x0  }
0x1b: {  	s19 =	simm.s32 $0x7;
	s18 =	sadd.s32 s31, s18;
	[sflag:s17] =	ssyncadd.s32 $0xFFFFC180  }
0x1c: {  	[hbm4b:s18+s11] =	stream.strided.scatter [tilespmem:s16], [sflag:$0x8], $0x3E80, s12, s11, $0x38;
	[tilespmem:$0xC738] =	vst v63  }
0x1d: {  	s20 =	sadd.s32 $0xBB8, s20;
	_ =	swait.ge [sflag:s19], $0x3E80  }
0x1e: {  	s20 =	sshrl.u32 s20, $0x3;
	[sflag:s19] =	ssyncset.done $0x0  }
0x1f: {  	s20 =	sadd.s32 s21, s20;
	s21 =	simm.s32 $0x3;
	[sflag:s19] =	ssyncadd.s32 $0xFFFFC180  }
0x20: {  	[tilespmem:s2], [sflag:$0x1] =	stream.linear.gather [hbm4b:s20+s2], $0x3E8, $0x38;
	[tilespmem:$0xC738] =	vst v63  }
0x21: {  	_ =	swait.ge [sflag:s21], $0x3E8  }
0x22: {  	[sflag:s21] =	ssyncset.done $0x0  }
0x23: {  	s22 =	simm.s32 $0x88B8;
	s23 =	simm.s32 $0x6;
	[sflag:s21] =	ssyncadd.s32 $0xFFFFFC18  }
0x24: {  	[tilespmem:s22], [sflag:$0x6] =	stream.indirect.gather [hbm4b:s7+s5], $0x10, s14, s5, $0xb8;
	[tilespmem:$0xC738] =	vst v63  }
0x25: {  	s24 =	sadd.s32 $0x3E800, s29;
	_ =	swait.ge [sflag:s23], $0x3E80  }
0x26: {  	s24 =	sshrl.u32 s24, $0x3;
	[sflag:s23] =	ssyncset.done $0x0  }
0x27: {  	s25 =	simm.s32 $0x8;
	s24 =	sadd.s32 s31, s24;
	[sflag:s23] =	ssyncadd.s32 $0xFFFFC180  }
0x28: {  	[hbm4b:s24+s11] =	stream.strided.scatter [tilespmem:s22], [sflag:$0x9], $0x3E80, s12, s11, $0x38;
	[tilespmem:$0xC738] =	vst v63  }
0x29: {  	_ =	swait.ge [sflag:s25], $0x3E80  }
0x2a: {  	[sflag:s25] =	ssyncset.done $0x0  }
0x2b: {  	s26 =	sadd.s32 $0x1F4, s3;
	[sflag:s25] =	ssyncadd.s32 $0xFFFFC180  }
0x2c: {  	[tilespmem:s5], [sflag:$0x2] =	stream.linear.gather [hbm4b:s26+s2], $0x3E8, $0x38;
	[tilespmem:$0xC738] =	vst v63  }
0x2d: {  	_ =	swait.ge [sflag:s6], $0x3E8  }
0x2e: {  	[sflag:s6] =	ssyncset.done $0x0  }
0x2f: {  	[sflag:s6] =	ssyncadd.s32 $0xFFFFFC18  }
0x30: {  	[tilespmem:s8], [sflag:$0x4] =	stream.indirect.gather [hbm4b:s7+s5], $0x10, s2, s5, $0xb8;
	[tilespmem:$0xC738] =	vst v63  }
0x31: {  	s28 =	sadd.s32 $0x5DC00, s29;
	_ =	swait.ge [sflag:s9], $0x3E80  }
0x32: {  	s28 =	sshrl.u32 s28, $0x3;
	[sflag:s9] =	ssyncset.done $0x0  }
0x33: {  	s28 =	sadd.s32 s31, s28;
	[sflag:s9] =	ssyncadd.s32 $0xFFFFC180  }
0x34: {  	[hbm4b:s28+s11] =	stream.strided.scatter [tilespmem:s8], [sflag:$0x7], $0x3E80, s12, s11, $0x38;
	[tilespmem:$0xC738] =	vst v63  }
0x35: {  	_ =	swait.ge [sflag:s15], $0x3E8  }
0x36: {  	[sflag:s15] =	ssyncset.done $0x0  }
0x37: {  	[sflag:s15] =	ssyncadd.s32 $0xFFFFFC18  }
0x38: {  	[tilespmem:s16], [sflag:$0x5] =	stream.indirect.gather [hbm4b:s7+s5], $0x10, s5, s5, $0xb8;
	[tilespmem:$0xC738] =	vst v63  }
0x39: {  	s29 =	sadd.s32 $0x7D000, s29;
	_ =	swait.ge [sflag:s17], $0x3E80  }
0x3a: {  	s30 =	ssub.s32 $0x2, s30;
	s29 =	sshrl.u32 s29, $0x3;
	[sflag:s17] =	ssyncset.done $0x0  }
0x3b: {  	s29 =	sadd.s32 s31, s29;
	s31 =	sshrl.u32 s30, $0x1;
	[sflag:s17] =	ssyncadd.s32 $0xFFFFC180  }
0x3c: {  	[hbm4b:s29+s11] =	stream.strided.scatter [tilespmem:s16], [sflag:$0x8], $0x3E80, s12, s11, $0x38;
	[tilespmem:$0xC738] =	vst v63  }
0x3d: {  	s30 =	ssub.s32 s30, s31;
	_ =	swait.ge [sflag:s19], $0x3E80  }
0x3e: {  	s31 =	smax.u32 s30, $0x1;
	[sflag:s19] =	ssyncset.done $0x0  }
0x3f: {  	p0 =	sne.s32 s31, $0x1;
	[sflag:s19] =	ssyncadd.s32 $0xFFFFC180  }
.Ltmp0:
0x40: {  	_ =	swait.ge [sflag:s25], $0x3E80;
	(pc) =	sbr.rel @!p0 .LBB2_2-.Ltmp0, $4  }
0x41: {  	[sflag:s25] =	ssyncset.done $0x0  }
0x42: {  	s30 =	simm.s32 $0x9;
	[sflag:s25] =	ssyncadd.s32 $0xFFFFC180  }
0x43: {  	_ =	swait.ge [sflag:s30], $0x3E80  }
0x44: {  	s31 =	sadd.s32 $0xFFFFFFFF, s31;
	[sflag:s30] =	ssyncset.done $0x0  }
.LBB2_1:
0x45: {  	p0 =	sne.s32 s31, $0x1;
	s31 =	sadd.s32 $0xFFFFFFFF, s31;
	[sflag:s30] =	ssyncadd.s32 $0xFFFFC180  }
0x46: {  	[tilespmem:s2], [sflag:$0x1] =	stream.linear.gather [hbm4b:s3+s2], $0x3E8, $0x38;
	[tilespmem:$0xC738] =	vst v63  }
0x47: {  	_ = 	snop  }
0x48: {  	[tilespmem:s5], [sflag:$0x2] =	stream.linear.gather [hbm4b:s4+s2], $0x3E8, $0x38;
	[tilespmem:$0xC738] =	vst v63  }
0x49: {  	_ =	swait.ge [sflag:s6], $0x3E8  }
0x4a: {  	[sflag:s6] =	ssyncset.done $0x0  }
0x4b: {  	[sflag:s6] =	ssyncadd.s32 $0xFFFFFC18  }
0x4c: {  	[tilespmem:s8], [sflag:$0x4] =	stream.indirect.gather [hbm4b:s7+s5], $0x10, s2, s5, $0xb8;
	[tilespmem:$0xC738] =	vst v63  }
0x4d: {  	_ =	swait.ge [sflag:s9], $0x3E80  }
0x4e: {  	[sflag:s9] =	ssyncset.done $0x0  }
0x4f: {  	[sflag:s9] =	ssyncadd.s32 $0xFFFFC180  }
0x50: {  	[hbm4b:s10+s11] =	stream.strided.scatter [tilespmem:s8], [sflag:$0x7], $0x3E80, s12, s11, $0x38;
	[tilespmem:$0xC738] =	vst v63  }
0x51: {  	_ = 	snop  }
0x52: {  	[tilespmem:s14], [sflag:$0x3] =	stream.linear.gather [hbm4b:s13+s2], $0x3E8, $0x38;
	[tilespmem:$0xC738] =	vst v63  }
0x53: {  	_ =	swait.ge [sflag:s15], $0x3E8  }
0x54: {  	[sflag:s15] =	ssyncset.done $0x0  }
0x55: {  	[sflag:s15] =	ssyncadd.s32 $0xFFFFFC18  }
0x56: {  	[tilespmem:s16], [sflag:$0x5] =	stream.indirect.gather [hbm4b:s7+s5], $0x10, s5, s5, $0xb8;
	[tilespmem:$0xC738] =	vst v63  }
0x57: {  	_ =	swait.ge [sflag:s17], $0x3E80  }
0x58: {  	[sflag:s17] =	ssyncset.done $0x0  }
0x59: {  	[sflag:s17] =	ssyncadd.s32 $0xFFFFC180  }
0x5a: {  	[hbm4b:s18+s11] =	stream.strided.scatter [tilespmem:s16], [sflag:$0x8], $0x3E80, s12, s11, $0x38;
	[tilespmem:$0xC738] =	vst v63  }
0x5b: {  	_ =	swait.ge [sflag:s19], $0x3E80  }
0x5c: {  	[sflag:s19] =	ssyncset.done $0x0  }
0x5d: {  	[sflag:s19] =	ssyncadd.s32 $0xFFFFC180  }
0x5e: {  	[tilespmem:s2], [sflag:$0x1] =	stream.linear.gather [hbm4b:s20+s2], $0x3E8, $0x38;
	[tilespmem:$0xC738] =	vst v63  }
0x5f: {  	_ =	swait.ge [sflag:s21], $0x3E8  }
0x60: {  	[sflag:s21] =	ssyncset.done $0x0  }
0x61: {  	[sflag:s21] =	ssyncadd.s32 $0xFFFFFC18  }
0x62: {  	[tilespmem:s22], [sflag:$0x6] =	stream.indirect.gather [hbm4b:s7+s5], $0x10, s14, s5, $0xb8;
	[tilespmem:$0xC738] =	vst v63  }
0x63: {  	_ =	swait.ge [sflag:s23], $0x3E80  }
0x64: {  	[sflag:s23] =	ssyncset.done $0x0  }
0x65: {  	[sflag:s23] =	ssyncadd.s32 $0xFFFFC180  }
0x66: {  	[hbm4b:s24+s11] =	stream.strided.scatter [tilespmem:s22], [sflag:$0x9], $0x3E80, s12, s11, $0x38;
	[tilespmem:$0xC738] =	vst v63  }
0x67: {  	_ =	swait.ge [sflag:s25], $0x3E80  }
0x68: {  	[sflag:s25] =	ssyncset.done $0x0  }
0x69: {  	[sflag:s25] =	ssyncadd.s32 $0xFFFFC180  }
0x6a: {  	[tilespmem:s5], [sflag:$0x2] =	stream.linear.gather [hbm4b:s26+s2], $0x3E8, $0x38;
	[tilespmem:$0xC738] =	vst v63  }
0x6b: {  	_ =	swait.ge [sflag:s6], $0x3E8  }
0x6c: {  	[sflag:s6] =	ssyncset.done $0x0  }
0x6d: {  	[sflag:s6] =	ssyncadd.s32 $0xFFFFFC18  }
0x6e: {  	[tilespmem:s8], [sflag:$0x4] =	stream.indirect.gather [hbm4b:s7+s5], $0x10, s2, s5, $0xb8;
	[tilespmem:$0xC738] =	vst v63  }
0x6f: {  	_ =	swait.ge [sflag:s9], $0x3E80  }
0x70: {  	[sflag:s9] =	ssyncset.done $0x0  }
0x71: {  	[sflag:s9] =	ssyncadd.s32 $0xFFFFC180  }
0x72: {  	[hbm4b:s28+s11] =	stream.strided.scatter [tilespmem:s8], [sflag:$0x7], $0x3E80, s12, s11, $0x38;
	[tilespmem:$0xC738] =	vst v63  }
0x73: {  	_ =	swait.ge [sflag:s15], $0x3E8  }
0x74: {  	[sflag:s15] =	ssyncset.done $0x0  }
0x75: {  	[sflag:s15] =	ssyncadd.s32 $0xFFFFFC18  }
0x76: {  	[tilespmem:s16], [sflag:$0x5] =	stream.indirect.gather [hbm4b:s7+s5], $0x10, s5, s5, $0xb8;
	[tilespmem:$0xC738] =	vst v63  }
0x77: {  	_ =	swait.ge [sflag:s17], $0x3E80  }
0x78: {  	[sflag:s17] =	ssyncset.done $0x0  }
0x79: {  	[sflag:s17] =	ssyncadd.s32 $0xFFFFC180  }
0x7a: {  	[hbm4b:s29+s11] =	stream.strided.scatter [tilespmem:s16], [sflag:$0x8], $0x3E80, s12, s11, $0x38;
	[tilespmem:$0xC738] =	vst v63  }
0x7b: {  	_ =	swait.ge [sflag:s19], $0x3E80  }
0x7c: {  	[sflag:s19] =	ssyncset.done $0x0  }
0x7d: {  	[sflag:s19] =	ssyncadd.s32 $0xFFFFC180  }
.Ltmp1:
0x7e: {  	_ =	swait.ge [sflag:s25], $0x3E80;
	(pc) =	sbr.rel @p0 .LBB2_1-.Ltmp1, $4  }
0x7f: {  	[sflag:s25] =	ssyncset.done $0x0  }
0x80: {  	[sflag:s25] =	ssyncadd.s32 $0xFFFFC180  }
0x81: {  	_ =	swait.ge [sflag:s30], $0x3E80  }
0x82: {  	[sflag:s30] =	ssyncset.done $0x0  }
.LBB2_2:
0x83: {  	[sflag:s30] =	ssyncadd.s32 $0xFFFFC180  }
0x84: {  	_ =	sfence.sel $0x180000  }
0x85: {  	[bflag:$0x0] =	sbarrier.arrive $0xFFFF  }
0x86: {  	p0 =	sne.s32 s0, $0x0;
	_ =	strace $0x90000047  }
0x87: {  	s0 =	sadd.s32 @!p0 $0x100000, s1;
	[bflag:$0x2] =	sbarrier.arrive $0xFFFF  }
0x88: {  	[sflag:s0] =	ssyncadd.tile.s32 @!p0 $0x1;
	_ =	shalt  }
.Lfunc_end2:
_tile_overlayer_lowered:
.L_overlay_start_2:
0x89: {  	(tag) =	ssettag $0x2  }
0x8a: {  	s0 =	rddreg [dreg:$0x0];
	s2 =	stileid.u32  }
0x8b: {  	s1 =	rddreg [dreg:$0x1];
	p0 =	sne.s32 s2, $0x0  }
0x8c: {  	s3 =	rddreg [dreg:$0x2];
	[bflag:$0x3] =	sbarrier.arrive $0xFFFF;
	s2 =	simm.s32 @!p0 $0x1C0A  }
0x8d: {  	[timem:s3], [sflag:s2] =	dma.local @!p0 [hbm:s0], s1  }
0x8e: {  	s0 =	simm.s32 @!p0 $0xA  }
0x8f: {  	_ =	swait.ge @!p0 [sflag:s0], s1  }
0x90: {  	s1 =	ssub.s32 @!p0 $0x0, s1;
	[sflag:s0] =	ssyncset.done @!p0 $0x0  }
0x91: {  	[sflag:s0] =	ssyncadd.s32 @!p0 s1  }
0x92: {  	[bflag:$0x3] =	sbarrier.arrive $0xFFFF  }
0x93: {  	_ =	shalt  }

// kernel: kernel.20.cloned.1.call-start
scs
__scs_entry_jumppad:
0x0: {  	(pc) =	sbr.rel $0x88, $3  }
0x1: {  	(tag) =	ssettag $0x0;
	lr =	simm.s32 $0x1  }
0x2: {  	[smem:$0x3F85] =	sst lr;
	_ =	strace $0xD0000000  }
0x3: {  	_ = 	snop  }
0x4: {  	_ = 	snop  }
0x5: {  	_ = 	snop  }
0x6: {  	_ = 	snop  }
0x7: {  	_ = 	snop  }
__scs_overlays_trampoline_lowered:
0x8: {  	[smem:$0x3F94] =	sst s0  }
0x9: {  	[smem:$0x3F95] =	sst s1  }
0xa: {  	[smem:$0x3F96] =	sst s2  }
0xb: {  	[smem:$0x3F97] =	sst s3  }
0xc: {  	[smem:$0x3F98] =	sst s4  }
0xd: {  	[smem:$0x3F99] =	sst s5  }
0xe: {  	[smem:$0x3F9A] =	sst s6  }
0xf: {  	[smem:$0x3F9B] =	sst s7  }
0x10: {  	[smem:$0x3F9C] =	sst s8  }
0x11: {  	[smem:$0x3F9D] =	sst s9;
	s0 =	simm.s32 @!p0 $0x0  }
0x12: {  	s1 =	sld [smem:$0x3F83];
	s0 =	simm.s32 @p0 $0x1  }
0x13: {  	[smem:$0x3F9E] =	sst s0;
	s0 =	simm.s32 @!p1 $0x0  }
0x14: {  	s2 =	sld [smem:$0x3F82];
	s0 =	simm.s32 @p1 $0x1  }
0x15: {  	[smem:$0x3F9F] =	sst s0;
	s0 =	simm.s32 @!p2 $0x0  }
0x16: {  	s3 =	sld [smem:$0x3FDB];
	s0 =	simm.s32 @p2 $0x1  }
0x17: {  	s4 =	simm.s32 $0x1BF5;
	[smem:$0x3FA1] =	sst s0  }
0x18: {  	s0 =	sld [smem:$0x3F84];
	_ =	swait.ge [sflag:s4], $0x0  }
0x19: {  	s7 =	sld [smem:$0x3F85]  }
0x1a: {  	s8 =	sadd.s32 $0xFFFFE003, lr  }
0x1b: {  	s9 =	sadd.s32 $0xFFFFFEF7, lr;
	s5 =	simm.s32 $0xFFFFFFFF;
	p2 =	slt.u32 s8, $0xFFFFF086  }
0x1c: {  	p1 =	slt.u32 s9, $0xF7A;
	s5 =	simm.s32 @!p2 $0x0  }
0x1d: {  	s5 =	simm.s32 @p1 $0x1;
	p0 =	seq.s32 s7, s2  }
0x1e: {  	s7 =	smul.u32 @!p0 $0xF7A, s2;
	p2 =	seq.s32 @!p0 s5, $0x0  }
0x1f: {  	s9 =	smul.u32 $0xF7A, s1;
	s8 =	simm.s32 @!p0 $0x1BF5;
	p2 =	por !p2, p0  }
0x20: {  	[sflag:s8] =	ssyncset.s32 @!p0 $0xFFFFF086;
	s6 =	sadd.s32 @!p0 s3, s7;
	s7 =	simm.s32 @!p0 $0x108  }
0x21: {  	s3 =	sadd.s32 s3, s9;
	s6 =	sadd.s32 @!p0 $0x88, s6;
	s7 =	simm.s32 @p2 $0x1082  }
0x22: {  	[simem:s7], [sflag:s8] =	dma.local @!p0 [hbm:s6], $0xF7A  }
0x23: {  	s9 =	sor.u32 $0xD0000000, s2;
	s6 =	simm.s32 $0x108;
	_ =	swait.ge @!p0 [sflag:s8], $0x0  }
0x24: {  	s3 =	sadd.s32 $0x88, s3;
	s6 =	simm.s32 @!p1 $0x1082;
	[sflag:s4] =	ssyncset.s32 $0xFFFFF086  }
0x25: {  	[simem:s6], [sflag:s4] =	dma.local [hbm:s3], $0xF7A  }
0x26: {  	[smem:$0x3F85] =	sst s1;
	(tag) =	ssettag s2;
	_ =	strace s9  }
0x27: {  	s1 =	sld [smem:$0x3F95]  }
0x28: {  	s2 =	sld [smem:$0x3F96]  }
0x29: {  	s4 =	sld [smem:$0x3F98]  }
0x2a: {  	p0 =	seq.s32 s5, $0x0;
	s5 =	sld [smem:$0x3F99]  }
0x2b: {  	s6 =	sld [smem:$0x3F9A]  }
0x2c: {  	s7 =	sld [smem:$0x3F9B]  }
0x2d: {  	s3 =	simm.s32 $0x108;
	s8 =	sld [smem:$0x3F9C]  }
0x2e: {  	s3 =	simm.s32 @!p0 $0x1082;
	s9 =	sld [smem:$0x3F9D]  }
0x2f: {  	lr =	sadd.s32 s0, s3;
	s0 =	sld [smem:$0x3F94]  }
0x30: {  	s3 =	sld [smem:$0x3F97]  }
0x31: {  	[smem:$0x3FA0] =	sst s10  }
0x32: {  	s10 =	sld [smem:$0x3F9E];
	_ =	sdelay $0x3  }
0x33: {  	p0 =	seq.s32 s10, $0x1;
	s10 =	sld [smem:$0x3FA0];
	_ =	sdelay $0x3  }
0x34: {  	[smem:$0x3FA0] =	sst s10  }
0x35: {  	s10 =	sld [smem:$0x3F9F];
	_ =	sdelay $0x3  }
0x36: {  	p1 =	seq.s32 s10, $0x1;
	s10 =	sld [smem:$0x3FA0];
	_ =	sdelay $0x3  }
0x37: {  	[smem:$0x3FA0] =	sst s10  }
0x38: {  	s10 =	sld [smem:$0x3FA1]  }
0x39: {  	_ = 	snop;
	(pc) =	sbr.ind lr, $3  }
0x3a: {  	_ = 	snop  }
0x3b: {  	_ = 	snop  }
0x3c: {  	p2 =	seq.s32 s10, $0x1;
	s10 =	sld [smem:$0x3FA0]  }
0x3d: {  	_ =	shalt  }
0x3e: {  	_ =	shalt  }
0x3f: {  	_ =	shalt  }
0x40: {  	_ =	shalt  }
0x41: {  	_ =	shalt  }
0x42: {  	_ =	shalt  }
0x43: {  	_ =	shalt  }
0x44: {  	_ =	shalt  }
0x45: {  	_ =	shalt  }
0x46: {  	_ =	shalt  }
0x47: {  	_ =	shalt  }
0x48: {  	_ =	shalt  }
0x49: {  	_ =	shalt  }
0x4a: {  	_ =	shalt  }
0x4b: {  	_ =	shalt  }
0x4c: {  	_ =	shalt  }
0x4d: {  	_ =	shalt  }
0x4e: {  	_ =	shalt  }
0x4f: {  	_ =	shalt  }
0x50: {  	_ =	shalt  }
0x51: {  	_ =	shalt  }
0x52: {  	_ =	shalt  }
0x53: {  	_ =	shalt  }
0x54: {  	_ =	shalt  }
0x55: {  	_ =	shalt  }
0x56: {  	_ =	shalt  }
0x57: {  	_ =	shalt  }
0x58: {  	_ =	shalt  }
0x59: {  	_ =	shalt  }
0x5a: {  	_ =	shalt  }
0x5b: {  	_ =	shalt  }
0x5c: {  	_ =	shalt  }
0x5d: {  	_ =	shalt  }
0x5e: {  	_ =	shalt  }
0x5f: {  	_ =	shalt  }
0x60: {  	_ =	shalt  }
0x61: {  	_ =	shalt  }
0x62: {  	_ =	shalt  }
0x63: {  	_ =	shalt  }
0x64: {  	_ =	shalt  }
0x65: {  	_ =	shalt  }
0x66: {  	_ =	shalt  }
0x67: {  	_ =	shalt  }
0x68: {  	_ =	shalt  }
0x69: {  	_ =	shalt  }
0x6a: {  	_ =	shalt  }
0x6b: {  	_ =	shalt  }
0x6c: {  	_ =	shalt  }
0x6d: {  	_ =	shalt  }
0x6e: {  	_ =	shalt  }
0x6f: {  	_ =	shalt  }
0x70: {  	_ =	shalt  }
0x71: {  	_ =	shalt  }
0x72: {  	_ =	shalt  }
0x73: {  	_ =	shalt  }
0x74: {  	_ =	shalt  }
0x75: {  	_ =	shalt  }
0x76: {  	_ =	shalt  }
0x77: {  	_ =	shalt  }
0x78: {  	_ =	shalt  }
0x79: {  	_ =	shalt  }
0x7a: {  	_ =	shalt  }
0x7b: {  	_ =	shalt  }
0x7c: {  	_ =	shalt  }
0x7d: {  	_ =	shalt  }
0x7e: {  	_ =	shalt  }
0x7f: {  	_ =	shalt  }
0x80: {  	_ =	shalt  }
0x81: {  	_ =	shalt  }
0x82: {  	_ =	shalt  }
0x83: {  	_ =	shalt  }
0x84: {  	_ =	shalt  }
0x85: {  	_ =	shalt  }
0x86: {  	_ =	shalt  }
0x87: {  	_ =	shalt  }
.Lfunc_end0:
.L_simem_size_0:
called_computation.1_lowered:
.L_overlay_start_0:
0x88: {  	s2 =	sld [smem:$0x3FD9]  }
0x89: {  	s3 =	sld [smem:$0x3FFE];
	_ =	sdelay $0x1  }
0x8a: {  	s1 =	srdreg.scid  }
0x8b: {  	s0 =	sand.u32 $0x1, s1  }
0x8c: {  	s17 =	sshll.u32 s0, $0xA;
	s2 =	sadd.s32 s3, s2  }
0x8d: {  	s2 =	sadd.s32 s2, s17  }
0x8e: {  	[smem:$0x3FAC] =	sst s2  }
0x8f: {  	_ = 	snop  }
0x90: {  	s2 =	sld [smem:$0x3FD0];
	(tm) =	ssettm $0x1  }
0x91: {  	s18 =	sld [smem:$0x3FFB];
	_ =	sdelay $0x3  }
0x92: {  	_ =	strace s18  }
0x93: {  	s3 =	sld [smem:$0x3FFC];
	_ =	sdelay $0x3  }
0x94: {  	_ =	strace s3  }
0x95: {  	s3 =	sld [smem:$0x3FFD];
	_ =	sdelay $0x3  }
0x96: {  	_ =	strace s3  }
0x97: {  	_ =	strace $0x8FFFFFFF  }
0x98: {  	s19 =	sld [smem:$0x3FDB];
	_ =	sdelay $0x1  }
0x99: {  	s4 =	simm.s32 $_scs_section_size  }
0x9a: {  	s5 =	simm.s32 $_size__tile_overlayer_lowered;
	s6 =	simm.s32 $_tile_overlayer_lowered  }
0x9b: {  	s22 =	simm.s32 $0x1BFF;
	s21 =	sshll.u32 s6, $0x1;
	s3 =	sadd.s32 s4, s19  }
0x9c: {  	s7 =	simm.s32 $0x0;
	s20 =	sshll.u32 s5, $0x1;
	s5 =	sadd.s32 s21, s3  }
0x9d: {  	[timem:s7], [sflag:s22] =	dma.local [hbm:s5], s20  }
0x9e: {  	_ =	swait.ge [sflag:s22], s20  }
0x9f: {  	s4 =	ssub.s32 $0x0, s20;
	[sflag:s22] =	ssyncset.done $0x0  }
0xa0: {  	[sflag:s22] =	ssyncadd.s32 s4;
	_ =	sdelay $0x1  }
0xa1: {  	s23 =	simm.s32 $0x1B8B  }
0xa2: {  	_ =	swait.ge [sflag:s23], $0x1  }
0xa3: {  	[sflag:s23] =	ssyncset.done $0x0  }
0xa4: {  	s25 =	simm.s32 $0x1B8E;
	s24 =	sld [smem:$0x3FFE];
	[sflag:s23] =	ssyncadd.s32 $0xFFFFFFFF  }
0xa5: {  	s26 =	simm.s32 $execute0_lowered;
	[smem:$0x3FD2] =	sst s25  }
0xa6: {  	s5 =	sshll.u32 s26, $0x1;
	_ =	strace $0x80000049;
	[dreg:$0x1] =	wrdreg $0xFFFFFFFF  }
0xa7: {  	s28 =	simm.s32 $_size_execute0_lowered;
	s3 =	sadd.s32 s3, s5;
	[dreg:$0x0] =	wrdreg $0x0  }
0xa8: {  	s5 =	sshll.u32 s28, $0x1;
	[dreg:$0x2] =	wrdreg s3  }
0xa9: {  	[dreg:$0x3] =	wrdreg s5  }
0xaa: {  	[dreg:$0x4] =	wrdreg $0xC0  }
0xab: {  	_ =	task [dreg:s7], $0x5FFFF  }
0xac: {  	[dreg:$0x1] =	wrdreg $0xFFFFFFFF  }
0xad: {  	[dreg:$0x0] =	wrdreg $0x60  }
0xae: {  	[dreg:$0x2] =	wrdreg s24  }
0xaf: {  	[dreg:$0x3] =	wrdreg s2  }
0xb0: {  	[dreg:$0x4] =	wrdreg $0x84D00  }
0xb1: {  	[dreg:$0x5] =	wrdreg $0xEA600  }
0xb2: {  	[dreg:$0x6] =	wrdreg $0x9  }
0xb3: {  	_ =	task.clear_ibuf [dreg:s7], $0x7FFFF;
	_ =	strace $0x90000049  }
0xb4: {  	s29 =	simm.s32 $0x9;
	_ =	strace $0x8000004B  }
0xb5: {  	_ =	swait.ge [sflag:s29], $0x1  }
0xb6: {  	[sflag:s29] =	ssyncadd.s32 $0xFFFFFFFF  }
0xb7: {  	_ =	strace $0x9000004B  }
0xb8: {  	_ =	sfence  }
0xb9: {  	s30 =	sld [smem:$0x0];
	_ =	sdelay $0x2  }
0xba: {  	s31 =	sshll.u32 s1, $0xD;
	s1 =	sshrl.u32 s1, $0x2  }
0xbb: {  	s3 =	sand.u32 $0x4000, s31;
	s1 =	sadd.s32 s1, s30  }
0xbc: {  	s0 =	sor.u32 s3, s0;
	s1 =	sshll.u32 s1, $0x11  }
0xbd: {  	s0 =	sor.u32 s1, s0  }
0xbe: {  	s0 =	sadd.s32 $0x8F2B, s0  }
0xbf: {  	[sflag:s0] =	ssyncadd.remote.s32 $0x1  }
0xc0: {  	_ =	sfence.sel $0xFFFF  }
0xc1: {  	[dreg:$0x0] =	wrdreg $0xFFFFFFFF;
	(pc) =	sbr.abs _section_cstart, $3  }
0xc2: {  	[dreg:$0x1] =	wrdreg $0xFFFFFFFF  }
0xc3: {  	_ =	task.clear_ibuf [dreg:s7], $0x2FFFF;
	_ =	strace $0x9FFFFFFF  }
0xc4: {  	(tm) =	ssettm $0x7FFFFFFF  }
0xc5: {  	_ =	shalt  }
tec
execute0_lowered:
.L_overlay_start_1:
0x0: {  	(tag) =	ssettag $0x1  }
0x1: {  	s0 =	rddreg [dreg:$0x0]  }
0x2: {  	s1 =	rddreg [dreg:$0x1]  }
0x3: {  	s2 =	rddreg [dreg:$0x2]  }
0x4: {  	s3 =	rddreg [dreg:$0x3];
	s4 =	srdreg.scid  }
0x5: {  	s13 =	stileid.u32;
	[dreg:$0x5] =	wrdreg s1;
	s30 =	sand.u32 $0x1, s4  }
0x6: {  	s5 =	sshll.u32 s13, $0x1;
	s4 =	simm.s32 $0x0;
	s31 =	smul.u32 $0x2710, s13  }
0x7: {  	s6 =	sshrl.u32 s13, $0x1;
	s29 =	sadd.s32 $0x15800, s0;
	s25 =	sadd.s32 $0x10800, s0  }
0x8: {  	s16 =	sshll.u32 s13, $0x6;
	s5 =	sor.u32 s30, s5;
	s14 =	smul.u32 $0xFFFFB1E0, s6  }
0x9: {  	[smem:$0x7FF] =	sst s4;
	s26 =	smul.u32 $0x1388, s5;
	s7 =	sshrl.u32 s31, $0x3  }
0xa: {  	s6 =	sshll.u32 s6, $0x4;
	_ =	strace $0x8000004A;
	s7 =	sadd.s32 s7, s0  }
0xb: {  	s9 =	sadd.s32 s31, s2;
	s8 =	sadd.s32 s14, s26;
	s5 =	sadd.s32 $0xB1C00, s7  }
0xc: {  	s10 =	sshrl.u32 s26, $0x3;
	s17 =	sadd.s32 $0x3E8, s26;
	s15 =	sshll.u32 s8, $0x7  }
0xd: {  	s28 =	sor.u32 s6, s15;
	s6 =	sadd.s32 s25, s10;
	s10 =	sshrl.u32 s17, $0x3  }
0xe: {  	s7 =	sshrl.u32 s28, $0x3;
	s11 =	sadd.s32 $0x1F400, s28;
	s18 =	sadd.s32 s25, s10  }
0xf: {  	s21 =	sadd.s32 $0x3E800, s28;
	s22 =	sadd.s32 $0xFA, s6;
	[dreg:$0x7] =	wrdreg s18  }
0x10: {  	s7 =	sadd.s32 s29, s7;
	s19 =	sshrl.u32 s11, $0x3;
	[dreg:$0x9] =	wrdreg s22  }
0x11: {  	s10 =	sshrl.u32 s21, $0x3;
	[dreg:$0x6] =	wrdreg s7;
	s20 =	sadd.s32 s29, s19  }
0x12: {  	s9 =	sshrl.u32 s9, $0x3;
	s23 =	sadd.s32 s29, s10;
	[dreg:$0x8] =	wrdreg s20  }
0x13: {  	s8 =	simm.s32 $0x9;
	s7 =	sor.u32 $0x1C09, s16;
	[dreg:$0xa] =	wrdreg s23  }
0x14: {  	[spmem:s9], [sflag:s7] =	dma.local [hbm:s5], $0x4E2  }
0x15: {  	_ =	swait.ge [sflag:s8], $0x4E2  }
0x16: {  	s24 =	sadd.s32 s31, s3;
	[sflag:s8] =	ssyncset.done $0x0  }
0x17: {  	s10 =	sshrl.u32 s24, $0x3;
	[sflag:s8] =	ssyncadd.s32 $0xFFFFFB1E  }
0x18: {  	[spmem:s10], [sflag:s7] =	dma.local [hbm:s5], $0x4E2  }
0x19: {  	_ =	swait.ge [sflag:s8], $0x4E2  }
0x1a: {  	[sflag:s8] =	ssyncset.done $0x0  }
0x1b: {  	s11 =	simm.s32 $0xABE0;
	s12 =	rddreg [dreg:$0x5];
	[sflag:s8] =	ssyncadd.s32 $0xFFFFFB1E  }
0x1c: {  	[tilespmem:s11], [sflag:$0x9] =	stream.linear.gather [hbm4b:s12+s4], $0x3E80, $0x38;
	[tilespmem:$0x11170] =	vst v63  }
0x1d: {  	_ =	swait.ge [sflag:s8], $0x3E80  }
0x1e: {  	[sflag:s8] =	ssyncset.done $0x0  }
0x1f: {  	[sflag:s8] =	ssyncadd.s32 $0xFFFFC180  }
0x20: {  	s13 =	simm.s32 $0x80;
	[bflag:$0x0] =	sbarrier.arrive $0xFFFF  }
0x21: {  	[tilespmem:s4], [sflag:$0x1] =	stream.linear.gather [hbm4b:s6+s4], $0x3E8, $0x38;
	[tilespmem:$0x11170] =	vst v63  }
0x22: {  	s14 =	simm.s32 $0x7D0;
	s12 =	simm.s32 $0x10;
	s15 =	rddreg [dreg:$0x6]  }
0x23: {  	[tilespmem:s14], [sflag:$0x3] =	stream.strided.gather [hbm4b:s15+s12], $0x3E80, s13, s12, $0x38;
	[tilespmem:$0x11170] =	vst v63  }
0x24: {  	s16 =	rddreg [dreg:$0x7];
	s15 =	simm.s32 $0x3E8  }
0x25: {  	[tilespmem:s15], [sflag:$0x2] =	stream.linear.gather [hbm4b:s16+s4], $0x3E8, $0x38;
	[tilespmem:$0x11170] =	vst v63  }
0x26: {  	s17 =	simm.s32 $0x1;
	s18 =	rddreg [dreg:$0x8];
	s16 =	simm.s32 $0x4650  }
0x27: {  	[tilespmem:s16], [sflag:$0x4] =	stream.strided.gather [hbm4b:s18+s12], $0x3E80, s13, s12, $0x38;
	[tilespmem:$0x11170] =	vst v63  }
0x28: {  	_ =	swait.ge [sflag:s17], $0x3E8  }
0x29: {  	[sflag:s17] =	ssyncset.done $0x0  }
0x2a: {  	s18 =	simm.s32 $0x3;
	[sflag:s17] =	ssyncadd.s32 $0xFFFFFC18  }
0x2b: {  	_ =	swait.ge [sflag:s18], $0x3E80  }
0x2c: {  	[sflag:s18] =	ssyncset.done $0x0  }
0x2d: {  	[sflag:s18] =	ssyncadd.s32 $0xFFFFC180  }
0x2e: {  	[spmem:s2] =	stream.indirect.scatter.add.f32 [tilespmem:s14], [sflag:$0x5], $0x10, s4, s15, $0xb8;
	[tilespmem:$0x11170] =	vst v63  }
0x2f: {  	s19 =	simm.s32 $0x5  }
0x30: {  	[spmem:s3] =	stream.indirect.scatter.add.f32 [tilespmem:s11], [sflag:$0x7], $0x10, s4, s15, $0xb8;
	[tilespmem:$0x11170] =	vst v63  }
0x31: {  	_ =	swait.ge [sflag:s19], $0x3E80  }
0x32: {  	[sflag:s19] =	ssyncset.done $0x0  }
0x33: {  	s20 =	simm.s32 $0x7;
	[sflag:s19] =	ssyncadd.s32 $0xFFFFC180  }
0x34: {  	_ =	swait.ge [sflag:s20], $0x3E80  }
0x35: {  	[sflag:s20] =	ssyncset.done $0x0  }
0x36: {  	s21 =	rddreg [dreg:$0x9];
	[sflag:s20] =	ssyncadd.s32 $0xFFFFC180  }
0x37: {  	[tilespmem:s4], [sflag:$0x1] =	stream.linear.gather [hbm4b:s21+s4], $0x3E8, $0x38;
	[tilespmem:$0x11170] =	vst v63  }
0x38: {  	s22 =	rddreg [dreg:$0xa];
	s21 =	simm.s32 $0x2  }
0x39: {  	[tilespmem:s14], [sflag:$0x3] =	stream.strided.gather [hbm4b:s22+s12], $0x3E80, s13, s12, $0x38;
	[tilespmem:$0x11170] =	vst v63  }
0x3a: {  	_ =	swait.ge [sflag:s21], $0x3E8  }
0x3b: {  	[sflag:s21] =	ssyncset.done $0x0  }
0x3c: {  	s22 =	simm.s32 $0x4;
	[sflag:s21] =	ssyncadd.s32 $0xFFFFFC18  }
0x3d: {  	_ =	swait.ge [sflag:s22], $0x3E80  }
0x3e: {  	[sflag:s22] =	ssyncset.done $0x0  }
0x3f: {  	[sflag:s22] =	ssyncadd.s32 $0xFFFFC180  }
0x40: {  	[spmem:s2] =	stream.indirect.scatter.add.f32 [tilespmem:s16], [sflag:$0x6], $0x10, s15, s15, $0xb8;
	[tilespmem:$0x11170] =	vst v63  }
0x41: {  	s23 =	simm.s32 $0x6  }
0x42: {  	[spmem:s3] =	stream.indirect.scatter.add.f32 [tilespmem:s11], [sflag:$0x8], $0x10, s15, s15, $0xb8;
	[tilespmem:$0x11170] =	vst v63  }
0x43: {  	_ =	swait.ge [sflag:s23], $0x3E80  }
0x44: {  	[sflag:s23] =	ssyncset.done $0x0  }
0x45: {  	s24 =	simm.s32 $0x8;
	[sflag:s23] =	ssyncadd.s32 $0xFFFFC180  }
0x46: {  	s26 =	sadd.s32 $0xBB8, s26;
	_ =	swait.ge [sflag:s24], $0x3E80  }
0x47: {  	s26 =	sshrl.u32 s26, $0x3;
	s1 =	sadd.s32 $0x5DC00, s28;
	[sflag:s24] =	ssyncset.done $0x0  }
0x48: {  	s25 =	sadd.s32 s25, s26;
	s1 =	sshrl.u32 s1, $0x3;
	[sflag:s24] =	ssyncadd.s32 $0xFFFFC180  }
0x49: {  	[tilespmem:s15], [sflag:$0x2] =	stream.linear.gather [hbm4b:s25+s4], $0x3E8, $0x38;
	[tilespmem:$0x11170] =	vst v63  }
0x4a: {  	s1 =	sadd.s32 s29, s1;
	[dreg:$0xb] =	wrdreg s25  }
0x4b: {  	[tilespmem:s16], [sflag:$0x4] =	stream.strided.gather [hbm4b:s1+s12], $0x3E80, s13, s12, $0x38;
	[tilespmem:$0x11170] =	vst v63  }
0x4c: {  	_ =	swait.ge [sflag:s17], $0x3E8  }
0x4d: {  	[sflag:s17] =	ssyncset.done $0x0  }
0x4e: {  	[sflag:s17] =	ssyncadd.s32 $0xFFFFFC18  }
0x4f: {  	_ =	swait.ge [sflag:s18], $0x3E80  }
0x50: {  	[sflag:s18] =	ssyncset.done $0x0  }
0x51: {  	[sflag:s18] =	ssyncadd.s32 $0xFFFFC180  }
0x52: {  	[spmem:s2] =	stream.indirect.scatter.add.f32 [tilespmem:s14], [sflag:$0x5], $0x10, s4, s15, $0xb8;
	[tilespmem:$0x11170] =	vst v63  }
0x53: {  	_ = 	snop  }
0x54: {  	[spmem:s3] =	stream.indirect.scatter.add.f32 [tilespmem:s11], [sflag:$0x7], $0x10, s4, s15, $0xb8;
	[tilespmem:$0x11170] =	vst v63  }
0x55: {  	_ =	swait.ge [sflag:s19], $0x3E80  }
0x56: {  	[sflag:s19] =	ssyncset.done $0x0  }
0x57: {  	[sflag:s19] =	ssyncadd.s32 $0xFFFFC180  }
0x58: {  	_ =	swait.ge [sflag:s20], $0x3E80  }
0x59: {  	s26 =	smov.u32 s1;
	s25 =	sadd.s32 $0x7D000, s28;
	[sflag:s20] =	ssyncset.done $0x0  }
0x5a: {  	s28 =	sadd.s32 $0x1F4, s6;
	s1 =	sshrl.u32 s25, $0x3;
	[sflag:s20] =	ssyncadd.s32 $0xFFFFC180  }
0x5b: {  	[tilespmem:s4], [sflag:$0x1] =	stream.linear.gather [hbm4b:s28+s4], $0x3E8, $0x38;
	[tilespmem:$0x11170] =	vst v63  }
0x5c: {  	s29 =	sadd.s32 s29, s1  }
0x5d: {  	[tilespmem:s14], [sflag:$0x3] =	stream.strided.gather [hbm4b:s29+s12], $0x3E80, s13, s12, $0x38;
	[tilespmem:$0x11170] =	vst v63  }
0x5e: {  	_ =	swait.ge [sflag:s21], $0x3E8  }
0x5f: {  	[sflag:s21] =	ssyncset.done $0x0  }
0x60: {  	[sflag:s21] =	ssyncadd.s32 $0xFFFFFC18  }
0x61: {  	_ =	swait.ge [sflag:s22], $0x3E80  }
0x62: {  	[sflag:s22] =	ssyncset.done $0x0  }
0x63: {  	[sflag:s22] =	ssyncadd.s32 $0xFFFFC180  }
0x64: {  	[spmem:s2] =	stream.indirect.scatter.add.f32 [tilespmem:s16], [sflag:$0x6], $0x10, s15, s15, $0xb8;
	[tilespmem:$0x11170] =	vst v63  }
0x65: {  	_ = 	snop  }
0x66: {  	[spmem:s3] =	stream.indirect.scatter.add.f32 [tilespmem:s11], [sflag:$0x8], $0x10, s15, s15, $0xb8;
	[tilespmem:$0x11170] =	vst v63  }
0x67: {  	_ =	swait.ge [sflag:s17], $0x3E8  }
0x68: {  	[sflag:s17] =	ssyncset.done $0x0  }
0x69: {  	[sflag:s17] =	ssyncadd.s32 $0xFFFFFC18  }
0x6a: {  	_ =	swait.ge [sflag:s18], $0x3E80  }
0x6b: {  	[sflag:s18] =	ssyncset.done $0x0  }
0x6c: {  	[sflag:s18] =	ssyncadd.s32 $0xFFFFC180  }
0x6d: {  	[spmem:s2] =	stream.indirect.scatter.add.f32 [tilespmem:s14], [sflag:$0x5], $0x10, s4, s15, $0xb8;
	[tilespmem:$0x11170] =	vst v63  }
0x6e: {  	_ = 	snop  }
0x6f: {  	[spmem:s3] =	stream.indirect.scatter.add.f32 [tilespmem:s11], [sflag:$0x7], $0x10, s4, s15, $0xb8;
	[tilespmem:$0x11170] =	vst v63  }
0x70: {  	_ =	swait.ge [sflag:s19], $0x3E80  }
0x71: {  	[sflag:s19] =	ssyncset.done $0x0  }
0x72: {  	[sflag:s19] =	ssyncadd.s32 $0xFFFFC180  }
0x73: {  	_ =	swait.ge [sflag:s20], $0x3E80  }
0x74: {  	[sflag:s20] =	ssyncset.done $0x0  }
0x75: {  	[sflag:s20] =	ssyncadd.s32 $0xFFFFC180  }
0x76: {  	_ =	swait.ge [sflag:s23], $0x3E80  }
0x77: {  	s25 =	smul.u32 $0x27100, s30;
	[sflag:s23] =	ssyncset.done $0x0  }
0x78: {  	[sflag:s23] =	ssyncadd.s32 $0xFFFFC180  }
0x79: {  	s1 =	sadd.s32 s31, s25;
	s25 =	ssub.s32 $0x2, s30;
	_ =	swait.ge [sflag:s24], $0x3E80  }
0x7a: {  	s1 =	sshrl.u32 s1, $0x3;
	s31 =	sshrl.u32 s25, $0x1;
	[sflag:s24] =	ssyncset.done $0x0  }
0x7b: {  	s0 =	sadd.s32 s1, s0;
	s1 =	ssub.s32 s25, s31;
	[sflag:s24] =	ssyncadd.s32 $0xFFFFC180  }
0x7c: {  	s30 =	sadd.s32 $0xC0A00, s0;
	s25 =	smax.u32 s1, $0x1;
	[bflag:$0x0] =	sbarrier.arrive $0xFFFF  }
0x7d: {  	[hbm:s30], [sflag:s7] =	dma.local [spmem:s9], $0x4E2  }
0x7e: {  	p0 =	sne.s32 s25, $0x1;
	_ =	swait.ge [sflag:s8], $0x4E2  }
.Ltmp0:
0x7f: {  	[sflag:s8] =	ssyncset.done $0x0;
	(pc) =	sbr.rel @!p0 .LBB2_3-.Ltmp0, $4  }
0x80: {  	s31 =	sadd.s32 $0xB6C00, s0;
	[sflag:s8] =	ssyncadd.s32 $0xFFFFFB1E  }
0x81: {  	[hbm:s31], [sflag:s7] =	dma.local [spmem:s10], $0x4E2  }
0x82: {  	_ =	swait.ge [sflag:s8], $0x4E2  }
0x83: {  	s0 =	sadd.s32 $0xFFFFFFFF, s25;
	[sflag:s8] =	ssyncset.done $0x0  }
0x84: {  	s25 =	smov.u32 s6  }
.LBB2_2:
0x85: {  	[sflag:s8] =	ssyncadd.s32 $0xFFFFFB1E  }
0x86: {  	[spmem:s9], [sflag:s7] =	dma.local [hbm:s5], $0x4E2  }
0x87: {  	_ =	swait.ge [sflag:s8], $0x4E2  }
0x88: {  	[sflag:s8] =	ssyncset.done $0x0  }
0x89: {  	[sflag:s8] =	ssyncadd.s32 $0xFFFFFB1E  }
0x8a: {  	[spmem:s10], [sflag:s7] =	dma.local [hbm:s5], $0x4E2  }
0x8b: {  	_ =	swait.ge [sflag:s8], $0x4E2  }
0x8c: {  	[sflag:s8] =	ssyncset.done $0x0  }
0x8d: {  	s1 =	rddreg [dreg:$0x5];
	[sflag:s8] =	ssyncadd.s32 $0xFFFFFB1E  }
0x8e: {  	[tilespmem:s11], [sflag:$0x9] =	stream.linear.gather [hbm4b:s1+s4], $0x3E80, $0x38;
	[tilespmem:$0x11170] =	vst v63  }
0x8f: {  	_ =	swait.ge [sflag:s8], $0x3E80  }
0x90: {  	[sflag:s8] =	ssyncset.done $0x0  }
0x91: {  	[sflag:s8] =	ssyncadd.s32 $0xFFFFC180  }
0x92: {  	[bflag:$0x0] =	sbarrier.arrive $0xFFFF  }
0x93: {  	[tilespmem:s4], [sflag:$0x1] =	stream.linear.gather [hbm4b:s25+s4], $0x3E8, $0x38;
	[tilespmem:$0x11170] =	vst v63  }
0x94: {  	s1 =	rddreg [dreg:$0x6]  }
0x95: {  	[tilespmem:s14], [sflag:$0x3] =	stream.strided.gather [hbm4b:s1+s12], $0x3E80, s13, s12, $0x38;
	[tilespmem:$0x11170] =	vst v63  }
0x96: {  	s6 =	rddreg [dreg:$0x7]  }
0x97: {  	[tilespmem:s15], [sflag:$0x2] =	stream.linear.gather [hbm4b:s6+s4], $0x3E8, $0x38;
	[tilespmem:$0x11170] =	vst v63  }
0x98: {  	s1 =	rddreg [dreg:$0x8]  }
0x99: {  	[tilespmem:s16], [sflag:$0x4] =	stream.strided.gather [hbm4b:s1+s12], $0x3E80, s13, s12, $0x38;
	[tilespmem:$0x11170] =	vst v63  }
0x9a: {  	_ =	swait.ge [sflag:s17], $0x3E8  }
0x9b: {  	[sflag:s17] =	ssyncset.done $0x0  }
0x9c: {  	[sflag:s17] =	ssyncadd.s32 $0xFFFFFC18  }
0x9d: {  	_ =	swait.ge [sflag:s18], $0x3E80  }
0x9e: {  	[sflag:s18] =	ssyncset.done $0x0  }
0x9f: {  	[sflag:s18] =	ssyncadd.s32 $0xFFFFC180  }
0xa0: {  	[spmem:s2] =	stream.indirect.scatter.add.f32 [tilespmem:s14], [sflag:$0x5], $0x10, s4, s15, $0xb8;
	[tilespmem:$0x11170] =	vst v63  }
0xa1: {  	_ = 	snop  }
0xa2: {  	[spmem:s3] =	stream.indirect.scatter.add.f32 [tilespmem:s11], [sflag:$0x7], $0x10, s4, s15, $0xb8;
	[tilespmem:$0x11170] =	vst v63  }
0xa3: {  	_ =	swait.ge [sflag:s19], $0x3E80  }
0xa4: {  	[sflag:s19] =	ssyncset.done $0x0  }
0xa5: {  	[sflag:s19] =	ssyncadd.s32 $0xFFFFC180  }
0xa6: {  	_ =	swait.ge [sflag:s20], $0x3E80  }
0xa7: {  	[sflag:s20] =	ssyncset.done $0x0  }
0xa8: {  	s1 =	rddreg [dreg:$0x9];
	[sflag:s20] =	ssyncadd.s32 $0xFFFFC180  }
0xa9: {  	[tilespmem:s4], [sflag:$0x1] =	stream.linear.gather [hbm4b:s1+s4], $0x3E8, $0x38;
	[tilespmem:$0x11170] =	vst v63  }
0xaa: {  	s6 =	rddreg [dreg:$0xa]  }
0xab: {  	[tilespmem:s14], [sflag:$0x3] =	stream.strided.gather [hbm4b:s6+s12], $0x3E80, s13, s12, $0x38;
	[tilespmem:$0x11170] =	vst v63  }
0xac: {  	_ =	swait.ge [sflag:s21], $0x3E8  }
0xad: {  	[sflag:s21] =	ssyncset.done $0x0  }
0xae: {  	[sflag:s21] =	ssyncadd.s32 $0xFFFFFC18  }
0xaf: {  	_ =	swait.ge [sflag:s22], $0x3E80  }
0xb0: {  	[sflag:s22] =	ssyncset.done $0x0  }
0xb1: {  	[sflag:s22] =	ssyncadd.s32 $0xFFFFC180  }
0xb2: {  	[spmem:s2] =	stream.indirect.scatter.add.f32 [tilespmem:s16], [sflag:$0x6], $0x10, s15, s15, $0xb8;
	[tilespmem:$0x11170] =	vst v63  }
0xb3: {  	_ = 	snop  }
0xb4: {  	[spmem:s3] =	stream.indirect.scatter.add.f32 [tilespmem:s11], [sflag:$0x8], $0x10, s15, s15, $0xb8;
	[tilespmem:$0x11170] =	vst v63  }
0xb5: {  	_ =	swait.ge [sflag:s23], $0x3E80  }
0xb6: {  	[sflag:s23] =	ssyncset.done $0x0  }
0xb7: {  	[sflag:s23] =	ssyncadd.s32 $0xFFFFC180  }
0xb8: {  	_ =	swait.ge [sflag:s24], $0x3E80  }
0xb9: {  	[sflag:s24] =	ssyncset.done $0x0  }
0xba: {  	s6 =	rddreg [dreg:$0xb];
	[sflag:s24] =	ssyncadd.s32 $0xFFFFC180  }
0xbb: {  	[tilespmem:s15], [sflag:$0x2] =	stream.linear.gather [hbm4b:s6+s4], $0x3E8, $0x38;
	[tilespmem:$0x11170] =	vst v63  }
0xbc: {  	_ = 	snop  }
0xbd: {  	[tilespmem:s16], [sflag:$0x4] =	stream.strided.gather [hbm4b:s26+s12], $0x3E80, s13, s12, $0x38;
	[tilespmem:$0x11170] =	vst v63  }
0xbe: {  	_ =	swait.ge [sflag:s17], $0x3E8  }
0xbf: {  	[sflag:s17] =	ssyncset.done $0x0  }
0xc0: {  	[sflag:s17] =	ssyncadd.s32 $0xFFFFFC18  }
0xc1: {  	_ =	swait.ge [sflag:s18], $0x3E80  }
0xc2: {  	[sflag:s18] =	ssyncset.done $0x0  }
0xc3: {  	[sflag:s18] =	ssyncadd.s32 $0xFFFFC180  }
0xc4: {  	[spmem:s2] =	stream.indirect.scatter.add.f32 [tilespmem:s14], [sflag:$0x5], $0x10, s4, s15, $0xb8;
	[tilespmem:$0x11170] =	vst v63  }
0xc5: {  	_ = 	snop  }
0xc6: {  	[spmem:s3] =	stream.indirect.scatter.add.f32 [tilespmem:s11], [sflag:$0x7], $0x10, s4, s15, $0xb8;
	[tilespmem:$0x11170] =	vst v63  }
0xc7: {  	_ =	swait.ge [sflag:s19], $0x3E80  }
0xc8: {  	[sflag:s19] =	ssyncset.done $0x0  }
0xc9: {  	[sflag:s19] =	ssyncadd.s32 $0xFFFFC180  }
0xca: {  	_ =	swait.ge [sflag:s20], $0x3E80  }
0xcb: {  	[sflag:s20] =	ssyncset.done $0x0  }
0xcc: {  	[sflag:s20] =	ssyncadd.s32 $0xFFFFC180  }
0xcd: {  	[tilespmem:s4], [sflag:$0x1] =	stream.linear.gather [hbm4b:s28+s4], $0x3E8, $0x38;
	[tilespmem:$0x11170] =	vst v63  }
0xce: {  	_ = 	snop  }
0xcf: {  	[tilespmem:s14], [sflag:$0x3] =	stream.strided.gather [hbm4b:s29+s12], $0x3E80, s13, s12, $0x38;
	[tilespmem:$0x11170] =	vst v63  }
0xd0: {  	_ =	swait.ge [sflag:s21], $0x3E8  }
0xd1: {  	[sflag:s21] =	ssyncset.done $0x0  }
0xd2: {  	[sflag:s21] =	ssyncadd.s32 $0xFFFFFC18  }
0xd3: {  	_ =	swait.ge [sflag:s22], $0x3E80  }
0xd4: {  	[sflag:s22] =	ssyncset.done $0x0  }
0xd5: {  	[sflag:s22] =	ssyncadd.s32 $0xFFFFC180  }
0xd6: {  	[spmem:s2] =	stream.indirect.scatter.add.f32 [tilespmem:s16], [sflag:$0x6], $0x10, s15, s15, $0xb8;
	[tilespmem:$0x11170] =	vst v63  }
0xd7: {  	_ = 	snop  }
0xd8: {  	[spmem:s3] =	stream.indirect.scatter.add.f32 [tilespmem:s11], [sflag:$0x8], $0x10, s15, s15, $0xb8;
	[tilespmem:$0x11170] =	vst v63  }
0xd9: {  	_ =	swait.ge [sflag:s17], $0x3E8  }
0xda: {  	[sflag:s17] =	ssyncset.done $0x0  }
0xdb: {  	[sflag:s17] =	ssyncadd.s32 $0xFFFFFC18  }
0xdc: {  	_ =	swait.ge [sflag:s18], $0x3E80  }
0xdd: {  	[sflag:s18] =	ssyncset.done $0x0  }
0xde: {  	[sflag:s18] =	ssyncadd.s32 $0xFFFFC180  }
0xdf: {  	[spmem:s2] =	stream.indirect.scatter.add.f32 [tilespmem:s14], [sflag:$0x5], $0x10, s4, s15, $0xb8;
	[tilespmem:$0x11170] =	vst v63  }
0xe0: {  	_ = 	snop  }
0xe1: {  	[spmem:s3] =	stream.indirect.scatter.add.f32 [tilespmem:s11], [sflag:$0x7], $0x10, s4, s15, $0xb8;
	[tilespmem:$0x11170] =	vst v63  }
0xe2: {  	_ =	swait.ge [sflag:s19], $0x3E80  }
0xe3: {  	[sflag:s19] =	ssyncset.done $0x0  }
0xe4: {  	[sflag:s19] =	ssyncadd.s32 $0xFFFFC180  }
0xe5: {  	_ =	swait.ge [sflag:s20], $0x3E80  }
0xe6: {  	[sflag:s20] =	ssyncset.done $0x0  }
0xe7: {  	[sflag:s20] =	ssyncadd.s32 $0xFFFFC180  }
0xe8: {  	_ =	swait.ge [sflag:s23], $0x3E80  }
0xe9: {  	[sflag:s23] =	ssyncset.done $0x0  }
0xea: {  	[sflag:s23] =	ssyncadd.s32 $0xFFFFC180  }
0xeb: {  	_ =	swait.ge [sflag:s24], $0x3E80  }
0xec: {  	[sflag:s24] =	ssyncset.done $0x0  }
0xed: {  	[sflag:s24] =	ssyncadd.s32 $0xFFFFC180  }
0xee: {  	[bflag:$0x0] =	sbarrier.arrive $0xFFFF  }
0xef: {  	[hbm:s30], [sflag:s7] =	dma.local [spmem:s9], $0x4E2  }
0xf0: {  	p0 =	sne.s32 s0, $0x1;
	_ =	swait.ge [sflag:s8], $0x4E2  }
.Ltmp1:
0xf1: {  	[sflag:s8] =	ssyncset.done $0x0;
	(pc) =	sbr.rel @p0 .LBB2_2-.Ltmp1, $4  }
0xf2: {  	[sflag:s8] =	ssyncadd.s32 $0xFFFFFB1E  }
0xf3: {  	[hbm:s31], [sflag:s7] =	dma.local [spmem:s10], $0x4E2  }
0xf4: {  	_ =	swait.ge [sflag:s8], $0x4E2  }
0xf5: {  	s0 =	sadd.s32 $0xFFFFFFFF, s0;
	[sflag:s8] =	ssyncset.done $0x0  }
.LBB2_3:
0xf6: {  	[sflag:s8] =	ssyncadd.s32 $0xFFFFFB1E  }
0xf7: {  	_ =	sfence.sel $0x180000  }
0xf8: {  	[bflag:$0x0] =	sbarrier.arrive $0xFFFF  }
0xf9: {  	_ =	strace $0x9000004A  }
0xfa: {  	s0 =	stileid.u32;
	[bflag:$0x2] =	sbarrier.arrive $0xFFFF  }
0xfb: {  	p0 =	sne.s32 s0, $0x0;
	s0 =	rddreg [dreg:$0x4]  }
0xfc: {  	s0 =	sadd.s32 @!p0 $0x100000, s0  }
0xfd: {  	[sflag:s0] =	ssyncadd.tile.s32 @!p0 $0x1;
	_ =	shalt  }
.Lfunc_end2:
_tile_overlayer_lowered:
.L_overlay_start_2:
0xfe: {  	(tag) =	ssettag $0x2  }
0xff: {  	s0 =	rddreg [dreg:$0x0];
	s2 =	stileid.u32  }
0x100: {  	s1 =	rddreg [dreg:$0x1];
	p0 =	sne.s32 s2, $0x0  }
0x101: {  	s3 =	rddreg [dreg:$0x2];
	[bflag:$0x3] =	sbarrier.arrive $0xFFFF;
	s2 =	simm.s32 @!p0 $0x1C09  }
0x102: {  	[timem:s3], [sflag:s2] =	dma.local @!p0 [hbm:s0], s1  }
0x103: {  	s0 =	simm.s32 @!p0 $0x9  }
0x104: {  	_ =	swait.ge @!p0 [sflag:s0], s1  }
0x105: {  	s1 =	ssub.s32 @!p0 $0x0, s1;
	[sflag:s0] =	ssyncset.done @!p0 $0x0  }
0x106: {  	[sflag:s0] =	ssyncadd.s32 @!p0 s1  }
0x107: {  	[bflag:$0x3] =	sbarrier.arrive $0xFFFF  }
0x108: {  	_ =	shalt  }

// kernel: kernel.23.cloned.1.call-start
scs
__scs_entry_jumppad:
0x0: {  	(pc) =	sbr.rel $0x88, $3  }
0x1: {  	(tag) =	ssettag $0x0;
	lr =	simm.s32 $0x1  }
0x2: {  	[smem:$0x3F85] =	sst lr;
	_ =	strace $0xD0000000  }
0x3: {  	_ = 	snop  }
0x4: {  	_ = 	snop  }
0x5: {  	_ = 	snop  }
0x6: {  	_ = 	snop  }
0x7: {  	_ = 	snop  }
__scs_overlays_trampoline_lowered:
0x8: {  	[smem:$0x3F94] =	sst s0  }
0x9: {  	[smem:$0x3F95] =	sst s1  }
0xa: {  	[smem:$0x3F96] =	sst s2  }
0xb: {  	[smem:$0x3F97] =	sst s3  }
0xc: {  	[smem:$0x3F98] =	sst s4  }
0xd: {  	[smem:$0x3F99] =	sst s5  }
0xe: {  	[smem:$0x3F9A] =	sst s6  }
0xf: {  	[smem:$0x3F9B] =	sst s7  }
0x10: {  	[smem:$0x3F9C] =	sst s8  }
0x11: {  	[smem:$0x3F9D] =	sst s9;
	s0 =	simm.s32 @!p0 $0x0  }
0x12: {  	s1 =	sld [smem:$0x3F83];
	s0 =	simm.s32 @p0 $0x1  }
0x13: {  	[smem:$0x3F9E] =	sst s0;
	s0 =	simm.s32 @!p1 $0x0  }
0x14: {  	s2 =	sld [smem:$0x3F82];
	s0 =	simm.s32 @p1 $0x1  }
0x15: {  	[smem:$0x3F9F] =	sst s0;
	s0 =	simm.s32 @!p2 $0x0  }
0x16: {  	s3 =	sld [smem:$0x3FDB];
	s0 =	simm.s32 @p2 $0x1  }
0x17: {  	s4 =	simm.s32 $0x1BF5;
	[smem:$0x3FA1] =	sst s0  }
0x18: {  	s0 =	sld [smem:$0x3F84];
	_ =	swait.ge [sflag:s4], $0x0  }
0x19: {  	s7 =	sld [smem:$0x3F85]  }
0x1a: {  	s8 =	sadd.s32 $0xFFFFE003, lr  }
0x1b: {  	s9 =	sadd.s32 $0xFFFFFEF7, lr;
	s5 =	simm.s32 $0xFFFFFFFF;
	p2 =	slt.u32 s8, $0xFFFFF086  }
0x1c: {  	p1 =	slt.u32 s9, $0xF7A;
	s5 =	simm.s32 @!p2 $0x0  }
0x1d: {  	s5 =	simm.s32 @p1 $0x1;
	p0 =	seq.s32 s7, s2  }
0x1e: {  	s7 =	smul.u32 @!p0 $0xF7A, s2;
	p2 =	seq.s32 @!p0 s5, $0x0  }
0x1f: {  	s9 =	smul.u32 $0xF7A, s1;
	s8 =	simm.s32 @!p0 $0x1BF5;
	p2 =	por !p2, p0  }
0x20: {  	[sflag:s8] =	ssyncset.s32 @!p0 $0xFFFFF086;
	s6 =	sadd.s32 @!p0 s3, s7;
	s7 =	simm.s32 @!p0 $0x108  }
0x21: {  	s3 =	sadd.s32 s3, s9;
	s6 =	sadd.s32 @!p0 $0x88, s6;
	s7 =	simm.s32 @p2 $0x1082  }
0x22: {  	[simem:s7], [sflag:s8] =	dma.local @!p0 [hbm:s6], $0xF7A  }
0x23: {  	s9 =	sor.u32 $0xD0000000, s2;
	s6 =	simm.s32 $0x108;
	_ =	swait.ge @!p0 [sflag:s8], $0x0  }
0x24: {  	s3 =	sadd.s32 $0x88, s3;
	s6 =	simm.s32 @!p1 $0x1082;
	[sflag:s4] =	ssyncset.s32 $0xFFFFF086  }
0x25: {  	[simem:s6], [sflag:s4] =	dma.local [hbm:s3], $0xF7A  }
0x26: {  	[smem:$0x3F85] =	sst s1;
	(tag) =	ssettag s2;
	_ =	strace s9  }
0x27: {  	s1 =	sld [smem:$0x3F95]  }
0x28: {  	s2 =	sld [smem:$0x3F96]  }
0x29: {  	s4 =	sld [smem:$0x3F98]  }
0x2a: {  	p0 =	seq.s32 s5, $0x0;
	s5 =	sld [smem:$0x3F99]  }
0x2b: {  	s6 =	sld [smem:$0x3F9A]  }
0x2c: {  	s7 =	sld [smem:$0x3F9B]  }
0x2d: {  	s3 =	simm.s32 $0x108;
	s8 =	sld [smem:$0x3F9C]  }
0x2e: {  	s3 =	simm.s32 @!p0 $0x1082;
	s9 =	sld [smem:$0x3F9D]  }
0x2f: {  	lr =	sadd.s32 s0, s3;
	s0 =	sld [smem:$0x3F94]  }
0x30: {  	s3 =	sld [smem:$0x3F97]  }
0x31: {  	[smem:$0x3FA0] =	sst s10  }
0x32: {  	s10 =	sld [smem:$0x3F9E];
	_ =	sdelay $0x3  }
0x33: {  	p0 =	seq.s32 s10, $0x1;
	s10 =	sld [smem:$0x3FA0];
	_ =	sdelay $0x3  }
0x34: {  	[smem:$0x3FA0] =	sst s10  }
0x35: {  	s10 =	sld [smem:$0x3F9F];
	_ =	sdelay $0x3  }
0x36: {  	p1 =	seq.s32 s10, $0x1;
	s10 =	sld [smem:$0x3FA0];
	_ =	sdelay $0x3  }
0x37: {  	[smem:$0x3FA0] =	sst s10  }
0x38: {  	s10 =	sld [smem:$0x3FA1]  }
0x39: {  	_ = 	snop;
	(pc) =	sbr.ind lr, $3  }
0x3a: {  	_ = 	snop  }
0x3b: {  	_ = 	snop  }
0x3c: {  	p2 =	seq.s32 s10, $0x1;
	s10 =	sld [smem:$0x3FA0]  }
0x3d: {  	_ =	shalt  }
0x3e: {  	_ =	shalt  }
0x3f: {  	_ =	shalt  }
0x40: {  	_ =	shalt  }
0x41: {  	_ =	shalt  }
0x42: {  	_ =	shalt  }
0x43: {  	_ =	shalt  }
0x44: {  	_ =	shalt  }
0x45: {  	_ =	shalt  }
0x46: {  	_ =	shalt  }
0x47: {  	_ =	shalt  }
0x48: {  	_ =	shalt  }
0x49: {  	_ =	shalt  }
0x4a: {  	_ =	shalt  }
0x4b: {  	_ =	shalt  }
0x4c: {  	_ =	shalt  }
0x4d: {  	_ =	shalt  }
0x4e: {  	_ =	shalt  }
0x4f: {  	_ =	shalt  }
0x50: {  	_ =	shalt  }
0x51: {  	_ =	shalt  }
0x52: {  	_ =	shalt  }
0x53: {  	_ =	shalt  }
0x54: {  	_ =	shalt  }
0x55: {  	_ =	shalt  }
0x56: {  	_ =	shalt  }
0x57: {  	_ =	shalt  }
0x58: {  	_ =	shalt  }
0x59: {  	_ =	shalt  }
0x5a: {  	_ =	shalt  }
0x5b: {  	_ =	shalt  }
0x5c: {  	_ =	shalt  }
0x5d: {  	_ =	shalt  }
0x5e: {  	_ =	shalt  }
0x5f: {  	_ =	shalt  }
0x60: {  	_ =	shalt  }
0x61: {  	_ =	shalt  }
0x62: {  	_ =	shalt  }
0x63: {  	_ =	shalt  }
0x64: {  	_ =	shalt  }
0x65: {  	_ =	shalt  }
0x66: {  	_ =	shalt  }
0x67: {  	_ =	shalt  }
0x68: {  	_ =	shalt  }
0x69: {  	_ =	shalt  }
0x6a: {  	_ =	shalt  }
0x6b: {  	_ =	shalt  }
0x6c: {  	_ =	shalt  }
0x6d: {  	_ =	shalt  }
0x6e: {  	_ =	shalt  }
0x6f: {  	_ =	shalt  }
0x70: {  	_ =	shalt  }
0x71: {  	_ =	shalt  }
0x72: {  	_ =	shalt  }
0x73: {  	_ =	shalt  }
0x74: {  	_ =	shalt  }
0x75: {  	_ =	shalt  }
0x76: {  	_ =	shalt  }
0x77: {  	_ =	shalt  }
0x78: {  	_ =	shalt  }
0x79: {  	_ =	shalt  }
0x7a: {  	_ =	shalt  }
0x7b: {  	_ =	shalt  }
0x7c: {  	_ =	shalt  }
0x7d: {  	_ =	shalt  }
0x7e: {  	_ =	shalt  }
0x7f: {  	_ =	shalt  }
0x80: {  	_ =	shalt  }
0x81: {  	_ =	shalt  }
0x82: {  	_ =	shalt  }
0x83: {  	_ =	shalt  }
0x84: {  	_ =	shalt  }
0x85: {  	_ =	shalt  }
0x86: {  	_ =	shalt  }
0x87: {  	_ =	shalt  }
.Lfunc_end0:
.L_simem_size_0:
called_computation.2_lowered:
.L_overlay_start_0:
0x88: {  	s2 =	sld [smem:$0x3FD9]  }
0x89: {  	s3 =	sld [smem:$0x3FFE];
	_ =	sdelay $0x1  }
0x8a: {  	s1 =	srdreg.scid  }
0x8b: {  	s0 =	sand.u32 $0x1, s1  }
0x8c: {  	s16 =	sshll.u32 s0, $0xA;
	s2 =	sadd.s32 s3, s2  }
0x8d: {  	s2 =	sadd.s32 s2, s16  }
0x8e: {  	[smem:$0x3FAC] =	sst s2  }
0x8f: {  	_ = 	snop  }
0x90: {  	(tm) =	ssettm $0x1  }
0x91: {  	s17 =	sld [smem:$0x3FFB];
	_ =	sdelay $0x3  }
0x92: {  	_ =	strace s17  }
0x93: {  	s2 =	sld [smem:$0x3FFC];
	_ =	sdelay $0x3  }
0x94: {  	_ =	strace s2  }
0x95: {  	s2 =	sld [smem:$0x3FFD];
	_ =	sdelay $0x3  }
0x96: {  	_ =	strace s2  }
0x97: {  	_ =	strace $0x8FFFFFFF  }
0x98: {  	s18 =	sld [smem:$0x3FDB];
	_ =	sdelay $0x1  }
0x99: {  	s19 =	simm.s32 $_scs_section_size  }
0x9a: {  	s4 =	simm.s32 $_size__tile_overlayer_lowered;
	s5 =	simm.s32 $_tile_overlayer_lowered  }
0x9b: {  	s22 =	simm.s32 $0x1BFF;
	s21 =	sshll.u32 s5, $0x1;
	s2 =	sadd.s32 s19, s18  }
0x9c: {  	s6 =	simm.s32 $0x0;
	s20 =	sshll.u32 s4, $0x1;
	s4 =	sadd.s32 s21, s2  }
0x9d: {  	[timem:s6], [sflag:s22] =	dma.local [hbm:s4], s20  }
0x9e: {  	_ =	swait.ge [sflag:s22], s20  }
0x9f: {  	s3 =	ssub.s32 $0x0, s20;
	[sflag:s22] =	ssyncset.done $0x0  }
0xa0: {  	[sflag:s22] =	ssyncadd.s32 s3;
	_ =	sdelay $0x1  }
0xa1: {  	s23 =	simm.s32 $0x1B8B  }
0xa2: {  	_ =	swait.ge [sflag:s23], $0x1  }
0xa3: {  	[sflag:s23] =	ssyncset.done $0x0  }
0xa4: {  	s25 =	simm.s32 $0x1B8E;
	s24 =	sld [smem:$0x3FFE];
	[sflag:s23] =	ssyncadd.s32 $0xFFFFFFFF  }
0xa5: {  	s26 =	simm.s32 $execute0_lowered;
	[smem:$0x3FD2] =	sst s25  }
0xa6: {  	s4 =	sshll.u32 s26, $0x1;
	_ =	strace $0x8000004C;
	[dreg:$0x1] =	wrdreg $0xFFFFFFFF  }
0xa7: {  	s28 =	simm.s32 $_size_execute0_lowered;
	s2 =	sadd.s32 s2, s4;
	[dreg:$0x0] =	wrdreg $0x0  }
0xa8: {  	s4 =	sshll.u32 s28, $0x1;
	[dreg:$0x2] =	wrdreg s2  }
0xa9: {  	[dreg:$0x3] =	wrdreg s4  }
0xaa: {  	[dreg:$0x4] =	wrdreg $0xC0  }
0xab: {  	_ =	task [dreg:s6], $0x5FFFF  }
0xac: {  	[dreg:$0x1] =	wrdreg $0xFFFFFFFF  }
0xad: {  	[dreg:$0x0] =	wrdreg $0x60  }
0xae: {  	[dreg:$0x2] =	wrdreg s24  }
0xaf: {  	[dreg:$0x3] =	wrdreg $0x9  }
0xb0: {  	_ =	task.clear_ibuf [dreg:s6], $0x4FFFF;
	_ =	strace $0x9000004C  }
0xb1: {  	s29 =	simm.s32 $0x9;
	_ =	strace $0x8000004E  }
0xb2: {  	_ =	swait.ge [sflag:s29], $0x1  }
0xb3: {  	[sflag:s29] =	ssyncadd.s32 $0xFFFFFFFF  }
0xb4: {  	_ =	strace $0x9000004E  }
0xb5: {  	_ =	sfence  }
0xb6: {  	s30 =	sld [smem:$0x0];
	_ =	sdelay $0x2  }
0xb7: {  	s31 =	sshll.u32 s1, $0xD;
	s1 =	sshrl.u32 s1, $0x2  }
0xb8: {  	s3 =	sand.u32 $0x4000, s31;
	s1 =	sadd.s32 s1, s30  }
0xb9: {  	s0 =	sor.u32 s3, s0;
	s1 =	sshll.u32 s1, $0x11  }
0xba: {  	s0 =	sor.u32 s1, s0  }
0xbb: {  	s0 =	sadd.s32 $0x8F2B, s0  }
0xbc: {  	[sflag:s0] =	ssyncadd.remote.s32 $0x1  }
0xbd: {  	_ =	sfence.sel $0xFFFF  }
0xbe: {  	[dreg:$0x0] =	wrdreg $0xFFFFFFFF;
	(pc) =	sbr.abs _section_cstart, $3  }
0xbf: {  	[dreg:$0x1] =	wrdreg $0xFFFFFFFF  }
0xc0: {  	_ =	task.clear_ibuf [dreg:s6], $0x2FFFF;
	_ =	strace $0x9FFFFFFF  }
0xc1: {  	(tm) =	ssettm $0x7FFFFFFF  }
tec
execute0_lowered:
.L_overlay_start_1:
0x0: {  	(tag) =	ssettag $0x1  }
0x1: {  	s1 =	srdreg.scid;
	s0 =	stileid.u32  }
0x2: {  	s30 =	sand.u32 $0x1, s1;
	s3 =	sshll.u32 s0, $0x1  }
0x3: {  	s10 =	rddreg [dreg:$0x0];
	s2 =	simm.s32 $0x0;
	s3 =	sor.u32 s30, s3  }
0x4: {  	s6 =	simm.s32 $0x1;
	s1 =	rddreg [dreg:$0x1];
	s20 =	smul.u32 $0x1388, s3  }
0x5: {  	[smem:$0x7FF] =	sst s2;
	s7 =	sshrl.u32 s0, $0x1;
	s21 =	sadd.s32 $0xB800, s10  }
0x6: {  	_ =	strace $0x8000004D;
	s4 =	sshrl.u32 s20, $0x3;
	s5 =	sadd.s32 $0x3E8, s20  }
0x7: {  	s24 =	smul.u32 $0xFFFFB1E0, s7;
	s3 =	sadd.s32 s21, s4;
	s25 =	sshrl.u32 s5, $0x3  }
0x8: {  	[tilespmem:s2], [sflag:$0x1] =	stream.linear.gather [hbm4b:s3+s2], $0x3E8, $0x38;
	[tilespmem:$0xC738] =	vst v63  }
0x9: {  	s8 =	sadd.s32 s24, s20;
	s5 =	simm.s32 $0x3E8;
	s4 =	sadd.s32 s21, s25  }
0xa: {  	[tilespmem:s5], [sflag:$0x2] =	stream.linear.gather [hbm4b:s4+s2], $0x3E8, $0x38;
	[tilespmem:$0xC738] =	vst v63  }
0xb: {  	s9 =	sshll.u32 s7, $0x4;
	s8 =	sshll.u32 s8, $0x7;
	_ =	swait.ge [sflag:s6], $0x3E8  }
0xc: {  	s7 =	sadd.s32 $0x6800, s10;
	s29 =	sor.u32 s9, s8;
	[sflag:s6] =	ssyncset.done $0x0  }
0xd: {  	s8 =	simm.s32 $0xBB8;
	s9 =	simm.s32 $0x4;
	[sflag:s6] =	ssyncadd.s32 $0xFFFFFC18  }
0xe: {  	[tilespmem:s8], [sflag:$0x4] =	stream.indirect.gather [hbm4b:s7+s5], $0x10, s2, s5, $0xb8;
	[tilespmem:$0xC738] =	vst v63  }
0xf: {  	s11 =	simm.s32 $0x10;
	_ =	swait.ge [sflag:s9], $0x3E80  }
0x10: {  	s31 =	sadd.s32 $0x15800, s10;
	s26 =	sshrl.u32 s29, $0x3;
	[sflag:s9] =	ssyncset.done $0x0  }
0x11: {  	s12 =	simm.s32 $0x80;
	s10 =	sadd.s32 s31, s26;
	[sflag:s9] =	ssyncadd.s32 $0xFFFFC180  }
0x12: {  	[hbm4b:s10+s11] =	stream.strided.scatter [tilespmem:s8], [sflag:$0x7], $0x3E80, s12, s11, $0x38;
	[tilespmem:$0xC738] =	vst v63  }
0x13: {  	s14 =	simm.s32 $0x7D0;
	s15 =	simm.s32 $0x2;
	s13 =	sadd.s32 $0xFA, s3  }
0x14: {  	[tilespmem:s14], [sflag:$0x3] =	stream.linear.gather [hbm4b:s13+s2], $0x3E8, $0x38;
	[tilespmem:$0xC738] =	vst v63  }
0x15: {  	_ =	swait.ge [sflag:s15], $0x3E8  }
0x16: {  	[sflag:s15] =	ssyncset.done $0x0  }
0x17: {  	s16 =	simm.s32 $0x4A38;
	s17 =	simm.s32 $0x5;
	[sflag:s15] =	ssyncadd.s32 $0xFFFFFC18  }
0x18: {  	[tilespmem:s16], [sflag:$0x5] =	stream.indirect.gather [hbm4b:s7+s5], $0x10, s5, s5, $0xb8;
	[tilespmem:$0xC738] =	vst v63  }
0x19: {  	s18 =	sadd.s32 $0x1F400, s29;
	_ =	swait.ge [sflag:s17], $0x3E80  }
0x1a: {  	s18 =	sshrl.u32 s18, $0x3;
	[sflag:s17] =	ssyncset.done $0x0  }
0x1b: {  	s19 =	simm.s32 $0x7;
	s18 =	sadd.s32 s31, s18;
	[sflag:s17] =	ssyncadd.s32 $0xFFFFC180  }
0x1c: {  	[hbm4b:s18+s11] =	stream.strided.scatter [tilespmem:s16], [sflag:$0x8], $0x3E80, s12, s11, $0x38;
	[tilespmem:$0xC738] =	vst v63  }
0x1d: {  	s20 =	sadd.s32 $0xBB8, s20;
	_ =	swait.ge [sflag:s19], $0x3E80  }
0x1e: {  	s20 =	sshrl.u32 s20, $0x3;
	[sflag:s19] =	ssyncset.done $0x0  }
0x1f: {  	s20 =	sadd.s32 s21, s20;
	s21 =	simm.s32 $0x3;
	[sflag:s19] =	ssyncadd.s32 $0xFFFFC180  }
0x20: {  	[tilespmem:s2], [sflag:$0x1] =	stream.linear.gather [hbm4b:s20+s2], $0x3E8, $0x38;
	[tilespmem:$0xC738] =	vst v63  }
0x21: {  	_ =	swait.ge [sflag:s21], $0x3E8  }
0x22: {  	[sflag:s21] =	ssyncset.done $0x0  }
0x23: {  	s22 =	simm.s32 $0x88B8;
	s23 =	simm.s32 $0x6;
	[sflag:s21] =	ssyncadd.s32 $0xFFFFFC18  }
0x24: {  	[tilespmem:s22], [sflag:$0x6] =	stream.indirect.gather [hbm4b:s7+s5], $0x10, s14, s5, $0xb8;
	[tilespmem:$0xC738] =	vst v63  }
0x25: {  	s24 =	sadd.s32 $0x3E800, s29;
	_ =	swait.ge [sflag:s23], $0x3E80  }
0x26: {  	s24 =	sshrl.u32 s24, $0x3;
	[sflag:s23] =	ssyncset.done $0x0  }
0x27: {  	s25 =	simm.s32 $0x8;
	s24 =	sadd.s32 s31, s24;
	[sflag:s23] =	ssyncadd.s32 $0xFFFFC180  }
0x28: {  	[hbm4b:s24+s11] =	stream.strided.scatter [tilespmem:s22], [sflag:$0x9], $0x3E80, s12, s11, $0x38;
	[tilespmem:$0xC738] =	vst v63  }
0x29: {  	_ =	swait.ge [sflag:s25], $0x3E80  }
0x2a: {  	[sflag:s25] =	ssyncset.done $0x0  }
0x2b: {  	s26 =	sadd.s32 $0x1F4, s3;
	[sflag:s25] =	ssyncadd.s32 $0xFFFFC180  }
0x2c: {  	[tilespmem:s5], [sflag:$0x2] =	stream.linear.gather [hbm4b:s26+s2], $0x3E8, $0x38;
	[tilespmem:$0xC738] =	vst v63  }
0x2d: {  	_ =	swait.ge [sflag:s6], $0x3E8  }
0x2e: {  	[sflag:s6] =	ssyncset.done $0x0  }
0x2f: {  	[sflag:s6] =	ssyncadd.s32 $0xFFFFFC18  }
0x30: {  	[tilespmem:s8], [sflag:$0x4] =	stream.indirect.gather [hbm4b:s7+s5], $0x10, s2, s5, $0xb8;
	[tilespmem:$0xC738] =	vst v63  }
0x31: {  	s28 =	sadd.s32 $0x5DC00, s29;
	_ =	swait.ge [sflag:s9], $0x3E80  }
0x32: {  	s28 =	sshrl.u32 s28, $0x3;
	[sflag:s9] =	ssyncset.done $0x0  }
0x33: {  	s28 =	sadd.s32 s31, s28;
	[sflag:s9] =	ssyncadd.s32 $0xFFFFC180  }
0x34: {  	[hbm4b:s28+s11] =	stream.strided.scatter [tilespmem:s8], [sflag:$0x7], $0x3E80, s12, s11, $0x38;
	[tilespmem:$0xC738] =	vst v63  }
0x35: {  	_ =	swait.ge [sflag:s15], $0x3E8  }
0x36: {  	[sflag:s15] =	ssyncset.done $0x0  }
0x37: {  	[sflag:s15] =	ssyncadd.s32 $0xFFFFFC18  }
0x38: {  	[tilespmem:s16], [sflag:$0x5] =	stream.indirect.gather [hbm4b:s7+s5], $0x10, s5, s5, $0xb8;
	[tilespmem:$0xC738] =	vst v63  }
0x39: {  	s29 =	sadd.s32 $0x7D000, s29;
	_ =	swait.ge [sflag:s17], $0x3E80  }
0x3a: {  	s30 =	ssub.s32 $0x2, s30;
	s29 =	sshrl.u32 s29, $0x3;
	[sflag:s17] =	ssyncset.done $0x0  }
0x3b: {  	s29 =	sadd.s32 s31, s29;
	s31 =	sshrl.u32 s30, $0x1;
	[sflag:s17] =	ssyncadd.s32 $0xFFFFC180  }
0x3c: {  	[hbm4b:s29+s11] =	stream.strided.scatter [tilespmem:s16], [sflag:$0x8], $0x3E80, s12, s11, $0x38;
	[tilespmem:$0xC738] =	vst v63  }
0x3d: {  	s30 =	ssub.s32 s30, s31;
	_ =	swait.ge [sflag:s19], $0x3E80  }
0x3e: {  	s31 =	smax.u32 s30, $0x1;
	[sflag:s19] =	ssyncset.done $0x0  }
0x3f: {  	p0 =	sne.s32 s31, $0x1;
	[sflag:s19] =	ssyncadd.s32 $0xFFFFC180  }
.Ltmp0:
0x40: {  	_ =	swait.ge [sflag:s25], $0x3E80;
	(pc) =	sbr.rel @!p0 .LBB2_2-.Ltmp0, $4  }
0x41: {  	[sflag:s25] =	ssyncset.done $0x0  }
0x42: {  	s30 =	simm.s32 $0x9;
	[sflag:s25] =	ssyncadd.s32 $0xFFFFC180  }
0x43: {  	_ =	swait.ge [sflag:s30], $0x3E80  }
0x44: {  	s31 =	sadd.s32 $0xFFFFFFFF, s31;
	[sflag:s30] =	ssyncset.done $0x0  }
.LBB2_1:
0x45: {  	p0 =	sne.s32 s31, $0x1;
	s31 =	sadd.s32 $0xFFFFFFFF, s31;
	[sflag:s30] =	ssyncadd.s32 $0xFFFFC180  }
0x46: {  	[tilespmem:s2], [sflag:$0x1] =	stream.linear.gather [hbm4b:s3+s2], $0x3E8, $0x38;
	[tilespmem:$0xC738] =	vst v63  }
0x47: {  	_ = 	snop  }
0x48: {  	[tilespmem:s5], [sflag:$0x2] =	stream.linear.gather [hbm4b:s4+s2], $0x3E8, $0x38;
	[tilespmem:$0xC738] =	vst v63  }
0x49: {  	_ =	swait.ge [sflag:s6], $0x3E8  }
0x4a: {  	[sflag:s6] =	ssyncset.done $0x0  }
0x4b: {  	[sflag:s6] =	ssyncadd.s32 $0xFFFFFC18  }
0x4c: {  	[tilespmem:s8], [sflag:$0x4] =	stream.indirect.gather [hbm4b:s7+s5], $0x10, s2, s5, $0xb8;
	[tilespmem:$0xC738] =	vst v63  }
0x4d: {  	_ =	swait.ge [sflag:s9], $0x3E80  }
0x4e: {  	[sflag:s9] =	ssyncset.done $0x0  }
0x4f: {  	[sflag:s9] =	ssyncadd.s32 $0xFFFFC180  }
0x50: {  	[hbm4b:s10+s11] =	stream.strided.scatter [tilespmem:s8], [sflag:$0x7], $0x3E80, s12, s11, $0x38;
	[tilespmem:$0xC738] =	vst v63  }
0x51: {  	_ = 	snop  }
0x52: {  	[tilespmem:s14], [sflag:$0x3] =	stream.linear.gather [hbm4b:s13+s2], $0x3E8, $0x38;
	[tilespmem:$0xC738] =	vst v63  }
0x53: {  	_ =	swait.ge [sflag:s15], $0x3E8  }
0x54: {  	[sflag:s15] =	ssyncset.done $0x0  }
0x55: {  	[sflag:s15] =	ssyncadd.s32 $0xFFFFFC18  }
0x56: {  	[tilespmem:s16], [sflag:$0x5] =	stream.indirect.gather [hbm4b:s7+s5], $0x10, s5, s5, $0xb8;
	[tilespmem:$0xC738] =	vst v63  }
0x57: {  	_ =	swait.ge [sflag:s17], $0x3E80  }
0x58: {  	[sflag:s17] =	ssyncset.done $0x0  }
0x59: {  	[sflag:s17] =	ssyncadd.s32 $0xFFFFC180  }
0x5a: {  	[hbm4b:s18+s11] =	stream.strided.scatter [tilespmem:s16], [sflag:$0x8], $0x3E80, s12, s11, $0x38;
	[tilespmem:$0xC738] =	vst v63  }
0x5b: {  	_ =	swait.ge [sflag:s19], $0x3E80  }
0x5c: {  	[sflag:s19] =	ssyncset.done $0x0  }
0x5d: {  	[sflag:s19] =	ssyncadd.s32 $0xFFFFC180  }
0x5e: {  	[tilespmem:s2], [sflag:$0x1] =	stream.linear.gather [hbm4b:s20+s2], $0x3E8, $0x38;
	[tilespmem:$0xC738] =	vst v63  }
0x5f: {  	_ =	swait.ge [sflag:s21], $0x3E8  }
0x60: {  	[sflag:s21] =	ssyncset.done $0x0  }
0x61: {  	[sflag:s21] =	ssyncadd.s32 $0xFFFFFC18  }
0x62: {  	[tilespmem:s22], [sflag:$0x6] =	stream.indirect.gather [hbm4b:s7+s5], $0x10, s14, s5, $0xb8;
	[tilespmem:$0xC738] =	vst v63  }
0x63: {  	_ =	swait.ge [sflag:s23], $0x3E80  }
0x64: {  	[sflag:s23] =	ssyncset.done $0x0  }
0x65: {  	[sflag:s23] =	ssyncadd.s32 $0xFFFFC180  }
0x66: {  	[hbm4b:s24+s11] =	stream.strided.scatter [tilespmem:s22], [sflag:$0x9], $0x3E80, s12, s11, $0x38;
	[tilespmem:$0xC738] =	vst v63  }
0x67: {  	_ =	swait.ge [sflag:s25], $0x3E80  }
0x68: {  	[sflag:s25] =	ssyncset.done $0x0  }
0x69: {  	[sflag:s25] =	ssyncadd.s32 $0xFFFFC180  }
0x6a: {  	[tilespmem:s5], [sflag:$0x2] =	stream.linear.gather [hbm4b:s26+s2], $0x3E8, $0x38;
	[tilespmem:$0xC738] =	vst v63  }
0x6b: {  	_ =	swait.ge [sflag:s6], $0x3E8  }
0x6c: {  	[sflag:s6] =	ssyncset.done $0x0  }
0x6d: {  	[sflag:s6] =	ssyncadd.s32 $0xFFFFFC18  }
0x6e: {  	[tilespmem:s8], [sflag:$0x4] =	stream.indirect.gather [hbm4b:s7+s5], $0x10, s2, s5, $0xb8;
	[tilespmem:$0xC738] =	vst v63  }
0x6f: {  	_ =	swait.ge [sflag:s9], $0x3E80  }
0x70: {  	[sflag:s9] =	ssyncset.done $0x0  }
0x71: {  	[sflag:s9] =	ssyncadd.s32 $0xFFFFC180  }
0x72: {  	[hbm4b:s28+s11] =	stream.strided.scatter [tilespmem:s8], [sflag:$0x7], $0x3E80, s12, s11, $0x38;
	[tilespmem:$0xC738] =	vst v63  }
0x73: {  	_ =	swait.ge [sflag:s15], $0x3E8  }
0x74: {  	[sflag:s15] =	ssyncset.done $0x0  }
0x75: {  	[sflag:s15] =	ssyncadd.s32 $0xFFFFFC18  }
0x76: {  	[tilespmem:s16], [sflag:$0x5] =	stream.indirect.gather [hbm4b:s7+s5], $0x10, s5, s5, $0xb8;
	[tilespmem:$0xC738] =	vst v63  }
0x77: {  	_ =	swait.ge [sflag:s17], $0x3E80  }
0x78: {  	[sflag:s17] =	ssyncset.done $0x0  }
0x79: {  	[sflag:s17] =	ssyncadd.s32 $0xFFFFC180  }
0x7a: {  	[hbm4b:s29+s11] =	stream.strided.scatter [tilespmem:s16], [sflag:$0x8], $0x3E80, s12, s11, $0x38;
	[tilespmem:$0xC738] =	vst v63  }
0x7b: {  	_ =	swait.ge [sflag:s19], $0x3E80  }
0x7c: {  	[sflag:s19] =	ssyncset.done $0x0  }
0x7d: {  	[sflag:s19] =	ssyncadd.s32 $0xFFFFC180  }
.Ltmp1:
0x7e: {  	_ =	swait.ge [sflag:s25], $0x3E80;
	(pc) =	sbr.rel @p0 .LBB2_1-.Ltmp1, $4  }
0x7f: {  	[sflag:s25] =	ssyncset.done $0x0  }
0x80: {  	[sflag:s25] =	ssyncadd.s32 $0xFFFFC180  }
0x81: {  	_ =	swait.ge [sflag:s30], $0x3E80  }
0x82: {  	[sflag:s30] =	ssyncset.done $0x0  }
.LBB2_2:
0x83: {  	[sflag:s30] =	ssyncadd.s32 $0xFFFFC180  }
0x84: {  	_ =	sfence.sel $0x180000  }
0x85: {  	[bflag:$0x0] =	sbarrier.arrive $0xFFFF  }
0x86: {  	p0 =	sne.s32 s0, $0x0;
	_ =	strace $0x9000004D  }
0x87: {  	s0 =	sadd.s32 @!p0 $0x100000, s1;
	[bflag:$0x2] =	sbarrier.arrive $0xFFFF  }
0x88: {  	[sflag:s0] =	ssyncadd.tile.s32 @!p0 $0x1;
	_ =	shalt  }
.Lfunc_end2:
_tile_overlayer_lowered:
.L_overlay_start_2:
0x89: {  	(tag) =	ssettag $0x2  }
0x8a: {  	s0 =	rddreg [dreg:$0x0];
	s2 =	stileid.u32  }
0x8b: {  	s1 =	rddreg [dreg:$0x1];
	p0 =	sne.s32 s2, $0x0  }
0x8c: {  	s3 =	rddreg [dreg:$0x2];
	[bflag:$0x3] =	sbarrier.arrive $0xFFFF;
	s2 =	simm.s32 @!p0 $0x1C0A  }
0x8d: {  	[timem:s3], [sflag:s2] =	dma.local @!p0 [hbm:s0], s1  }
0x8e: {  	s0 =	simm.s32 @!p0 $0xA  }
0x8f: {  	_ =	swait.ge @!p0 [sflag:s0], s1  }
0x90: {  	s1 =	ssub.s32 @!p0 $0x0, s1;
	[sflag:s0] =	ssyncset.done @!p0 $0x0  }
0x91: {  	[sflag:s0] =	ssyncadd.s32 @!p0 s1  }
0x92: {  	[bflag:$0x3] =	sbarrier.arrive $0xFFFF  }
0x93: {  	_ =	shalt  }

// kernel: kernel.26.cloned.1.call-start
scs
__scs_entry_jumppad:
0x0: {  	(pc) =	sbr.rel $0x88, $3  }
0x1: {  	(tag) =	ssettag $0x0;
	lr =	simm.s32 $0x1  }
0x2: {  	[smem:$0x3F85] =	sst lr;
	_ =	strace $0xD0000000  }
0x3: {  	_ = 	snop  }
0x4: {  	_ = 	snop  }
0x5: {  	_ = 	snop  }
0x6: {  	_ = 	snop  }
0x7: {  	_ = 	snop  }
__scs_overlays_trampoline_lowered:
0x8: {  	[smem:$0x3F94] =	sst s0  }
0x9: {  	[smem:$0x3F95] =	sst s1  }
0xa: {  	[smem:$0x3F96] =	sst s2  }
0xb: {  	[smem:$0x3F97] =	sst s3  }
0xc: {  	[smem:$0x3F98] =	sst s4  }
0xd: {  	[smem:$0x3F99] =	sst s5  }
0xe: {  	[smem:$0x3F9A] =	sst s6  }
0xf: {  	[smem:$0x3F9B] =	sst s7  }
0x10: {  	[smem:$0x3F9C] =	sst s8  }
0x11: {  	[smem:$0x3F9D] =	sst s9;
	s0 =	simm.s32 @!p0 $0x0  }
0x12: {  	s1 =	sld [smem:$0x3F83];
	s0 =	simm.s32 @p0 $0x1  }
0x13: {  	[smem:$0x3F9E] =	sst s0;
	s0 =	simm.s32 @!p1 $0x0  }
0x14: {  	s2 =	sld [smem:$0x3F82];
	s0 =	simm.s32 @p1 $0x1  }
0x15: {  	[smem:$0x3F9F] =	sst s0;
	s0 =	simm.s32 @!p2 $0x0  }
0x16: {  	s3 =	sld [smem:$0x3FDB];
	s0 =	simm.s32 @p2 $0x1  }
0x17: {  	s4 =	simm.s32 $0x1BF5;
	[smem:$0x3FA1] =	sst s0  }
0x18: {  	s0 =	sld [smem:$0x3F84];
	_ =	swait.ge [sflag:s4], $0x0  }
0x19: {  	s7 =	sld [smem:$0x3F85]  }
0x1a: {  	s8 =	sadd.s32 $0xFFFFE003, lr  }
0x1b: {  	s9 =	sadd.s32 $0xFFFFFEF7, lr;
	s5 =	simm.s32 $0xFFFFFFFF;
	p2 =	slt.u32 s8, $0xFFFFF086  }
0x1c: {  	p1 =	slt.u32 s9, $0xF7A;
	s5 =	simm.s32 @!p2 $0x0  }
0x1d: {  	s5 =	simm.s32 @p1 $0x1;
	p0 =	seq.s32 s7, s2  }
0x1e: {  	s7 =	smul.u32 @!p0 $0xF7A, s2;
	p2 =	seq.s32 @!p0 s5, $0x0  }
0x1f: {  	s9 =	smul.u32 $0xF7A, s1;
	s8 =	simm.s32 @!p0 $0x1BF5;
	p2 =	por !p2, p0  }
0x20: {  	[sflag:s8] =	ssyncset.s32 @!p0 $0xFFFFF086;
	s6 =	sadd.s32 @!p0 s3, s7;
	s7 =	simm.s32 @!p0 $0x108  }
0x21: {  	s3 =	sadd.s32 s3, s9;
	s6 =	sadd.s32 @!p0 $0x88, s6;
	s7 =	simm.s32 @p2 $0x1082  }
0x22: {  	[simem:s7], [sflag:s8] =	dma.local @!p0 [hbm:s6], $0xF7A  }
0x23: {  	s9 =	sor.u32 $0xD0000000, s2;
	s6 =	simm.s32 $0x108;
	_ =	swait.ge @!p0 [sflag:s8], $0x0  }
0x24: {  	s3 =	sadd.s32 $0x88, s3;
	s6 =	simm.s32 @!p1 $0x1082;
	[sflag:s4] =	ssyncset.s32 $0xFFFFF086  }
0x25: {  	[simem:s6], [sflag:s4] =	dma.local [hbm:s3], $0xF7A  }
0x26: {  	[smem:$0x3F85] =	sst s1;
	(tag) =	ssettag s2;
	_ =	strace s9  }
0x27: {  	s1 =	sld [smem:$0x3F95]  }
0x28: {  	s2 =	sld [smem:$0x3F96]  }
0x29: {  	s4 =	sld [smem:$0x3F98]  }
0x2a: {  	p0 =	seq.s32 s5, $0x0;
	s5 =	sld [smem:$0x3F99]  }
0x2b: {  	s6 =	sld [smem:$0x3F9A]  }
0x2c: {  	s7 =	sld [smem:$0x3F9B]  }
0x2d: {  	s3 =	simm.s32 $0x108;
	s8 =	sld [smem:$0x3F9C]  }
0x2e: {  	s3 =	simm.s32 @!p0 $0x1082;
	s9 =	sld [smem:$0x3F9D]  }
0x2f: {  	lr =	sadd.s32 s0, s3;
	s0 =	sld [smem:$0x3F94]  }
0x30: {  	s3 =	sld [smem:$0x3F97]  }
0x31: {  	[smem:$0x3FA0] =	sst s10  }
0x32: {  	s10 =	sld [smem:$0x3F9E];
	_ =	sdelay $0x3  }
0x33: {  	p0 =	seq.s32 s10, $0x1;
	s10 =	sld [smem:$0x3FA0];
	_ =	sdelay $0x3  }
0x34: {  	[smem:$0x3FA0] =	sst s10  }
0x35: {  	s10 =	sld [smem:$0x3F9F];
	_ =	sdelay $0x3  }
0x36: {  	p1 =	seq.s32 s10, $0x1;
	s10 =	sld [smem:$0x3FA0];
	_ =	sdelay $0x3  }
0x37: {  	[smem:$0x3FA0] =	sst s10  }
0x38: {  	s10 =	sld [smem:$0x3FA1]  }
0x39: {  	_ = 	snop;
	(pc) =	sbr.ind lr, $3  }
0x3a: {  	_ = 	snop  }
0x3b: {  	_ = 	snop  }
0x3c: {  	p2 =	seq.s32 s10, $0x1;
	s10 =	sld [smem:$0x3FA0]  }
0x3d: {  	_ =	shalt  }
0x3e: {  	_ =	shalt  }
0x3f: {  	_ =	shalt  }
0x40: {  	_ =	shalt  }
0x41: {  	_ =	shalt  }
0x42: {  	_ =	shalt  }
0x43: {  	_ =	shalt  }
0x44: {  	_ =	shalt  }
0x45: {  	_ =	shalt  }
0x46: {  	_ =	shalt  }
0x47: {  	_ =	shalt  }
0x48: {  	_ =	shalt  }
0x49: {  	_ =	shalt  }
0x4a: {  	_ =	shalt  }
0x4b: {  	_ =	shalt  }
0x4c: {  	_ =	shalt  }
0x4d: {  	_ =	shalt  }
0x4e: {  	_ =	shalt  }
0x4f: {  	_ =	shalt  }
0x50: {  	_ =	shalt  }
0x51: {  	_ =	shalt  }
0x52: {  	_ =	shalt  }
0x53: {  	_ =	shalt  }
0x54: {  	_ =	shalt  }
0x55: {  	_ =	shalt  }
0x56: {  	_ =	shalt  }
0x57: {  	_ =	shalt  }
0x58: {  	_ =	shalt  }
0x59: {  	_ =	shalt  }
0x5a: {  	_ =	shalt  }
0x5b: {  	_ =	shalt  }
0x5c: {  	_ =	shalt  }
0x5d: {  	_ =	shalt  }
0x5e: {  	_ =	shalt  }
0x5f: {  	_ =	shalt  }
0x60: {  	_ =	shalt  }
0x61: {  	_ =	shalt  }
0x62: {  	_ =	shalt  }
0x63: {  	_ =	shalt  }
0x64: {  	_ =	shalt  }
0x65: {  	_ =	shalt  }
0x66: {  	_ =	shalt  }
0x67: {  	_ =	shalt  }
0x68: {  	_ =	shalt  }
0x69: {  	_ =	shalt  }
0x6a: {  	_ =	shalt  }
0x6b: {  	_ =	shalt  }
0x6c: {  	_ =	shalt  }
0x6d: {  	_ =	shalt  }
0x6e: {  	_ =	shalt  }
0x6f: {  	_ =	shalt  }
0x70: {  	_ =	shalt  }
0x71: {  	_ =	shalt  }
0x72: {  	_ =	shalt  }
0x73: {  	_ =	shalt  }
0x74: {  	_ =	shalt  }
0x75: {  	_ =	shalt  }
0x76: {  	_ =	shalt  }
0x77: {  	_ =	shalt  }
0x78: {  	_ =	shalt  }
0x79: {  	_ =	shalt  }
0x7a: {  	_ =	shalt  }
0x7b: {  	_ =	shalt  }
0x7c: {  	_ =	shalt  }
0x7d: {  	_ =	shalt  }
0x7e: {  	_ =	shalt  }
0x7f: {  	_ =	shalt  }
0x80: {  	_ =	shalt  }
0x81: {  	_ =	shalt  }
0x82: {  	_ =	shalt  }
0x83: {  	_ =	shalt  }
0x84: {  	_ =	shalt  }
0x85: {  	_ =	shalt  }
0x86: {  	_ =	shalt  }
0x87: {  	_ =	shalt  }
.Lfunc_end0:
.L_simem_size_0:
called_computation.3_lowered:
.L_overlay_start_0:
0x88: {  	s2 =	sld [smem:$0x3FD9]  }
0x89: {  	s3 =	sld [smem:$0x3FFE];
	_ =	sdelay $0x1  }
0x8a: {  	s1 =	srdreg.scid  }
0x8b: {  	s0 =	sand.u32 $0x1, s1  }
0x8c: {  	s16 =	sshll.u32 s0, $0xA;
	s2 =	sadd.s32 s3, s2  }
0x8d: {  	s2 =	sadd.s32 s2, s16  }
0x8e: {  	[smem:$0x3FAC] =	sst s2  }
0x8f: {  	_ = 	snop  }
0x90: {  	(tm) =	ssettm $0x1  }
0x91: {  	s17 =	sld [smem:$0x3FFB];
	_ =	sdelay $0x3  }
0x92: {  	_ =	strace s17  }
0x93: {  	s2 =	sld [smem:$0x3FFC];
	_ =	sdelay $0x3  }
0x94: {  	_ =	strace s2  }
0x95: {  	s2 =	sld [smem:$0x3FFD];
	_ =	sdelay $0x3  }
0x96: {  	_ =	strace s2  }
0x97: {  	_ =	strace $0x8FFFFFFF  }
0x98: {  	s18 =	sld [smem:$0x3FDB];
	_ =	sdelay $0x1  }
0x99: {  	s19 =	simm.s32 $_scs_section_size  }
0x9a: {  	s4 =	simm.s32 $_size__tile_overlayer_lowered;
	s5 =	simm.s32 $_tile_overlayer_lowered  }
0x9b: {  	s22 =	simm.s32 $0x1BFF;
	s21 =	sshll.u32 s5, $0x1;
	s2 =	sadd.s32 s19, s18  }
0x9c: {  	s6 =	simm.s32 $0x0;
	s20 =	sshll.u32 s4, $0x1;
	s4 =	sadd.s32 s21, s2  }
0x9d: {  	[timem:s6], [sflag:s22] =	dma.local [hbm:s4], s20  }
0x9e: {  	_ =	swait.ge [sflag:s22], s20  }
0x9f: {  	s3 =	ssub.s32 $0x0, s20;
	[sflag:s22] =	ssyncset.done $0x0  }
0xa0: {  	[sflag:s22] =	ssyncadd.s32 s3;
	_ =	sdelay $0x1  }
0xa1: {  	s23 =	simm.s32 $0x1B8B  }
0xa2: {  	_ =	swait.ge [sflag:s23], $0x1  }
0xa3: {  	[sflag:s23] =	ssyncset.done $0x0  }
0xa4: {  	s25 =	simm.s32 $0x1B8E;
	s24 =	sld [smem:$0x3FFE];
	[sflag:s23] =	ssyncadd.s32 $0xFFFFFFFF  }
0xa5: {  	s26 =	simm.s32 $execute0_lowered;
	[smem:$0x3FD2] =	sst s25  }
0xa6: {  	s4 =	sshll.u32 s26, $0x1;
	_ =	strace $0x8000004F;
	[dreg:$0x1] =	wrdreg $0xFFFFFFFF  }
0xa7: {  	s28 =	simm.s32 $_size_execute0_lowered;
	s2 =	sadd.s32 s2, s4;
	[dreg:$0x0] =	wrdreg $0x0  }
0xa8: {  	s4 =	sshll.u32 s28, $0x1;
	[dreg:$0x2] =	wrdreg s2  }
0xa9: {  	[dreg:$0x3] =	wrdreg s4  }
0xaa: {  	[dreg:$0x4] =	wrdreg $0xC0  }
0xab: {  	_ =	task [dreg:s6], $0x5FFFF  }
0xac: {  	[dreg:$0x1] =	wrdreg $0xFFFFFFFF  }
0xad: {  	[dreg:$0x0] =	wrdreg $0x60  }
0xae: {  	[dreg:$0x2] =	wrdreg s24  }
0xaf: {  	[dreg:$0x3] =	wrdreg $0x84D00  }
0xb0: {  	[dreg:$0x4] =	wrdreg $0x9  }
0xb1: {  	_ =	task.clear_ibuf [dreg:s6], $0x5FFFF;
	_ =	strace $0x9000004F  }
0xb2: {  	s29 =	simm.s32 $0x9;
	_ =	strace $0x80000051  }
0xb3: {  	_ =	swait.ge [sflag:s29], $0x1  }
0xb4: {  	[sflag:s29] =	ssyncadd.s32 $0xFFFFFFFF  }
0xb5: {  	_ =	strace $0x90000051  }
0xb6: {  	_ =	sfence  }
0xb7: {  	s30 =	sld [smem:$0x0];
	_ =	sdelay $0x2  }
0xb8: {  	s31 =	sshll.u32 s1, $0xD;
	s1 =	sshrl.u32 s1, $0x2  }
0xb9: {  	s3 =	sand.u32 $0x4000, s31;
	s1 =	sadd.s32 s1, s30  }
0xba: {  	s0 =	sor.u32 s3, s0;
	s1 =	sshll.u32 s1, $0x11  }
0xbb: {  	s0 =	sor.u32 s1, s0  }
0xbc: {  	s0 =	sadd.s32 $0x8F2B, s0  }
0xbd: {  	[sflag:s0] =	ssyncadd.remote.s32 $0x1  }
0xbe: {  	_ =	sfence.sel $0xFFFF  }
0xbf: {  	[dreg:$0x0] =	wrdreg $0xFFFFFFFF;
	(pc) =	sbr.abs _section_cstart, $3  }
0xc0: {  	[dreg:$0x1] =	wrdreg $0xFFFFFFFF  }
0xc1: {  	_ =	task.clear_ibuf [dreg:s6], $0x2FFFF;
	_ =	strace $0x9FFFFFFF  }
0xc2: {  	(tm) =	ssettm $0x7FFFFFFF  }
0xc3: {  	_ =	shalt  }
tec
execute0_lowered:
.L_overlay_start_1:
0x0: {  	(tag) =	ssettag $0x1  }
0x1: {  	s30 =	rddreg [dreg:$0x0]  }
0x2: {  	s2 =	rddreg [dreg:$0x1];
	s1 =	stileid.u32  }
0x3: {  	s0 =	srdreg.scid;
	s3 =	simm.s32 $0x0;
	s11 =	simm.s32 $0x80  }
0x4: {  	s12 =	simm.s32 $0x7D0;
	s31 =	sand.u32 $0x1, s0;
	s4 =	sshll.u32 s1, $0x1  }
0x5: {  	s0 =	smul.u32 $0x2710, s1;
	[smem:$0x7FF] =	sst s3;
	s6 =	sshrl.u32 s1, $0x1  }
0x6: {  	s22 =	sshll.u32 s1, $0x6;
	s4 =	sor.u32 s31, s4;
	s5 =	smul.u32 $0xFFFFB1E0, s6  }
0x7: {  	_ =	strace $0x80000050;
	s26 =	smul.u32 $0x1388, s4;
	s21 =	sshrl.u32 s0, $0x3  }
0x8: {  	s9 =	sshll.u32 s6, $0x4;
	s6 =	simm.s32 $0x7;
	s4 =	sadd.s32 s21, s30  }
0x9: {  	s8 =	sadd.s32 s0, s2;
	s7 =	sadd.s32 s5, s26;
	s4 =	sadd.s32 $0xB1C00, s4  }
0xa: {  	s5 =	sor.u32 $0x1C07, s22;
	s10 =	sshll.u32 s7, $0x7;
	s7 =	sshrl.u32 s8, $0x3  }
0xb: {  	[spmem:s7], [sflag:s5] =	dma.local [hbm:s4], $0x4E2  }
0xc: {  	s29 =	sadd.s32 $0x15800, s30;
	s25 =	sadd.s32 $0x10800, s30;
	_ =	swait.ge [sflag:s6], $0x4E2  }
0xd: {  	s23 =	sshrl.u32 s26, $0x3;
	s24 =	sadd.s32 $0x3E8, s26;
	[sflag:s6] =	ssyncset.done $0x0  }
0xe: {  	s8 =	sadd.s32 s25, s23;
	s28 =	sor.u32 s9, s10;
	[sflag:s6] =	ssyncadd.s32 $0xFFFFFB1E  }
0xf: {  	s13 =	sshrl.u32 s24, $0x3;
	s9 =	sshrl.u32 s28, $0x3;
	[bflag:$0x0] =	sbarrier.arrive $0xFFFF  }
0x10: {  	[tilespmem:s3], [sflag:$0x1] =	stream.linear.gather [hbm4b:s8+s3], $0x3E8, $0x38;
	[tilespmem:$0xABE0] =	vst v63  }
0x11: {  	s10 =	simm.s32 $0x10;
	s14 =	sadd.s32 $0x1F400, s28;
	s9 =	sadd.s32 s29, s9  }
0x12: {  	[tilespmem:s12], [sflag:$0x3] =	stream.strided.gather [hbm4b:s9+s10], $0x3E80, s11, s10, $0x38;
	[tilespmem:$0xABE0] =	vst v63  }
0x13: {  	s13 =	sadd.s32 s25, s13;
	s15 =	sshrl.u32 s14, $0x3;
	s14 =	simm.s32 $0x3E8  }
0x14: {  	[tilespmem:s14], [sflag:$0x2] =	stream.linear.gather [hbm4b:s13+s3], $0x3E8, $0x38;
	[tilespmem:$0xABE0] =	vst v63  }
0x15: {  	s16 =	simm.s32 $0x4650;
	s17 =	simm.s32 $0x1;
	s15 =	sadd.s32 s29, s15  }
0x16: {  	[tilespmem:s16], [sflag:$0x4] =	stream.strided.gather [hbm4b:s15+s10], $0x3E80, s11, s10, $0x38;
	[tilespmem:$0xABE0] =	vst v63  }
0x17: {  	_ =	swait.ge [sflag:s17], $0x3E8  }
0x18: {  	[sflag:s17] =	ssyncset.done $0x0  }
0x19: {  	s18 =	simm.s32 $0x3;
	[sflag:s17] =	ssyncadd.s32 $0xFFFFFC18  }
0x1a: {  	_ =	swait.ge [sflag:s18], $0x3E80  }
0x1b: {  	[sflag:s18] =	ssyncset.done $0x0  }
0x1c: {  	s19 =	simm.s32 $0x5;
	[sflag:s18] =	ssyncadd.s32 $0xFFFFC180  }
0x1d: {  	[spmem:s2] =	stream.indirect.scatter.add.f32 [tilespmem:s12], [sflag:$0x5], $0x10, s3, s14, $0xb8;
	[tilespmem:$0xABE0] =	vst v63  }
0x1e: {  	_ =	swait.ge [sflag:s19], $0x3E80  }
0x1f: {  	s20 =	sadd.s32 $0x3E800, s28;
	[sflag:s19] =	ssyncset.done $0x0  }
0x20: {  	s21 =	sshrl.u32 s20, $0x3;
	s20 =	sadd.s32 $0xFA, s8;
	[sflag:s19] =	ssyncadd.s32 $0xFFFFC180  }
0x21: {  	[tilespmem:s3], [sflag:$0x1] =	stream.linear.gather [hbm4b:s20+s3], $0x3E8, $0x38;
	[tilespmem:$0xABE0] =	vst v63  }
0x22: {  	s22 =	simm.s32 $0x2;
	s21 =	sadd.s32 s29, s21  }
0x23: {  	[tilespmem:s12], [sflag:$0x3] =	stream.strided.gather [hbm4b:s21+s10], $0x3E80, s11, s10, $0x38;
	[tilespmem:$0xABE0] =	vst v63  }
0x24: {  	_ =	swait.ge [sflag:s22], $0x3E8  }
0x25: {  	[sflag:s22] =	ssyncset.done $0x0  }
0x26: {  	s23 =	simm.s32 $0x4;
	[sflag:s22] =	ssyncadd.s32 $0xFFFFFC18  }
0x27: {  	_ =	swait.ge [sflag:s23], $0x3E80  }
0x28: {  	[sflag:s23] =	ssyncset.done $0x0  }
0x29: {  	s24 =	simm.s32 $0x6;
	[sflag:s23] =	ssyncadd.s32 $0xFFFFC180  }
0x2a: {  	[spmem:s2] =	stream.indirect.scatter.add.f32 [tilespmem:s16], [sflag:$0x6], $0x10, s14, s14, $0xb8;
	[tilespmem:$0xABE0] =	vst v63  }
0x2b: {  	s26 =	sadd.s32 $0xBB8, s26;
	_ =	swait.ge [sflag:s24], $0x3E80  }
0x2c: {  	s26 =	sshrl.u32 s26, $0x3;
	s1 =	sadd.s32 $0x5DC00, s28;
	[sflag:s24] =	ssyncset.done $0x0  }
0x2d: {  	s25 =	sadd.s32 s25, s26;
	s1 =	sshrl.u32 s1, $0x3;
	[sflag:s24] =	ssyncadd.s32 $0xFFFFC180  }
0x2e: {  	[tilespmem:s14], [sflag:$0x2] =	stream.linear.gather [hbm4b:s25+s3], $0x3E8, $0x38;
	[tilespmem:$0xABE0] =	vst v63  }
0x2f: {  	s26 =	sadd.s32 s29, s1  }
0x30: {  	[tilespmem:s16], [sflag:$0x4] =	stream.strided.gather [hbm4b:s26+s10], $0x3E80, s11, s10, $0x38;
	[tilespmem:$0xABE0] =	vst v63  }
0x31: {  	_ =	swait.ge [sflag:s17], $0x3E8  }
0x32: {  	[sflag:s17] =	ssyncset.done $0x0  }
0x33: {  	[sflag:s17] =	ssyncadd.s32 $0xFFFFFC18  }
0x34: {  	_ =	swait.ge [sflag:s18], $0x3E80  }
0x35: {  	[sflag:s18] =	ssyncset.done $0x0  }
0x36: {  	[sflag:s18] =	ssyncadd.s32 $0xFFFFC180  }
0x37: {  	[spmem:s2] =	stream.indirect.scatter.add.f32 [tilespmem:s12], [sflag:$0x5], $0x10, s3, s14, $0xb8;
	[tilespmem:$0xABE0] =	vst v63  }
0x38: {  	_ =	swait.ge [sflag:s19], $0x3E80  }
0x39: {  	s1 =	sadd.s32 $0x7D000, s28;
	[sflag:s19] =	ssyncset.done $0x0  }
0x3a: {  	s28 =	sadd.s32 $0x1F4, s8;
	s1 =	sshrl.u32 s1, $0x3;
	[sflag:s19] =	ssyncadd.s32 $0xFFFFC180  }
0x3b: {  	[tilespmem:s3], [sflag:$0x1] =	stream.linear.gather [hbm4b:s28+s3], $0x3E8, $0x38;
	[tilespmem:$0xABE0] =	vst v63  }
0x3c: {  	s29 =	sadd.s32 s29, s1  }
0x3d: {  	[tilespmem:s12], [sflag:$0x3] =	stream.strided.gather [hbm4b:s29+s10], $0x3E80, s11, s10, $0x38;
	[tilespmem:$0xABE0] =	vst v63  }
0x3e: {  	_ =	swait.ge [sflag:s22], $0x3E8  }
0x3f: {  	[sflag:s22] =	ssyncset.done $0x0  }
0x40: {  	[sflag:s22] =	ssyncadd.s32 $0xFFFFFC18  }
0x41: {  	_ =	swait.ge [sflag:s23], $0x3E80  }
0x42: {  	[sflag:s23] =	ssyncset.done $0x0  }
0x43: {  	[sflag:s23] =	ssyncadd.s32 $0xFFFFC180  }
0x44: {  	[spmem:s2] =	stream.indirect.scatter.add.f32 [tilespmem:s16], [sflag:$0x6], $0x10, s14, s14, $0xb8;
	[tilespmem:$0xABE0] =	vst v63  }
0x45: {  	_ =	swait.ge [sflag:s17], $0x3E8  }
0x46: {  	[sflag:s17] =	ssyncset.done $0x0  }
0x47: {  	[sflag:s17] =	ssyncadd.s32 $0xFFFFFC18  }
0x48: {  	_ =	swait.ge [sflag:s18], $0x3E80  }
0x49: {  	[sflag:s18] =	ssyncset.done $0x0  }
0x4a: {  	s1 =	smul.u32 $0x27100, s31;
	[sflag:s18] =	ssyncadd.s32 $0xFFFFC180  }
0x4b: {  	[spmem:s2] =	stream.indirect.scatter.add.f32 [tilespmem:s12], [sflag:$0x5], $0x10, s3, s14, $0xb8;
	[tilespmem:$0xABE0] =	vst v63  }
0x4c: {  	s0 =	sadd.s32 s0, s1;
	s1 =	ssub.s32 $0x2, s31;
	_ =	swait.ge [sflag:s19], $0x3E80  }
0x4d: {  	s31 =	sshrl.u32 s1, $0x1;
	[sflag:s19] =	ssyncset.done $0x0  }
0x4e: {  	s1 =	ssub.s32 s1, s31;
	[sflag:s19] =	ssyncadd.s32 $0xFFFFC180  }
0x4f: {  	s1 =	smax.u32 s1, $0x1;
	_ =	swait.ge [sflag:s24], $0x3E80  }
0x50: {  	s0 =	sshrl.u32 s0, $0x3;
	p0 =	sne.s32 s1, $0x1;
	[sflag:s24] =	ssyncset.done $0x0  }
.Ltmp0:
0x51: {  	s0 =	sadd.s32 s0, s30;
	[sflag:s24] =	ssyncadd.s32 $0xFFFFC180;
	(pc) =	sbr.rel @!p0 .LBB2_2-.Ltmp0, $4  }
0x52: {  	s30 =	sadd.s32 $0xB6C00, s0;
	[bflag:$0x0] =	sbarrier.arrive $0xFFFF  }
0x53: {  	[hbm:s30], [sflag:s5] =	dma.local [spmem:s7], $0x4E2  }
0x54: {  	_ =	swait.ge [sflag:s6], $0x4E2  }
0x55: {  	s31 =	sadd.s32 $0xFFFFFFFF, s1;
	[sflag:s6] =	ssyncset.done $0x0  }
.LBB2_1:
0x56: {  	p0 =	sne.s32 s31, $0x1;
	s31 =	sadd.s32 $0xFFFFFFFF, s31;
	[sflag:s6] =	ssyncadd.s32 $0xFFFFFB1E  }
0x57: {  	[spmem:s7], [sflag:s5] =	dma.local [hbm:s4], $0x4E2  }
0x58: {  	_ =	swait.ge [sflag:s6], $0x4E2  }
0x59: {  	[sflag:s6] =	ssyncset.done $0x0  }
0x5a: {  	[sflag:s6] =	ssyncadd.s32 $0xFFFFFB1E  }
0x5b: {  	[bflag:$0x0] =	sbarrier.arrive $0xFFFF  }
0x5c: {  	[tilespmem:s3], [sflag:$0x1] =	stream.linear.gather [hbm4b:s8+s3], $0x3E8, $0x38;
	[tilespmem:$0xABE0] =	vst v63  }
0x5d: {  	_ = 	snop  }
0x5e: {  	[tilespmem:s12], [sflag:$0x3] =	stream.strided.gather [hbm4b:s9+s10], $0x3E80, s11, s10, $0x38;
	[tilespmem:$0xABE0] =	vst v63  }
0x5f: {  	_ = 	snop  }
0x60: {  	[tilespmem:s14], [sflag:$0x2] =	stream.linear.gather [hbm4b:s13+s3], $0x3E8, $0x38;
	[tilespmem:$0xABE0] =	vst v63  }
0x61: {  	_ = 	snop  }
0x62: {  	[tilespmem:s16], [sflag:$0x4] =	stream.strided.gather [hbm4b:s15+s10], $0x3E80, s11, s10, $0x38;
	[tilespmem:$0xABE0] =	vst v63  }
0x63: {  	_ =	swait.ge [sflag:s17], $0x3E8  }
0x64: {  	[sflag:s17] =	ssyncset.done $0x0  }
0x65: {  	[sflag:s17] =	ssyncadd.s32 $0xFFFFFC18  }
0x66: {  	_ =	swait.ge [sflag:s18], $0x3E80  }
0x67: {  	[sflag:s18] =	ssyncset.done $0x0  }
0x68: {  	[sflag:s18] =	ssyncadd.s32 $0xFFFFC180  }
0x69: {  	[spmem:s2] =	stream.indirect.scatter.add.f32 [tilespmem:s12], [sflag:$0x5], $0x10, s3, s14, $0xb8;
	[tilespmem:$0xABE0] =	vst v63  }
0x6a: {  	_ =	swait.ge [sflag:s19], $0x3E80  }
0x6b: {  	[sflag:s19] =	ssyncset.done $0x0  }
0x6c: {  	[sflag:s19] =	ssyncadd.s32 $0xFFFFC180  }
0x6d: {  	[tilespmem:s3], [sflag:$0x1] =	stream.linear.gather [hbm4b:s20+s3], $0x3E8, $0x38;
	[tilespmem:$0xABE0] =	vst v63  }
0x6e: {  	_ = 	snop  }
0x6f: {  	[tilespmem:s12], [sflag:$0x3] =	stream.strided.gather [hbm4b:s21+s10], $0x3E80, s11, s10, $0x38;
	[tilespmem:$0xABE0] =	vst v63  }
0x70: {  	_ =	swait.ge [sflag:s22], $0x3E8  }
0x71: {  	[sflag:s22] =	ssyncset.done $0x0  }
0x72: {  	[sflag:s22] =	ssyncadd.s32 $0xFFFFFC18  }
0x73: {  	_ =	swait.ge [sflag:s23], $0x3E80  }
0x74: {  	[sflag:s23] =	ssyncset.done $0x0  }
0x75: {  	[sflag:s23] =	ssyncadd.s32 $0xFFFFC180  }
0x76: {  	[spmem:s2] =	stream.indirect.scatter.add.f32 [tilespmem:s16], [sflag:$0x6], $0x10, s14, s14, $0xb8;
	[tilespmem:$0xABE0] =	vst v63  }
0x77: {  	_ =	swait.ge [sflag:s24], $0x3E80  }
0x78: {  	[sflag:s24] =	ssyncset.done $0x0  }
0x79: {  	[sflag:s24] =	ssyncadd.s32 $0xFFFFC180  }
0x7a: {  	[tilespmem:s14], [sflag:$0x2] =	stream.linear.gather [hbm4b:s25+s3], $0x3E8, $0x38;
	[tilespmem:$0xABE0] =	vst v63  }
0x7b: {  	_ = 	snop  }
0x7c: {  	[tilespmem:s16], [sflag:$0x4] =	stream.strided.gather [hbm4b:s26+s10], $0x3E80, s11, s10, $0x38;
	[tilespmem:$0xABE0] =	vst v63  }
0x7d: {  	_ =	swait.ge [sflag:s17], $0x3E8  }
0x7e: {  	[sflag:s17] =	ssyncset.done $0x0  }
0x7f: {  	[sflag:s17] =	ssyncadd.s32 $0xFFFFFC18  }
0x80: {  	_ =	swait.ge [sflag:s18], $0x3E80  }
0x81: {  	[sflag:s18] =	ssyncset.done $0x0  }
0x82: {  	[sflag:s18] =	ssyncadd.s32 $0xFFFFC180  }
0x83: {  	[spmem:s2] =	stream.indirect.scatter.add.f32 [tilespmem:s12], [sflag:$0x5], $0x10, s3, s14, $0xb8;
	[tilespmem:$0xABE0] =	vst v63  }
0x84: {  	_ =	swait.ge [sflag:s19], $0x3E80  }
0x85: {  	[sflag:s19] =	ssyncset.done $0x0  }
0x86: {  	[sflag:s19] =	ssyncadd.s32 $0xFFFFC180  }
0x87: {  	[tilespmem:s3], [sflag:$0x1] =	stream.linear.gather [hbm4b:s28+s3], $0x3E8, $0x38;
	[tilespmem:$0xABE0] =	vst v63  }
0x88: {  	_ = 	snop  }
0x89: {  	[tilespmem:s12], [sflag:$0x3] =	stream.strided.gather [hbm4b:s29+s10], $0x3E80, s11, s10, $0x38;
	[tilespmem:$0xABE0] =	vst v63  }
0x8a: {  	_ =	swait.ge [sflag:s22], $0x3E8  }
0x8b: {  	[sflag:s22] =	ssyncset.done $0x0  }
0x8c: {  	[sflag:s22] =	ssyncadd.s32 $0xFFFFFC18  }
0x8d: {  	_ =	swait.ge [sflag:s23], $0x3E80  }
0x8e: {  	[sflag:s23] =	ssyncset.done $0x0  }
0x8f: {  	[sflag:s23] =	ssyncadd.s32 $0xFFFFC180  }
0x90: {  	[spmem:s2] =	stream.indirect.scatter.add.f32 [tilespmem:s16], [sflag:$0x6], $0x10, s14, s14, $0xb8;
	[tilespmem:$0xABE0] =	vst v63  }
0x91: {  	_ =	swait.ge [sflag:s17], $0x3E8  }
0x92: {  	[sflag:s17] =	ssyncset.done $0x0  }
0x93: {  	[sflag:s17] =	ssyncadd.s32 $0xFFFFFC18  }
0x94: {  	_ =	swait.ge [sflag:s18], $0x3E80  }
0x95: {  	[sflag:s18] =	ssyncset.done $0x0  }
0x96: {  	[sflag:s18] =	ssyncadd.s32 $0xFFFFC180  }
0x97: {  	[spmem:s2] =	stream.indirect.scatter.add.f32 [tilespmem:s12], [sflag:$0x5], $0x10, s3, s14, $0xb8;
	[tilespmem:$0xABE0] =	vst v63  }
0x98: {  	_ =	swait.ge [sflag:s19], $0x3E80  }
0x99: {  	[sflag:s19] =	ssyncset.done $0x0  }
0x9a: {  	[sflag:s19] =	ssyncadd.s32 $0xFFFFC180  }
0x9b: {  	_ =	swait.ge [sflag:s24], $0x3E80  }
0x9c: {  	[sflag:s24] =	ssyncset.done $0x0  }
.Ltmp1:
0x9d: {  	[sflag:s24] =	ssyncadd.s32 $0xFFFFC180;
	(pc) =	sbr.rel @p0 .LBB2_1-.Ltmp1, $4  }
0x9e: {  	[bflag:$0x0] =	sbarrier.arrive $0xFFFF  }
0x9f: {  	[hbm:s30], [sflag:s5] =	dma.local [spmem:s7], $0x4E2  }
0xa0: {  	_ =	swait.ge [sflag:s6], $0x4E2  }
0xa1: {  	[sflag:s6] =	ssyncset.done $0x0  }
.LBB2_2:
0xa2: {  	[sflag:s6] =	ssyncadd.s32 $0xFFFFFB1E  }
0xa3: {  	_ =	sfence.sel $0x180000  }
0xa4: {  	[bflag:$0x0] =	sbarrier.arrive $0xFFFF  }
0xa5: {  	_ =	strace $0x90000050  }
0xa6: {  	s0 =	stileid.u32;
	[bflag:$0x2] =	sbarrier.arrive $0xFFFF  }
0xa7: {  	p0 =	sne.s32 s0, $0x0;
	s0 =	rddreg [dreg:$0x2]  }
0xa8: {  	s0 =	sadd.s32 @!p0 $0x100000, s0  }
0xa9: {  	[sflag:s0] =	ssyncadd.tile.s32 @!p0 $0x1;
	_ =	shalt  }
.Lfunc_end2:
_tile_overlayer_lowered:
.L_overlay_start_2:
0xaa: {  	(tag) =	ssettag $0x2  }
0xab: {  	s0 =	rddreg [dreg:$0x0];
	s2 =	stileid.u32  }
0xac: {  	s1 =	rddreg [dreg:$0x1];
	p0 =	sne.s32 s2, $0x0  }
0xad: {  	s3 =	rddreg [dreg:$0x2];
	[bflag:$0x3] =	sbarrier.arrive $0xFFFF;
	s2 =	simm.s32 @!p0 $0x1C07  }
0xae: {  	[timem:s3], [sflag:s2] =	dma.local @!p0 [hbm:s0], s1  }
0xaf: {  	s0 =	simm.s32 @!p0 $0x7  }
0xb0: {  	_ =	swait.ge @!p0 [sflag:s0], s1  }
0xb1: {  	s1 =	ssub.s32 @!p0 $0x0, s1;
	[sflag:s0] =	ssyncset.done @!p0 $0x0  }
0xb2: {  	[sflag:s0] =	ssyncadd.s32 @!p0 s1  }
0xb3: {  	[bflag:$0x3] =	sbarrier.arrive $0xFFFF  }
0xb4: {  	_ =	shalt  }

// kernel: kernel.29.cloned.1.call-start
scs
__scs_entry_jumppad:
0x0: {  	(pc) =	sbr.rel $0x88, $3  }
0x1: {  	(tag) =	ssettag $0x0;
	lr =	simm.s32 $0x1  }
0x2: {  	[smem:$0x3F85] =	sst lr;
	_ =	strace $0xD0000000  }
0x3: {  	_ = 	snop  }
0x4: {  	_ = 	snop  }
0x5: {  	_ = 	snop  }
0x6: {  	_ = 	snop  }
0x7: {  	_ = 	snop  }
__scs_overlays_trampoline_lowered:
0x8: {  	[smem:$0x3F94] =	sst s0  }
0x9: {  	[smem:$0x3F95] =	sst s1  }
0xa: {  	[smem:$0x3F96] =	sst s2  }
0xb: {  	[smem:$0x3F97] =	sst s3  }
0xc: {  	[smem:$0x3F98] =	sst s4  }
0xd: {  	[smem:$0x3F99] =	sst s5  }
0xe: {  	[smem:$0x3F9A] =	sst s6  }
0xf: {  	[smem:$0x3F9B] =	sst s7  }
0x10: {  	[smem:$0x3F9C] =	sst s8  }
0x11: {  	[smem:$0x3F9D] =	sst s9;
	s0 =	simm.s32 @!p0 $0x0  }
0x12: {  	s1 =	sld [smem:$0x3F83];
	s0 =	simm.s32 @p0 $0x1  }
0x13: {  	[smem:$0x3F9E] =	sst s0;
	s0 =	simm.s32 @!p1 $0x0  }
0x14: {  	s2 =	sld [smem:$0x3F82];
	s0 =	simm.s32 @p1 $0x1  }
0x15: {  	[smem:$0x3F9F] =	sst s0;
	s0 =	simm.s32 @!p2 $0x0  }
0x16: {  	s3 =	sld [smem:$0x3FDB];
	s0 =	simm.s32 @p2 $0x1  }
0x17: {  	s4 =	simm.s32 $0x1BF5;
	[smem:$0x3FA1] =	sst s0  }
0x18: {  	s0 =	sld [smem:$0x3F84];
	_ =	swait.ge [sflag:s4], $0x0  }
0x19: {  	s7 =	sld [smem:$0x3F85]  }
0x1a: {  	s8 =	sadd.s32 $0xFFFFE003, lr  }
0x1b: {  	s9 =	sadd.s32 $0xFFFFFEF7, lr;
	s5 =	simm.s32 $0xFFFFFFFF;
	p2 =	slt.u32 s8, $0xFFFFF086  }
0x1c: {  	p1 =	slt.u32 s9, $0xF7A;
	s5 =	simm.s32 @!p2 $0x0  }
0x1d: {  	s5 =	simm.s32 @p1 $0x1;
	p0 =	seq.s32 s7, s2  }
0x1e: {  	s7 =	smul.u32 @!p0 $0xF7A, s2;
	p2 =	seq.s32 @!p0 s5, $0x0  }
0x1f: {  	s9 =	smul.u32 $0xF7A, s1;
	s8 =	simm.s32 @!p0 $0x1BF5;
	p2 =	por !p2, p0  }
0x20: {  	[sflag:s8] =	ssyncset.s32 @!p0 $0xFFFFF086;
	s6 =	sadd.s32 @!p0 s3, s7;
	s7 =	simm.s32 @!p0 $0x108  }
0x21: {  	s3 =	sadd.s32 s3, s9;
	s6 =	sadd.s32 @!p0 $0x88, s6;
	s7 =	simm.s32 @p2 $0x1082  }
0x22: {  	[simem:s7], [sflag:s8] =	dma.local @!p0 [hbm:s6], $0xF7A  }
0x23: {  	s9 =	sor.u32 $0xD0000000, s2;
	s6 =	simm.s32 $0x108;
	_ =	swait.ge @!p0 [sflag:s8], $0x0  }
0x24: {  	s3 =	sadd.s32 $0x88, s3;
	s6 =	simm.s32 @!p1 $0x1082;
	[sflag:s4] =	ssyncset.s32 $0xFFFFF086  }
0x25: {  	[simem:s6], [sflag:s4] =	dma.local [hbm:s3], $0xF7A  }
0x26: {  	[smem:$0x3F85] =	sst s1;
	(tag) =	ssettag s2;
	_ =	strace s9  }
0x27: {  	s1 =	sld [smem:$0x3F95]  }
0x28: {  	s2 =	sld [smem:$0x3F96]  }
0x29: {  	s4 =	sld [smem:$0x3F98]  }
0x2a: {  	p0 =	seq.s32 s5, $0x0;
	s5 =	sld [smem:$0x3F99]  }
0x2b: {  	s6 =	sld [smem:$0x3F9A]  }
0x2c: {  	s7 =	sld [smem:$0x3F9B]  }
0x2d: {  	s3 =	simm.s32 $0x108;
	s8 =	sld [smem:$0x3F9C]  }
0x2e: {  	s3 =	simm.s32 @!p0 $0x1082;
	s9 =	sld [smem:$0x3F9D]  }
0x2f: {  	lr =	sadd.s32 s0, s3;
	s0 =	sld [smem:$0x3F94]  }
0x30: {  	s3 =	sld [smem:$0x3F97]  }
0x31: {  	[smem:$0x3FA0] =	sst s10  }
0x32: {  	s10 =	sld [smem:$0x3F9E];
	_ =	sdelay $0x3  }
0x33: {  	p0 =	seq.s32 s10, $0x1;
	s10 =	sld [smem:$0x3FA0];
	_ =	sdelay $0x3  }
0x34: {  	[smem:$0x3FA0] =	sst s10  }
0x35: {  	s10 =	sld [smem:$0x3F9F];
	_ =	sdelay $0x3  }
0x36: {  	p1 =	seq.s32 s10, $0x1;
	s10 =	sld [smem:$0x3FA0];
	_ =	sdelay $0x3  }
0x37: {  	[smem:$0x3FA0] =	sst s10  }
0x38: {  	s10 =	sld [smem:$0x3FA1]  }
0x39: {  	_ = 	snop;
	(pc) =	sbr.ind lr, $3  }
0x3a: {  	_ = 	snop  }
0x3b: {  	_ = 	snop  }
0x3c: {  	p2 =	seq.s32 s10, $0x1;
	s10 =	sld [smem:$0x3FA0]  }
0x3d: {  	_ =	shalt  }
0x3e: {  	_ =	shalt  }
0x3f: {  	_ =	shalt  }
0x40: {  	_ =	shalt  }
0x41: {  	_ =	shalt  }
0x42: {  	_ =	shalt  }
0x43: {  	_ =	shalt  }
0x44: {  	_ =	shalt  }
0x45: {  	_ =	shalt  }
0x46: {  	_ =	shalt  }
0x47: {  	_ =	shalt  }
0x48: {  	_ =	shalt  }
0x49: {  	_ =	shalt  }
0x4a: {  	_ =	shalt  }
0x4b: {  	_ =	shalt  }
0x4c: {  	_ =	shalt  }
0x4d: {  	_ =	shalt  }
0x4e: {  	_ =	shalt  }
0x4f: {  	_ =	shalt  }
0x50: {  	_ =	shalt  }
0x51: {  	_ =	shalt  }
0x52: {  	_ =	shalt  }
0x53: {  	_ =	shalt  }
0x54: {  	_ =	shalt  }
0x55: {  	_ =	shalt  }
0x56: {  	_ =	shalt  }
0x57: {  	_ =	shalt  }
0x58: {  	_ =	shalt  }
0x59: {  	_ =	shalt  }
0x5a: {  	_ =	shalt  }
0x5b: {  	_ =	shalt  }
0x5c: {  	_ =	shalt  }
0x5d: {  	_ =	shalt  }
0x5e: {  	_ =	shalt  }
0x5f: {  	_ =	shalt  }
0x60: {  	_ =	shalt  }
0x61: {  	_ =	shalt  }
0x62: {  	_ =	shalt  }
0x63: {  	_ =	shalt  }
0x64: {  	_ =	shalt  }
0x65: {  	_ =	shalt  }
0x66: {  	_ =	shalt  }
0x67: {  	_ =	shalt  }
0x68: {  	_ =	shalt  }
0x69: {  	_ =	shalt  }
0x6a: {  	_ =	shalt  }
0x6b: {  	_ =	shalt  }
0x6c: {  	_ =	shalt  }
0x6d: {  	_ =	shalt  }
0x6e: {  	_ =	shalt  }
0x6f: {  	_ =	shalt  }
0x70: {  	_ =	shalt  }
0x71: {  	_ =	shalt  }
0x72: {  	_ =	shalt  }
0x73: {  	_ =	shalt  }
0x74: {  	_ =	shalt  }
0x75: {  	_ =	shalt  }
0x76: {  	_ =	shalt  }
0x77: {  	_ =	shalt  }
0x78: {  	_ =	shalt  }
0x79: {  	_ =	shalt  }
0x7a: {  	_ =	shalt  }
0x7b: {  	_ =	shalt  }
0x7c: {  	_ =	shalt  }
0x7d: {  	_ =	shalt  }
0x7e: {  	_ =	shalt  }
0x7f: {  	_ =	shalt  }
0x80: {  	_ =	shalt  }
0x81: {  	_ =	shalt  }
0x82: {  	_ =	shalt  }
0x83: {  	_ =	shalt  }
0x84: {  	_ =	shalt  }
0x85: {  	_ =	shalt  }
0x86: {  	_ =	shalt  }
0x87: {  	_ =	shalt  }
.Lfunc_end0:
.L_simem_size_0:
called_computation.4_lowered:
.L_overlay_start_0:
0x88: {  	s2 =	sld [smem:$0x3FD9]  }
0x89: {  	s3 =	sld [smem:$0x3FFE];
	_ =	sdelay $0x1  }
0x8a: {  	s1 =	srdreg.scid  }
0x8b: {  	s0 =	sand.u32 $0x1, s1  }
0x8c: {  	s16 =	sshll.u32 s0, $0xA;
	s2 =	sadd.s32 s3, s2  }
0x8d: {  	s2 =	sadd.s32 s2, s16  }
0x8e: {  	[smem:$0x3FAC] =	sst s2  }
0x8f: {  	_ = 	snop  }
0x90: {  	(tm) =	ssettm $0x1  }
0x91: {  	s17 =	sld [smem:$0x3FFB];
	_ =	sdelay $0x3  }
0x92: {  	_ =	strace s17  }
0x93: {  	s2 =	sld [smem:$0x3FFC];
	_ =	sdelay $0x3  }
0x94: {  	_ =	strace s2  }
0x95: {  	s2 =	sld [smem:$0x3FFD];
	_ =	sdelay $0x3  }
0x96: {  	_ =	strace s2  }
0x97: {  	_ =	strace $0x8FFFFFFF  }
0x98: {  	s18 =	sld [smem:$0x3FDB];
	_ =	sdelay $0x1  }
0x99: {  	s19 =	simm.s32 $_scs_section_size  }
0x9a: {  	s4 =	simm.s32 $_size__tile_overlayer_lowered;
	s5 =	simm.s32 $_tile_overlayer_lowered  }
0x9b: {  	s22 =	simm.s32 $0x1BFF;
	s21 =	sshll.u32 s5, $0x1;
	s2 =	sadd.s32 s19, s18  }
0x9c: {  	s6 =	simm.s32 $0x0;
	s20 =	sshll.u32 s4, $0x1;
	s4 =	sadd.s32 s21, s2  }
0x9d: {  	[timem:s6], [sflag:s22] =	dma.local [hbm:s4], s20  }
0x9e: {  	_ =	swait.ge [sflag:s22], s20  }
0x9f: {  	s3 =	ssub.s32 $0x0, s20;
	[sflag:s22] =	ssyncset.done $0x0  }
0xa0: {  	[sflag:s22] =	ssyncadd.s32 s3;
	_ =	sdelay $0x1  }
0xa1: {  	s23 =	simm.s32 $0x1B8B  }
0xa2: {  	_ =	swait.ge [sflag:s23], $0x1  }
0xa3: {  	[sflag:s23] =	ssyncset.done $0x0  }
0xa4: {  	s25 =	simm.s32 $0x1B8E;
	s24 =	sld [smem:$0x3FFE];
	[sflag:s23] =	ssyncadd.s32 $0xFFFFFFFF  }
0xa5: {  	s26 =	simm.s32 $execute0_lowered;
	[smem:$0x3FD2] =	sst s25  }
0xa6: {  	s4 =	sshll.u32 s26, $0x1;
	_ =	strace $0x80000052;
	[dreg:$0x1] =	wrdreg $0xFFFFFFFF  }
0xa7: {  	s28 =	simm.s32 $_size_execute0_lowered;
	s2 =	sadd.s32 s2, s4;
	[dreg:$0x0] =	wrdreg $0x0  }
0xa8: {  	s4 =	sshll.u32 s28, $0x1;
	[dreg:$0x2] =	wrdreg s2  }
0xa9: {  	[dreg:$0x3] =	wrdreg s4  }
0xaa: {  	[dreg:$0x4] =	wrdreg $0xC0  }
0xab: {  	_ =	task [dreg:s6], $0x5FFFF  }
0xac: {  	[dreg:$0x1] =	wrdreg $0xFFFFFFFF  }
0xad: {  	[dreg:$0x0] =	wrdreg $0x60  }
0xae: {  	[dreg:$0x2] =	wrdreg s24  }
0xaf: {  	[dreg:$0x3] =	wrdreg $0x9  }
0xb0: {  	_ =	task.clear_ibuf [dreg:s6], $0x4FFFF;
	_ =	strace $0x90000052  }
0xb1: {  	s29 =	simm.s32 $0x9;
	_ =	strace $0x80000054  }
0xb2: {  	_ =	swait.ge [sflag:s29], $0x1  }
0xb3: {  	[sflag:s29] =	ssyncadd.s32 $0xFFFFFFFF  }
0xb4: {  	_ =	strace $0x90000054  }
0xb5: {  	_ =	sfence  }
0xb6: {  	s30 =	sld [smem:$0x0];
	_ =	sdelay $0x2  }
0xb7: {  	s31 =	sshll.u32 s1, $0xD;
	s1 =	sshrl.u32 s1, $0x2  }
0xb8: {  	s3 =	sand.u32 $0x4000, s31;
	s1 =	sadd.s32 s1, s30  }
0xb9: {  	s0 =	sor.u32 s3, s0;
	s1 =	sshll.u32 s1, $0x11  }
0xba: {  	s0 =	sor.u32 s1, s0  }
0xbb: {  	s0 =	sadd.s32 $0x8F2B, s0  }
0xbc: {  	[sflag:s0] =	ssyncadd.remote.s32 $0x1  }
0xbd: {  	_ =	sfence.sel $0xFFFF  }
0xbe: {  	[dreg:$0x0] =	wrdreg $0xFFFFFFFF;
	(pc) =	sbr.abs _section_cstart, $3  }
0xbf: {  	[dreg:$0x1] =	wrdreg $0xFFFFFFFF  }
0xc0: {  	_ =	task.clear_ibuf [dreg:s6], $0x2FFFF;
	_ =	strace $0x9FFFFFFF  }
0xc1: {  	(tm) =	ssettm $0x7FFFFFFF  }
tec
execute0_lowered:
.L_overlay_start_1:
0x0: {  	(tag) =	ssettag $0x1  }
0x1: {  	s1 =	srdreg.scid;
	s0 =	stileid.u32  }
0x2: {  	s30 =	sand.u32 $0x1, s1;
	s3 =	sshll.u32 s0, $0x1  }
0x3: {  	s10 =	rddreg [dreg:$0x0];
	s2 =	simm.s32 $0x0;
	s3 =	sor.u32 s30, s3  }
0x4: {  	s6 =	simm.s32 $0x1;
	s1 =	rddreg [dreg:$0x1];
	s20 =	smul.u32 $0x1388, s3  }
0x5: {  	[smem:$0x7FF] =	sst s2;
	s7 =	sshrl.u32 s0, $0x1;
	s21 =	sadd.s32 $0xB800, s10  }
0x6: {  	_ =	strace $0x80000053;
	s4 =	sshrl.u32 s20, $0x3;
	s5 =	sadd.s32 $0x3E8, s20  }
0x7: {  	s24 =	smul.u32 $0xFFFFB1E0, s7;
	s3 =	sadd.s32 s21, s4;
	s25 =	sshrl.u32 s5, $0x3  }
0x8: {  	[tilespmem:s2], [sflag:$0x1] =	stream.linear.gather [hbm4b:s3+s2], $0x3E8, $0x38;
	[tilespmem:$0xC738] =	vst v63  }
0x9: {  	s8 =	sadd.s32 s24, s20;
	s5 =	simm.s32 $0x3E8;
	s4 =	sadd.s32 s21, s25  }
0xa: {  	[tilespmem:s5], [sflag:$0x2] =	stream.linear.gather [hbm4b:s4+s2], $0x3E8, $0x38;
	[tilespmem:$0xC738] =	vst v63  }
0xb: {  	s9 =	sshll.u32 s7, $0x4;
	s8 =	sshll.u32 s8, $0x7;
	_ =	swait.ge [sflag:s6], $0x3E8  }
0xc: {  	s7 =	sadd.s32 $0x6800, s10;
	s29 =	sor.u32 s9, s8;
	[sflag:s6] =	ssyncset.done $0x0  }
0xd: {  	s8 =	simm.s32 $0xBB8;
	s9 =	simm.s32 $0x4;
	[sflag:s6] =	ssyncadd.s32 $0xFFFFFC18  }
0xe: {  	[tilespmem:s8], [sflag:$0x4] =	stream.indirect.gather [hbm4b:s7+s5], $0x10, s2, s5, $0xb8;
	[tilespmem:$0xC738] =	vst v63  }
0xf: {  	s11 =	simm.s32 $0x10;
	_ =	swait.ge [sflag:s9], $0x3E80  }
0x10: {  	s31 =	sadd.s32 $0x15800, s10;
	s26 =	sshrl.u32 s29, $0x3;
	[sflag:s9] =	ssyncset.done $0x0  }
0x11: {  	s12 =	simm.s32 $0x80;
	s10 =	sadd.s32 s31, s26;
	[sflag:s9] =	ssyncadd.s32 $0xFFFFC180  }
0x12: {  	[hbm4b:s10+s11] =	stream.strided.scatter [tilespmem:s8], [sflag:$0x7], $0x3E80, s12, s11, $0x38;
	[tilespmem:$0xC738] =	vst v63  }
0x13: {  	s14 =	simm.s32 $0x7D0;
	s15 =	simm.s32 $0x2;
	s13 =	sadd.s32 $0xFA, s3  }
0x14: {  	[tilespmem:s14], [sflag:$0x3] =	stream.linear.gather [hbm4b:s13+s2], $0x3E8, $0x38;
	[tilespmem:$0xC738] =	vst v63  }
0x15: {  	_ =	swait.ge [sflag:s15], $0x3E8  }
0x16: {  	[sflag:s15] =	ssyncset.done $0x0  }
0x17: {  	s16 =	simm.s32 $0x4A38;
	s17 =	simm.s32 $0x5;
	[sflag:s15] =	ssyncadd.s32 $0xFFFFFC18  }
0x18: {  	[tilespmem:s16], [sflag:$0x5] =	stream.indirect.gather [hbm4b:s7+s5], $0x10, s5, s5, $0xb8;
	[tilespmem:$0xC738] =	vst v63  }
0x19: {  	s18 =	sadd.s32 $0x1F400, s29;
	_ =	swait.ge [sflag:s17], $0x3E80  }
0x1a: {  	s18 =	sshrl.u32 s18, $0x3;
	[sflag:s17] =	ssyncset.done $0x0  }
0x1b: {  	s19 =	simm.s32 $0x7;
	s18 =	sadd.s32 s31, s18;
	[sflag:s17] =	ssyncadd.s32 $0xFFFFC180  }
0x1c: {  	[hbm4b:s18+s11] =	stream.strided.scatter [tilespmem:s16], [sflag:$0x8], $0x3E80, s12, s11, $0x38;
	[tilespmem:$0xC738] =	vst v63  }
0x1d: {  	s20 =	sadd.s32 $0xBB8, s20;
	_ =	swait.ge [sflag:s19], $0x3E80  }
0x1e: {  	s20 =	sshrl.u32 s20, $0x3;
	[sflag:s19] =	ssyncset.done $0x0  }
0x1f: {  	s20 =	sadd.s32 s21, s20;
	s21 =	simm.s32 $0x3;
	[sflag:s19] =	ssyncadd.s32 $0xFFFFC180  }
0x20: {  	[tilespmem:s2], [sflag:$0x1] =	stream.linear.gather [hbm4b:s20+s2], $0x3E8, $0x38;
	[tilespmem:$0xC738] =	vst v63  }
0x21: {  	_ =	swait.ge [sflag:s21], $0x3E8  }
0x22: {  	[sflag:s21] =	ssyncset.done $0x0  }
0x23: {  	s22 =	simm.s32 $0x88B8;
	s23 =	simm.s32 $0x6;
	[sflag:s21] =	ssyncadd.s32 $0xFFFFFC18  }
0x24: {  	[tilespmem:s22], [sflag:$0x6] =	stream.indirect.gather [hbm4b:s7+s5], $0x10, s14, s5, $0xb8;
	[tilespmem:$0xC738] =	vst v63  }
0x25: {  	s24 =	sadd.s32 $0x3E800, s29;
	_ =	swait.ge [sflag:s23], $0x3E80  }
0x26: {  	s24 =	sshrl.u32 s24, $0x3;
	[sflag:s23] =	ssyncset.done $0x0  }
0x27: {  	s25 =	simm.s32 $0x8;
	s24 =	sadd.s32 s31, s24;
	[sflag:s23] =	ssyncadd.s32 $0xFFFFC180  }
0x28: {  	[hbm4b:s24+s11] =	stream.strided.scatter [tilespmem:s22], [sflag:$0x9], $0x3E80, s12, s11, $0x38;
	[tilespmem:$0xC738] =	vst v63  }
0x29: {  	_ =	swait.ge [sflag:s25], $0x3E80  }
0x2a: {  	[sflag:s25] =	ssyncset.done $0x0  }
0x2b: {  	s26 =	sadd.s32 $0x1F4, s3;
	[sflag:s25] =	ssyncadd.s32 $0xFFFFC180  }
0x2c: {  	[tilespmem:s5], [sflag:$0x2] =	stream.linear.gather [hbm4b:s26+s2], $0x3E8, $0x38;
	[tilespmem:$0xC738] =	vst v63  }
0x2d: {  	_ =	swait.ge [sflag:s6], $0x3E8  }
0x2e: {  	[sflag:s6] =	ssyncset.done $0x0  }
0x2f: {  	[sflag:s6] =	ssyncadd.s32 $0xFFFFFC18  }
0x30: {  	[tilespmem:s8], [sflag:$0x4] =	stream.indirect.gather [hbm4b:s7+s5], $0x10, s2, s5, $0xb8;
	[tilespmem:$0xC738] =	vst v63  }
0x31: {  	s28 =	sadd.s32 $0x5DC00, s29;
	_ =	swait.ge [sflag:s9], $0x3E80  }
0x32: {  	s28 =	sshrl.u32 s28, $0x3;
	[sflag:s9] =	ssyncset.done $0x0  }
0x33: {  	s28 =	sadd.s32 s31, s28;
	[sflag:s9] =	ssyncadd.s32 $0xFFFFC180  }
0x34: {  	[hbm4b:s28+s11] =	stream.strided.scatter [tilespmem:s8], [sflag:$0x7], $0x3E80, s12, s11, $0x38;
	[tilespmem:$0xC738] =	vst v63  }
0x35: {  	_ =	swait.ge [sflag:s15], $0x3E8  }
0x36: {  	[sflag:s15] =	ssyncset.done $0x0  }
0x37: {  	[sflag:s15] =	ssyncadd.s32 $0xFFFFFC18  }
0x38: {  	[tilespmem:s16], [sflag:$0x5] =	stream.indirect.gather [hbm4b:s7+s5], $0x10, s5, s5, $0xb8;
	[tilespmem:$0xC738] =	vst v63  }
0x39: {  	s29 =	sadd.s32 $0x7D000, s29;
	_ =	swait.ge [sflag:s17], $0x3E80  }
0x3a: {  	s30 =	ssub.s32 $0x2, s30;
	s29 =	sshrl.u32 s29, $0x3;
	[sflag:s17] =	ssyncset.done $0x0  }
0x3b: {  	s29 =	sadd.s32 s31, s29;
	s31 =	sshrl.u32 s30, $0x1;
	[sflag:s17] =	ssyncadd.s32 $0xFFFFC180  }
0x3c: {  	[hbm4b:s29+s11] =	stream.strided.scatter [tilespmem:s16], [sflag:$0x8], $0x3E80, s12, s11, $0x38;
	[tilespmem:$0xC738] =	vst v63  }
0x3d: {  	s30 =	ssub.s32 s30, s31;
	_ =	swait.ge [sflag:s19], $0x3E80  }
0x3e: {  	s31 =	smax.u32 s30, $0x1;
	[sflag:s19] =	ssyncset.done $0x0  }
0x3f: {  	p0 =	sne.s32 s31, $0x1;
	[sflag:s19] =	ssyncadd.s32 $0xFFFFC180  }
.Ltmp0:
0x40: {  	_ =	swait.ge [sflag:s25], $0x3E80;
	(pc) =	sbr.rel @!p0 .LBB2_2-.Ltmp0, $4  }
0x41: {  	[sflag:s25] =	ssyncset.done $0x0  }
0x42: {  	s30 =	simm.s32 $0x9;
	[sflag:s25] =	ssyncadd.s32 $0xFFFFC180  }
0x43: {  	_ =	swait.ge [sflag:s30], $0x3E80  }
0x44: {  	s31 =	sadd.s32 $0xFFFFFFFF, s31;
	[sflag:s30] =	ssyncset.done $0x0  }
.LBB2_1:
0x45: {  	p0 =	sne.s32 s31, $0x1;
	s31 =	sadd.s32 $0xFFFFFFFF, s31;
	[sflag:s30] =	ssyncadd.s32 $0xFFFFC180  }
0x46: {  	[tilespmem:s2], [sflag:$0x1] =	stream.linear.gather [hbm4b:s3+s2], $0x3E8, $0x38;
	[tilespmem:$0xC738] =	vst v63  }
0x47: {  	_ = 	snop  }
0x48: {  	[tilespmem:s5], [sflag:$0x2] =	stream.linear.gather [hbm4b:s4+s2], $0x3E8, $0x38;
	[tilespmem:$0xC738] =	vst v63  }
0x49: {  	_ =	swait.ge [sflag:s6], $0x3E8  }
0x4a: {  	[sflag:s6] =	ssyncset.done $0x0  }
0x4b: {  	[sflag:s6] =	ssyncadd.s32 $0xFFFFFC18  }
0x4c: {  	[tilespmem:s8], [sflag:$0x4] =	stream.indirect.gather [hbm4b:s7+s5], $0x10, s2, s5, $0xb8;
	[tilespmem:$0xC738] =	vst v63  }
0x4d: {  	_ =	swait.ge [sflag:s9], $0x3E80  }
0x4e: {  	[sflag:s9] =	ssyncset.done $0x0  }
0x4f: {  	[sflag:s9] =	ssyncadd.s32 $0xFFFFC180  }
0x50: {  	[hbm4b:s10+s11] =	stream.strided.scatter [tilespmem:s8], [sflag:$0x7], $0x3E80, s12, s11, $0x38;
	[tilespmem:$0xC738] =	vst v63  }
0x51: {  	_ = 	snop  }
0x52: {  	[tilespmem:s14], [sflag:$0x3] =	stream.linear.gather [hbm4b:s13+s2], $0x3E8, $0x38;
	[tilespmem:$0xC738] =	vst v63  }
0x53: {  	_ =	swait.ge [sflag:s15], $0x3E8  }
0x54: {  	[sflag:s15] =	ssyncset.done $0x0  }
0x55: {  	[sflag:s15] =	ssyncadd.s32 $0xFFFFFC18  }
0x56: {  	[tilespmem:s16], [sflag:$0x5] =	stream.indirect.gather [hbm4b:s7+s5], $0x10, s5, s5, $0xb8;
	[tilespmem:$0xC738] =	vst v63  }
0x57: {  	_ =	swait.ge [sflag:s17], $0x3E80  }
0x58: {  	[sflag:s17] =	ssyncset.done $0x0  }
0x59: {  	[sflag:s17] =	ssyncadd.s32 $0xFFFFC180  }
0x5a: {  	[hbm4b:s18+s11] =	stream.strided.scatter [tilespmem:s16], [sflag:$0x8], $0x3E80, s12, s11, $0x38;
	[tilespmem:$0xC738] =	vst v63  }
0x5b: {  	_ =	swait.ge [sflag:s19], $0x3E80  }
0x5c: {  	[sflag:s19] =	ssyncset.done $0x0  }
0x5d: {  	[sflag:s19] =	ssyncadd.s32 $0xFFFFC180  }
0x5e: {  	[tilespmem:s2], [sflag:$0x1] =	stream.linear.gather [hbm4b:s20+s2], $0x3E8, $0x38;
	[tilespmem:$0xC738] =	vst v63  }
0x5f: {  	_ =	swait.ge [sflag:s21], $0x3E8  }
0x60: {  	[sflag:s21] =	ssyncset.done $0x0  }
0x61: {  	[sflag:s21] =	ssyncadd.s32 $0xFFFFFC18  }
0x62: {  	[tilespmem:s22], [sflag:$0x6] =	stream.indirect.gather [hbm4b:s7+s5], $0x10, s14, s5, $0xb8;
	[tilespmem:$0xC738] =	vst v63  }
0x63: {  	_ =	swait.ge [sflag:s23], $0x3E80  }
0x64: {  	[sflag:s23] =	ssyncset.done $0x0  }
0x65: {  	[sflag:s23] =	ssyncadd.s32 $0xFFFFC180  }
0x66: {  	[hbm4b:s24+s11] =	stream.strided.scatter [tilespmem:s22], [sflag:$0x9], $0x3E80, s12, s11, $0x38;
	[tilespmem:$0xC738] =	vst v63  }
0x67: {  	_ =	swait.ge [sflag:s25], $0x3E80  }
0x68: {  	[sflag:s25] =	ssyncset.done $0x0  }
0x69: {  	[sflag:s25] =	ssyncadd.s32 $0xFFFFC180  }
0x6a: {  	[tilespmem:s5], [sflag:$0x2] =	stream.linear.gather [hbm4b:s26+s2], $0x3E8, $0x38;
	[tilespmem:$0xC738] =	vst v63  }
0x6b: {  	_ =	swait.ge [sflag:s6], $0x3E8  }
0x6c: {  	[sflag:s6] =	ssyncset.done $0x0  }
0x6d: {  	[sflag:s6] =	ssyncadd.s32 $0xFFFFFC18  }
0x6e: {  	[tilespmem:s8], [sflag:$0x4] =	stream.indirect.gather [hbm4b:s7+s5], $0x10, s2, s5, $0xb8;
	[tilespmem:$0xC738] =	vst v63  }
0x6f: {  	_ =	swait.ge [sflag:s9], $0x3E80  }
0x70: {  	[sflag:s9] =	ssyncset.done $0x0  }
0x71: {  	[sflag:s9] =	ssyncadd.s32 $0xFFFFC180  }
0x72: {  	[hbm4b:s28+s11] =	stream.strided.scatter [tilespmem:s8], [sflag:$0x7], $0x3E80, s12, s11, $0x38;
	[tilespmem:$0xC738] =	vst v63  }
0x73: {  	_ =	swait.ge [sflag:s15], $0x3E8  }
0x74: {  	[sflag:s15] =	ssyncset.done $0x0  }
0x75: {  	[sflag:s15] =	ssyncadd.s32 $0xFFFFFC18  }
0x76: {  	[tilespmem:s16], [sflag:$0x5] =	stream.indirect.gather [hbm4b:s7+s5], $0x10, s5, s5, $0xb8;
	[tilespmem:$0xC738] =	vst v63  }
0x77: {  	_ =	swait.ge [sflag:s17], $0x3E80  }
0x78: {  	[sflag:s17] =	ssyncset.done $0x0  }
0x79: {  	[sflag:s17] =	ssyncadd.s32 $0xFFFFC180  }
0x7a: {  	[hbm4b:s29+s11] =	stream.strided.scatter [tilespmem:s16], [sflag:$0x8], $0x3E80, s12, s11, $0x38;
	[tilespmem:$0xC738] =	vst v63  }
0x7b: {  	_ =	swait.ge [sflag:s19], $0x3E80  }
0x7c: {  	[sflag:s19] =	ssyncset.done $0x0  }
0x7d: {  	[sflag:s19] =	ssyncadd.s32 $0xFFFFC180  }
.Ltmp1:
0x7e: {  	_ =	swait.ge [sflag:s25], $0x3E80;
	(pc) =	sbr.rel @p0 .LBB2_1-.Ltmp1, $4  }
0x7f: {  	[sflag:s25] =	ssyncset.done $0x0  }
0x80: {  	[sflag:s25] =	ssyncadd.s32 $0xFFFFC180  }
0x81: {  	_ =	swait.ge [sflag:s30], $0x3E80  }
0x82: {  	[sflag:s30] =	ssyncset.done $0x0  }
.LBB2_2:
0x83: {  	[sflag:s30] =	ssyncadd.s32 $0xFFFFC180  }
0x84: {  	_ =	sfence.sel $0x180000  }
0x85: {  	[bflag:$0x0] =	sbarrier.arrive $0xFFFF  }
0x86: {  	p0 =	sne.s32 s0, $0x0;
	_ =	strace $0x90000053  }
0x87: {  	s0 =	sadd.s32 @!p0 $0x100000, s1;
	[bflag:$0x2] =	sbarrier.arrive $0xFFFF  }
0x88: {  	[sflag:s0] =	ssyncadd.tile.s32 @!p0 $0x1;
	_ =	shalt  }
.Lfunc_end2:
_tile_overlayer_lowered:
.L_overlay_start_2:
0x89: {  	(tag) =	ssettag $0x2  }
0x8a: {  	s0 =	rddreg [dreg:$0x0];
	s2 =	stileid.u32  }
0x8b: {  	s1 =	rddreg [dreg:$0x1];
	p0 =	sne.s32 s2, $0x0  }
0x8c: {  	s3 =	rddreg [dreg:$0x2];
	[bflag:$0x3] =	sbarrier.arrive $0xFFFF;
	s2 =	simm.s32 @!p0 $0x1C0A  }
0x8d: {  	[timem:s3], [sflag:s2] =	dma.local @!p0 [hbm:s0], s1  }
0x8e: {  	s0 =	simm.s32 @!p0 $0xA  }
0x8f: {  	_ =	swait.ge @!p0 [sflag:s0], s1  }
0x90: {  	s1 =	ssub.s32 @!p0 $0x0, s1;
	[sflag:s0] =	ssyncset.done @!p0 $0x0  }
0x91: {  	[sflag:s0] =	ssyncadd.s32 @!p0 s1  }
0x92: {  	[bflag:$0x3] =	sbarrier.arrive $0xFFFF  }
0x93: {  	_ =	shalt  }

// kernel: kernel.32.cloned.1.call-start
scs
__scs_entry_jumppad:
0x0: {  	(pc) =	sbr.rel $0x88, $3  }
0x1: {  	(tag) =	ssettag $0x0;
	lr =	simm.s32 $0x1  }
0x2: {  	[smem:$0x3F85] =	sst lr;
	_ =	strace $0xD0000000  }
0x3: {  	_ = 	snop  }
0x4: {  	_ = 	snop  }
0x5: {  	_ = 	snop  }
0x6: {  	_ = 	snop  }
0x7: {  	_ = 	snop  }
__scs_overlays_trampoline_lowered:
0x8: {  	[smem:$0x3F94] =	sst s0  }
0x9: {  	[smem:$0x3F95] =	sst s1  }
0xa: {  	[smem:$0x3F96] =	sst s2  }
0xb: {  	[smem:$0x3F97] =	sst s3  }
0xc: {  	[smem:$0x3F98] =	sst s4  }
0xd: {  	[smem:$0x3F99] =	sst s5  }
0xe: {  	[smem:$0x3F9A] =	sst s6  }
0xf: {  	[smem:$0x3F9B] =	sst s7  }
0x10: {  	[smem:$0x3F9C] =	sst s8  }
0x11: {  	[smem:$0x3F9D] =	sst s9;
	s0 =	simm.s32 @!p0 $0x0  }
0x12: {  	s1 =	sld [smem:$0x3F83];
	s0 =	simm.s32 @p0 $0x1  }
0x13: {  	[smem:$0x3F9E] =	sst s0;
	s0 =	simm.s32 @!p1 $0x0  }
0x14: {  	s2 =	sld [smem:$0x3F82];
	s0 =	simm.s32 @p1 $0x1  }
0x15: {  	[smem:$0x3F9F] =	sst s0;
	s0 =	simm.s32 @!p2 $0x0  }
0x16: {  	s3 =	sld [smem:$0x3FDB];
	s0 =	simm.s32 @p2 $0x1  }
0x17: {  	s4 =	simm.s32 $0x1BF5;
	[smem:$0x3FA1] =	sst s0  }
0x18: {  	s0 =	sld [smem:$0x3F84];
	_ =	swait.ge [sflag:s4], $0x0  }
0x19: {  	s7 =	sld [smem:$0x3F85]  }
0x1a: {  	s8 =	sadd.s32 $0xFFFFE003, lr  }
0x1b: {  	s9 =	sadd.s32 $0xFFFFFEF7, lr;
	s5 =	simm.s32 $0xFFFFFFFF;
	p2 =	slt.u32 s8, $0xFFFFF086  }
0x1c: {  	p1 =	slt.u32 s9, $0xF7A;
	s5 =	simm.s32 @!p2 $0x0  }
0x1d: {  	s5 =	simm.s32 @p1 $0x1;
	p0 =	seq.s32 s7, s2  }
0x1e: {  	s7 =	smul.u32 @!p0 $0xF7A, s2;
	p2 =	seq.s32 @!p0 s5, $0x0  }
0x1f: {  	s9 =	smul.u32 $0xF7A, s1;
	s8 =	simm.s32 @!p0 $0x1BF5;
	p2 =	por !p2, p0  }
0x20: {  	[sflag:s8] =	ssyncset.s32 @!p0 $0xFFFFF086;
	s6 =	sadd.s32 @!p0 s3, s7;
	s7 =	simm.s32 @!p0 $0x108  }
0x21: {  	s3 =	sadd.s32 s3, s9;
	s6 =	sadd.s32 @!p0 $0x88, s6;
	s7 =	simm.s32 @p2 $0x1082  }
0x22: {  	[simem:s7], [sflag:s8] =	dma.local @!p0 [hbm:s6], $0xF7A  }
0x23: {  	s9 =	sor.u32 $0xD0000000, s2;
	s6 =	simm.s32 $0x108;
	_ =	swait.ge @!p0 [sflag:s8], $0x0  }
0x24: {  	s3 =	sadd.s32 $0x88, s3;
	s6 =	simm.s32 @!p1 $0x1082;
	[sflag:s4] =	ssyncset.s32 $0xFFFFF086  }
0x25: {  	[simem:s6], [sflag:s4] =	dma.local [hbm:s3], $0xF7A  }
0x26: {  	[smem:$0x3F85] =	sst s1;
	(tag) =	ssettag s2;
	_ =	strace s9  }
0x27: {  	s1 =	sld [smem:$0x3F95]  }
0x28: {  	s2 =	sld [smem:$0x3F96]  }
0x29: {  	s4 =	sld [smem:$0x3F98]  }
0x2a: {  	p0 =	seq.s32 s5, $0x0;
	s5 =	sld [smem:$0x3F99]  }
0x2b: {  	s6 =	sld [smem:$0x3F9A]  }
0x2c: {  	s7 =	sld [smem:$0x3F9B]  }
0x2d: {  	s3 =	simm.s32 $0x108;
	s8 =	sld [smem:$0x3F9C]  }
0x2e: {  	s3 =	simm.s32 @!p0 $0x1082;
	s9 =	sld [smem:$0x3F9D]  }
0x2f: {  	lr =	sadd.s32 s0, s3;
	s0 =	sld [smem:$0x3F94]  }
0x30: {  	s3 =	sld [smem:$0x3F97]  }
0x31: {  	[smem:$0x3FA0] =	sst s10  }
0x32: {  	s10 =	sld [smem:$0x3F9E];
	_ =	sdelay $0x3  }
0x33: {  	p0 =	seq.s32 s10, $0x1;
	s10 =	sld [smem:$0x3FA0];
	_ =	sdelay $0x3  }
0x34: {  	[smem:$0x3FA0] =	sst s10  }
0x35: {  	s10 =	sld [smem:$0x3F9F];
	_ =	sdelay $0x3  }
0x36: {  	p1 =	seq.s32 s10, $0x1;
	s10 =	sld [smem:$0x3FA0];
	_ =	sdelay $0x3  }
0x37: {  	[smem:$0x3FA0] =	sst s10  }
0x38: {  	s10 =	sld [smem:$0x3FA1]  }
0x39: {  	_ = 	snop;
	(pc) =	sbr.ind lr, $3  }
0x3a: {  	_ = 	snop  }
0x3b: {  	_ = 	snop  }
0x3c: {  	p2 =	seq.s32 s10, $0x1;
	s10 =	sld [smem:$0x3FA0]  }
0x3d: {  	_ =	shalt  }
0x3e: {  	_ =	shalt  }
0x3f: {  	_ =	shalt  }
0x40: {  	_ =	shalt  }
0x41: {  	_ =	shalt  }
0x42: {  	_ =	shalt  }
0x43: {  	_ =	shalt  }
0x44: {  	_ =	shalt  }
0x45: {  	_ =	shalt  }
0x46: {  	_ =	shalt  }
0x47: {  	_ =	shalt  }
0x48: {  	_ =	shalt  }
0x49: {  	_ =	shalt  }
0x4a: {  	_ =	shalt  }
0x4b: {  	_ =	shalt  }
0x4c: {  	_ =	shalt  }
0x4d: {  	_ =	shalt  }
0x4e: {  	_ =	shalt  }
0x4f: {  	_ =	shalt  }
0x50: {  	_ =	shalt  }
0x51: {  	_ =	shalt  }
0x52: {  	_ =	shalt  }
0x53: {  	_ =	shalt  }
0x54: {  	_ =	shalt  }
0x55: {  	_ =	shalt  }
0x56: {  	_ =	shalt  }
0x57: {  	_ =	shalt  }
0x58: {  	_ =	shalt  }
0x59: {  	_ =	shalt  }
0x5a: {  	_ =	shalt  }
0x5b: {  	_ =	shalt  }
0x5c: {  	_ =	shalt  }
0x5d: {  	_ =	shalt  }
0x5e: {  	_ =	shalt  }
0x5f: {  	_ =	shalt  }
0x60: {  	_ =	shalt  }
0x61: {  	_ =	shalt  }
0x62: {  	_ =	shalt  }
0x63: {  	_ =	shalt  }
0x64: {  	_ =	shalt  }
0x65: {  	_ =	shalt  }
0x66: {  	_ =	shalt  }
0x67: {  	_ =	shalt  }
0x68: {  	_ =	shalt  }
0x69: {  	_ =	shalt  }
0x6a: {  	_ =	shalt  }
0x6b: {  	_ =	shalt  }
0x6c: {  	_ =	shalt  }
0x6d: {  	_ =	shalt  }
0x6e: {  	_ =	shalt  }
0x6f: {  	_ =	shalt  }
0x70: {  	_ =	shalt  }
0x71: {  	_ =	shalt  }
0x72: {  	_ =	shalt  }
0x73: {  	_ =	shalt  }
0x74: {  	_ =	shalt  }
0x75: {  	_ =	shalt  }
0x76: {  	_ =	shalt  }
0x77: {  	_ =	shalt  }
0x78: {  	_ =	shalt  }
0x79: {  	_ =	shalt  }
0x7a: {  	_ =	shalt  }
0x7b: {  	_ =	shalt  }
0x7c: {  	_ =	shalt  }
0x7d: {  	_ =	shalt  }
0x7e: {  	_ =	shalt  }
0x7f: {  	_ =	shalt  }
0x80: {  	_ =	shalt  }
0x81: {  	_ =	shalt  }
0x82: {  	_ =	shalt  }
0x83: {  	_ =	shalt  }
0x84: {  	_ =	shalt  }
0x85: {  	_ =	shalt  }
0x86: {  	_ =	shalt  }
0x87: {  	_ =	shalt  }
.Lfunc_end0:
.L_simem_size_0:
called_computation.5_lowered:
.L_overlay_start_0:
0x88: {  	s2 =	sld [smem:$0x3FD9]  }
0x89: {  	s3 =	sld [smem:$0x3FFE];
	_ =	sdelay $0x1  }
0x8a: {  	s1 =	srdreg.scid  }
0x8b: {  	s0 =	sand.u32 $0x1, s1  }
0x8c: {  	s16 =	sshll.u32 s0, $0xA;
	s2 =	sadd.s32 s3, s2  }
0x8d: {  	s2 =	sadd.s32 s2, s16  }
0x8e: {  	[smem:$0x3FAC] =	sst s2  }
0x8f: {  	_ = 	snop  }
0x90: {  	(tm) =	ssettm $0x1  }
0x91: {  	s17 =	sld [smem:$0x3FFB];
	_ =	sdelay $0x3  }
0x92: {  	_ =	strace s17  }
0x93: {  	s2 =	sld [smem:$0x3FFC];
	_ =	sdelay $0x3  }
0x94: {  	_ =	strace s2  }
0x95: {  	s2 =	sld [smem:$0x3FFD];
	_ =	sdelay $0x3  }
0x96: {  	_ =	strace s2  }
0x97: {  	_ =	strace $0x8FFFFFFF  }
0x98: {  	s18 =	sld [smem:$0x3FDB];
	_ =	sdelay $0x1  }
0x99: {  	s19 =	simm.s32 $_scs_section_size  }
0x9a: {  	s4 =	simm.s32 $_size__tile_overlayer_lowered;
	s5 =	simm.s32 $_tile_overlayer_lowered  }
0x9b: {  	s22 =	simm.s32 $0x1BFF;
	s21 =	sshll.u32 s5, $0x1;
	s2 =	sadd.s32 s19, s18  }
0x9c: {  	s6 =	simm.s32 $0x0;
	s20 =	sshll.u32 s4, $0x1;
	s4 =	sadd.s32 s21, s2  }
0x9d: {  	[timem:s6], [sflag:s22] =	dma.local [hbm:s4], s20  }
0x9e: {  	_ =	swait.ge [sflag:s22], s20  }
0x9f: {  	s3 =	ssub.s32 $0x0, s20;
	[sflag:s22] =	ssyncset.done $0x0  }
0xa0: {  	[sflag:s22] =	ssyncadd.s32 s3;
	_ =	sdelay $0x1  }
0xa1: {  	s23 =	simm.s32 $0x1B8B  }
0xa2: {  	_ =	swait.ge [sflag:s23], $0x1  }
0xa3: {  	[sflag:s23] =	ssyncset.done $0x0  }
0xa4: {  	s25 =	simm.s32 $0x1B8E;
	s24 =	sld [smem:$0x3FFE];
	[sflag:s23] =	ssyncadd.s32 $0xFFFFFFFF  }
0xa5: {  	s26 =	simm.s32 $execute0_lowered;
	[smem:$0x3FD2] =	sst s25  }
0xa6: {  	s4 =	sshll.u32 s26, $0x1;
	_ =	strace $0x80000055;
	[dreg:$0x1] =	wrdreg $0xFFFFFFFF  }
0xa7: {  	s28 =	simm.s32 $_size_execute0_lowered;
	s2 =	sadd.s32 s2, s4;
	[dreg:$0x0] =	wrdreg $0x0  }
0xa8: {  	s4 =	sshll.u32 s28, $0x1;
	[dreg:$0x2] =	wrdreg s2  }
0xa9: {  	[dreg:$0x3] =	wrdreg s4  }
0xaa: {  	[dreg:$0x4] =	wrdreg $0xC0  }
0xab: {  	_ =	task [dreg:s6], $0x5FFFF  }
0xac: {  	[dreg:$0x1] =	wrdreg $0xFFFFFFFF  }
0xad: {  	[dreg:$0x0] =	wrdreg $0x60  }
0xae: {  	[dreg:$0x2] =	wrdreg s24  }
0xaf: {  	[dreg:$0x3] =	wrdreg $0x84D00  }
0xb0: {  	[dreg:$0x4] =	wrdreg $0x9  }
0xb1: {  	_ =	task.clear_ibuf [dreg:s6], $0x5FFFF;
	_ =	strace $0x90000055  }
0xb2: {  	s29 =	simm.s32 $0x9;
	_ =	strace $0x80000057  }
0xb3: {  	_ =	swait.ge [sflag:s29], $0x1  }
0xb4: {  	[sflag:s29] =	ssyncadd.s32 $0xFFFFFFFF  }
0xb5: {  	_ =	strace $0x90000057  }
0xb6: {  	_ =	sfence  }
0xb7: {  	s30 =	sld [smem:$0x0];
	_ =	sdelay $0x2  }
0xb8: {  	s31 =	sshll.u32 s1, $0xD;
	s1 =	sshrl.u32 s1, $0x2  }
0xb9: {  	s3 =	sand.u32 $0x4000, s31;
	s1 =	sadd.s32 s1, s30  }
0xba: {  	s0 =	sor.u32 s3, s0;
	s1 =	sshll.u32 s1, $0x11  }
0xbb: {  	s0 =	sor.u32 s1, s0  }
0xbc: {  	s0 =	sadd.s32 $0x8F2B, s0  }
0xbd: {  	[sflag:s0] =	ssyncadd.remote.s32 $0x1  }
0xbe: {  	_ =	sfence.sel $0xFFFF  }
0xbf: {  	[dreg:$0x0] =	wrdreg $0xFFFFFFFF;
	(pc) =	sbr.abs _section_cstart, $3  }
0xc0: {  	[dreg:$0x1] =	wrdreg $0xFFFFFFFF  }
0xc1: {  	_ =	task.clear_ibuf [dreg:s6], $0x2FFFF;
	_ =	strace $0x9FFFFFFF  }
0xc2: {  	(tm) =	ssettm $0x7FFFFFFF  }
0xc3: {  	_ =	shalt  }
tec
execute0_lowered:
.L_overlay_start_1:
0x0: {  	(tag) =	ssettag $0x1  }
0x1: {  	s30 =	rddreg [dreg:$0x0]  }
0x2: {  	s2 =	rddreg [dreg:$0x1];
	s1 =	stileid.u32  }
0x3: {  	s0 =	srdreg.scid;
	s3 =	simm.s32 $0x0;
	s11 =	simm.s32 $0x80  }
0x4: {  	s12 =	simm.s32 $0x7D0;
	s31 =	sand.u32 $0x1, s0;
	s4 =	sshll.u32 s1, $0x1  }
0x5: {  	s0 =	smul.u32 $0x2710, s1;
	[smem:$0x7FF] =	sst s3;
	s6 =	sshrl.u32 s1, $0x1  }
0x6: {  	s22 =	sshll.u32 s1, $0x6;
	s4 =	sor.u32 s31, s4;
	s5 =	smul.u32 $0xFFFFB1E0, s6  }
0x7: {  	_ =	strace $0x80000056;
	s26 =	smul.u32 $0x1388, s4;
	s21 =	sshrl.u32 s0, $0x3  }
0x8: {  	s9 =	sshll.u32 s6, $0x4;
	s6 =	simm.s32 $0x7;
	s4 =	sadd.s32 s21, s30  }
0x9: {  	s8 =	sadd.s32 s0, s2;
	s7 =	sadd.s32 s5, s26;
	s4 =	sadd.s32 $0xB1C00, s4  }
0xa: {  	s5 =	sor.u32 $0x1C07, s22;
	s10 =	sshll.u32 s7, $0x7;
	s7 =	sshrl.u32 s8, $0x3  }
0xb: {  	[spmem:s7], [sflag:s5] =	dma.local [hbm:s4], $0x4E2  }
0xc: {  	s29 =	sadd.s32 $0x15800, s30;
	s25 =	sadd.s32 $0x10800, s30;
	_ =	swait.ge [sflag:s6], $0x4E2  }
0xd: {  	s23 =	sshrl.u32 s26, $0x3;
	s24 =	sadd.s32 $0x3E8, s26;
	[sflag:s6] =	ssyncset.done $0x0  }
0xe: {  	s8 =	sadd.s32 s25, s23;
	s28 =	sor.u32 s9, s10;
	[sflag:s6] =	ssyncadd.s32 $0xFFFFFB1E  }
0xf: {  	s13 =	sshrl.u32 s24, $0x3;
	s9 =	sshrl.u32 s28, $0x3;
	[bflag:$0x0] =	sbarrier.arrive $0xFFFF  }
0x10: {  	[tilespmem:s3], [sflag:$0x1] =	stream.linear.gather [hbm4b:s8+s3], $0x3E8, $0x38;
	[tilespmem:$0xABE0] =	vst v63  }
0x11: {  	s10 =	simm.s32 $0x10;
	s14 =	sadd.s32 $0x1F400, s28;
	s9 =	sadd.s32 s29, s9  }
0x12: {  	[tilespmem:s12], [sflag:$0x3] =	stream.strided.gather [hbm4b:s9+s10], $0x3E80, s11, s10, $0x38;
	[tilespmem:$0xABE0] =	vst v63  }
0x13: {  	s13 =	sadd.s32 s25, s13;
	s15 =	sshrl.u32 s14, $0x3;
	s14 =	simm.s32 $0x3E8  }
0x14: {  	[tilespmem:s14], [sflag:$0x2] =	stream.linear.gather [hbm4b:s13+s3], $0x3E8, $0x38;
	[tilespmem:$0xABE0] =	vst v63  }
0x15: {  	s16 =	simm.s32 $0x4650;
	s17 =	simm.s32 $0x1;
	s15 =	sadd.s32 s29, s15  }
0x16: {  	[tilespmem:s16], [sflag:$0x4] =	stream.strided.gather [hbm4b:s15+s10], $0x3E80, s11, s10, $0x38;
	[tilespmem:$0xABE0] =	vst v63  }
0x17: {  	_ =	swait.ge [sflag:s17], $0x3E8  }
0x18: {  	[sflag:s17] =	ssyncset.done $0x0  }
0x19: {  	s18 =	simm.s32 $0x3;
	[sflag:s17] =	ssyncadd.s32 $0xFFFFFC18  }
0x1a: {  	_ =	swait.ge [sflag:s18], $0x3E80  }
0x1b: {  	[sflag:s18] =	ssyncset.done $0x0  }
0x1c: {  	s19 =	simm.s32 $0x5;
	[sflag:s18] =	ssyncadd.s32 $0xFFFFC180  }
0x1d: {  	[spmem:s2] =	stream.indirect.scatter.add.f32 [tilespmem:s12], [sflag:$0x5], $0x10, s3, s14, $0xb8;
	[tilespmem:$0xABE0] =	vst v63  }
0x1e: {  	_ =	swait.ge [sflag:s19], $0x3E80  }
0x1f: {  	s20 =	sadd.s32 $0x3E800, s28;
	[sflag:s19] =	ssyncset.done $0x0  }
0x20: {  	s21 =	sshrl.u32 s20, $0x3;
	s20 =	sadd.s32 $0xFA, s8;
	[sflag:s19] =	ssyncadd.s32 $0xFFFFC180  }
0x21: {  	[tilespmem:s3], [sflag:$0x1] =	stream.linear.gather [hbm4b:s20+s3], $0x3E8, $0x38;
	[tilespmem:$0xABE0] =	vst v63  }
0x22: {  	s22 =	simm.s32 $0x2;
	s21 =	sadd.s32 s29, s21  }
0x23: {  	[tilespmem:s12], [sflag:$0x3] =	stream.strided.gather [hbm4b:s21+s10], $0x3E80, s11, s10, $0x38;
	[tilespmem:$0xABE0] =	vst v63  }
0x24: {  	_ =	swait.ge [sflag:s22], $0x3E8  }
0x25: {  	[sflag:s22] =	ssyncset.done $0x0  }
0x26: {  	s23 =	simm.s32 $0x4;
	[sflag:s22] =	ssyncadd.s32 $0xFFFFFC18  }
0x27: {  	_ =	swait.ge [sflag:s23], $0x3E80  }
0x28: {  	[sflag:s23] =	ssyncset.done $0x0  }
0x29: {  	s24 =	simm.s32 $0x6;
	[sflag:s23] =	ssyncadd.s32 $0xFFFFC180  }
0x2a: {  	[spmem:s2] =	stream.indirect.scatter.add.f32 [tilespmem:s16], [sflag:$0x6], $0x10, s14, s14, $0xb8;
	[tilespmem:$0xABE0] =	vst v63  }
0x2b: {  	s26 =	sadd.s32 $0xBB8, s26;
	_ =	swait.ge [sflag:s24], $0x3E80  }
0x2c: {  	s26 =	sshrl.u32 s26, $0x3;
	s1 =	sadd.s32 $0x5DC00, s28;
	[sflag:s24] =	ssyncset.done $0x0  }
0x2d: {  	s25 =	sadd.s32 s25, s26;
	s1 =	sshrl.u32 s1, $0x3;
	[sflag:s24] =	ssyncadd.s32 $0xFFFFC180  }
0x2e: {  	[tilespmem:s14], [sflag:$0x2] =	stream.linear.gather [hbm4b:s25+s3], $0x3E8, $0x38;
	[tilespmem:$0xABE0] =	vst v63  }
0x2f: {  	s26 =	sadd.s32 s29, s1  }
0x30: {  	[tilespmem:s16], [sflag:$0x4] =	stream.strided.gather [hbm4b:s26+s10], $0x3E80, s11, s10, $0x38;
	[tilespmem:$0xABE0] =	vst v63  }
0x31: {  	_ =	swait.ge [sflag:s17], $0x3E8  }
0x32: {  	[sflag:s17] =	ssyncset.done $0x0  }
0x33: {  	[sflag:s17] =	ssyncadd.s32 $0xFFFFFC18  }
0x34: {  	_ =	swait.ge [sflag:s18], $0x3E80  }
0x35: {  	[sflag:s18] =	ssyncset.done $0x0  }
0x36: {  	[sflag:s18] =	ssyncadd.s32 $0xFFFFC180  }
0x37: {  	[spmem:s2] =	stream.indirect.scatter.add.f32 [tilespmem:s12], [sflag:$0x5], $0x10, s3, s14, $0xb8;
	[tilespmem:$0xABE0] =	vst v63  }
0x38: {  	_ =	swait.ge [sflag:s19], $0x3E80  }
0x39: {  	s1 =	sadd.s32 $0x7D000, s28;
	[sflag:s19] =	ssyncset.done $0x0  }
0x3a: {  	s28 =	sadd.s32 $0x1F4, s8;
	s1 =	sshrl.u32 s1, $0x3;
	[sflag:s19] =	ssyncadd.s32 $0xFFFFC180  }
0x3b: {  	[tilespmem:s3], [sflag:$0x1] =	stream.linear.gather [hbm4b:s28+s3], $0x3E8, $0x38;
	[tilespmem:$0xABE0] =	vst v63  }
0x3c: {  	s29 =	sadd.s32 s29, s1  }
0x3d: {  	[tilespmem:s12], [sflag:$0x3] =	stream.strided.gather [hbm4b:s29+s10], $0x3E80, s11, s10, $0x38;
	[tilespmem:$0xABE0] =	vst v63  }
0x3e: {  	_ =	swait.ge [sflag:s22], $0x3E8  }
0x3f: {  	[sflag:s22] =	ssyncset.done $0x0  }
0x40: {  	[sflag:s22] =	ssyncadd.s32 $0xFFFFFC18  }
0x41: {  	_ =	swait.ge [sflag:s23], $0x3E80  }
0x42: {  	[sflag:s23] =	ssyncset.done $0x0  }
0x43: {  	[sflag:s23] =	ssyncadd.s32 $0xFFFFC180  }
0x44: {  	[spmem:s2] =	stream.indirect.scatter.add.f32 [tilespmem:s16], [sflag:$0x6], $0x10, s14, s14, $0xb8;
	[tilespmem:$0xABE0] =	vst v63  }
0x45: {  	_ =	swait.ge [sflag:s17], $0x3E8  }
0x46: {  	[sflag:s17] =	ssyncset.done $0x0  }
0x47: {  	[sflag:s17] =	ssyncadd.s32 $0xFFFFFC18  }
0x48: {  	_ =	swait.ge [sflag:s18], $0x3E80  }
0x49: {  	[sflag:s18] =	ssyncset.done $0x0  }
0x4a: {  	s1 =	smul.u32 $0x27100, s31;
	[sflag:s18] =	ssyncadd.s32 $0xFFFFC180  }
0x4b: {  	[spmem:s2] =	stream.indirect.scatter.add.f32 [tilespmem:s12], [sflag:$0x5], $0x10, s3, s14, $0xb8;
	[tilespmem:$0xABE0] =	vst v63  }
0x4c: {  	s0 =	sadd.s32 s0, s1;
	s1 =	ssub.s32 $0x2, s31;
	_ =	swait.ge [sflag:s19], $0x3E80  }
0x4d: {  	s31 =	sshrl.u32 s1, $0x1;
	[sflag:s19] =	ssyncset.done $0x0  }
0x4e: {  	s1 =	ssub.s32 s1, s31;
	[sflag:s19] =	ssyncadd.s32 $0xFFFFC180  }
0x4f: {  	s1 =	smax.u32 s1, $0x1;
	_ =	swait.ge [sflag:s24], $0x3E80  }
0x50: {  	s0 =	sshrl.u32 s0, $0x3;
	p0 =	sne.s32 s1, $0x1;
	[sflag:s24] =	ssyncset.done $0x0  }
.Ltmp0:
0x51: {  	s0 =	sadd.s32 s0, s30;
	[sflag:s24] =	ssyncadd.s32 $0xFFFFC180;
	(pc) =	sbr.rel @!p0 .LBB2_2-.Ltmp0, $4  }
0x52: {  	s30 =	sadd.s32 $0x63A00, s0;
	[bflag:$0x0] =	sbarrier.arrive $0xFFFF  }
0x53: {  	[hbm:s30], [sflag:s5] =	dma.local [spmem:s7], $0x4E2  }
0x54: {  	_ =	swait.ge [sflag:s6], $0x4E2  }
0x55: {  	s31 =	sadd.s32 $0xFFFFFFFF, s1;
	[sflag:s6] =	ssyncset.done $0x0  }
.LBB2_1:
0x56: {  	p0 =	sne.s32 s31, $0x1;
	s31 =	sadd.s32 $0xFFFFFFFF, s31;
	[sflag:s6] =	ssyncadd.s32 $0xFFFFFB1E  }
0x57: {  	[spmem:s7], [sflag:s5] =	dma.local [hbm:s4], $0x4E2  }
0x58: {  	_ =	swait.ge [sflag:s6], $0x4E2  }
0x59: {  	[sflag:s6] =	ssyncset.done $0x0  }
0x5a: {  	[sflag:s6] =	ssyncadd.s32 $0xFFFFFB1E  }
0x5b: {  	[bflag:$0x0] =	sbarrier.arrive $0xFFFF  }
0x5c: {  	[tilespmem:s3], [sflag:$0x1] =	stream.linear.gather [hbm4b:s8+s3], $0x3E8, $0x38;
	[tilespmem:$0xABE0] =	vst v63  }
0x5d: {  	_ = 	snop  }
0x5e: {  	[tilespmem:s12], [sflag:$0x3] =	stream.strided.gather [hbm4b:s9+s10], $0x3E80, s11, s10, $0x38;
	[tilespmem:$0xABE0] =	vst v63  }
0x5f: {  	_ = 	snop  }
0x60: {  	[tilespmem:s14], [sflag:$0x2] =	stream.linear.gather [hbm4b:s13+s3], $0x3E8, $0x38;
	[tilespmem:$0xABE0] =	vst v63  }
0x61: {  	_ = 	snop  }
0x62: {  	[tilespmem:s16], [sflag:$0x4] =	stream.strided.gather [hbm4b:s15+s10], $0x3E80, s11, s10, $0x38;
	[tilespmem:$0xABE0] =	vst v63  }
0x63: {  	_ =	swait.ge [sflag:s17], $0x3E8  }
0x64: {  	[sflag:s17] =	ssyncset.done $0x0  }
0x65: {  	[sflag:s17] =	ssyncadd.s32 $0xFFFFFC18  }
0x66: {  	_ =	swait.ge [sflag:s18], $0x3E80  }
0x67: {  	[sflag:s18] =	ssyncset.done $0x0  }
0x68: {  	[sflag:s18] =	ssyncadd.s32 $0xFFFFC180  }
0x69: {  	[spmem:s2] =	stream.indirect.scatter.add.f32 [tilespmem:s12], [sflag:$0x5], $0x10, s3, s14, $0xb8;
	[tilespmem:$0xABE0] =	vst v63  }
0x6a: {  	_ =	swait.ge [sflag:s19], $0x3E80  }
0x6b: {  	[sflag:s19] =	ssyncset.done $0x0  }
0x6c: {  	[sflag:s19] =	ssyncadd.s32 $0xFFFFC180  }
0x6d: {  	[tilespmem:s3], [sflag:$0x1] =	stream.linear.gather [hbm4b:s20+s3], $0x3E8, $0x38;
	[tilespmem:$0xABE0] =	vst v63  }
0x6e: {  	_ = 	snop  }
0x6f: {  	[tilespmem:s12], [sflag:$0x3] =	stream.strided.gather [hbm4b:s21+s10], $0x3E80, s11, s10, $0x38;
	[tilespmem:$0xABE0] =	vst v63  }
0x70: {  	_ =	swait.ge [sflag:s22], $0x3E8  }
0x71: {  	[sflag:s22] =	ssyncset.done $0x0  }
0x72: {  	[sflag:s22] =	ssyncadd.s32 $0xFFFFFC18  }
0x73: {  	_ =	swait.ge [sflag:s23], $0x3E80  }
0x74: {  	[sflag:s23] =	ssyncset.done $0x0  }
0x75: {  	[sflag:s23] =	ssyncadd.s32 $0xFFFFC180  }
0x76: {  	[spmem:s2] =	stream.indirect.scatter.add.f32 [tilespmem:s16], [sflag:$0x6], $0x10, s14, s14, $0xb8;
	[tilespmem:$0xABE0] =	vst v63  }
0x77: {  	_ =	swait.ge [sflag:s24], $0x3E80  }
0x78: {  	[sflag:s24] =	ssyncset.done $0x0  }
0x79: {  	[sflag:s24] =	ssyncadd.s32 $0xFFFFC180  }
0x7a: {  	[tilespmem:s14], [sflag:$0x2] =	stream.linear.gather [hbm4b:s25+s3], $0x3E8, $0x38;
	[tilespmem:$0xABE0] =	vst v63  }
0x7b: {  	_ = 	snop  }
0x7c: {  	[tilespmem:s16], [sflag:$0x4] =	stream.strided.gather [hbm4b:s26+s10], $0x3E80, s11, s10, $0x38;
	[tilespmem:$0xABE0] =	vst v63  }
0x7d: {  	_ =	swait.ge [sflag:s17], $0x3E8  }
0x7e: {  	[sflag:s17] =	ssyncset.done $0x0  }
0x7f: {  	[sflag:s17] =	ssyncadd.s32 $0xFFFFFC18  }
0x80: {  	_ =	swait.ge [sflag:s18], $0x3E80  }
0x81: {  	[sflag:s18] =	ssyncset.done $0x0  }
0x82: {  	[sflag:s18] =	ssyncadd.s32 $0xFFFFC180  }
0x83: {  	[spmem:s2] =	stream.indirect.scatter.add.f32 [tilespmem:s12], [sflag:$0x5], $0x10, s3, s14, $0xb8;
	[tilespmem:$0xABE0] =	vst v63  }
0x84: {  	_ =	swait.ge [sflag:s19], $0x3E80  }
0x85: {  	[sflag:s19] =	ssyncset.done $0x0  }
0x86: {  	[sflag:s19] =	ssyncadd.s32 $0xFFFFC180  }
0x87: {  	[tilespmem:s3], [sflag:$0x1] =	stream.linear.gather [hbm4b:s28+s3], $0x3E8, $0x38;
	[tilespmem:$0xABE0] =	vst v63  }
0x88: {  	_ = 	snop  }
0x89: {  	[tilespmem:s12], [sflag:$0x3] =	stream.strided.gather [hbm4b:s29+s10], $0x3E80, s11, s10, $0x38;
	[tilespmem:$0xABE0] =	vst v63  }
0x8a: {  	_ =	swait.ge [sflag:s22], $0x3E8  }
0x8b: {  	[sflag:s22] =	ssyncset.done $0x0  }
0x8c: {  	[sflag:s22] =	ssyncadd.s32 $0xFFFFFC18  }
0x8d: {  	_ =	swait.ge [sflag:s23], $0x3E80  }
0x8e: {  	[sflag:s23] =	ssyncset.done $0x0  }
0x8f: {  	[sflag:s23] =	ssyncadd.s32 $0xFFFFC180  }
0x90: {  	[spmem:s2] =	stream.indirect.scatter.add.f32 [tilespmem:s16], [sflag:$0x6], $0x10, s14, s14, $0xb8;
	[tilespmem:$0xABE0] =	vst v63  }
0x91: {  	_ =	swait.ge [sflag:s17], $0x3E8  }
0x92: {  	[sflag:s17] =	ssyncset.done $0x0  }
0x93: {  	[sflag:s17] =	ssyncadd.s32 $0xFFFFFC18  }
0x94: {  	_ =	swait.ge [sflag:s18], $0x3E80  }
0x95: {  	[sflag:s18] =	ssyncset.done $0x0  }
0x96: {  	[sflag:s18] =	ssyncadd.s32 $0xFFFFC180  }
0x97: {  	[spmem:s2] =	stream.indirect.scatter.add.f32 [tilespmem:s12], [sflag:$0x5], $0x10, s3, s14, $0xb8;
	[tilespmem:$0xABE0] =	vst v63  }
0x98: {  	_ =	swait.ge [sflag:s19], $0x3E80  }
0x99: {  	[sflag:s19] =	ssyncset.done $0x0  }
0x9a: {  	[sflag:s19] =	ssyncadd.s32 $0xFFFFC180  }
0x9b: {  	_ =	swait.ge [sflag:s24], $0x3E80  }
0x9c: {  	[sflag:s24] =	ssyncset.done $0x0  }
.Ltmp1:
0x9d: {  	[sflag:s24] =	ssyncadd.s32 $0xFFFFC180;
	(pc) =	sbr.rel @p0 .LBB2_1-.Ltmp1, $4  }
0x9e: {  	[bflag:$0x0] =	sbarrier.arrive $0xFFFF  }
0x9f: {  	[hbm:s30], [sflag:s5] =	dma.local [spmem:s7], $0x4E2  }
0xa0: {  	_ =	swait.ge [sflag:s6], $0x4E2  }
0xa1: {  	[sflag:s6] =	ssyncset.done $0x0  }
.LBB2_2:
0xa2: {  	[sflag:s6] =	ssyncadd.s32 $0xFFFFFB1E  }
0xa3: {  	_ =	sfence.sel $0x180000  }
0xa4: {  	[bflag:$0x0] =	sbarrier.arrive $0xFFFF  }
0xa5: {  	_ =	strace $0x90000056  }
0xa6: {  	s0 =	stileid.u32;
	[bflag:$0x2] =	sbarrier.arrive $0xFFFF  }
0xa7: {  	p0 =	sne.s32 s0, $0x0;
	s0 =	rddreg [dreg:$0x2]  }
0xa8: {  	s0 =	sadd.s32 @!p0 $0x100000, s0  }
0xa9: {  	[sflag:s0] =	ssyncadd.tile.s32 @!p0 $0x1;
	_ =	shalt  }
.Lfunc_end2:
_tile_overlayer_lowered:
.L_overlay_start_2:
0xaa: {  	(tag) =	ssettag $0x2  }
0xab: {  	s0 =	rddreg [dreg:$0x0];
	s2 =	stileid.u32  }
0xac: {  	s1 =	rddreg [dreg:$0x1];
	p0 =	sne.s32 s2, $0x0  }
0xad: {  	s3 =	rddreg [dreg:$0x2];
	[bflag:$0x3] =	sbarrier.arrive $0xFFFF;
	s2 =	simm.s32 @!p0 $0x1C07  }
0xae: {  	[timem:s3], [sflag:s2] =	dma.local @!p0 [hbm:s0], s1  }
0xaf: {  	s0 =	simm.s32 @!p0 $0x7  }
0xb0: {  	_ =	swait.ge @!p0 [sflag:s0], s1  }
0xb1: {  	s1 =	ssub.s32 @!p0 $0x0, s1;
	[sflag:s0] =	ssyncset.done @!p0 $0x0  }
0xb2: {  	[sflag:s0] =	ssyncadd.s32 @!p0 s1  }
0xb3: {  	[bflag:$0x3] =	sbarrier.arrive $0xFFFF  }
0xb4: {  	_ =	shalt  }

// kernel: kernel.35.cloned.1.call-start
scs
__scs_entry_jumppad:
0x0: {  	(pc) =	sbr.rel $0x88, $3  }
0x1: {  	(tag) =	ssettag $0x0;
	lr =	simm.s32 $0x1  }
0x2: {  	[smem:$0x3F85] =	sst lr;
	_ =	strace $0xD0000000  }
0x3: {  	_ = 	snop  }
0x4: {  	_ = 	snop  }
0x5: {  	_ = 	snop  }
0x6: {  	_ = 	snop  }
0x7: {  	_ = 	snop  }
__scs_overlays_trampoline_lowered:
0x8: {  	[smem:$0x3F94] =	sst s0  }
0x9: {  	[smem:$0x3F95] =	sst s1  }
0xa: {  	[smem:$0x3F96] =	sst s2  }
0xb: {  	[smem:$0x3F97] =	sst s3  }
0xc: {  	[smem:$0x3F98] =	sst s4  }
0xd: {  	[smem:$0x3F99] =	sst s5  }
0xe: {  	[smem:$0x3F9A] =	sst s6  }
0xf: {  	[smem:$0x3F9B] =	sst s7  }
0x10: {  	[smem:$0x3F9C] =	sst s8  }
0x11: {  	[smem:$0x3F9D] =	sst s9;
	s0 =	simm.s32 @!p0 $0x0  }
0x12: {  	s1 =	sld [smem:$0x3F83];
	s0 =	simm.s32 @p0 $0x1  }
0x13: {  	[smem:$0x3F9E] =	sst s0;
	s0 =	simm.s32 @!p1 $0x0  }
0x14: {  	s2 =	sld [smem:$0x3F82];
	s0 =	simm.s32 @p1 $0x1  }
0x15: {  	[smem:$0x3F9F] =	sst s0;
	s0 =	simm.s32 @!p2 $0x0  }
0x16: {  	s3 =	sld [smem:$0x3FDB];
	s0 =	simm.s32 @p2 $0x1  }
0x17: {  	s4 =	simm.s32 $0x1BF5;
	[smem:$0x3FA1] =	sst s0  }
0x18: {  	s0 =	sld [smem:$0x3F84];
	_ =	swait.ge [sflag:s4], $0x0  }
0x19: {  	s7 =	sld [smem:$0x3F85]  }
0x1a: {  	s8 =	sadd.s32 $0xFFFFE003, lr  }
0x1b: {  	s9 =	sadd.s32 $0xFFFFFEF7, lr;
	s5 =	simm.s32 $0xFFFFFFFF;
	p2 =	slt.u32 s8, $0xFFFFF086  }
0x1c: {  	p1 =	slt.u32 s9, $0xF7A;
	s5 =	simm.s32 @!p2 $0x0  }
0x1d: {  	s5 =	simm.s32 @p1 $0x1;
	p0 =	seq.s32 s7, s2  }
0x1e: {  	s7 =	smul.u32 @!p0 $0xF7A, s2;
	p2 =	seq.s32 @!p0 s5, $0x0  }
0x1f: {  	s9 =	smul.u32 $0xF7A, s1;
	s8 =	simm.s32 @!p0 $0x1BF5;
	p2 =	por !p2, p0  }
0x20: {  	[sflag:s8] =	ssyncset.s32 @!p0 $0xFFFFF086;
	s6 =	sadd.s32 @!p0 s3, s7;
	s7 =	simm.s32 @!p0 $0x108  }
0x21: {  	s3 =	sadd.s32 s3, s9;
	s6 =	sadd.s32 @!p0 $0x88, s6;
	s7 =	simm.s32 @p2 $0x1082  }
0x22: {  	[simem:s7], [sflag:s8] =	dma.local @!p0 [hbm:s6], $0xF7A  }
0x23: {  	s9 =	sor.u32 $0xD0000000, s2;
	s6 =	simm.s32 $0x108;
	_ =	swait.ge @!p0 [sflag:s8], $0x0  }
0x24: {  	s3 =	sadd.s32 $0x88, s3;
	s6 =	simm.s32 @!p1 $0x1082;
	[sflag:s4] =	ssyncset.s32 $0xFFFFF086  }
0x25: {  	[simem:s6], [sflag:s4] =	dma.local [hbm:s3], $0xF7A  }
0x26: {  	[smem:$0x3F85] =	sst s1;
	(tag) =	ssettag s2;
	_ =	strace s9  }
0x27: {  	s1 =	sld [smem:$0x3F95]  }
0x28: {  	s2 =	sld [smem:$0x3F96]  }
0x29: {  	s4 =	sld [smem:$0x3F98]  }
0x2a: {  	p0 =	seq.s32 s5, $0x0;
	s5 =	sld [smem:$0x3F99]  }
0x2b: {  	s6 =	sld [smem:$0x3F9A]  }
0x2c: {  	s7 =	sld [smem:$0x3F9B]  }
0x2d: {  	s3 =	simm.s32 $0x108;
	s8 =	sld [smem:$0x3F9C]  }
0x2e: {  	s3 =	simm.s32 @!p0 $0x1082;
	s9 =	sld [smem:$0x3F9D]  }
0x2f: {  	lr =	sadd.s32 s0, s3;
	s0 =	sld [smem:$0x3F94]  }
0x30: {  	s3 =	sld [smem:$0x3F97]  }
0x31: {  	[smem:$0x3FA0] =	sst s10  }
0x32: {  	s10 =	sld [smem:$0x3F9E];
	_ =	sdelay $0x3  }
0x33: {  	p0 =	seq.s32 s10, $0x1;
	s10 =	sld [smem:$0x3FA0];
	_ =	sdelay $0x3  }
0x34: {  	[smem:$0x3FA0] =	sst s10  }
0x35: {  	s10 =	sld [smem:$0x3F9F];
	_ =	sdelay $0x3  }
0x36: {  	p1 =	seq.s32 s10, $0x1;
	s10 =	sld [smem:$0x3FA0];
	_ =	sdelay $0x3  }
0x37: {  	[smem:$0x3FA0] =	sst s10  }
0x38: {  	s10 =	sld [smem:$0x3FA1]  }
0x39: {  	_ = 	snop;
	(pc) =	sbr.ind lr, $3  }
0x3a: {  	_ = 	snop  }
0x3b: {  	_ = 	snop  }
0x3c: {  	p2 =	seq.s32 s10, $0x1;
	s10 =	sld [smem:$0x3FA0]  }
0x3d: {  	_ =	shalt  }
0x3e: {  	_ =	shalt  }
0x3f: {  	_ =	shalt  }
0x40: {  	_ =	shalt  }
0x41: {  	_ =	shalt  }
0x42: {  	_ =	shalt  }
0x43: {  	_ =	shalt  }
0x44: {  	_ =	shalt  }
0x45: {  	_ =	shalt  }
0x46: {  	_ =	shalt  }
0x47: {  	_ =	shalt  }
0x48: {  	_ =	shalt  }
0x49: {  	_ =	shalt  }
0x4a: {  	_ =	shalt  }
0x4b: {  	_ =	shalt  }
0x4c: {  	_ =	shalt  }
0x4d: {  	_ =	shalt  }
0x4e: {  	_ =	shalt  }
0x4f: {  	_ =	shalt  }
0x50: {  	_ =	shalt  }
0x51: {  	_ =	shalt  }
0x52: {  	_ =	shalt  }
0x53: {  	_ =	shalt  }
0x54: {  	_ =	shalt  }
0x55: {  	_ =	shalt  }
0x56: {  	_ =	shalt  }
0x57: {  	_ =	shalt  }
0x58: {  	_ =	shalt  }
0x59: {  	_ =	shalt  }
0x5a: {  	_ =	shalt  }
0x5b: {  	_ =	shalt  }
0x5c: {  	_ =	shalt  }
0x5d: {  	_ =	shalt  }
0x5e: {  	_ =	shalt  }
0x5f: {  	_ =	shalt  }
0x60: {  	_ =	shalt  }
0x61: {  	_ =	shalt  }
0x62: {  	_ =	shalt  }
0x63: {  	_ =	shalt  }
0x64: {  	_ =	shalt  }
0x65: {  	_ =	shalt  }
0x66: {  	_ =	shalt  }
0x67: {  	_ =	shalt  }
0x68: {  	_ =	shalt  }
0x69: {  	_ =	shalt  }
0x6a: {  	_ =	shalt  }
0x6b: {  	_ =	shalt  }
0x6c: {  	_ =	shalt  }
0x6d: {  	_ =	shalt  }
0x6e: {  	_ =	shalt  }
0x6f: {  	_ =	shalt  }
0x70: {  	_ =	shalt  }
0x71: {  	_ =	shalt  }
0x72: {  	_ =	shalt  }
0x73: {  	_ =	shalt  }
0x74: {  	_ =	shalt  }
0x75: {  	_ =	shalt  }
0x76: {  	_ =	shalt  }
0x77: {  	_ =	shalt  }
0x78: {  	_ =	shalt  }
0x79: {  	_ =	shalt  }
0x7a: {  	_ =	shalt  }
0x7b: {  	_ =	shalt  }
0x7c: {  	_ =	shalt  }
0x7d: {  	_ =	shalt  }
0x7e: {  	_ =	shalt  }
0x7f: {  	_ =	shalt  }
0x80: {  	_ =	shalt  }
0x81: {  	_ =	shalt  }
0x82: {  	_ =	shalt  }
0x83: {  	_ =	shalt  }
0x84: {  	_ =	shalt  }
0x85: {  	_ =	shalt  }
0x86: {  	_ =	shalt  }
0x87: {  	_ =	shalt  }
.Lfunc_end0:
.L_simem_size_0:
called_computation.6_lowered:
.L_overlay_start_0:
0x88: {  	s2 =	sld [smem:$0x3FD9]  }
0x89: {  	s3 =	sld [smem:$0x3FFE];
	_ =	sdelay $0x1  }
0x8a: {  	s1 =	srdreg.scid  }
0x8b: {  	s0 =	sand.u32 $0x1, s1  }
0x8c: {  	s16 =	sshll.u32 s0, $0xA;
	s2 =	sadd.s32 s3, s2  }
0x8d: {  	s2 =	sadd.s32 s2, s16  }
0x8e: {  	[smem:$0x3FAC] =	sst s2  }
0x8f: {  	_ = 	snop  }
0x90: {  	(tm) =	ssettm $0x1  }
0x91: {  	s17 =	sld [smem:$0x3FFB];
	_ =	sdelay $0x3  }
0x92: {  	_ =	strace s17  }
0x93: {  	s2 =	sld [smem:$0x3FFC];
	_ =	sdelay $0x3  }
0x94: {  	_ =	strace s2  }
0x95: {  	s2 =	sld [smem:$0x3FFD];
	_ =	sdelay $0x3  }
0x96: {  	_ =	strace s2  }
0x97: {  	_ =	strace $0x8FFFFFFF  }
0x98: {  	s18 =	sld [smem:$0x3FDB];
	_ =	sdelay $0x1  }
0x99: {  	s19 =	simm.s32 $_scs_section_size  }
0x9a: {  	s4 =	simm.s32 $_size__tile_overlayer_lowered;
	s5 =	simm.s32 $_tile_overlayer_lowered  }
0x9b: {  	s22 =	simm.s32 $0x1BFF;
	s21 =	sshll.u32 s5, $0x1;
	s2 =	sadd.s32 s19, s18  }
0x9c: {  	s6 =	simm.s32 $0x0;
	s20 =	sshll.u32 s4, $0x1;
	s4 =	sadd.s32 s21, s2  }
0x9d: {  	[timem:s6], [sflag:s22] =	dma.local [hbm:s4], s20  }
0x9e: {  	_ =	swait.ge [sflag:s22], s20  }
0x9f: {  	s3 =	ssub.s32 $0x0, s20;
	[sflag:s22] =	ssyncset.done $0x0  }
0xa0: {  	[sflag:s22] =	ssyncadd.s32 s3;
	_ =	sdelay $0x1  }
0xa1: {  	s23 =	simm.s32 $0x1B8B  }
0xa2: {  	_ =	swait.ge [sflag:s23], $0x1  }
0xa3: {  	[sflag:s23] =	ssyncset.done $0x0  }
0xa4: {  	s25 =	simm.s32 $0x1B8E;
	s24 =	sld [smem:$0x3FFE];
	[sflag:s23] =	ssyncadd.s32 $0xFFFFFFFF  }
0xa5: {  	s26 =	simm.s32 $execute0_lowered;
	[smem:$0x3FD2] =	sst s25  }
0xa6: {  	s4 =	sshll.u32 s26, $0x1;
	_ =	strace $0x80000058;
	[dreg:$0x1] =	wrdreg $0xFFFFFFFF  }
0xa7: {  	s28 =	simm.s32 $_size_execute0_lowered;
	s2 =	sadd.s32 s2, s4;
	[dreg:$0x0] =	wrdreg $0x0  }
0xa8: {  	s4 =	sshll.u32 s28, $0x1;
	[dreg:$0x2] =	wrdreg s2  }
0xa9: {  	[dreg:$0x3] =	wrdreg s4  }
0xaa: {  	[dreg:$0x4] =	wrdreg $0xC0  }
0xab: {  	_ =	task [dreg:s6], $0x5FFFF  }
0xac: {  	[dreg:$0x1] =	wrdreg $0xFFFFFFFF  }
0xad: {  	[dreg:$0x0] =	wrdreg $0x60  }
0xae: {  	[dreg:$0x2] =	wrdreg s24  }
0xaf: {  	[dreg:$0x3] =	wrdreg $0x18E700  }
0xb0: {  	[dreg:$0x4] =	wrdreg $0x9  }
0xb1: {  	_ =	task.clear_ibuf [dreg:s6], $0x5FFFF;
	_ =	strace $0x90000058  }
0xb2: {  	s29 =	simm.s32 $0x9;
	_ =	strace $0x8000005A  }
0xb3: {  	_ =	swait.ge [sflag:s29], $0x1  }
0xb4: {  	[sflag:s29] =	ssyncadd.s32 $0xFFFFFFFF  }
0xb5: {  	_ =	strace $0x9000005A  }
0xb6: {  	_ =	sfence  }
0xb7: {  	s30 =	sld [smem:$0x0];
	_ =	sdelay $0x2  }
0xb8: {  	s31 =	sshll.u32 s1, $0xD;
	s1 =	sshrl.u32 s1, $0x2  }
0xb9: {  	s3 =	sand.u32 $0x4000, s31;
	s1 =	sadd.s32 s1, s30  }
0xba: {  	s0 =	sor.u32 s3, s0;
	s1 =	sshll.u32 s1, $0x11  }
0xbb: {  	s0 =	sor.u32 s1, s0  }
0xbc: {  	s0 =	sadd.s32 $0x8F2B, s0  }
0xbd: {  	[sflag:s0] =	ssyncadd.remote.s32 $0x1  }
0xbe: {  	_ =	sfence.sel $0xFFFF  }
0xbf: {  	[dreg:$0x0] =	wrdreg $0xFFFFFFFF;
	(pc) =	sbr.abs _section_cstart, $3  }
0xc0: {  	[dreg:$0x1] =	wrdreg $0xFFFFFFFF  }
0xc1: {  	_ =	task.clear_ibuf [dreg:s6], $0x2FFFF;
	_ =	strace $0x9FFFFFFF  }
0xc2: {  	(tm) =	ssettm $0x7FFFFFFF  }
0xc3: {  	_ =	shalt  }
tec
execute0_lowered:
.L_overlay_start_1:
0x0: {  	(tag) =	ssettag $0x1  }
0x1: {  	s0 =	rddreg [dreg:$0x0]  }
0x2: {  	s2 =	rddreg [dreg:$0x1]  }
0x3: {  	s4 =	simm.s32 $0x0;
	s13 =	stileid.u32;
	s1 =	srdreg.scid  }
0x4: {  	p0 =	por $0x0, $0x0;
	s31 =	simm.s32 $0x3;
	s28 =	simm.s32 $0x11170  }
0x5: {  	s30 =	simm.s32 $0x9;
	s29 =	simm.s32 $0x6;
	[smem:$0x7FF] =	sst s4  }
0x6: {  	s5 =	smul.u32 $0x4E20, s13;
	s1 =	sand.u32 $0x1, s1;
	s3 =	sadd.s32 $0x15800, s0  }
0x7: {  	s7 =	sadd.s32 $0xB800, s0;
	s8 =	sshll.u32 s13, $0x1;
	s9 =	sadd.s32 $0x10800, s0  }
0x8: {  	s16 =	sshll.u32 s13, $0x6;
	s13 =	simm.s32 $0xBB8;
	_ =	strace $0x80000059  }
0x9: {  	s6 =	smul.u32 $0x4E200, s1;
	s8 =	sor.u32 s1, s8;
	s1 =	ssub.s32 $0x2, s1  }
0xa: {  	s10 =	sshrl.u32 s5, $0x3;
	s8 =	smul.u32 $0x1388, s8;
	s20 =	sshrl.u32 s1, $0x1  }
0xb: {  	s14 =	sadd.s32 s5, s2;
	s6 =	sadd.s32 s5, s6;
	s10 =	sadd.s32 s10, s0  }
0xc: {  	s1 =	ssub.s32 s1, s20;
	s5 =	sor.u32 $0x1C0D, s16;
	s16 =	simm.s32 $0x1770  }
0xd: {  	s6 =	sshrl.u32 s6, $0x3;
	s10 =	sadd.s32 $0x1F600, s10;
	s11 =	sshrl.u32 s8, $0x3  }
0xe: {  	s12 =	sadd.s32 $0x3E8, s8;
	s8 =	sadd.s32 $0xBB8, s8;
	s18 =	smax.u32 s1, $0x1  }
0xf: {  	s0 =	sadd.s32 s6, s0;
	[dreg:$0x3] =	wrdreg s10;
	s21 =	sadd.s32 s7, s11  }
0x10: {  	s22 =	sadd.s32 s9, s11;
	s12 =	sshrl.u32 s12, $0x3;
	s25 =	sadd.s32 $0xFA, s11  }
0x11: {  	s8 =	sshrl.u32 s8, $0x3;
	s17 =	sadd.s32 $0x1F4, s11;
	s10 =	simm.s32 $0xFA0  }
0x12: {  	s11 =	simm.s32 $0x9470;
	p1 =	sne.s32 s18, $0x1;
	[dreg:$0x4] =	wrdreg s21  }
0x13: {  	[dreg:$0x5] =	wrdreg s22;
	s23 =	sadd.s32 s7, s12;
	s24 =	sadd.s32 s9, s12  }
0x14: {  	s26 =	sadd.s32 s7, s25;
	s12 =	sadd.s32 s9, s25;
	s15 =	sadd.s32 s7, s8  }
0x15: {  	s8 =	sadd.s32 s9, s8;
	s19 =	sadd.s32 s7, s17;
	s1 =	rddreg [dreg:$0x3]  }
0x16: {  	s20 =	sadd.s32 s9, s17;
	s6 =	sadd.s32 $0x29400, s0;
	[dreg:$0x6] =	wrdreg s23  }
0x17: {  	s7 =	simm.s32 $0xD;
	s9 =	simm.s32 $0x3E8;
	[dreg:$0x7] =	wrdreg s24  }
0x18: {  	s22 =	simm.s32 $0x4;
	s25 =	simm.s32 $0x1388;
	[dreg:$0x8] =	wrdreg s26  }
.Ltmp0:
0x19: {  	s21 =	simm.s32 $0x2;
	[dreg:$0x9] =	wrdreg s12;
	(pc) =	sbr.rel @!p1 .LBB2_3-.Ltmp0, $4  }
0x1a: {  	s17 =	simm.s32 $0x8;
	s0 =	sadd.s32 $0xFFFFFFFF, s18;
	[dreg:$0xa] =	wrdreg s15  }
0x1b: {  	s18 =	simm.s32 $0xB;
	[dreg:$0xb] =	wrdreg s8;
	s8 =	sshrl.u32 s14, $0x3  }
0x1c: {  	s24 =	simm.s32 $0x1;
	s23 =	simm.s32 $0x7;
	s26 =	simm.s32 $0x7D0  }
0x1d: {  	s14 =	simm.s32 $0x5;
	s12 =	simm.s32 $0xA;
	s15 =	simm.s32 $0xC  }
0x1e: {  	[spmem:s8], [sflag:s5] =	dma.local [hbm:s1], $0x9C4  }
0x1f: {  	_ =	swait.ge [sflag:s7], $0x9C4  }
0x20: {  	[sflag:s7] =	ssyncset.done $0x0  }
0x21: {  	[sflag:s7] =	ssyncadd.s32 $0xFFFFF63C  }
0x22: {  	[bflag:$0x0] =	sbarrier.arrive $0xFFFF  }
0x23: {  	s1 =	rddreg [dreg:$0x4]  }
0x24: {  	[dreg:$0xc] =	wrdreg s0  }
0x25: {  	[tilespmem:s4], [sflag:$0x1] =	stream.linear.gather [hbm4b:s1+s4], $0x3E8, $0x38;
	[tilespmem:$0x1DC90] =	vst v63  }
0x26: {  	s0 =	rddreg [dreg:$0x5]  }
0x27: {  	[tilespmem:s13], [sflag:$0x4] =	stream.linear.gather [hbm4b:s0+s4], $0x3E8, $0x38;
	[tilespmem:$0x1DC90] =	vst v63  }
0x28: {  	s1 =	rddreg [dreg:$0x6]  }
0x29: {  	[tilespmem:s9], [sflag:$0x2] =	stream.linear.gather [hbm4b:s1+s4], $0x3E8, $0x38;
	[tilespmem:$0x1DC90] =	vst v63  }
0x2a: {  	s0 =	rddreg [dreg:$0x7]  }
0x2b: {  	[tilespmem:s10], [sflag:$0x5] =	stream.linear.gather [hbm4b:s0+s4], $0x3E8, $0x38;
	[tilespmem:$0x1DC90] =	vst v63  }
0x2c: {  	_ =	swait.ge [sflag:s24], $0x3E8  }
0x2d: {  	[sflag:s24] =	ssyncset.done $0x0  }
0x2e: {  	[sflag:s24] =	ssyncadd.s32 $0xFFFFFC18  }
0x2f: {  	[tilespmem:s16], [sflag:$0x7] =	stream.indirect.gather [hbm4b:s3+s9], $0x20, s4, s9, $0xb8;
	[tilespmem:$0x1DC90] =	vst v63  }
0x30: {  	_ =	swait.ge [sflag:s23], $0x7D00  }
0x31: {  	[sflag:s23] =	ssyncset.done $0x0  }
0x32: {  	[sflag:s23] =	ssyncadd.s32 $0xFFFF8300  }
0x33: {  	_ =	swait.ge [sflag:s22], $0x3E8  }
0x34: {  	[sflag:s22] =	ssyncset.done $0x0  }
0x35: {  	[sflag:s22] =	ssyncadd.s32 $0xFFFFFC18  }
0x36: {  	[spmem:s2] =	stream.indirect.scatter.add.f32 [tilespmem:s16], [sflag:$0xA], $0x20, s13, s9, $0xb8;
	[tilespmem:$0x1DC90] =	vst v63  }
0x37: {  	s0 =	rddreg [dreg:$0x8]  }
0x38: {  	[tilespmem:s26], [sflag:$0x3] =	stream.linear.gather [hbm4b:s0+s4], $0x3E8, $0x38;
	[tilespmem:$0x1DC90] =	vst v63  }
0x39: {  	s1 =	rddreg [dreg:$0x9]  }
0x3a: {  	[tilespmem:s25], [sflag:$0x6] =	stream.linear.gather [hbm4b:s1+s4], $0x3E8, $0x38;
	[tilespmem:$0x1DC90] =	vst v63  }
0x3b: {  	_ =	swait.ge [sflag:s21], $0x3E8  }
0x3c: {  	[sflag:s21] =	ssyncset.done $0x0  }
0x3d: {  	[sflag:s21] =	ssyncadd.s32 $0xFFFFFC18  }
0x3e: {  	[tilespmem:s11], [sflag:$0x8] =	stream.indirect.gather [hbm4b:s3+s9], $0x20, s9, s9, $0xb8;
	[tilespmem:$0x1DC90] =	vst v63  }
0x3f: {  	_ =	swait.ge [sflag:s17], $0x7D00  }
0x40: {  	[sflag:s17] =	ssyncset.done $0x0  }
0x41: {  	[sflag:s17] =	ssyncadd.s32 $0xFFFF8300  }
0x42: {  	_ =	swait.ge [sflag:s14], $0x3E8  }
0x43: {  	[sflag:s14] =	ssyncset.done $0x0  }
0x44: {  	[sflag:s14] =	ssyncadd.s32 $0xFFFFFC18  }
0x45: {  	[spmem:s2] =	stream.indirect.scatter.add.f32 [tilespmem:s11], [sflag:$0xB], $0x20, s10, s9, $0xb8;
	[tilespmem:$0x1DC90] =	vst v63  }
0x46: {  	_ =	swait.ge [sflag:s12], $0x7D00  }
0x47: {  	[sflag:s12] =	ssyncset.done $0x0  }
0x48: {  	s0 =	rddreg [dreg:$0xa];
	[sflag:s12] =	ssyncadd.s32 $0xFFFF8300  }
0x49: {  	[tilespmem:s4], [sflag:$0x1] =	stream.linear.gather [hbm4b:s0+s4], $0x3E8, $0x38;
	[tilespmem:$0x1DC90] =	vst v63  }
0x4a: {  	s1 =	rddreg [dreg:$0xb]  }
0x4b: {  	[tilespmem:s13], [sflag:$0x4] =	stream.linear.gather [hbm4b:s1+s4], $0x3E8, $0x38;
	[tilespmem:$0x1DC90] =	vst v63  }
0x4c: {  	_ =	swait.ge [sflag:s31], $0x3E8  }
0x4d: {  	[sflag:s31] =	ssyncset.done $0x0  }
0x4e: {  	[sflag:s31] =	ssyncadd.s32 $0xFFFFFC18  }
0x4f: {  	[tilespmem:s28], [sflag:$0x9] =	stream.indirect.gather [hbm4b:s3+s9], $0x20, s26, s9, $0xb8;
	[tilespmem:$0x1DC90] =	vst v63  }
0x50: {  	_ =	swait.ge [sflag:s30], $0x7D00  }
0x51: {  	[sflag:s30] =	ssyncset.done $0x0  }
0x52: {  	[sflag:s30] =	ssyncadd.s32 $0xFFFF8300  }
0x53: {  	_ =	swait.ge [sflag:s29], $0x3E8  }
0x54: {  	[sflag:s29] =	ssyncset.done $0x0  }
0x55: {  	[sflag:s29] =	ssyncadd.s32 $0xFFFFFC18  }
0x56: {  	[spmem:s2] =	stream.indirect.scatter.add.f32 [tilespmem:s28], [sflag:$0xC], $0x20, s25, s9, $0xb8;
	[tilespmem:$0x1DC90] =	vst v63  }
0x57: {  	_ =	swait.ge [sflag:s18], $0x7D00  }
0x58: {  	[sflag:s18] =	ssyncset.done $0x0  }
0x59: {  	[sflag:s18] =	ssyncadd.s32 $0xFFFF8300  }
0x5a: {  	[tilespmem:s9], [sflag:$0x2] =	stream.linear.gather [hbm4b:s19+s4], $0x3E8, $0x38;
	[tilespmem:$0x1DC90] =	vst v63  }
0x5b: {  	_ = 	snop  }
0x5c: {  	[tilespmem:s10], [sflag:$0x5] =	stream.linear.gather [hbm4b:s20+s4], $0x3E8, $0x38;
	[tilespmem:$0x1DC90] =	vst v63  }
0x5d: {  	_ =	swait.ge [sflag:s24], $0x3E8  }
0x5e: {  	[sflag:s24] =	ssyncset.done $0x0  }
0x5f: {  	[sflag:s24] =	ssyncadd.s32 $0xFFFFFC18  }
0x60: {  	[tilespmem:s16], [sflag:$0x7] =	stream.indirect.gather [hbm4b:s3+s9], $0x20, s4, s9, $0xb8;
	[tilespmem:$0x1DC90] =	vst v63  }
0x61: {  	_ =	swait.ge [sflag:s23], $0x7D00  }
0x62: {  	[sflag:s23] =	ssyncset.done $0x0  }
0x63: {  	[sflag:s23] =	ssyncadd.s32 $0xFFFF8300  }
0x64: {  	_ =	swait.ge [sflag:s22], $0x3E8  }
0x65: {  	[sflag:s22] =	ssyncset.done $0x0  }
0x66: {  	[sflag:s22] =	ssyncadd.s32 $0xFFFFFC18  }
0x67: {  	[spmem:s2] =	stream.indirect.scatter.add.f32 [tilespmem:s16], [sflag:$0xA], $0x20, s13, s9, $0xb8;
	[tilespmem:$0x1DC90] =	vst v63  }
0x68: {  	_ =	swait.ge [sflag:s21], $0x3E8  }
0x69: {  	[sflag:s21] =	ssyncset.done $0x0  }
0x6a: {  	[sflag:s21] =	ssyncadd.s32 $0xFFFFFC18  }
0x6b: {  	[tilespmem:s11], [sflag:$0x8] =	stream.indirect.gather [hbm4b:s3+s9], $0x20, s9, s9, $0xb8;
	[tilespmem:$0x1DC90] =	vst v63  }
0x6c: {  	_ =	swait.ge [sflag:s17], $0x7D00  }
0x6d: {  	[sflag:s17] =	ssyncset.done $0x0  }
0x6e: {  	[sflag:s17] =	ssyncadd.s32 $0xFFFF8300  }
0x6f: {  	_ =	swait.ge [sflag:s14], $0x3E8  }
0x70: {  	[sflag:s14] =	ssyncset.done $0x0  }
0x71: {  	[sflag:s14] =	ssyncadd.s32 $0xFFFFFC18  }
0x72: {  	[spmem:s2] =	stream.indirect.scatter.add.f32 [tilespmem:s11], [sflag:$0xB], $0x20, s10, s9, $0xb8;
	[tilespmem:$0x1DC90] =	vst v63  }
0x73: {  	_ =	swait.ge [sflag:s12], $0x7D00  }
0x74: {  	[sflag:s12] =	ssyncset.done $0x0  }
0x75: {  	[sflag:s12] =	ssyncadd.s32 $0xFFFF8300  }
0x76: {  	_ =	swait.ge [sflag:s18], $0x7D00  }
0x77: {  	[sflag:s18] =	ssyncset.done $0x0  }
0x78: {  	[sflag:s18] =	ssyncadd.s32 $0xFFFF8300  }
0x79: {  	_ =	swait.ge [sflag:s15], $0x7D00  }
0x7a: {  	[sflag:s15] =	ssyncset.done $0x0  }
0x7b: {  	[sflag:s15] =	ssyncadd.s32 $0xFFFF8300  }
0x7c: {  	[bflag:$0x0] =	sbarrier.arrive $0xFFFF  }
0x7d: {  	[hbm:s6], [sflag:s5] =	dma.local [spmem:s8], $0x9C4  }
0x7e: {  	s1 =	rddreg [dreg:$0xc]  }
0x7f: {  	p1 =	sne.s32 s1, $0x1  }
.Ltmp1:
0x80: {  	_ = 	snop;
	(pc) =	sbr.rel @!p1 .LBB2_3-.Ltmp1, $3  }
0x81: {  	_ =	sdelay $0x1  }
0x82: {  	p0 =	por $0x1, $0x1;
	_ =	swait.ge [sflag:s7], $0x9C4  }
0x83: {  	s0 =	sadd.s32 $0xFFFFFFFF, s1;
	s1 =	rddreg [dreg:$0x3];
	[sflag:s7] =	ssyncset.done $0x0  }
.LBB2_2:
0x84: {  	[sflag:s7] =	ssyncadd.s32 $0xFFFFF63C  }
0x85: {  	[spmem:s8], [sflag:s5] =	dma.local [hbm:s1], $0x9C4  }
0x86: {  	_ =	swait.ge [sflag:s7], $0x9C4  }
0x87: {  	[sflag:s7] =	ssyncset.done $0x0  }
0x88: {  	[sflag:s7] =	ssyncadd.s32 $0xFFFFF63C  }
0x89: {  	[bflag:$0x0] =	sbarrier.arrive $0xFFFF  }
0x8a: {  	s25 =	smov.u32 s20;
	s1 =	rddreg [dreg:$0x4]  }
0x8b: {  	[tilespmem:s4], [sflag:$0x1] =	stream.linear.gather [hbm4b:s1+s4], $0x3E8, $0x38;
	[tilespmem:$0x1DC90] =	vst v63  }
0x8c: {  	s20 =	smov.u32 s19;
	s19 =	smov.u32 s6;
	s6 =	rddreg [dreg:$0x5]  }
0x8d: {  	[tilespmem:s13], [sflag:$0x4] =	stream.linear.gather [hbm4b:s6+s4], $0x3E8, $0x38;
	[tilespmem:$0x1DC90] =	vst v63  }
0x8e: {  	s1 =	rddreg [dreg:$0x6]  }
0x8f: {  	[tilespmem:s9], [sflag:$0x2] =	stream.linear.gather [hbm4b:s1+s4], $0x3E8, $0x38;
	[tilespmem:$0x1DC90] =	vst v63  }
0x90: {  	s6 =	rddreg [dreg:$0x7]  }
0x91: {  	[tilespmem:s10], [sflag:$0x5] =	stream.linear.gather [hbm4b:s6+s4], $0x3E8, $0x38;
	[tilespmem:$0x1DC90] =	vst v63  }
0x92: {  	_ =	swait.ge [sflag:s24], $0x3E8  }
0x93: {  	[sflag:s24] =	ssyncset.done $0x0  }
0x94: {  	[sflag:s24] =	ssyncadd.s32 $0xFFFFFC18  }
0x95: {  	[tilespmem:s16], [sflag:$0x7] =	stream.indirect.gather [hbm4b:s3+s9], $0x20, s4, s9, $0xb8;
	[tilespmem:$0x1DC90] =	vst v63  }
0x96: {  	_ =	swait.ge [sflag:s23], $0x7D00  }
0x97: {  	[sflag:s23] =	ssyncset.done $0x0  }
0x98: {  	[sflag:s23] =	ssyncadd.s32 $0xFFFF8300  }
0x99: {  	_ =	swait.ge [sflag:s22], $0x3E8  }
0x9a: {  	[sflag:s22] =	ssyncset.done $0x0  }
0x9b: {  	[sflag:s22] =	ssyncadd.s32 $0xFFFFFC18  }
0x9c: {  	[spmem:s2] =	stream.indirect.scatter.add.f32 [tilespmem:s16], [sflag:$0xA], $0x20, s13, s9, $0xb8;
	[tilespmem:$0x1DC90] =	vst v63  }
0x9d: {  	s28 =	simm.s32 $0x7D0;
	s1 =	rddreg [dreg:$0x8]  }
0x9e: {  	[tilespmem:s28], [sflag:$0x3] =	stream.linear.gather [hbm4b:s1+s4], $0x3E8, $0x38;
	[tilespmem:$0x1DC90] =	vst v63  }
0x9f: {  	s26 =	simm.s32 $0x1388;
	s6 =	rddreg [dreg:$0x9]  }
0xa0: {  	[tilespmem:s26], [sflag:$0x6] =	stream.linear.gather [hbm4b:s6+s4], $0x3E8, $0x38;
	[tilespmem:$0x1DC90] =	vst v63  }
0xa1: {  	_ =	swait.ge [sflag:s21], $0x3E8  }
0xa2: {  	[sflag:s21] =	ssyncset.done $0x0  }
0xa3: {  	[sflag:s21] =	ssyncadd.s32 $0xFFFFFC18  }
0xa4: {  	[tilespmem:s11], [sflag:$0x8] =	stream.indirect.gather [hbm4b:s3+s9], $0x20, s9, s9, $0xb8;
	[tilespmem:$0x1DC90] =	vst v63  }
0xa5: {  	_ =	swait.ge [sflag:s17], $0x7D00  }
0xa6: {  	[sflag:s17] =	ssyncset.done $0x0  }
0xa7: {  	[sflag:s17] =	ssyncadd.s32 $0xFFFF8300  }
0xa8: {  	_ =	swait.ge [sflag:s14], $0x3E8  }
0xa9: {  	[sflag:s14] =	ssyncset.done $0x0  }
0xaa: {  	[sflag:s14] =	ssyncadd.s32 $0xFFFFFC18  }
0xab: {  	[spmem:s2] =	stream.indirect.scatter.add.f32 [tilespmem:s11], [sflag:$0xB], $0x20, s10, s9, $0xb8;
	[tilespmem:$0x1DC90] =	vst v63  }
0xac: {  	_ =	swait.ge [sflag:s12], $0x7D00  }
0xad: {  	[sflag:s12] =	ssyncset.done $0x0  }
0xae: {  	s1 =	rddreg [dreg:$0xa];
	[sflag:s12] =	ssyncadd.s32 $0xFFFF8300  }
0xaf: {  	[tilespmem:s4], [sflag:$0x1] =	stream.linear.gather [hbm4b:s1+s4], $0x3E8, $0x38;
	[tilespmem:$0x1DC90] =	vst v63  }
0xb0: {  	s6 =	rddreg [dreg:$0xb]  }
0xb1: {  	[tilespmem:s13], [sflag:$0x4] =	stream.linear.gather [hbm4b:s6+s4], $0x3E8, $0x38;
	[tilespmem:$0x1DC90] =	vst v63  }
0xb2: {  	_ =	swait.ge [sflag:s31], $0x3E8  }
0xb3: {  	[sflag:s31] =	ssyncset.done $0x0  }
0xb4: {  	s28 =	simm.s32 $0x11170;
	s26 =	simm.s32 $0x7D0;
	[sflag:s31] =	ssyncadd.s32 $0xFFFFFC18  }
0xb5: {  	[tilespmem:s28], [sflag:$0x9] =	stream.indirect.gather [hbm4b:s3+s9], $0x20, s26, s9, $0xb8;
	[tilespmem:$0x1DC90] =	vst v63  }
0xb6: {  	_ =	swait.ge [sflag:s30], $0x7D00  }
0xb7: {  	[sflag:s30] =	ssyncset.done $0x0  }
0xb8: {  	[sflag:s30] =	ssyncadd.s32 $0xFFFF8300  }
0xb9: {  	_ =	swait.ge [sflag:s29], $0x3E8  }
0xba: {  	s6 =	smov.u32 s19;
	s19 =	smov.u32 s20;
	[sflag:s29] =	ssyncset.done $0x0  }
0xbb: {  	s20 =	smov.u32 s25;
	s25 =	simm.s32 $0x1388;
	[sflag:s29] =	ssyncadd.s32 $0xFFFFFC18  }
0xbc: {  	[spmem:s2] =	stream.indirect.scatter.add.f32 [tilespmem:s28], [sflag:$0xC], $0x20, s25, s9, $0xb8;
	[tilespmem:$0x1DC90] =	vst v63  }
0xbd: {  	_ =	swait.ge [sflag:s18], $0x7D00  }
0xbe: {  	[sflag:s18] =	ssyncset.done $0x0  }
0xbf: {  	[sflag:s18] =	ssyncadd.s32 $0xFFFF8300  }
0xc0: {  	[tilespmem:s9], [sflag:$0x2] =	stream.linear.gather [hbm4b:s19+s4], $0x3E8, $0x38;
	[tilespmem:$0x1DC90] =	vst v63  }
0xc1: {  	_ = 	snop  }
0xc2: {  	[tilespmem:s10], [sflag:$0x5] =	stream.linear.gather [hbm4b:s20+s4], $0x3E8, $0x38;
	[tilespmem:$0x1DC90] =	vst v63  }
0xc3: {  	_ =	swait.ge [sflag:s24], $0x3E8  }
0xc4: {  	[sflag:s24] =	ssyncset.done $0x0  }
0xc5: {  	[sflag:s24] =	ssyncadd.s32 $0xFFFFFC18  }
0xc6: {  	[tilespmem:s16], [sflag:$0x7] =	stream.indirect.gather [hbm4b:s3+s9], $0x20, s4, s9, $0xb8;
	[tilespmem:$0x1DC90] =	vst v63  }
0xc7: {  	_ =	swait.ge [sflag:s23], $0x7D00  }
0xc8: {  	[sflag:s23] =	ssyncset.done $0x0  }
0xc9: {  	[sflag:s23] =	ssyncadd.s32 $0xFFFF8300  }
0xca: {  	_ =	swait.ge [sflag:s22], $0x3E8  }
0xcb: {  	[sflag:s22] =	ssyncset.done $0x0  }
0xcc: {  	[sflag:s22] =	ssyncadd.s32 $0xFFFFFC18  }
0xcd: {  	[spmem:s2] =	stream.indirect.scatter.add.f32 [tilespmem:s16], [sflag:$0xA], $0x20, s13, s9, $0xb8;
	[tilespmem:$0x1DC90] =	vst v63  }
0xce: {  	_ =	swait.ge [sflag:s21], $0x3E8  }
0xcf: {  	[sflag:s21] =	ssyncset.done $0x0  }
0xd0: {  	[sflag:s21] =	ssyncadd.s32 $0xFFFFFC18  }
0xd1: {  	[tilespmem:s11], [sflag:$0x8] =	stream.indirect.gather [hbm4b:s3+s9], $0x20, s9, s9, $0xb8;
	[tilespmem:$0x1DC90] =	vst v63  }
0xd2: {  	_ =	swait.ge [sflag:s17], $0x7D00  }
0xd3: {  	[sflag:s17] =	ssyncset.done $0x0  }
0xd4: {  	[sflag:s17] =	ssyncadd.s32 $0xFFFF8300  }
0xd5: {  	_ =	swait.ge [sflag:s14], $0x3E8  }
0xd6: {  	[sflag:s14] =	ssyncset.done $0x0  }
0xd7: {  	[sflag:s14] =	ssyncadd.s32 $0xFFFFFC18  }
0xd8: {  	[spmem:s2] =	stream.indirect.scatter.add.f32 [tilespmem:s11], [sflag:$0xB], $0x20, s10, s9, $0xb8;
	[tilespmem:$0x1DC90] =	vst v63  }
0xd9: {  	_ =	swait.ge [sflag:s12], $0x7D00  }
0xda: {  	[sflag:s12] =	ssyncset.done $0x0  }
0xdb: {  	[sflag:s12] =	ssyncadd.s32 $0xFFFF8300  }
0xdc: {  	_ =	swait.ge [sflag:s18], $0x7D00  }
0xdd: {  	[sflag:s18] =	ssyncset.done $0x0  }
0xde: {  	[sflag:s18] =	ssyncadd.s32 $0xFFFF8300  }
0xdf: {  	_ =	swait.ge [sflag:s15], $0x7D00  }
0xe0: {  	p1 =	sne.s32 s0, $0x1;
	[sflag:s15] =	ssyncset.done $0x0  }
.Ltmp2:
0xe1: {  	[sflag:s15] =	ssyncadd.s32 $0xFFFF8300;
	(pc) =	sbr.rel @p1 .LBB2_2-.Ltmp2, $4  }
0xe2: {  	[bflag:$0x0] =	sbarrier.arrive $0xFFFF  }
0xe3: {  	[hbm:s6], [sflag:s5] =	dma.local [spmem:s8], $0x9C4  }
0xe4: {  	_ =	swait.ge [sflag:s7], $0x9C4  }
0xe5: {  	s0 =	sadd.s32 $0xFFFFFFFF, s0;
	s1 =	rddreg [dreg:$0x3];
	[sflag:s7] =	ssyncset.done $0x0  }
.LBB2_3:
0xe6: {  	[sflag:s7] =	ssyncadd.s32 @p0 $0xFFFFF63C  }
0xe7: {  	[spmem:s8], [sflag:s5] =	dma.local [hbm:s1], $0x9C4  }
0xe8: {  	_ =	swait.ge [sflag:s7], $0x9C4  }
0xe9: {  	[sflag:s7] =	ssyncset.done $0x0  }
0xea: {  	[sflag:s7] =	ssyncadd.s32 $0xFFFFF63C  }
0xeb: {  	[bflag:$0x0] =	sbarrier.arrive $0xFFFF  }
0xec: {  	s0 =	rddreg [dreg:$0x4]  }
0xed: {  	[tilespmem:s4], [sflag:$0x1] =	stream.linear.gather [hbm4b:s0+s4], $0x3E8, $0x38;
	[tilespmem:$0x1DC90] =	vst v63  }
0xee: {  	s1 =	rddreg [dreg:$0x5]  }
0xef: {  	[tilespmem:s13], [sflag:$0x4] =	stream.linear.gather [hbm4b:s1+s4], $0x3E8, $0x38;
	[tilespmem:$0x1DC90] =	vst v63  }
0xf0: {  	s0 =	rddreg [dreg:$0x6]  }
0xf1: {  	[tilespmem:s9], [sflag:$0x2] =	stream.linear.gather [hbm4b:s0+s4], $0x3E8, $0x38;
	[tilespmem:$0x1DC90] =	vst v63  }
0xf2: {  	s1 =	rddreg [dreg:$0x7]  }
0xf3: {  	[tilespmem:s10], [sflag:$0x5] =	stream.linear.gather [hbm4b:s1+s4], $0x3E8, $0x38;
	[tilespmem:$0x1DC90] =	vst v63  }
0xf4: {  	_ =	swait.ge [sflag:s24], $0x3E8  }
0xf5: {  	[sflag:s24] =	ssyncset.done $0x0  }
0xf6: {  	[sflag:s24] =	ssyncadd.s32 $0xFFFFFC18  }
0xf7: {  	[tilespmem:s16], [sflag:$0x7] =	stream.indirect.gather [hbm4b:s3+s9], $0x20, s4, s9, $0xb8;
	[tilespmem:$0x1DC90] =	vst v63  }
0xf8: {  	_ =	swait.ge [sflag:s23], $0x7D00  }
0xf9: {  	[sflag:s23] =	ssyncset.done $0x0  }
0xfa: {  	[sflag:s23] =	ssyncadd.s32 $0xFFFF8300  }
0xfb: {  	_ =	swait.ge [sflag:s22], $0x3E8  }
0xfc: {  	[sflag:s22] =	ssyncset.done $0x0  }
0xfd: {  	[sflag:s22] =	ssyncadd.s32 $0xFFFFFC18  }
0xfe: {  	[spmem:s2] =	stream.indirect.scatter.add.f32 [tilespmem:s16], [sflag:$0xA], $0x20, s13, s9, $0xb8;
	[tilespmem:$0x1DC90] =	vst v63  }
0xff: {  	s0 =	rddreg [dreg:$0x8]  }
0x100: {  	[tilespmem:s26], [sflag:$0x3] =	stream.linear.gather [hbm4b:s0+s4], $0x3E8, $0x38;
	[tilespmem:$0x1DC90] =	vst v63  }
0x101: {  	s1 =	rddreg [dreg:$0x9]  }
0x102: {  	[tilespmem:s25], [sflag:$0x6] =	stream.linear.gather [hbm4b:s1+s4], $0x3E8, $0x38;
	[tilespmem:$0x1DC90] =	vst v63  }
0x103: {  	_ =	swait.ge [sflag:s21], $0x3E8  }
0x104: {  	[sflag:s21] =	ssyncset.done $0x0  }
0x105: {  	[sflag:s21] =	ssyncadd.s32 $0xFFFFFC18  }
0x106: {  	[tilespmem:s11], [sflag:$0x8] =	stream.indirect.gather [hbm4b:s3+s9], $0x20, s9, s9, $0xb8;
	[tilespmem:$0x1DC90] =	vst v63  }
0x107: {  	_ =	swait.ge [sflag:s17], $0x7D00  }
0x108: {  	[sflag:s17] =	ssyncset.done $0x0  }
0x109: {  	[sflag:s17] =	ssyncadd.s32 $0xFFFF8300  }
0x10a: {  	_ =	swait.ge [sflag:s14], $0x3E8  }
0x10b: {  	[sflag:s14] =	ssyncset.done $0x0  }
0x10c: {  	[sflag:s14] =	ssyncadd.s32 $0xFFFFFC18  }
0x10d: {  	[spmem:s2] =	stream.indirect.scatter.add.f32 [tilespmem:s11], [sflag:$0xB], $0x20, s10, s9, $0xb8;
	[tilespmem:$0x1DC90] =	vst v63  }
0x10e: {  	_ =	swait.ge [sflag:s12], $0x7D00  }
0x10f: {  	[sflag:s12] =	ssyncset.done $0x0  }
0x110: {  	s0 =	rddreg [dreg:$0xa];
	[sflag:s12] =	ssyncadd.s32 $0xFFFF8300  }
0x111: {  	[tilespmem:s4], [sflag:$0x1] =	stream.linear.gather [hbm4b:s0+s4], $0x3E8, $0x38;
	[tilespmem:$0x1DC90] =	vst v63  }
0x112: {  	s1 =	rddreg [dreg:$0xb]  }
0x113: {  	[tilespmem:s13], [sflag:$0x4] =	stream.linear.gather [hbm4b:s1+s4], $0x3E8, $0x38;
	[tilespmem:$0x1DC90] =	vst v63  }
0x114: {  	_ =	swait.ge [sflag:s31], $0x3E8  }
0x115: {  	[sflag:s31] =	ssyncset.done $0x0  }
0x116: {  	[sflag:s31] =	ssyncadd.s32 $0xFFFFFC18  }
0x117: {  	[tilespmem:s28], [sflag:$0x9] =	stream.indirect.gather [hbm4b:s3+s9], $0x20, s26, s9, $0xb8;
	[tilespmem:$0x1DC90] =	vst v63  }
0x118: {  	_ =	swait.ge [sflag:s30], $0x7D00  }
0x119: {  	[sflag:s30] =	ssyncset.done $0x0  }
0x11a: {  	[sflag:s30] =	ssyncadd.s32 $0xFFFF8300  }
0x11b: {  	_ =	swait.ge [sflag:s29], $0x3E8  }
0x11c: {  	[sflag:s29] =	ssyncset.done $0x0  }
0x11d: {  	[sflag:s29] =	ssyncadd.s32 $0xFFFFFC18  }
0x11e: {  	[spmem:s2] =	stream.indirect.scatter.add.f32 [tilespmem:s28], [sflag:$0xC], $0x20, s25, s9, $0xb8;
	[tilespmem:$0x1DC90] =	vst v63  }
0x11f: {  	_ =	swait.ge [sflag:s18], $0x7D00  }
0x120: {  	[sflag:s18] =	ssyncset.done $0x0  }
0x121: {  	[sflag:s18] =	ssyncadd.s32 $0xFFFF8300  }
0x122: {  	[tilespmem:s9], [sflag:$0x2] =	stream.linear.gather [hbm4b:s19+s4], $0x3E8, $0x38;
	[tilespmem:$0x1DC90] =	vst v63  }
0x123: {  	_ = 	snop  }
0x124: {  	[tilespmem:s10], [sflag:$0x5] =	stream.linear.gather [hbm4b:s20+s4], $0x3E8, $0x38;
	[tilespmem:$0x1DC90] =	vst v63  }
0x125: {  	_ =	swait.ge [sflag:s24], $0x3E8  }
0x126: {  	[sflag:s24] =	ssyncset.done $0x0  }
0x127: {  	[sflag:s24] =	ssyncadd.s32 $0xFFFFFC18  }
0x128: {  	[tilespmem:s16], [sflag:$0x7] =	stream.indirect.gather [hbm4b:s3+s9], $0x20, s4, s9, $0xb8;
	[tilespmem:$0x1DC90] =	vst v63  }
0x129: {  	_ =	swait.ge [sflag:s23], $0x7D00  }
0x12a: {  	[sflag:s23] =	ssyncset.done $0x0  }
0x12b: {  	[sflag:s23] =	ssyncadd.s32 $0xFFFF8300  }
0x12c: {  	_ =	swait.ge [sflag:s22], $0x3E8  }
0x12d: {  	[sflag:s22] =	ssyncset.done $0x0  }
0x12e: {  	[sflag:s22] =	ssyncadd.s32 $0xFFFFFC18  }
0x12f: {  	[spmem:s2] =	stream.indirect.scatter.add.f32 [tilespmem:s16], [sflag:$0xA], $0x20, s13, s9, $0xb8;
	[tilespmem:$0x1DC90] =	vst v63  }
0x130: {  	_ =	swait.ge [sflag:s21], $0x3E8  }
0x131: {  	[sflag:s21] =	ssyncset.done $0x0  }
0x132: {  	[sflag:s21] =	ssyncadd.s32 $0xFFFFFC18  }
0x133: {  	[tilespmem:s11], [sflag:$0x8] =	stream.indirect.gather [hbm4b:s3+s9], $0x20, s9, s9, $0xb8;
	[tilespmem:$0x1DC90] =	vst v63  }
0x134: {  	_ =	swait.ge [sflag:s17], $0x7D00  }
0x135: {  	[sflag:s17] =	ssyncset.done $0x0  }
0x136: {  	[sflag:s17] =	ssyncadd.s32 $0xFFFF8300  }
0x137: {  	_ =	swait.ge [sflag:s14], $0x3E8  }
0x138: {  	[sflag:s14] =	ssyncset.done $0x0  }
0x139: {  	[sflag:s14] =	ssyncadd.s32 $0xFFFFFC18  }
0x13a: {  	[spmem:s2] =	stream.indirect.scatter.add.f32 [tilespmem:s11], [sflag:$0xB], $0x20, s10, s9, $0xb8;
	[tilespmem:$0x1DC90] =	vst v63  }
0x13b: {  	_ =	swait.ge [sflag:s12], $0x7D00  }
0x13c: {  	[sflag:s12] =	ssyncset.done $0x0  }
0x13d: {  	[sflag:s12] =	ssyncadd.s32 $0xFFFF8300  }
0x13e: {  	_ =	swait.ge [sflag:s18], $0x7D00  }
0x13f: {  	[sflag:s18] =	ssyncset.done $0x0  }
0x140: {  	[sflag:s18] =	ssyncadd.s32 $0xFFFF8300  }
0x141: {  	_ =	swait.ge [sflag:s15], $0x7D00  }
0x142: {  	[sflag:s15] =	ssyncset.done $0x0  }
0x143: {  	[sflag:s15] =	ssyncadd.s32 $0xFFFF8300  }
0x144: {  	[bflag:$0x0] =	sbarrier.arrive $0xFFFF  }
0x145: {  	[hbm:s6], [sflag:s5] =	dma.local [spmem:s8], $0x9C4  }
0x146: {  	_ =	swait.ge [sflag:s7], $0x9C4  }
0x147: {  	[sflag:s7] =	ssyncset.done $0x0  }
0x148: {  	[sflag:s7] =	ssyncadd.s32 $0xFFFFF63C  }
0x149: {  	_ =	sfence.sel $0x180000  }
0x14a: {  	[bflag:$0x0] =	sbarrier.arrive $0xFFFF  }
0x14b: {  	_ =	strace $0x90000059  }
0x14c: {  	s31 =	stileid.u32;
	[bflag:$0x2] =	sbarrier.arrive $0xFFFF  }
0x14d: {  	p0 =	sne.s32 s31, $0x0;
	s0 =	rddreg [dreg:$0x2]  }
0x14e: {  	s0 =	sadd.s32 @!p0 $0x100000, s0  }
0x14f: {  	[sflag:s0] =	ssyncadd.tile.s32 @!p0 $0x1;
	_ =	shalt  }
.Lfunc_end2:
_tile_overlayer_lowered:
.L_overlay_start_2:
0x150: {  	(tag) =	ssettag $0x2  }
0x151: {  	s0 =	rddreg [dreg:$0x0];
	s2 =	stileid.u32  }
0x152: {  	s1 =	rddreg [dreg:$0x1];
	p0 =	sne.s32 s2, $0x0  }
0x153: {  	s3 =	rddreg [dreg:$0x2];
	[bflag:$0x3] =	sbarrier.arrive $0xFFFF;
	s2 =	simm.s32 @!p0 $0x1C0D  }
0x154: {  	[timem:s3], [sflag:s2] =	dma.local @!p0 [hbm:s0], s1  }
0x155: {  	s0 =	simm.s32 @!p0 $0xD  }
0x156: {  	_ =	swait.ge @!p0 [sflag:s0], s1  }
0x157: {  	s1 =	ssub.s32 @!p0 $0x0, s1;
	[sflag:s0] =	ssyncset.done @!p0 $0x0  }
0x158: {  	[sflag:s0] =	ssyncadd.s32 @!p0 s1  }
0x159: {  	[bflag:$0x3] =	sbarrier.arrive $0xFFFF  }
0x15a: {  	_ =	shalt  }

</sc_bundles>
